<compile_context>
chip_gen: v7x
topology: tpu7x:2x2x1
jax: 0.10.2.dev20260603
libtpu: 0.0.44.dev20260713+nightly
codegen_flags: <defaults>
</compile_context>

<pallas_src>
import functools

import jax
import jax.numpy as jnp
from jax import lax
from jax.experimental import pallas as pl
from jax.experimental.pallas import tpu as pltpu
from jax.experimental.pallas import tpu_sc as plsc

N_NODES = 10000
N_EDGES = 320000
D = 128

NC = 2
NS = 16
NW = NC * NS

EDGES_PER_W = N_EDGES // NW
K = 80
C = EDGES_PER_W // K
HALVES = ((0, 64), (64, 61))
CH = 64

RPT = 632
NP = NS * RPT


def _agg_body(compute_deg, x_hbm, src_hbm, dst_hbm, m_out, deg_out,
              acc_sh, deg_sh, src_v, dst_v, rows0, rows1, rows2,
              ones_v, sem0, sem1, sem2):
    cid = lax.axis_index("c")
    sid = lax.axis_index("s")
    wid = sid * NC + cid

    @pl.loop(0, K)
    def _(i):
        for j in range(D // 16):
            rows0[i, pl.ds(j * 16, 16)] = jnp.zeros((16,), jnp.float32)

    for t in range(RPT // K):
        pltpu.sync_copy(rows0, acc_sh.at[pl.ds(sid * RPT + t * K, K)])
    if RPT % K:
        pltpu.sync_copy(rows0.at[pl.ds(0, RPT % K)],
                        acc_sh.at[pl.ds(sid * RPT + (RPT // K) * K, RPT % K)])
    if compute_deg:
        for t in range(4):
            pltpu.sync_copy(rows0.at[0], deg_sh.at[pl.ds(sid * RPT + t * 128, 128)])
        pltpu.sync_copy(rows0.at[0, pl.ds(0, 120)],
                        deg_sh.at[pl.ds(sid * RPT + 512, 120)])
        for j in range(K // 16):
            ones_v[pl.ds(j * 16, 16)] = jnp.ones((16,), jnp.float32)

    plsc.subcore_barrier()

    def start(j, buf, sem):
        pltpu.async_copy(x_hbm.at[src_v.at[j]], buf, sem)

    def wait(buf, sem):
        pltpu.make_async_copy(x_hbm.at[src_v.at[0]], buf, sem).wait()

    def scatter(j, buf):
        pltpu.sync_copy(buf, acc_sh.at[dst_v.at[j]], add=True)
        if compute_deg:
            pltpu.sync_copy(ones_v, deg_sh.at[dst_v.at[j]], add=True)

    bufs = ((rows0, sem0), (rows1, sem1), (rows2, sem2))
    nd = len(bufs)
    ahead = nd - 1
    for off, n in HALVES:
        pltpu.sync_copy(src_hbm.at[wid, pl.ds(off, n)], src_v.at[pl.ds(0, n)])
        pltpu.sync_copy(dst_hbm.at[wid, pl.ds(off, n)], dst_v.at[pl.ds(0, n)])

        for p in range(ahead):
            start(p, *bufs[p])

        nr = (n // nd) * nd

        @pl.loop(0, nr, step=nd)
        def _(j):
            for u in range(nd):
                jj = j + u
                buf, sem = bufs[u]
                wait(buf, sem)

                @pl.when(jj + ahead < n)
                def _():
                    start(jj + ahead, *bufs[(u + ahead) % nd])

                scatter(jj, buf)

        for jj in range(nr, n):
            buf, sem = bufs[jj % nd]
            wait(buf, sem)
            scatter(jj, buf)

    plsc.subcore_barrier()

    pltpu.sync_copy(acc_sh.at[pl.ds(sid * RPT, RPT)],
                    m_out.at[cid, pl.ds(sid * RPT, RPT)])
    if compute_deg:
        @pl.when(sid == 0)
        def _():
            pltpu.sync_copy(deg_sh, deg_out.at[cid, 0])


def _make_agg(compute_deg):
    mesh = plsc.VectorSubcoreMesh(core_axis_name="c", subcore_axis_name="s",
                                  num_cores=NC, num_subcores=NS)
    m_type = jax.ShapeDtypeStruct((NC, NP, D), jnp.float32)
    if compute_deg:
        out_type = [m_type, jax.ShapeDtypeStruct((NC, 1, NP), jnp.float32)]
    else:
        out_type = m_type
    scratch = [
        pltpu.VMEM_SHARED((NP, D), jnp.float32),
        pltpu.VMEM_SHARED((NP,), jnp.float32) if compute_deg else None,
        pltpu.VMEM((CH, K), jnp.int32),
        pltpu.VMEM((CH, K), jnp.int32),
        pltpu.VMEM((K, D), jnp.float32),
        pltpu.VMEM((K, D), jnp.float32),
        pltpu.VMEM((K, D), jnp.float32),
        pltpu.VMEM((K,), jnp.float32) if compute_deg else None,
        pltpu.SemaphoreType.DMA,
        pltpu.SemaphoreType.DMA,
        pltpu.SemaphoreType.DMA,
    ]
    scratch = [s for s in scratch if s is not None]

    if compute_deg:
        def body(x, src, dst, m_out, deg_out, acc, deg, sv, dv, r0, r1, r2,
                 ov, s0, s1, s2):
            _agg_body(True, x, src, dst, m_out, deg_out, acc, deg, sv, dv,
                      r0, r1, r2, ov, s0, s1, s2)
    else:
        def body(x, src, dst, m_out, acc, sv, dv, r0, r1, r2, s0, s1, s2):
            _agg_body(False, x, src, dst, m_out, None, acc, None, sv, dv,
                      r0, r1, r2, None, s0, s1, s2)

    return pl.kernel(body, out_type=out_type, mesh=mesh, scratch_types=scratch,
                     name="gcn_agg_deg" if compute_deg else "gcn_agg")


_AGG_CACHE = {}


def _get_agg(compute_deg):
    if compute_deg not in _AGG_CACHE:
        _AGG_CACHE[compute_deg] = _make_agg(compute_deg)
    return _AGG_CACHE[compute_deg]


def _fused_layer_body(act, m_ref, deg_ref, w_ref, b_ref, out_ref):
    msum = m_ref[0] + m_ref[1]
    d = deg_ref[0] + deg_ref[1]
    inv = 1.0 / jnp.maximum(d, 1.0)
    y = jnp.dot(msum, w_ref[...], preferred_element_type=jnp.float32)
    y = y * inv + b_ref[...]
    if act:
        y = jnp.maximum(y, 0.0)
    out_ref[...] = y


def _make_fused_layer(act, rows_blk=NP):
    grid = (NP // rows_blk,)
    return pl.pallas_call(
        functools.partial(_fused_layer_body, act),
        grid=grid,
        in_specs=[
            pl.BlockSpec((NC, rows_blk, D), lambda i: (0, i, 0)),
            pl.BlockSpec((NC, rows_blk, 1), lambda i: (0, i, 0)),
            pl.BlockSpec((D, D), lambda i: (0, 0)),
            pl.BlockSpec((1, D), lambda i: (0, 0)),
        ],
        out_specs=pl.BlockSpec((rows_blk, D), lambda i: (i, 0)),
        out_shape=jax.ShapeDtypeStruct((NP, D), jnp.float32),
        name="gcn_fused_layer",
    )


_fused_relu = _make_fused_layer(True)
_fused_lin = _make_fused_layer(False)


def kernel(features, edge_index, W0, b0, W1, b1, W2, b2):
    src = edge_index[0].astype(jnp.int32).reshape(NW, C, K)
    dst = edge_index[1].astype(jnp.int32).reshape(NW, C, K)

    m0, deg = _get_agg(True)(features, src, dst)
    deg3 = deg[:, 0, :, None]

    W2p = jnp.zeros((D, D), jnp.float32).at[:, :40].set(W2)
    b2p = jnp.zeros((D,), jnp.float32).at[:40].set(b2)

    h1 = _fused_relu(m0, deg3, W0, b0[None, :])
    m1 = _get_agg(False)(h1, src, dst)
    h2 = _fused_relu(m1, deg3, W1, b1[None, :])
    m2 = _get_agg(False)(h2, src, dst)
    out = _fused_lin(m2, deg3, W2p, b2p[None, :])
    return out[:N_NODES, :40]

# --- scband reference (transcript-rebuilt; emitter-appended) ---
"""Pipeline reference for scband-gcndrop-edge-21921513079347 (READ-ONLY COPY).

The authoritative reference and input builder live on the scoring server;
editing this copy changes nothing except your own understanding.
"""

import jax, jax.numpy as jnp
import numpy as np

N_NODES = 10000
N_EDGES = 320000
D_IN = 128
D_HID = 128
N_CLASSES = 40


def setup_inputs(seed: int = 0) -> dict:
    key = jax.random.key(seed)
    ks = jax.random.split(key, 9)
    features = jax.random.normal(ks[0], (N_NODES, D_IN), dtype=jnp.float32)
    edge_index = jax.random.randint(ks[1], (2, N_EDGES), 0, N_NODES, dtype=jnp.int32).astype(jnp.int64)
    W0 = jax.random.normal(ks[2], (D_IN, D_HID), dtype=jnp.float32) * (1.0 / np.sqrt(D_IN))
    b0 = jnp.zeros((D_HID,), dtype=jnp.float32)
    W1 = jax.random.normal(ks[3], (D_HID, D_HID), dtype=jnp.float32) * (1.0 / np.sqrt(D_HID))
    b1 = jnp.zeros((D_HID,), dtype=jnp.float32)
    W2 = jax.random.normal(ks[4], (D_HID, N_CLASSES), dtype=jnp.float32) * (1.0 / np.sqrt(D_HID))
    b2 = jnp.zeros((N_CLASSES,), dtype=jnp.float32)
    return {"features": features, "edge_index": edge_index, "W0": W0, "b0": b0, "W1": W1, "b1": b1, "W2": W2, "b2": b2}


def reference(features, edge_index, W0, b0, W1, b1, W2, b2):
    # GCNDropEdge forward with sample_rate=1.0 (no edge dropping) and eval-mode dropout (identity).
    # Each GraphConv (DGL semantics, norm='right', norm_bias=0):
    #   h' = (A^T (h W)) / in_degree + b, then activation.
    src = edge_index[0]
    dst = edge_index[1]
    deg = jax.ops.segment_sum(jnp.ones((N_EDGES,), dtype=features.dtype), dst, num_segments=N_NODES)
    inv_deg = 1.0 / jnp.clip(deg, 1.0, None)

    def layer(h, W, b, act):
        h = h @ W
        m = jax.ops.segment_sum(h[src], dst, num_segments=N_NODES)
        h = m * inv_deg[:, None] + b
        if act:
            h = jax.nn.relu(h)
        return h

    h = layer(features, W0, b0, True)   # layer 0 (in_feats -> n_hidden), relu
    h = layer(h, W1, b1, True)          # hidden layer, relu
    h = layer(h, W2, b2, False)         # output layer (n_hidden -> n_classes), no activation
    return h

if __name__ == "__main__":
    import jax
    _d = setup_inputs()
    print(jax.jit(kernel)(*tuple(_d.values())))

</pallas_src>

<mosaic_0001>
#map = affine_map<(d0, d1) -> (0, 0)>
#map1 = affine_map<(d0, d1) -> (0, 0, 0)>
module attributes {stable_mosaic.version = 14 : i64} {
  func.func @gcn_agg(%arg0: i32, %arg1: i32, %arg2: memref<10112x128xf32, #tpu.memory_space<hbm>>, %arg3: memref<32x125x80xi32, #tpu.memory_space<hbm>>, %arg4: memref<32x125x80xi32, #tpu.memory_space<hbm>>, %arg5: memref<2x10112x128xf32, #tpu.memory_space<hbm>>, %arg6: memref<10112x128xf32, #tpu.memory_space<vmem_shared>>, %arg7: memref<64x80xi32, #tpu.memory_space<vmem>>, %arg8: memref<64x80xi32, #tpu.memory_space<vmem>>, %arg9: memref<80x128xf32, #tpu.memory_space<vmem>>, %arg10: memref<80x128xf32, #tpu.memory_space<vmem>>, %arg11: memref<80x128xf32, #tpu.memory_space<vmem>>, %arg12: memref<!tpu.dma_semaphore, #tpu.memory_space<semaphore_mem>>, %arg13: memref<!tpu.dma_semaphore, #tpu.memory_space<semaphore_mem>>, %arg14: memref<!tpu.dma_semaphore, #tpu.memory_space<semaphore_mem>>) attributes {dimension_semantics = [#tpu.dimension_semantics<core_parallel>, #tpu.dimension_semantics<subcore_parallel>], iteration_bounds = array<i64: 2, 16>, scalar_prefetch = 0 : i64, scratch_operands = 9 : i64, tpu.core_type = #tpu.core_type<sc_vector_subcore>, window_params = [{transform_indices = #map}, {transform_indices = #map1}, {transform_indices = #map1}, {transform_indices = #map1}]} {
    %mul3A = arith.constant 2 : i32
    %mul3A_0 = arith.muli %arg1, %mul3A : i32
    %add3A = arith.addi %mul3A_0, %arg0 : i32
    %scan3A = arith.constant 0 : i32
    %scan3A_1 = arith.constant 80 : i32
    %scan3A_2 = arith.addi %scan3A, %scan3A_1 : i32
    %scan3A_3 = arith.constant 1 : i32
    scf.for %scan3A_93 = %scan3A to %scan3A_2 step %scan3A_3  : i32 {
      %mul3A_94 = arith.constant 1 : i32
      %mul3A_95 = arith.muli %scan3A_93, %mul3A_94 : i32
      %add3A_96 = arith.constant 0 : i32
      %add3A_97 = arith.addi %add3A_96, %mul3A_95 : i32
      %broadcast_in_dim3A = arith.constant 0.000000e+00 : f32
      %broadcast_in_dim3A_98 = vector.broadcast %broadcast_in_dim3A : f32 to vector<16xf32>
      %swap3A = arith.index_cast %add3A_97 : i32 to index
      %swap3A_99 = arith.constant 0 : index
      %swap3A_100 = tpu.vector_load %arg9[%swap3A, %swap3A_99] {strides = array<i32>} : memref<80x128xf32, #tpu.memory_space<vmem>>, vector<1x16xf32>,
      %swap3A_101 = vector.shape_cast %swap3A_100 : vector<1x16xf32> to vector<16xf32>
      %swap3A_102 = vector.shape_cast %broadcast_in_dim3A_98 : vector<16xf32> to vector<1x16xf32>
      tpu.vector_store %arg9[%swap3A, %swap3A_99], %swap3A_102 {strides = array<i32>} : memref<80x128xf32, #tpu.memory_space<vmem>>, vector<1x16xf32>,
      %broadcast_in_dim3A_103 = arith.constant 0.000000e+00 : f32
      %broadcast_in_dim3A_104 = vector.broadcast %broadcast_in_dim3A_103 : f32 to vector<16xf32>
      %swap3A_105 = arith.index_cast %add3A_97 : i32 to index
      %swap3A_106 = arith.constant 16 : index
      %swap3A_107 = tpu.vector_load %arg9[%swap3A_105, %swap3A_106] {strides = array<i32>} : memref<80x128xf32, #tpu.memory_space<vmem>>, vector<1x16xf32>,
      %swap3A_108 = vector.shape_cast %swap3A_107 : vector<1x16xf32> to vector<16xf32>
      %swap3A_109 = vector.shape_cast %broadcast_in_dim3A_104 : vector<16xf32> to vector<1x16xf32>
      tpu.vector_store %arg9[%swap3A_105, %swap3A_106], %swap3A_109 {strides = array<i32>} : memref<80x128xf32, #tpu.memory_space<vmem>>, vector<1x16xf32>,
      %broadcast_in_dim3A_110 = arith.constant 0.000000e+00 : f32
      %broadcast_in_dim3A_111 = vector.broadcast %broadcast_in_dim3A_110 : f32 to vector<16xf32>
      %swap3A_112 = arith.index_cast %add3A_97 : i32 to index
      %swap3A_113 = arith.constant 32 : index
      %swap3A_114 = tpu.vector_load %arg9[%swap3A_112, %swap3A_113] {strides = array<i32>} : memref<80x128xf32, #tpu.memory_space<vmem>>, vector<1x16xf32>,
      %swap3A_115 = vector.shape_cast %swap3A_114 : vector<1x16xf32> to vector<16xf32>
      %swap3A_116 = vector.shape_cast %broadcast_in_dim3A_111 : vector<16xf32> to vector<1x16xf32>
      tpu.vector_store %arg9[%swap3A_112, %swap3A_113], %swap3A_116 {strides = array<i32>} : memref<80x128xf32, #tpu.memory_space<vmem>>, vector<1x16xf32>,
      %broadcast_in_dim3A_117 = arith.constant 0.000000e+00 : f32
      %broadcast_in_dim3A_118 = vector.broadcast %broadcast_in_dim3A_117 : f32 to vector<16xf32>
      %swap3A_119 = arith.index_cast %add3A_97 : i32 to index
      %swap3A_120 = arith.constant 48 : index
      %swap3A_121 = tpu.vector_load %arg9[%swap3A_119, %swap3A_120] {strides = array<i32>} : memref<80x128xf32, #tpu.memory_space<vmem>>, vector<1x16xf32>,
      %swap3A_122 = vector.shape_cast %swap3A_121 : vector<1x16xf32> to vector<16xf32>
      %swap3A_123 = vector.shape_cast %broadcast_in_dim3A_118 : vector<16xf32> to vector<1x16xf32>
      tpu.vector_store %arg9[%swap3A_119, %swap3A_120], %swap3A_123 {strides = array<i32>} : memref<80x128xf32, #tpu.memory_space<vmem>>, vector<1x16xf32>,
      %broadcast_in_dim3A_124 = arith.constant 0.000000e+00 : f32
      %broadcast_in_dim3A_125 = vector.broadcast %broadcast_in_dim3A_124 : f32 to vector<16xf32>
      %swap3A_126 = arith.index_cast %add3A_97 : i32 to index
      %swap3A_127 = arith.constant 64 : index
      %swap3A_128 = tpu.vector_load %arg9[%swap3A_126, %swap3A_127] {strides = array<i32>} : memref<80x128xf32, #tpu.memory_space<vmem>>, vector<1x16xf32>,
      %swap3A_129 = vector.shape_cast %swap3A_128 : vector<1x16xf32> to vector<16xf32>
      %swap3A_130 = vector.shape_cast %broadcast_in_dim3A_125 : vector<16xf32> to vector<1x16xf32>
      tpu.vector_store %arg9[%swap3A_126, %swap3A_127], %swap3A_130 {strides = array<i32>} : memref<80x128xf32, #tpu.memory_space<vmem>>, vector<1x16xf32>,
      %broadcast_in_dim3A_131 = arith.constant 0.000000e+00 : f32
      %broadcast_in_dim3A_132 = vector.broadcast %broadcast_in_dim3A_131 : f32 to vector<16xf32>
      %swap3A_133 = arith.index_cast %add3A_97 : i32 to index
      %swap3A_134 = arith.constant 80 : index
      %swap3A_135 = tpu.vector_load %arg9[%swap3A_133, %swap3A_134] {strides = array<i32>} : memref<80x128xf32, #tpu.memory_space<vmem>>, vector<1x16xf32>,
      %swap3A_136 = vector.shape_cast %swap3A_135 : vector<1x16xf32> to vector<16xf32>
      %swap3A_137 = vector.shape_cast %broadcast_in_dim3A_132 : vector<16xf32> to vector<1x16xf32>
      tpu.vector_store %arg9[%swap3A_133, %swap3A_134], %swap3A_137 {strides = array<i32>} : memref<80x128xf32, #tpu.memory_space<vmem>>, vector<1x16xf32>,
      %broadcast_in_dim3A_138 = arith.constant 0.000000e+00 : f32
      %broadcast_in_dim3A_139 = vector.broadcast %broadcast_in_dim3A_138 : f32 to vector<16xf32>
      %swap3A_140 = arith.index_cast %add3A_97 : i32 to index
      %swap3A_141 = arith.constant 96 : index
      %swap3A_142 = tpu.vector_load %arg9[%swap3A_140, %swap3A_141] {strides = array<i32>} : memref<80x128xf32, #tpu.memory_space<vmem>>, vector<1x16xf32>,
      %swap3A_143 = vector.shape_cast %swap3A_142 : vector<1x16xf32> to vector<16xf32>
      %swap3A_144 = vector.shape_cast %broadcast_in_dim3A_139 : vector<16xf32> to vector<1x16xf32>
      tpu.vector_store %arg9[%swap3A_140, %swap3A_141], %swap3A_144 {strides = array<i32>} : memref<80x128xf32, #tpu.memory_space<vmem>>, vector<1x16xf32>,
      %broadcast_in_dim3A_145 = arith.constant 0.000000e+00 : f32
      %broadcast_in_dim3A_146 = vector.broadcast %broadcast_in_dim3A_145 : f32 to vector<16xf32>
      %swap3A_147 = arith.index_cast %add3A_97 : i32 to index
      %swap3A_148 = arith.constant 112 : index
      %swap3A_149 = tpu.vector_load %arg9[%swap3A_147, %swap3A_148] {strides = array<i32>} : memref<80x128xf32, #tpu.memory_space<vmem>>, vector<1x16xf32>,
      %swap3A_150 = vector.shape_cast %swap3A_149 : vector<1x16xf32> to vector<16xf32>
      %swap3A_151 = vector.shape_cast %broadcast_in_dim3A_146 : vector<16xf32> to vector<1x16xf32>
      tpu.vector_store %arg9[%swap3A_147, %swap3A_148], %swap3A_151 {strides = array<i32>} : memref<80x128xf32, #tpu.memory_space<vmem>>, vector<1x16xf32>,
    }
    %scan3A_4 = arith.constant 80 : i32
    %mul3A_5 = arith.constant 632 : i32
    %mul3A_6 = arith.muli %arg1, %mul3A_5 : i32
    %add3A_7 = arith.constant 0 : i32
    %add3A_8 = arith.addi %mul3A_6, %add3A_7 : i32
    "tpu.region"() ({
      %run_scoped3A_93 = tpu.sem_alloc : memref<!tpu.dma_semaphore, #tpu.memory_space<semaphore_mem>>
      %dma_start3A_94 = arith.constant 0 : i32
      %dma_start3A_95 = tpu.memref_slice %arg6[%add3A_8, %dma_start3A_94] : memref<10112x128xf32, #tpu.memory_space<vmem_shared>> -> memref<80x128xf32, #tpu.memory_space<vmem_shared>>
      %dma_start3A_96 = arith.constant 0 : i32
      %dma_start3A_97 = tpu.memref_slice %arg6[%add3A_8, %dma_start3A_96] : memref<10112x128xf32, #tpu.memory_space<vmem_shared>> -> memref<80x128xf32, #tpu.memory_space<vmem_shared>>
      tpu.enqueue_dma source(%arg9 : memref<80x128xf32, #tpu.memory_space<vmem>>) target(%dma_start3A_97 : memref<80x128xf32, #tpu.memory_space<vmem_shared>>) target_semaphore(%run_scoped3A_93 : memref<!tpu.dma_semaphore, #tpu.memory_space<semaphore_mem>>)
      %dma_wait3A_98 = arith.constant 0 : i32
      %dma_wait3A_99 = tpu.memref_slice %arg6[%add3A_8, %dma_wait3A_98] : memref<10112x128xf32, #tpu.memory_space<vmem_shared>> -> memref<80x128xf32, #tpu.memory_space<vmem_shared>>
      %dma_wait3A_100 = arith.constant 0 : i32
      %dma_wait3A_101 = tpu.memref_slice %arg6[%add3A_8, %dma_wait3A_100] : memref<10112x128xf32, #tpu.memory_space<vmem_shared>> -> memref<80x128xf32, #tpu.memory_space<vmem_shared>>
      tpu.wait_dma2 semaphore(%run_scoped3A_93 : memref<!tpu.dma_semaphore, #tpu.memory_space<semaphore_mem>>) src(%arg9 : memref<80x128xf32, #tpu.memory_space<vmem>>) dst(%dma_wait3A_101 : memref<80x128xf32, #tpu.memory_space<vmem_shared>>)
      tpu.yield
    }) : () -> ()
    %mul3A_9 = arith.constant 632 : i32
    %mul3A_10 = arith.muli %arg1, %mul3A_9 : i32
    %add3A_11 = arith.constant 80 : i32
    %add3A_12 = arith.addi %mul3A_10, %add3A_11 : i32
    "tpu.region"() ({
      %run_scoped3A_93 = tpu.sem_alloc : memref<!tpu.dma_semaphore, #tpu.memory_space<semaphore_mem>>
      %dma_start3A_94 = arith.constant 0 : i32
      %dma_start3A_95 = tpu.memref_slice %arg6[%add3A_12, %dma_start3A_94] : memref<10112x128xf32, #tpu.memory_space<vmem_shared>> -> memref<80x128xf32, #tpu.memory_space<vmem_shared>>
      %dma_start3A_96 = arith.constant 0 : i32
      %dma_start3A_97 = tpu.memref_slice %arg6[%add3A_12, %dma_start3A_96] : memref<10112x128xf32, #tpu.memory_space<vmem_shared>> -> memref<80x128xf32, #tpu.memory_space<vmem_shared>>
      tpu.enqueue_dma source(%arg9 : memref<80x128xf32, #tpu.memory_space<vmem>>) target(%dma_start3A_97 : memref<80x128xf32, #tpu.memory_space<vmem_shared>>) target_semaphore(%run_scoped3A_93 : memref<!tpu.dma_semaphore, #tpu.memory_space<semaphore_mem>>)
      %dma_wait3A_98 = arith.constant 0 : i32
      %dma_wait3A_99 = tpu.memref_slice %arg6[%add3A_12, %dma_wait3A_98] : memref<10112x128xf32, #tpu.memory_space<vmem_shared>> -> memref<80x128xf32, #tpu.memory_space<vmem_shared>>
      %dma_wait3A_100 = arith.constant 0 : i32
      %dma_wait3A_101 = tpu.memref_slice %arg6[%add3A_12, %dma_wait3A_100] : memref<10112x128xf32, #tpu.memory_space<vmem_shared>> -> memref<80x128xf32, #tpu.memory_space<vmem_shared>>
      tpu.wait_dma2 semaphore(%run_scoped3A_93 : memref<!tpu.dma_semaphore, #tpu.memory_space<semaphore_mem>>) src(%arg9 : memref<80x128xf32, #tpu.memory_space<vmem>>) dst(%dma_wait3A_101 : memref<80x128xf32, #tpu.memory_space<vmem_shared>>)
      tpu.yield
    }) : () -> ()
    %mul3A_13 = arith.constant 632 : i32
    %mul3A_14 = arith.muli %arg1, %mul3A_13 : i32
    %add3A_15 = arith.constant 160 : i32
    %add3A_16 = arith.addi %mul3A_14, %add3A_15 : i32
    "tpu.region"() ({
      %run_scoped3A_93 = tpu.sem_alloc : memref<!tpu.dma_semaphore, #tpu.memory_space<semaphore_mem>>
      %dma_start3A_94 = arith.constant 0 : i32
      %dma_start3A_95 = tpu.memref_slice %arg6[%add3A_16, %dma_start3A_94] : memref<10112x128xf32, #tpu.memory_space<vmem_shared>> -> memref<80x128xf32, #tpu.memory_space<vmem_shared>>
      %dma_start3A_96 = arith.constant 0 : i32
      %dma_start3A_97 = tpu.memref_slice %arg6[%add3A_16, %dma_start3A_96] : memref<10112x128xf32, #tpu.memory_space<vmem_shared>> -> memref<80x128xf32, #tpu.memory_space<vmem_shared>>
      tpu.enqueue_dma source(%arg9 : memref<80x128xf32, #tpu.memory_space<vmem>>) target(%dma_start3A_97 : memref<80x128xf32, #tpu.memory_space<vmem_shared>>) target_semaphore(%run_scoped3A_93 : memref<!tpu.dma_semaphore, #tpu.memory_space<semaphore_mem>>)
      %dma_wait3A_98 = arith.constant 0 : i32
      %dma_wait3A_99 = tpu.memref_slice %arg6[%add3A_16, %dma_wait3A_98] : memref<10112x128xf32, #tpu.memory_space<vmem_shared>> -> memref<80x128xf32, #tpu.memory_space<vmem_shared>>
      %dma_wait3A_100 = arith.constant 0 : i32
      %dma_wait3A_101 = tpu.memref_slice %arg6[%add3A_16, %dma_wait3A_100] : memref<10112x128xf32, #tpu.memory_space<vmem_shared>> -> memref<80x128xf32, #tpu.memory_space<vmem_shared>>
      tpu.wait_dma2 semaphore(%run_scoped3A_93 : memref<!tpu.dma_semaphore, #tpu.memory_space<semaphore_mem>>) src(%arg9 : memref<80x128xf32, #tpu.memory_space<vmem>>) dst(%dma_wait3A_101 : memref<80x128xf32, #tpu.memory_space<vmem_shared>>)
      tpu.yield
    }) : () -> ()
    %mul3A_17 = arith.constant 632 : i32
    %mul3A_18 = arith.muli %arg1, %mul3A_17 : i32
    %add3A_19 = arith.constant 240 : i32
    %add3A_20 = arith.addi %mul3A_18, %add3A_19 : i32
    "tpu.region"() ({
      %run_scoped3A_93 = tpu.sem_alloc : memref<!tpu.dma_semaphore, #tpu.memory_space<semaphore_mem>>
      %dma_start3A_94 = arith.constant 0 : i32
      %dma_start3A_95 = tpu.memref_slice %arg6[%add3A_20, %dma_start3A_94] : memref<10112x128xf32, #tpu.memory_space<vmem_shared>> -> memref<80x128xf32, #tpu.memory_space<vmem_shared>>
      %dma_start3A_96 = arith.constant 0 : i32
      %dma_start3A_97 = tpu.memref_slice %arg6[%add3A_20, %dma_start3A_96] : memref<10112x128xf32, #tpu.memory_space<vmem_shared>> -> memref<80x128xf32, #tpu.memory_space<vmem_shared>>
      tpu.enqueue_dma source(%arg9 : memref<80x128xf32, #tpu.memory_space<vmem>>) target(%dma_start3A_97 : memref<80x128xf32, #tpu.memory_space<vmem_shared>>) target_semaphore(%run_scoped3A_93 : memref<!tpu.dma_semaphore, #tpu.memory_space<semaphore_mem>>)
      %dma_wait3A_98 = arith.constant 0 : i32
      %dma_wait3A_99 = tpu.memref_slice %arg6[%add3A_20, %dma_wait3A_98] : memref<10112x128xf32, #tpu.memory_space<vmem_shared>> -> memref<80x128xf32, #tpu.memory_space<vmem_shared>>
      %dma_wait3A_100 = arith.constant 0 : i32
      %dma_wait3A_101 = tpu.memref_slice %arg6[%add3A_20, %dma_wait3A_100] : memref<10112x128xf32, #tpu.memory_space<vmem_shared>> -> memref<80x128xf32, #tpu.memory_space<vmem_shared>>
      tpu.wait_dma2 semaphore(%run_scoped3A_93 : memref<!tpu.dma_semaphore, #tpu.memory_space<semaphore_mem>>) src(%arg9 : memref<80x128xf32, #tpu.memory_space<vmem>>) dst(%dma_wait3A_101 : memref<80x128xf32, #tpu.memory_space<vmem_shared>>)
      tpu.yield
    }) : () -> ()
    %mul3A_21 = arith.constant 632 : i32
    %mul3A_22 = arith.muli %arg1, %mul3A_21 : i32
    %add3A_23 = arith.constant 320 : i32
    %add3A_24 = arith.addi %mul3A_22, %add3A_23 : i32
    "tpu.region"() ({
      %run_scoped3A_93 = tpu.sem_alloc : memref<!tpu.dma_semaphore, #tpu.memory_space<semaphore_mem>>
      %dma_start3A_94 = arith.constant 0 : i32
      %dma_start3A_95 = tpu.memref_slice %arg6[%add3A_24, %dma_start3A_94] : memref<10112x128xf32, #tpu.memory_space<vmem_shared>> -> memref<80x128xf32, #tpu.memory_space<vmem_shared>>
      %dma_start3A_96 = arith.constant 0 : i32
      %dma_start3A_97 = tpu.memref_slice %arg6[%add3A_24, %dma_start3A_96] : memref<10112x128xf32, #tpu.memory_space<vmem_shared>> -> memref<80x128xf32, #tpu.memory_space<vmem_shared>>
      tpu.enqueue_dma source(%arg9 : memref<80x128xf32, #tpu.memory_space<vmem>>) target(%dma_start3A_97 : memref<80x128xf32, #tpu.memory_space<vmem_shared>>) target_semaphore(%run_scoped3A_93 : memref<!tpu.dma_semaphore, #tpu.memory_space<semaphore_mem>>)
      %dma_wait3A_98 = arith.constant 0 : i32
      %dma_wait3A_99 = tpu.memref_slice %arg6[%add3A_24, %dma_wait3A_98] : memref<10112x128xf32, #tpu.memory_space<vmem_shared>> -> memref<80x128xf32, #tpu.memory_space<vmem_shared>>
      %dma_wait3A_100 = arith.constant 0 : i32
      %dma_wait3A_101 = tpu.memref_slice %arg6[%add3A_24, %dma_wait3A_100] : memref<10112x128xf32, #tpu.memory_space<vmem_shared>> -> memref<80x128xf32, #tpu.memory_space<vmem_shared>>
      tpu.wait_dma2 semaphore(%run_scoped3A_93 : memref<!tpu.dma_semaphore, #tpu.memory_space<semaphore_mem>>) src(%arg9 : memref<80x128xf32, #tpu.memory_space<vmem>>) dst(%dma_wait3A_101 : memref<80x128xf32, #tpu.memory_space<vmem_shared>>)
      tpu.yield
    }) : () -> ()
    %mul3A_25 = arith.constant 632 : i32
    %mul3A_26 = arith.muli %arg1, %mul3A_25 : i32
    %add3A_27 = arith.constant 400 : i32
    %add3A_28 = arith.addi %mul3A_26, %add3A_27 : i32
    "tpu.region"() ({
      %run_scoped3A_93 = tpu.sem_alloc : memref<!tpu.dma_semaphore, #tpu.memory_space<semaphore_mem>>
      %dma_start3A_94 = arith.constant 0 : i32
      %dma_start3A_95 = tpu.memref_slice %arg6[%add3A_28, %dma_start3A_94] : memref<10112x128xf32, #tpu.memory_space<vmem_shared>> -> memref<80x128xf32, #tpu.memory_space<vmem_shared>>
      %dma_start3A_96 = arith.constant 0 : i32
      %dma_start3A_97 = tpu.memref_slice %arg6[%add3A_28, %dma_start3A_96] : memref<10112x128xf32, #tpu.memory_space<vmem_shared>> -> memref<80x128xf32, #tpu.memory_space<vmem_shared>>
      tpu.enqueue_dma source(%arg9 : memref<80x128xf32, #tpu.memory_space<vmem>>) target(%dma_start3A_97 : memref<80x128xf32, #tpu.memory_space<vmem_shared>>) target_semaphore(%run_scoped3A_93 : memref<!tpu.dma_semaphore, #tpu.memory_space<semaphore_mem>>)
      %dma_wait3A_98 = arith.constant 0 : i32
      %dma_wait3A_99 = tpu.memref_slice %arg6[%add3A_28, %dma_wait3A_98] : memref<10112x128xf32, #tpu.memory_space<vmem_shared>> -> memref<80x128xf32, #tpu.memory_space<vmem_shared>>
      %dma_wait3A_100 = arith.constant 0 : i32
      %dma_wait3A_101 = tpu.memref_slice %arg6[%add3A_28, %dma_wait3A_100] : memref<10112x128xf32, #tpu.memory_space<vmem_shared>> -> memref<80x128xf32, #tpu.memory_space<vmem_shared>>
      tpu.wait_dma2 semaphore(%run_scoped3A_93 : memref<!tpu.dma_semaphore, #tpu.memory_space<semaphore_mem>>) src(%arg9 : memref<80x128xf32, #tpu.memory_space<vmem>>) dst(%dma_wait3A_101 : memref<80x128xf32, #tpu.memory_space<vmem_shared>>)
      tpu.yield
    }) : () -> ()
    %mul3A_29 = arith.constant 632 : i32
    %mul3A_30 = arith.muli %arg1, %mul3A_29 : i32
    %add3A_31 = arith.constant 480 : i32
    %add3A_32 = arith.addi %mul3A_30, %add3A_31 : i32
    "tpu.region"() ({
      %run_scoped3A_93 = tpu.sem_alloc : memref<!tpu.dma_semaphore, #tpu.memory_space<semaphore_mem>>
      %dma_start3A_94 = arith.constant 0 : i32
      %dma_start3A_95 = tpu.memref_slice %arg6[%add3A_32, %dma_start3A_94] : memref<10112x128xf32, #tpu.memory_space<vmem_shared>> -> memref<80x128xf32, #tpu.memory_space<vmem_shared>>
      %dma_start3A_96 = arith.constant 0 : i32
      %dma_start3A_97 = tpu.memref_slice %arg6[%add3A_32, %dma_start3A_96] : memref<10112x128xf32, #tpu.memory_space<vmem_shared>> -> memref<80x128xf32, #tpu.memory_space<vmem_shared>>
      tpu.enqueue_dma source(%arg9 : memref<80x128xf32, #tpu.memory_space<vmem>>) target(%dma_start3A_97 : memref<80x128xf32, #tpu.memory_space<vmem_shared>>) target_semaphore(%run_scoped3A_93 : memref<!tpu.dma_semaphore, #tpu.memory_space<semaphore_mem>>)
      %dma_wait3A_98 = arith.constant 0 : i32
      %dma_wait3A_99 = tpu.memref_slice %arg6[%add3A_32, %dma_wait3A_98] : memref<10112x128xf32, #tpu.memory_space<vmem_shared>> -> memref<80x128xf32, #tpu.memory_space<vmem_shared>>
      %dma_wait3A_100 = arith.constant 0 : i32
      %dma_wait3A_101 = tpu.memref_slice %arg6[%add3A_32, %dma_wait3A_100] : memref<10112x128xf32, #tpu.memory_space<vmem_shared>> -> memref<80x128xf32, #tpu.memory_space<vmem_shared>>
      tpu.wait_dma2 semaphore(%run_scoped3A_93 : memref<!tpu.dma_semaphore, #tpu.memory_space<semaphore_mem>>) src(%arg9 : memref<80x128xf32, #tpu.memory_space<vmem>>) dst(%dma_wait3A_101 : memref<80x128xf32, #tpu.memory_space<vmem_shared>>)
      tpu.yield
    }) : () -> ()
    %mul3A_33 = arith.constant 632 : i32
    %mul3A_34 = arith.muli %arg1, %mul3A_33 : i32
    %add3A_35 = arith.constant 560 : i32
    %add3A_36 = arith.addi %mul3A_34, %add3A_35 : i32
    "tpu.region"() ({
      %run_scoped3A_93 = tpu.sem_alloc : memref<!tpu.dma_semaphore, #tpu.memory_space<semaphore_mem>>
      %dma_start3A_94 = arith.constant 0 : i32
      %dma_start3A_95 = arith.constant 0 : i32
      %dma_start3A_96 = tpu.memref_slice %arg9[%dma_start3A_94, %dma_start3A_95] : memref<80x128xf32, #tpu.memory_space<vmem>> -> memref<72x128xf32, #tpu.memory_space<vmem>>
      %dma_start3A_97 = arith.constant 0 : i32
      %dma_start3A_98 = tpu.memref_slice %arg6[%add3A_36, %dma_start3A_97] : memref<10112x128xf32, #tpu.memory_space<vmem_shared>> -> memref<72x128xf32, #tpu.memory_space<vmem_shared>>
      %dma_start3A_99 = arith.constant 0 : i32
      %dma_start3A_100 = tpu.memref_slice %arg6[%add3A_36, %dma_start3A_99] : memref<10112x128xf32, #tpu.memory_space<vmem_shared>> -> memref<72x128xf32, #tpu.memory_space<vmem_shared>>
      %dma_start3A_101 = arith.constant 0 : i32
      %dma_start3A_102 = arith.constant 0 : i32
      %dma_start3A_103 = tpu.memref_slice %arg9[%dma_start3A_101, %dma_start3A_102] : memref<80x128xf32, #tpu.memory_space<vmem>> -> memref<72x128xf32, #tpu.memory_space<vmem>>
      tpu.enqueue_dma source(%dma_start3A_103 : memref<72x128xf32, #tpu.memory_space<vmem>>) target(%dma_start3A_100 : memref<72x128xf32, #tpu.memory_space<vmem_shared>>) target_semaphore(%run_scoped3A_93 : memref<!tpu.dma_semaphore, #tpu.memory_space<semaphore_mem>>)
      %dma_wait3A_104 = arith.constant 0 : i32
      %dma_wait3A_105 = arith.constant 0 : i32
      %dma_wait3A_106 = tpu.memref_slice %arg9[%dma_wait3A_104, %dma_wait3A_105] : memref<80x128xf32, #tpu.memory_space<vmem>> -> memref<72x128xf32, #tpu.memory_space<vmem>>
      %dma_wait3A_107 = arith.constant 0 : i32
      %dma_wait3A_108 = tpu.memref_slice %arg6[%add3A_36, %dma_wait3A_107] : memref<10112x128xf32, #tpu.memory_space<vmem_shared>> -> memref<72x128xf32, #tpu.memory_space<vmem_shared>>
      %dma_wait3A_109 = arith.constant 0 : i32
      %dma_wait3A_110 = tpu.memref_slice %arg6[%add3A_36, %dma_wait3A_109] : memref<10112x128xf32, #tpu.memory_space<vmem_shared>> -> memref<72x128xf32, #tpu.memory_space<vmem_shared>>
      %dma_wait3A_111 = arith.constant 0 : i32
      %dma_wait3A_112 = arith.constant 0 : i32
      %dma_wait3A_113 = tpu.memref_slice %arg9[%dma_wait3A_111, %dma_wait3A_112] : memref<80x128xf32, #tpu.memory_space<vmem>> -> memref<72x128xf32, #tpu.memory_space<vmem>>
      tpu.wait_dma2 semaphore(%run_scoped3A_93 : memref<!tpu.dma_semaphore, #tpu.memory_space<semaphore_mem>>) src(%dma_wait3A_113 : memref<72x128xf32, #tpu.memory_space<vmem>>) dst(%dma_wait3A_110 : memref<72x128xf32, #tpu.memory_space<vmem_shared>>)
      tpu.yield
    }) : () -> ()
    %barrier3A = arith.constant 0 : index
    tpu.barrier barrier_id(%barrier3A)
    "tpu.region"() ({
      %run_scoped3A_93 = tpu.sem_alloc : memref<!tpu.dma_semaphore, #tpu.memory_space<semaphore_mem>>
      %dma_start3A_94 = arith.constant 0 : i32
      %dma_start3A_95 = arith.constant 0 : i32
      %dma_start3A_96 = tpu.memref_slice %arg7[%dma_start3A_94, %dma_start3A_95] : memref<64x80xi32, #tpu.memory_space<vmem>> -> memref<64x80xi32, #tpu.memory_space<vmem>>
      %dma_start3A_97 = arith.constant 0 : i32
      %dma_start3A_98 = arith.constant 0 : i32
      %dma_start3A_99 = tpu.memref_slice %arg3[%add3A, %dma_start3A_97, %dma_start3A_98] : memref<32x125x80xi32, #tpu.memory_space<hbm>> -> memref<1x64x80xi32, #tpu.memory_space<hbm>>
      %dma_start3A_100 = tpu.memref_squeeze %dma_start3A_99 : memref<1x64x80xi32, #tpu.memory_space<hbm>> -> memref<64x80xi32, #tpu.memory_space<hbm>>
      %dma_start3A_101 = arith.constant 0 : i32
      %dma_start3A_102 = arith.constant 0 : i32
      %dma_start3A_103 = tpu.memref_slice %arg7[%dma_start3A_101, %dma_start3A_102] : memref<64x80xi32, #tpu.memory_space<vmem>> -> memref<64x80xi32, #tpu.memory_space<vmem>>
      %dma_start3A_104 = arith.constant 0 : i32
      %dma_start3A_105 = arith.constant 0 : i32
      %dma_start3A_106 = tpu.memref_slice %arg3[%add3A, %dma_start3A_104, %dma_start3A_105] : memref<32x125x80xi32, #tpu.memory_space<hbm>> -> memref<1x64x80xi32, #tpu.memory_space<hbm>>
      %dma_start3A_107 = tpu.memref_squeeze %dma_start3A_106 : memref<1x64x80xi32, #tpu.memory_space<hbm>> -> memref<64x80xi32, #tpu.memory_space<hbm>>
      tpu.enqueue_dma source(%dma_start3A_107 : memref<64x80xi32, #tpu.memory_space<hbm>>) target(%dma_start3A_103 : memref<64x80xi32, #tpu.memory_space<vmem>>) target_semaphore(%run_scoped3A_93 : memref<!tpu.dma_semaphore, #tpu.memory_space<semaphore_mem>>)
      %dma_wait3A_108 = arith.constant 0 : i32
      %dma_wait3A_109 = arith.constant 0 : i32
      %dma_wait3A_110 = tpu.memref_slice %arg7[%dma_wait3A_108, %dma_wait3A_109] : memref<64x80xi32, #tpu.memory_space<vmem>> -> memref<64x80xi32, #tpu.memory_space<vmem>>
      %dma_wait3A_111 = arith.constant 0 : i32
      %dma_wait3A_112 = arith.constant 0 : i32
      %dma_wait3A_113 = tpu.memref_slice %arg3[%add3A, %dma_wait3A_111, %dma_wait3A_112] : memref<32x125x80xi32, #tpu.memory_space<hbm>> -> memref<1x64x80xi32, #tpu.memory_space<hbm>>
      %dma_wait3A_114 = tpu.memref_squeeze %dma_wait3A_113 : memref<1x64x80xi32, #tpu.memory_space<hbm>> -> memref<64x80xi32, #tpu.memory_space<hbm>>
      %dma_wait3A_115 = arith.constant 0 : i32
      %dma_wait3A_116 = arith.constant 0 : i32
      %dma_wait3A_117 = tpu.memref_slice %arg7[%dma_wait3A_115, %dma_wait3A_116] : memref<64x80xi32, #tpu.memory_space<vmem>> -> memref<64x80xi32, #tpu.memory_space<vmem>>
      %dma_wait3A_118 = arith.constant 0 : i32
      %dma_wait3A_119 = arith.constant 0 : i32
      %dma_wait3A_120 = tpu.memref_slice %arg3[%add3A, %dma_wait3A_118, %dma_wait3A_119] : memref<32x125x80xi32, #tpu.memory_space<hbm>> -> memref<1x64x80xi32, #tpu.memory_space<hbm>>
      %dma_wait3A_121 = tpu.memref_squeeze %dma_wait3A_120 : memref<1x64x80xi32, #tpu.memory_space<hbm>> -> memref<64x80xi32, #tpu.memory_space<hbm>>
      tpu.wait_dma2 semaphore(%run_scoped3A_93 : memref<!tpu.dma_semaphore, #tpu.memory_space<semaphore_mem>>) src(%dma_wait3A_121 : memref<64x80xi32, #tpu.memory_space<hbm>>) dst(%dma_wait3A_117 : memref<64x80xi32, #tpu.memory_space<vmem>>)
      tpu.yield
    }) : () -> ()
    "tpu.region"() ({
      %run_scoped3A_93 = tpu.sem_alloc : memref<!tpu.dma_semaphore, #tpu.memory_space<semaphore_mem>>
      %dma_start3A_94 = arith.constant 0 : i32
      %dma_start3A_95 = arith.constant 0 : i32
      %dma_start3A_96 = tpu.memref_slice %arg8[%dma_start3A_94, %dma_start3A_95] : memref<64x80xi32, #tpu.memory_space<vmem>> -> memref<64x80xi32, #tpu.memory_space<vmem>>
      %dma_start3A_97 = arith.constant 0 : i32
      %dma_start3A_98 = arith.constant 0 : i32
      %dma_start3A_99 = tpu.memref_slice %arg4[%add3A, %dma_start3A_97, %dma_start3A_98] : memref<32x125x80xi32, #tpu.memory_space<hbm>> -> memref<1x64x80xi32, #tpu.memory_space<hbm>>
      %dma_start3A_100 = tpu.memref_squeeze %dma_start3A_99 : memref<1x64x80xi32, #tpu.memory_space<hbm>> -> memref<64x80xi32, #tpu.memory_space<hbm>>
      %dma_start3A_101 = arith.constant 0 : i32
      %dma_start3A_102 = arith.constant 0 : i32
      %dma_start3A_103 = tpu.memref_slice %arg8[%dma_start3A_101, %dma_start3A_102] : memref<64x80xi32, #tpu.memory_space<vmem>> -> memref<64x80xi32, #tpu.memory_space<vmem>>
      %dma_start3A_104 = arith.constant 0 : i32
      %dma_start3A_105 = arith.constant 0 : i32
      %dma_start3A_106 = tpu.memref_slice %arg4[%add3A, %dma_start3A_104, %dma_start3A_105] : memref<32x125x80xi32, #tpu.memory_space<hbm>> -> memref<1x64x80xi32, #tpu.memory_space<hbm>>
      %dma_start3A_107 = tpu.memref_squeeze %dma_start3A_106 : memref<1x64x80xi32, #tpu.memory_space<hbm>> -> memref<64x80xi32, #tpu.memory_space<hbm>>
      tpu.enqueue_dma source(%dma_start3A_107 : memref<64x80xi32, #tpu.memory_space<hbm>>) target(%dma_start3A_103 : memref<64x80xi32, #tpu.memory_space<vmem>>) target_semaphore(%run_scoped3A_93 : memref<!tpu.dma_semaphore, #tpu.memory_space<semaphore_mem>>)
      %dma_wait3A_108 = arith.constant 0 : i32
      %dma_wait3A_109 = arith.constant 0 : i32
      %dma_wait3A_110 = tpu.memref_slice %arg8[%dma_wait3A_108, %dma_wait3A_109] : memref<64x80xi32, #tpu.memory_space<vmem>> -> memref<64x80xi32, #tpu.memory_space<vmem>>
      %dma_wait3A_111 = arith.constant 0 : i32
      %dma_wait3A_112 = arith.constant 0 : i32
      %dma_wait3A_113 = tpu.memref_slice %arg4[%add3A, %dma_wait3A_111, %dma_wait3A_112] : memref<32x125x80xi32, #tpu.memory_space<hbm>> -> memref<1x64x80xi32, #tpu.memory_space<hbm>>
      %dma_wait3A_114 = tpu.memref_squeeze %dma_wait3A_113 : memref<1x64x80xi32, #tpu.memory_space<hbm>> -> memref<64x80xi32, #tpu.memory_space<hbm>>
      %dma_wait3A_115 = arith.constant 0 : i32
      %dma_wait3A_116 = arith.constant 0 : i32
      %dma_wait3A_117 = tpu.memref_slice %arg8[%dma_wait3A_115, %dma_wait3A_116] : memref<64x80xi32, #tpu.memory_space<vmem>> -> memref<64x80xi32, #tpu.memory_space<vmem>>
      %dma_wait3A_118 = arith.constant 0 : i32
      %dma_wait3A_119 = arith.constant 0 : i32
      %dma_wait3A_120 = tpu.memref_slice %arg4[%add3A, %dma_wait3A_118, %dma_wait3A_119] : memref<32x125x80xi32, #tpu.memory_space<hbm>> -> memref<1x64x80xi32, #tpu.memory_space<hbm>>
      %dma_wait3A_121 = tpu.memref_squeeze %dma_wait3A_120 : memref<1x64x80xi32, #tpu.memory_space<hbm>> -> memref<64x80xi32, #tpu.memory_space<hbm>>
      tpu.wait_dma2 semaphore(%run_scoped3A_93 : memref<!tpu.dma_semaphore, #tpu.memory_space<semaphore_mem>>) src(%dma_wait3A_121 : memref<64x80xi32, #tpu.memory_space<hbm>>) dst(%dma_wait3A_117 : memref<64x80xi32, #tpu.memory_space<vmem>>)
      tpu.yield
    }) : () -> ()
    %dma_start3A = arith.constant 0 : i32
    %dma_start3A_37 = arith.constant 0 : i32
    %dma_start3A_38 = tpu.memref_slice %arg7[%dma_start3A, %dma_start3A_37] : memref<64x80xi32, #tpu.memory_space<vmem>> -> memref<1x80xi32, #tpu.memory_space<vmem>>
    %dma_start3A_39 = tpu.memref_squeeze %dma_start3A_38 : memref<1x80xi32, #tpu.memory_space<vmem>> -> memref<80xi32, #tpu.memory_space<vmem>>
    %dma_start3A_40 = arith.constant 0 : i32
    %dma_start3A_41 = arith.constant 0 : i32
    %dma_start3A_42 = tpu.memref_slice %arg2[%dma_start3A_40, %dma_start3A_41] : memref<10112x128xf32, #tpu.memory_space<hbm>> -> memref<10112x128xf32, #tpu.memory_space<hbm>>
    tpu.enqueue_indirect_dma source(%dma_start3A_42 : memref<10112x128xf32, #tpu.memory_space<hbm>>) target(%arg9 : memref<80x128xf32, #tpu.memory_space<vmem>>) offsets(%dma_start3A_39 : memref<80xi32, #tpu.memory_space<vmem>>) semaphore(%arg12 : memref<!tpu.dma_semaphore, #tpu.memory_space<semaphore_mem>>)
    %dma_start3A_43 = arith.constant 1 : i32
    %dma_start3A_44 = arith.constant 0 : i32
    %dma_start3A_45 = tpu.memref_slice %arg7[%dma_start3A_43, %dma_start3A_44] : memref<64x80xi32, #tpu.memory_space<vmem>> -> memref<1x80xi32, #tpu.memory_space<vmem>>
    %dma_start3A_46 = tpu.memref_squeeze %dma_start3A_45 : memref<1x80xi32, #tpu.memory_space<vmem>> -> memref<80xi32, #tpu.memory_space<vmem>>
    %dma_start3A_47 = arith.constant 0 : i32
    %dma_start3A_48 = arith.constant 0 : i32
    %dma_start3A_49 = tpu.memref_slice %arg2[%dma_start3A_47, %dma_start3A_48] : memref<10112x128xf32, #tpu.memory_space<hbm>> -> memref<10112x128xf32, #tpu.memory_space<hbm>>
    tpu.enqueue_indirect_dma source(%dma_start3A_49 : memref<10112x128xf32, #tpu.memory_space<hbm>>) target(%arg10 : memref<80x128xf32, #tpu.memory_space<vmem>>) offsets(%dma_start3A_46 : memref<80xi32, #tpu.memory_space<vmem>>) semaphore(%arg13 : memref<!tpu.dma_semaphore, #tpu.memory_space<semaphore_mem>>)
    %scan3A_50 = arith.constant 0 : i32
    %scan3A_51 = arith.constant 21 : i32
    %scan3A_52 = arith.addi %scan3A_50, %scan3A_51 : i32
    %scan3A_53 = arith.constant 1 : i32
    scf.for %scan3A_93 = %scan3A_50 to %scan3A_52 step %scan3A_53  : i32 {
      %mul3A_94 = arith.constant 3 : i32
      %mul3A_95 = arith.muli %scan3A_93, %mul3A_94 : i32
      %add3A_96 = arith.constant 0 : i32
      %add3A_97 = arith.addi %add3A_96, %mul3A_95 : i32
      %add3A_98 = arith.constant 0 : i32
      %add3A_99 = arith.addi %add3A_97, %add3A_98 : i32
      %dma_wait3A_100 = arith.constant 0 : i32
      %dma_wait3A_101 = arith.constant 0 : i32
      %dma_wait3A_102 = tpu.memref_slice %arg7[%dma_wait3A_100, %dma_wait3A_101] : memref<64x80xi32, #tpu.memory_space<vmem>> -> memref<1x80xi32, #tpu.memory_space<vmem>>
      %dma_wait3A_103 = tpu.memref_squeeze %dma_wait3A_102 : memref<1x80xi32, #tpu.memory_space<vmem>> -> memref<80xi32, #tpu.memory_space<vmem>>
      %dma_wait3A_104 = arith.constant 0 : i32
      %dma_wait3A_105 = arith.constant 0 : i32
      %dma_wait3A_106 = tpu.memref_slice %arg2[%dma_wait3A_104, %dma_wait3A_105] : memref<10112x128xf32, #tpu.memory_space<hbm>> -> memref<10112x128xf32, #tpu.memory_space<hbm>>
      tpu.wait_indirect_dma semaphore(%arg12 : memref<!tpu.dma_semaphore, #tpu.memory_space<semaphore_mem>>) src(%dma_wait3A_106 : memref<10112x128xf32, #tpu.memory_space<hbm>>) dst(%arg9 : memref<80x128xf32, #tpu.memory_space<vmem>>)
      %add3A_107 = arith.constant 2 : i32
      %add3A_108 = arith.addi %add3A_99, %add3A_107 : i32
      %lt3A = arith.constant 64 : i32
      %lt3A_109 = arith.cmpi slt, %add3A_108, %lt3A : i32
      %convert_element_type3A = arith.extui %lt3A_109 : i1 to i32
      %cond3A = arith.constant 0 : i32
      %cond3A_110 = arith.cmpi ne, %convert_element_type3A, %cond3A : i32
      scf.if %cond3A_110 {
        %add3A_143 = arith.constant 2 : i32
        %add3A_144 = arith.addi %add3A_99, %add3A_143 : i32
        %dma_start3A_145 = arith.constant 0 : i32
        %dma_start3A_146 = tpu.memref_slice %arg7[%add3A_144, %dma_start3A_145] : memref<64x80xi32, #tpu.memory_space<vmem>> -> memref<1x80xi32, #tpu.memory_space<vmem>>
        %dma_start3A_147 = tpu.memref_squeeze %dma_start3A_146 : memref<1x80xi32, #tpu.memory_space<vmem>> -> memref<80xi32, #tpu.memory_space<vmem>>
        %dma_start3A_148 = arith.constant 0 : i32
        %dma_start3A_149 = arith.constant 0 : i32
        %dma_start3A_150 = tpu.memref_slice %arg2[%dma_start3A_148, %dma_start3A_149] : memref<10112x128xf32, #tpu.memory_space<hbm>> -> memref<10112x128xf32, #tpu.memory_space<hbm>>
        tpu.enqueue_indirect_dma source(%dma_start3A_150 : memref<10112x128xf32, #tpu.memory_space<hbm>>) target(%arg11 : memref<80x128xf32, #tpu.memory_space<vmem>>) offsets(%dma_start3A_147 : memref<80xi32, #tpu.memory_space<vmem>>) semaphore(%arg14 : memref<!tpu.dma_semaphore, #tpu.memory_space<semaphore_mem>>)
      } else {
      }
      "tpu.region"() ({
        %run_scoped3A_143 = tpu.sem_alloc : memref<!tpu.dma_semaphore, #tpu.memory_space<semaphore_mem>>
        %dma_start3A_144 = arith.constant 0 : i32
        %dma_start3A_145 = tpu.memref_slice %arg8[%add3A_99, %dma_start3A_144] : memref<64x80xi32, #tpu.memory_space<vmem>> -> memref<1x80xi32, #tpu.memory_space<vmem>>
        %dma_start3A_146 = tpu.memref_squeeze %dma_start3A_145 : memref<1x80xi32, #tpu.memory_space<vmem>> -> memref<80xi32, #tpu.memory_space<vmem>>
        %dma_start3A_147 = arith.constant 0 : i32
        %dma_start3A_148 = arith.constant 0 : i32
        %dma_start3A_149 = tpu.memref_slice %arg6[%dma_start3A_147, %dma_start3A_148] : memref<10112x128xf32, #tpu.memory_space<vmem_shared>> -> memref<10112x128xf32, #tpu.memory_space<vmem_shared>>
        tpu.enqueue_indirect_dma source(%arg9 : memref<80x128xf32, #tpu.memory_space<vmem>>) target(%dma_start3A_149 : memref<10112x128xf32, #tpu.memory_space<vmem_shared>>) offsets(%dma_start3A_146 : memref<80xi32, #tpu.memory_space<vmem>>) semaphore(%run_scoped3A_143 : memref<!tpu.dma_semaphore, #tpu.memory_space<semaphore_mem>>) {add = true}
        %dma_wait3A_150 = arith.constant 0 : i32
        %dma_wait3A_151 = tpu.memref_slice %arg8[%add3A_99, %dma_wait3A_150] : memref<64x80xi32, #tpu.memory_space<vmem>> -> memref<1x80xi32, #tpu.memory_space<vmem>>
        %dma_wait3A_152 = tpu.memref_squeeze %dma_wait3A_151 : memref<1x80xi32, #tpu.memory_space<vmem>> -> memref<80xi32, #tpu.memory_space<vmem>>
        %dma_wait3A_153 = arith.constant 0 : i32
        %dma_wait3A_154 = arith.constant 0 : i32
        %dma_wait3A_155 = tpu.memref_slice %arg6[%dma_wait3A_153, %dma_wait3A_154] : memref<10112x128xf32, #tpu.memory_space<vmem_shared>> -> memref<10112x128xf32, #tpu.memory_space<vmem_shared>>
        tpu.wait_indirect_dma semaphore(%run_scoped3A_143 : memref<!tpu.dma_semaphore, #tpu.memory_space<semaphore_mem>>) src(%arg9 : memref<80x128xf32, #tpu.memory_space<vmem>>) dst(%dma_wait3A_155 : memref<10112x128xf32, #tpu.memory_space<vmem_shared>>)
        tpu.yield
      }) : () -> ()
      %add3A_111 = arith.constant 1 : i32
      %add3A_112 = arith.addi %add3A_97, %add3A_111 : i32
      %dma_wait3A_113 = arith.constant 0 : i32
      %dma_wait3A_114 = arith.constant 0 : i32
      %dma_wait3A_115 = tpu.memref_slice %arg7[%dma_wait3A_113, %dma_wait3A_114] : memref<64x80xi32, #tpu.memory_space<vmem>> -> memref<1x80xi32, #tpu.memory_space<vmem>>
      %dma_wait3A_116 = tpu.memref_squeeze %dma_wait3A_115 : memref<1x80xi32, #tpu.memory_space<vmem>> -> memref<80xi32, #tpu.memory_space<vmem>>
      %dma_wait3A_117 = arith.constant 0 : i32
      %dma_wait3A_118 = arith.constant 0 : i32
      %dma_wait3A_119 = tpu.memref_slice %arg2[%dma_wait3A_117, %dma_wait3A_118] : memref<10112x128xf32, #tpu.memory_space<hbm>> -> memref<10112x128xf32, #tpu.memory_space<hbm>>
      tpu.wait_indirect_dma semaphore(%arg13 : memref<!tpu.dma_semaphore, #tpu.memory_space<semaphore_mem>>) src(%dma_wait3A_119 : memref<10112x128xf32, #tpu.memory_space<hbm>>) dst(%arg10 : memref<80x128xf32, #tpu.memory_space<vmem>>)
      %add3A_120 = arith.constant 2 : i32
      %add3A_121 = arith.addi %add3A_112, %add3A_120 : i32
      %lt3A_122 = arith.constant 64 : i32
      %lt3A_123 = arith.cmpi slt, %add3A_121, %lt3A_122 : i32
      %convert_element_type3A_124 = arith.extui %lt3A_123 : i1 to i32
      %cond3A_125 = arith.constant 0 : i32
      %cond3A_126 = arith.cmpi ne, %convert_element_type3A_124, %cond3A_125 : i32
      scf.if %cond3A_126 {
        %add3A_143 = arith.constant 2 : i32
        %add3A_144 = arith.addi %add3A_112, %add3A_143 : i32
        %dma_start3A_145 = arith.constant 0 : i32
        %dma_start3A_146 = tpu.memref_slice %arg7[%add3A_144, %dma_start3A_145] : memref<64x80xi32, #tpu.memory_space<vmem>> -> memref<1x80xi32, #tpu.memory_space<vmem>>
        %dma_start3A_147 = tpu.memref_squeeze %dma_start3A_146 : memref<1x80xi32, #tpu.memory_space<vmem>> -> memref<80xi32, #tpu.memory_space<vmem>>
        %dma_start3A_148 = arith.constant 0 : i32
        %dma_start3A_149 = arith.constant 0 : i32
        %dma_start3A_150 = tpu.memref_slice %arg2[%dma_start3A_148, %dma_start3A_149] : memref<10112x128xf32, #tpu.memory_space<hbm>> -> memref<10112x128xf32, #tpu.memory_space<hbm>>
        tpu.enqueue_indirect_dma source(%dma_start3A_150 : memref<10112x128xf32, #tpu.memory_space<hbm>>) target(%arg9 : memref<80x128xf32, #tpu.memory_space<vmem>>) offsets(%dma_start3A_147 : memref<80xi32, #tpu.memory_space<vmem>>) semaphore(%arg12 : memref<!tpu.dma_semaphore, #tpu.memory_space<semaphore_mem>>)
      } else {
      }
      "tpu.region"() ({
        %run_scoped3A_143 = tpu.sem_alloc : memref<!tpu.dma_semaphore, #tpu.memory_space<semaphore_mem>>
        %dma_start3A_144 = arith.constant 0 : i32
        %dma_start3A_145 = tpu.memref_slice %arg8[%add3A_112, %dma_start3A_144] : memref<64x80xi32, #tpu.memory_space<vmem>> -> memref<1x80xi32, #tpu.memory_space<vmem>>
        %dma_start3A_146 = tpu.memref_squeeze %dma_start3A_145 : memref<1x80xi32, #tpu.memory_space<vmem>> -> memref<80xi32, #tpu.memory_space<vmem>>
        %dma_start3A_147 = arith.constant 0 : i32
        %dma_start3A_148 = arith.constant 0 : i32
        %dma_start3A_149 = tpu.memref_slice %arg6[%dma_start3A_147, %dma_start3A_148] : memref<10112x128xf32, #tpu.memory_space<vmem_shared>> -> memref<10112x128xf32, #tpu.memory_space<vmem_shared>>
        tpu.enqueue_indirect_dma source(%arg10 : memref<80x128xf32, #tpu.memory_space<vmem>>) target(%dma_start3A_149 : memref<10112x128xf32, #tpu.memory_space<vmem_shared>>) offsets(%dma_start3A_146 : memref<80xi32, #tpu.memory_space<vmem>>) semaphore(%run_scoped3A_143 : memref<!tpu.dma_semaphore, #tpu.memory_space<semaphore_mem>>) {add = true}
        %dma_wait3A_150 = arith.constant 0 : i32
        %dma_wait3A_151 = tpu.memref_slice %arg8[%add3A_112, %dma_wait3A_150] : memref<64x80xi32, #tpu.memory_space<vmem>> -> memref<1x80xi32, #tpu.memory_space<vmem>>
        %dma_wait3A_152 = tpu.memref_squeeze %dma_wait3A_151 : memref<1x80xi32, #tpu.memory_space<vmem>> -> memref<80xi32, #tpu.memory_space<vmem>>
        %dma_wait3A_153 = arith.constant 0 : i32
        %dma_wait3A_154 = arith.constant 0 : i32
        %dma_wait3A_155 = tpu.memref_slice %arg6[%dma_wait3A_153, %dma_wait3A_154] : memref<10112x128xf32, #tpu.memory_space<vmem_shared>> -> memref<10112x128xf32, #tpu.memory_space<vmem_shared>>
        tpu.wait_indirect_dma semaphore(%run_scoped3A_143 : memref<!tpu.dma_semaphore, #tpu.memory_space<semaphore_mem>>) src(%arg10 : memref<80x128xf32, #tpu.memory_space<vmem>>) dst(%dma_wait3A_155 : memref<10112x128xf32, #tpu.memory_space<vmem_shared>>)
        tpu.yield
      }) : () -> ()
      %add3A_127 = arith.constant 2 : i32
      %add3A_128 = arith.addi %add3A_97, %add3A_127 : i32
      %dma_wait3A_129 = arith.constant 0 : i32
      %dma_wait3A_130 = arith.constant 0 : i32
      %dma_wait3A_131 = tpu.memref_slice %arg7[%dma_wait3A_129, %dma_wait3A_130] : memref<64x80xi32, #tpu.memory_space<vmem>> -> memref<1x80xi32, #tpu.memory_space<vmem>>
      %dma_wait3A_132 = tpu.memref_squeeze %dma_wait3A_131 : memref<1x80xi32, #tpu.memory_space<vmem>> -> memref<80xi32, #tpu.memory_space<vmem>>
      %dma_wait3A_133 = arith.constant 0 : i32
      %dma_wait3A_134 = arith.constant 0 : i32
      %dma_wait3A_135 = tpu.memref_slice %arg2[%dma_wait3A_133, %dma_wait3A_134] : memref<10112x128xf32, #tpu.memory_space<hbm>> -> memref<10112x128xf32, #tpu.memory_space<hbm>>
      tpu.wait_indirect_dma semaphore(%arg14 : memref<!tpu.dma_semaphore, #tpu.memory_space<semaphore_mem>>) src(%dma_wait3A_135 : memref<10112x128xf32, #tpu.memory_space<hbm>>) dst(%arg11 : memref<80x128xf32, #tpu.memory_space<vmem>>)
      %add3A_136 = arith.constant 2 : i32
      %add3A_137 = arith.addi %add3A_128, %add3A_136 : i32
      %lt3A_138 = arith.constant 64 : i32
      %lt3A_139 = arith.cmpi slt, %add3A_137, %lt3A_138 : i32
      %convert_element_type3A_140 = arith.extui %lt3A_139 : i1 to i32
      %cond3A_141 = arith.constant 0 : i32
      %cond3A_142 = arith.cmpi ne, %convert_element_type3A_140, %cond3A_141 : i32
      scf.if %cond3A_142 {
        %add3A_143 = arith.constant 2 : i32
        %add3A_144 = arith.addi %add3A_128, %add3A_143 : i32
        %dma_start3A_145 = arith.constant 0 : i32
        %dma_start3A_146 = tpu.memref_slice %arg7[%add3A_144, %dma_start3A_145] : memref<64x80xi32, #tpu.memory_space<vmem>> -> memref<1x80xi32, #tpu.memory_space<vmem>>
        %dma_start3A_147 = tpu.memref_squeeze %dma_start3A_146 : memref<1x80xi32, #tpu.memory_space<vmem>> -> memref<80xi32, #tpu.memory_space<vmem>>
        %dma_start3A_148 = arith.constant 0 : i32
        %dma_start3A_149 = arith.constant 0 : i32
        %dma_start3A_150 = tpu.memref_slice %arg2[%dma_start3A_148, %dma_start3A_149] : memref<10112x128xf32, #tpu.memory_space<hbm>> -> memref<10112x128xf32, #tpu.memory_space<hbm>>
        tpu.enqueue_indirect_dma source(%dma_start3A_150 : memref<10112x128xf32, #tpu.memory_space<hbm>>) target(%arg10 : memref<80x128xf32, #tpu.memory_space<vmem>>) offsets(%dma_start3A_147 : memref<80xi32, #tpu.memory_space<vmem>>) semaphore(%arg13 : memref<!tpu.dma_semaphore, #tpu.memory_space<semaphore_mem>>)
      } else {
      }
      "tpu.region"() ({
        %run_scoped3A_143 = tpu.sem_alloc : memref<!tpu.dma_semaphore, #tpu.memory_space<semaphore_mem>>
        %dma_start3A_144 = arith.constant 0 : i32
        %dma_start3A_145 = tpu.memref_slice %arg8[%add3A_128, %dma_start3A_144] : memref<64x80xi32, #tpu.memory_space<vmem>> -> memref<1x80xi32, #tpu.memory_space<vmem>>
        %dma_start3A_146 = tpu.memref_squeeze %dma_start3A_145 : memref<1x80xi32, #tpu.memory_space<vmem>> -> memref<80xi32, #tpu.memory_space<vmem>>
        %dma_start3A_147 = arith.constant 0 : i32
        %dma_start3A_148 = arith.constant 0 : i32
        %dma_start3A_149 = tpu.memref_slice %arg6[%dma_start3A_147, %dma_start3A_148] : memref<10112x128xf32, #tpu.memory_space<vmem_shared>> -> memref<10112x128xf32, #tpu.memory_space<vmem_shared>>
        tpu.enqueue_indirect_dma source(%arg11 : memref<80x128xf32, #tpu.memory_space<vmem>>) target(%dma_start3A_149 : memref<10112x128xf32, #tpu.memory_space<vmem_shared>>) offsets(%dma_start3A_146 : memref<80xi32, #tpu.memory_space<vmem>>) semaphore(%run_scoped3A_143 : memref<!tpu.dma_semaphore, #tpu.memory_space<semaphore_mem>>) {add = true}
        %dma_wait3A_150 = arith.constant 0 : i32
        %dma_wait3A_151 = tpu.memref_slice %arg8[%add3A_128, %dma_wait3A_150] : memref<64x80xi32, #tpu.memory_space<vmem>> -> memref<1x80xi32, #tpu.memory_space<vmem>>
        %dma_wait3A_152 = tpu.memref_squeeze %dma_wait3A_151 : memref<1x80xi32, #tpu.memory_space<vmem>> -> memref<80xi32, #tpu.memory_space<vmem>>
        %dma_wait3A_153 = arith.constant 0 : i32
        %dma_wait3A_154 = arith.constant 0 : i32
        %dma_wait3A_155 = tpu.memref_slice %arg6[%dma_wait3A_153, %dma_wait3A_154] : memref<10112x128xf32, #tpu.memory_space<vmem_shared>> -> memref<10112x128xf32, #tpu.memory_space<vmem_shared>>
        tpu.wait_indirect_dma semaphore(%run_scoped3A_143 : memref<!tpu.dma_semaphore, #tpu.memory_space<semaphore_mem>>) src(%arg11 : memref<80x128xf32, #tpu.memory_space<vmem>>) dst(%dma_wait3A_155 : memref<10112x128xf32, #tpu.memory_space<vmem_shared>>)
        tpu.yield
      }) : () -> ()
    }
    %scan3A_54 = arith.constant 21 : i32
    %dma_wait3A = arith.constant 0 : i32
    %dma_wait3A_55 = arith.constant 0 : i32
    %dma_wait3A_56 = tpu.memref_slice %arg7[%dma_wait3A, %dma_wait3A_55] : memref<64x80xi32, #tpu.memory_space<vmem>> -> memref<1x80xi32, #tpu.memory_space<vmem>>
    %dma_wait3A_57 = tpu.memref_squeeze %dma_wait3A_56 : memref<1x80xi32, #tpu.memory_space<vmem>> -> memref<80xi32, #tpu.memory_space<vmem>>
    %dma_wait3A_58 = arith.constant 0 : i32
    %dma_wait3A_59 = arith.constant 0 : i32
    %dma_wait3A_60 = tpu.memref_slice %arg2[%dma_wait3A_58, %dma_wait3A_59] : memref<10112x128xf32, #tpu.memory_space<hbm>> -> memref<10112x128xf32, #tpu.memory_space<hbm>>
    tpu.wait_indirect_dma semaphore(%arg12 : memref<!tpu.dma_semaphore, #tpu.memory_space<semaphore_mem>>) src(%dma_wait3A_60 : memref<10112x128xf32, #tpu.memory_space<hbm>>) dst(%arg9 : memref<80x128xf32, #tpu.memory_space<vmem>>)
    %run_scoped3A = arith.constant 63 : i32
    "tpu.region"() ({
      %run_scoped3A_93 = tpu.sem_alloc : memref<!tpu.dma_semaphore, #tpu.memory_space<semaphore_mem>>
      %dma_start3A_94 = arith.constant 0 : i32
      %dma_start3A_95 = tpu.memref_slice %arg8[%run_scoped3A, %dma_start3A_94] : memref<64x80xi32, #tpu.memory_space<vmem>> -> memref<1x80xi32, #tpu.memory_space<vmem>>
      %dma_start3A_96 = tpu.memref_squeeze %dma_start3A_95 : memref<1x80xi32, #tpu.memory_space<vmem>> -> memref<80xi32, #tpu.memory_space<vmem>>
      %dma_start3A_97 = arith.constant 0 : i32
      %dma_start3A_98 = arith.constant 0 : i32
      %dma_start3A_99 = tpu.memref_slice %arg6[%dma_start3A_97, %dma_start3A_98] : memref<10112x128xf32, #tpu.memory_space<vmem_shared>> -> memref<10112x128xf32, #tpu.memory_space<vmem_shared>>
      tpu.enqueue_indirect_dma source(%arg9 : memref<80x128xf32, #tpu.memory_space<vmem>>) target(%dma_start3A_99 : memref<10112x128xf32, #tpu.memory_space<vmem_shared>>) offsets(%dma_start3A_96 : memref<80xi32, #tpu.memory_space<vmem>>) semaphore(%run_scoped3A_93 : memref<!tpu.dma_semaphore, #tpu.memory_space<semaphore_mem>>) {add = true}
      %dma_wait3A_100 = arith.constant 0 : i32
      %dma_wait3A_101 = tpu.memref_slice %arg8[%run_scoped3A, %dma_wait3A_100] : memref<64x80xi32, #tpu.memory_space<vmem>> -> memref<1x80xi32, #tpu.memory_space<vmem>>
      %dma_wait3A_102 = tpu.memref_squeeze %dma_wait3A_101 : memref<1x80xi32, #tpu.memory_space<vmem>> -> memref<80xi32, #tpu.memory_space<vmem>>
      %dma_wait3A_103 = arith.constant 0 : i32
      %dma_wait3A_104 = arith.constant 0 : i32
      %dma_wait3A_105 = tpu.memref_slice %arg6[%dma_wait3A_103, %dma_wait3A_104] : memref<10112x128xf32, #tpu.memory_space<vmem_shared>> -> memref<10112x128xf32, #tpu.memory_space<vmem_shared>>
      tpu.wait_indirect_dma semaphore(%run_scoped3A_93 : memref<!tpu.dma_semaphore, #tpu.memory_space<semaphore_mem>>) src(%arg9 : memref<80x128xf32, #tpu.memory_space<vmem>>) dst(%dma_wait3A_105 : memref<10112x128xf32, #tpu.memory_space<vmem_shared>>)
      tpu.yield
    }) : () -> ()
    "tpu.region"() ({
      %run_scoped3A_93 = tpu.sem_alloc : memref<!tpu.dma_semaphore, #tpu.memory_space<semaphore_mem>>
      %dma_start3A_94 = arith.constant 0 : i32
      %dma_start3A_95 = arith.constant 0 : i32
      %dma_start3A_96 = tpu.memref_slice %arg7[%dma_start3A_94, %dma_start3A_95] : memref<64x80xi32, #tpu.memory_space<vmem>> -> memref<61x80xi32, #tpu.memory_space<vmem>>
      %dma_start3A_97 = arith.constant 64 : i32
      %dma_start3A_98 = arith.constant 0 : i32
      %dma_start3A_99 = tpu.memref_slice %arg3[%add3A, %dma_start3A_97, %dma_start3A_98] : memref<32x125x80xi32, #tpu.memory_space<hbm>> -> memref<1x61x80xi32, #tpu.memory_space<hbm>>
      %dma_start3A_100 = tpu.memref_squeeze %dma_start3A_99 : memref<1x61x80xi32, #tpu.memory_space<hbm>> -> memref<61x80xi32, #tpu.memory_space<hbm>>
      %dma_start3A_101 = arith.constant 0 : i32
      %dma_start3A_102 = arith.constant 0 : i32
      %dma_start3A_103 = tpu.memref_slice %arg7[%dma_start3A_101, %dma_start3A_102] : memref<64x80xi32, #tpu.memory_space<vmem>> -> memref<61x80xi32, #tpu.memory_space<vmem>>
      %dma_start3A_104 = arith.constant 64 : i32
      %dma_start3A_105 = arith.constant 0 : i32
      %dma_start3A_106 = tpu.memref_slice %arg3[%add3A, %dma_start3A_104, %dma_start3A_105] : memref<32x125x80xi32, #tpu.memory_space<hbm>> -> memref<1x61x80xi32, #tpu.memory_space<hbm>>
      %dma_start3A_107 = tpu.memref_squeeze %dma_start3A_106 : memref<1x61x80xi32, #tpu.memory_space<hbm>> -> memref<61x80xi32, #tpu.memory_space<hbm>>
      tpu.enqueue_dma source(%dma_start3A_107 : memref<61x80xi32, #tpu.memory_space<hbm>>) target(%dma_start3A_103 : memref<61x80xi32, #tpu.memory_space<vmem>>) target_semaphore(%run_scoped3A_93 : memref<!tpu.dma_semaphore, #tpu.memory_space<semaphore_mem>>)
      %dma_wait3A_108 = arith.constant 0 : i32
      %dma_wait3A_109 = arith.constant 0 : i32
      %dma_wait3A_110 = tpu.memref_slice %arg7[%dma_wait3A_108, %dma_wait3A_109] : memref<64x80xi32, #tpu.memory_space<vmem>> -> memref<61x80xi32, #tpu.memory_space<vmem>>
      %dma_wait3A_111 = arith.constant 64 : i32
      %dma_wait3A_112 = arith.constant 0 : i32
      %dma_wait3A_113 = tpu.memref_slice %arg3[%add3A, %dma_wait3A_111, %dma_wait3A_112] : memref<32x125x80xi32, #tpu.memory_space<hbm>> -> memref<1x61x80xi32, #tpu.memory_space<hbm>>
      %dma_wait3A_114 = tpu.memref_squeeze %dma_wait3A_113 : memref<1x61x80xi32, #tpu.memory_space<hbm>> -> memref<61x80xi32, #tpu.memory_space<hbm>>
      %dma_wait3A_115 = arith.constant 0 : i32
      %dma_wait3A_116 = arith.constant 0 : i32
      %dma_wait3A_117 = tpu.memref_slice %arg7[%dma_wait3A_115, %dma_wait3A_116] : memref<64x80xi32, #tpu.memory_space<vmem>> -> memref<61x80xi32, #tpu.memory_space<vmem>>
      %dma_wait3A_118 = arith.constant 64 : i32
      %dma_wait3A_119 = arith.constant 0 : i32
      %dma_wait3A_120 = tpu.memref_slice %arg3[%add3A, %dma_wait3A_118, %dma_wait3A_119] : memref<32x125x80xi32, #tpu.memory_space<hbm>> -> memref<1x61x80xi32, #tpu.memory_space<hbm>>
      %dma_wait3A_121 = tpu.memref_squeeze %dma_wait3A_120 : memref<1x61x80xi32, #tpu.memory_space<hbm>> -> memref<61x80xi32, #tpu.memory_space<hbm>>
      tpu.wait_dma2 semaphore(%run_scoped3A_93 : memref<!tpu.dma_semaphore, #tpu.memory_space<semaphore_mem>>) src(%dma_wait3A_121 : memref<61x80xi32, #tpu.memory_space<hbm>>) dst(%dma_wait3A_117 : memref<61x80xi32, #tpu.memory_space<vmem>>)
      tpu.yield
    }) : () -> ()
    "tpu.region"() ({
      %run_scoped3A_93 = tpu.sem_alloc : memref<!tpu.dma_semaphore, #tpu.memory_space<semaphore_mem>>
      %dma_start3A_94 = arith.constant 0 : i32
      %dma_start3A_95 = arith.constant 0 : i32
      %dma_start3A_96 = tpu.memref_slice %arg8[%dma_start3A_94, %dma_start3A_95] : memref<64x80xi32, #tpu.memory_space<vmem>> -> memref<61x80xi32, #tpu.memory_space<vmem>>
      %dma_start3A_97 = arith.constant 64 : i32
      %dma_start3A_98 = arith.constant 0 : i32
      %dma_start3A_99 = tpu.memref_slice %arg4[%add3A, %dma_start3A_97, %dma_start3A_98] : memref<32x125x80xi32, #tpu.memory_space<hbm>> -> memref<1x61x80xi32, #tpu.memory_space<hbm>>
      %dma_start3A_100 = tpu.memref_squeeze %dma_start3A_99 : memref<1x61x80xi32, #tpu.memory_space<hbm>> -> memref<61x80xi32, #tpu.memory_space<hbm>>
      %dma_start3A_101 = arith.constant 0 : i32
      %dma_start3A_102 = arith.constant 0 : i32
      %dma_start3A_103 = tpu.memref_slice %arg8[%dma_start3A_101, %dma_start3A_102] : memref<64x80xi32, #tpu.memory_space<vmem>> -> memref<61x80xi32, #tpu.memory_space<vmem>>
      %dma_start3A_104 = arith.constant 64 : i32
      %dma_start3A_105 = arith.constant 0 : i32
      %dma_start3A_106 = tpu.memref_slice %arg4[%add3A, %dma_start3A_104, %dma_start3A_105] : memref<32x125x80xi32, #tpu.memory_space<hbm>> -> memref<1x61x80xi32, #tpu.memory_space<hbm>>
      %dma_start3A_107 = tpu.memref_squeeze %dma_start3A_106 : memref<1x61x80xi32, #tpu.memory_space<hbm>> -> memref<61x80xi32, #tpu.memory_space<hbm>>
      tpu.enqueue_dma source(%dma_start3A_107 : memref<61x80xi32, #tpu.memory_space<hbm>>) target(%dma_start3A_103 : memref<61x80xi32, #tpu.memory_space<vmem>>) target_semaphore(%run_scoped3A_93 : memref<!tpu.dma_semaphore, #tpu.memory_space<semaphore_mem>>)
      %dma_wait3A_108 = arith.constant 0 : i32
      %dma_wait3A_109 = arith.constant 0 : i32
      %dma_wait3A_110 = tpu.memref_slice %arg8[%dma_wait3A_108, %dma_wait3A_109] : memref<64x80xi32, #tpu.memory_space<vmem>> -> memref<61x80xi32, #tpu.memory_space<vmem>>
      %dma_wait3A_111 = arith.constant 64 : i32
      %dma_wait3A_112 = arith.constant 0 : i32
      %dma_wait3A_113 = tpu.memref_slice %arg4[%add3A, %dma_wait3A_111, %dma_wait3A_112] : memref<32x125x80xi32, #tpu.memory_space<hbm>> -> memref<1x61x80xi32, #tpu.memory_space<hbm>>
      %dma_wait3A_114 = tpu.memref_squeeze %dma_wait3A_113 : memref<1x61x80xi32, #tpu.memory_space<hbm>> -> memref<61x80xi32, #tpu.memory_space<hbm>>
      %dma_wait3A_115 = arith.constant 0 : i32
      %dma_wait3A_116 = arith.constant 0 : i32
      %dma_wait3A_117 = tpu.memref_slice %arg8[%dma_wait3A_115, %dma_wait3A_116] : memref<64x80xi32, #tpu.memory_space<vmem>> -> memref<61x80xi32, #tpu.memory_space<vmem>>
      %dma_wait3A_118 = arith.constant 64 : i32
      %dma_wait3A_119 = arith.constant 0 : i32
      %dma_wait3A_120 = tpu.memref_slice %arg4[%add3A, %dma_wait3A_118, %dma_wait3A_119] : memref<32x125x80xi32, #tpu.memory_space<hbm>> -> memref<1x61x80xi32, #tpu.memory_space<hbm>>
      %dma_wait3A_121 = tpu.memref_squeeze %dma_wait3A_120 : memref<1x61x80xi32, #tpu.memory_space<hbm>> -> memref<61x80xi32, #tpu.memory_space<hbm>>
      tpu.wait_dma2 semaphore(%run_scoped3A_93 : memref<!tpu.dma_semaphore, #tpu.memory_space<semaphore_mem>>) src(%dma_wait3A_121 : memref<61x80xi32, #tpu.memory_space<hbm>>) dst(%dma_wait3A_117 : memref<61x80xi32, #tpu.memory_space<vmem>>)
      tpu.yield
    }) : () -> ()
    %dma_start3A_61 = arith.constant 0 : i32
    %dma_start3A_62 = arith.constant 0 : i32
    %dma_start3A_63 = tpu.memref_slice %arg7[%dma_start3A_61, %dma_start3A_62] : memref<64x80xi32, #tpu.memory_space<vmem>> -> memref<1x80xi32, #tpu.memory_space<vmem>>
    %dma_start3A_64 = tpu.memref_squeeze %dma_start3A_63 : memref<1x80xi32, #tpu.memory_space<vmem>> -> memref<80xi32, #tpu.memory_space<vmem>>
    %dma_start3A_65 = arith.constant 0 : i32
    %dma_start3A_66 = arith.constant 0 : i32
    %dma_start3A_67 = tpu.memref_slice %arg2[%dma_start3A_65, %dma_start3A_66] : memref<10112x128xf32, #tpu.memory_space<hbm>> -> memref<10112x128xf32, #tpu.memory_space<hbm>>
    tpu.enqueue_indirect_dma source(%dma_start3A_67 : memref<10112x128xf32, #tpu.memory_space<hbm>>) target(%arg9 : memref<80x128xf32, #tpu.memory_space<vmem>>) offsets(%dma_start3A_64 : memref<80xi32, #tpu.memory_space<vmem>>) semaphore(%arg12 : memref<!tpu.dma_semaphore, #tpu.memory_space<semaphore_mem>>)
    %dma_start3A_68 = arith.constant 1 : i32
    %dma_start3A_69 = arith.constant 0 : i32
    %dma_start3A_70 = tpu.memref_slice %arg7[%dma_start3A_68, %dma_start3A_69] : memref<64x80xi32, #tpu.memory_space<vmem>> -> memref<1x80xi32, #tpu.memory_space<vmem>>
    %dma_start3A_71 = tpu.memref_squeeze %dma_start3A_70 : memref<1x80xi32, #tpu.memory_space<vmem>> -> memref<80xi32, #tpu.memory_space<vmem>>
    %dma_start3A_72 = arith.constant 0 : i32
    %dma_start3A_73 = arith.constant 0 : i32
    %dma_start3A_74 = tpu.memref_slice %arg2[%dma_start3A_72, %dma_start3A_73] : memref<10112x128xf32, #tpu.memory_space<hbm>> -> memref<10112x128xf32, #tpu.memory_space<hbm>>
    tpu.enqueue_indirect_dma source(%dma_start3A_74 : memref<10112x128xf32, #tpu.memory_space<hbm>>) target(%arg10 : memref<80x128xf32, #tpu.memory_space<vmem>>) offsets(%dma_start3A_71 : memref<80xi32, #tpu.memory_space<vmem>>) semaphore(%arg13 : memref<!tpu.dma_semaphore, #tpu.memory_space<semaphore_mem>>)
    %scan3A_75 = arith.constant 0 : i32
    %scan3A_76 = arith.constant 20 : i32
    %scan3A_77 = arith.addi %scan3A_75, %scan3A_76 : i32
    %scan3A_78 = arith.constant 1 : i32
    scf.for %scan3A_93 = %scan3A_75 to %scan3A_77 step %scan3A_78  : i32 {
      %mul3A_94 = arith.constant 3 : i32
      %mul3A_95 = arith.muli %scan3A_93, %mul3A_94 : i32
      %add3A_96 = arith.constant 0 : i32
      %add3A_97 = arith.addi %add3A_96, %mul3A_95 : i32
      %add3A_98 = arith.constant 0 : i32
      %add3A_99 = arith.addi %add3A_97, %add3A_98 : i32
      %dma_wait3A_100 = arith.constant 0 : i32
      %dma_wait3A_101 = arith.constant 0 : i32
      %dma_wait3A_102 = tpu.memref_slice %arg7[%dma_wait3A_100, %dma_wait3A_101] : memref<64x80xi32, #tpu.memory_space<vmem>> -> memref<1x80xi32, #tpu.memory_space<vmem>>
      %dma_wait3A_103 = tpu.memref_squeeze %dma_wait3A_102 : memref<1x80xi32, #tpu.memory_space<vmem>> -> memref<80xi32, #tpu.memory_space<vmem>>
      %dma_wait3A_104 = arith.constant 0 : i32
      %dma_wait3A_105 = arith.constant 0 : i32
      %dma_wait3A_106 = tpu.memref_slice %arg2[%dma_wait3A_104, %dma_wait3A_105] : memref<10112x128xf32, #tpu.memory_space<hbm>> -> memref<10112x128xf32, #tpu.memory_space<hbm>>
      tpu.wait_indirect_dma semaphore(%arg12 : memref<!tpu.dma_semaphore, #tpu.memory_space<semaphore_mem>>) src(%dma_wait3A_106 : memref<10112x128xf32, #tpu.memory_space<hbm>>) dst(%arg9 : memref<80x128xf32, #tpu.memory_space<vmem>>)
      %add3A_107 = arith.constant 2 : i32
      %add3A_108 = arith.addi %add3A_99, %add3A_107 : i32
      %lt3A = arith.constant 61 : i32
      %lt3A_109 = arith.cmpi slt, %add3A_108, %lt3A : i32
      %convert_element_type3A = arith.extui %lt3A_109 : i1 to i32
      %cond3A = arith.constant 0 : i32
      %cond3A_110 = arith.cmpi ne, %convert_element_type3A, %cond3A : i32
      scf.if %cond3A_110 {
        %add3A_143 = arith.constant 2 : i32
        %add3A_144 = arith.addi %add3A_99, %add3A_143 : i32
        %dma_start3A_145 = arith.constant 0 : i32
        %dma_start3A_146 = tpu.memref_slice %arg7[%add3A_144, %dma_start3A_145] : memref<64x80xi32, #tpu.memory_space<vmem>> -> memref<1x80xi32, #tpu.memory_space<vmem>>
        %dma_start3A_147 = tpu.memref_squeeze %dma_start3A_146 : memref<1x80xi32, #tpu.memory_space<vmem>> -> memref<80xi32, #tpu.memory_space<vmem>>
        %dma_start3A_148 = arith.constant 0 : i32
        %dma_start3A_149 = arith.constant 0 : i32
        %dma_start3A_150 = tpu.memref_slice %arg2[%dma_start3A_148, %dma_start3A_149] : memref<10112x128xf32, #tpu.memory_space<hbm>> -> memref<10112x128xf32, #tpu.memory_space<hbm>>
        tpu.enqueue_indirect_dma source(%dma_start3A_150 : memref<10112x128xf32, #tpu.memory_space<hbm>>) target(%arg11 : memref<80x128xf32, #tpu.memory_space<vmem>>) offsets(%dma_start3A_147 : memref<80xi32, #tpu.memory_space<vmem>>) semaphore(%arg14 : memref<!tpu.dma_semaphore, #tpu.memory_space<semaphore_mem>>)
      } else {
      }
      "tpu.region"() ({
        %run_scoped3A_143 = tpu.sem_alloc : memref<!tpu.dma_semaphore, #tpu.memory_space<semaphore_mem>>
        %dma_start3A_144 = arith.constant 0 : i32
        %dma_start3A_145 = tpu.memref_slice %arg8[%add3A_99, %dma_start3A_144] : memref<64x80xi32, #tpu.memory_space<vmem>> -> memref<1x80xi32, #tpu.memory_space<vmem>>
        %dma_start3A_146 = tpu.memref_squeeze %dma_start3A_145 : memref<1x80xi32, #tpu.memory_space<vmem>> -> memref<80xi32, #tpu.memory_space<vmem>>
        %dma_start3A_147 = arith.constant 0 : i32
        %dma_start3A_148 = arith.constant 0 : i32
        %dma_start3A_149 = tpu.memref_slice %arg6[%dma_start3A_147, %dma_start3A_148] : memref<10112x128xf32, #tpu.memory_space<vmem_shared>> -> memref<10112x128xf32, #tpu.memory_space<vmem_shared>>
        tpu.enqueue_indirect_dma source(%arg9 : memref<80x128xf32, #tpu.memory_space<vmem>>) target(%dma_start3A_149 : memref<10112x128xf32, #tpu.memory_space<vmem_shared>>) offsets(%dma_start3A_146 : memref<80xi32, #tpu.memory_space<vmem>>) semaphore(%run_scoped3A_143 : memref<!tpu.dma_semaphore, #tpu.memory_space<semaphore_mem>>) {add = true}
        %dma_wait3A_150 = arith.constant 0 : i32
        %dma_wait3A_151 = tpu.memref_slice %arg8[%add3A_99, %dma_wait3A_150] : memref<64x80xi32, #tpu.memory_space<vmem>> -> memref<1x80xi32, #tpu.memory_space<vmem>>
        %dma_wait3A_152 = tpu.memref_squeeze %dma_wait3A_151 : memref<1x80xi32, #tpu.memory_space<vmem>> -> memref<80xi32, #tpu.memory_space<vmem>>
        %dma_wait3A_153 = arith.constant 0 : i32
        %dma_wait3A_154 = arith.constant 0 : i32
        %dma_wait3A_155 = tpu.memref_slice %arg6[%dma_wait3A_153, %dma_wait3A_154] : memref<10112x128xf32, #tpu.memory_space<vmem_shared>> -> memref<10112x128xf32, #tpu.memory_space<vmem_shared>>
        tpu.wait_indirect_dma semaphore(%run_scoped3A_143 : memref<!tpu.dma_semaphore, #tpu.memory_space<semaphore_mem>>) src(%arg9 : memref<80x128xf32, #tpu.memory_space<vmem>>) dst(%dma_wait3A_155 : memref<10112x128xf32, #tpu.memory_space<vmem_shared>>)
        tpu.yield
      }) : () -> ()
      %add3A_111 = arith.constant 1 : i32
      %add3A_112 = arith.addi %add3A_97, %add3A_111 : i32
      %dma_wait3A_113 = arith.constant 0 : i32
      %dma_wait3A_114 = arith.constant 0 : i32
      %dma_wait3A_115 = tpu.memref_slice %arg7[%dma_wait3A_113, %dma_wait3A_114] : memref<64x80xi32, #tpu.memory_space<vmem>> -> memref<1x80xi32, #tpu.memory_space<vmem>>
      %dma_wait3A_116 = tpu.memref_squeeze %dma_wait3A_115 : memref<1x80xi32, #tpu.memory_space<vmem>> -> memref<80xi32, #tpu.memory_space<vmem>>
      %dma_wait3A_117 = arith.constant 0 : i32
      %dma_wait3A_118 = arith.constant 0 : i32
      %dma_wait3A_119 = tpu.memref_slice %arg2[%dma_wait3A_117, %dma_wait3A_118] : memref<10112x128xf32, #tpu.memory_space<hbm>> -> memref<10112x128xf32, #tpu.memory_space<hbm>>
      tpu.wait_indirect_dma semaphore(%arg13 : memref<!tpu.dma_semaphore, #tpu.memory_space<semaphore_mem>>) src(%dma_wait3A_119 : memref<10112x128xf32, #tpu.memory_space<hbm>>) dst(%arg10 : memref<80x128xf32, #tpu.memory_space<vmem>>)
      %add3A_120 = arith.constant 2 : i32
      %add3A_121 = arith.addi %add3A_112, %add3A_120 : i32
      %lt3A_122 = arith.constant 61 : i32
      %lt3A_123 = arith.cmpi slt, %add3A_121, %lt3A_122 : i32
      %convert_element_type3A_124 = arith.extui %lt3A_123 : i1 to i32
      %cond3A_125 = arith.constant 0 : i32
      %cond3A_126 = arith.cmpi ne, %convert_element_type3A_124, %cond3A_125 : i32
      scf.if %cond3A_126 {
        %add3A_143 = arith.constant 2 : i32
        %add3A_144 = arith.addi %add3A_112, %add3A_143 : i32
        %dma_start3A_145 = arith.constant 0 : i32
        %dma_start3A_146 = tpu.memref_slice %arg7[%add3A_144, %dma_start3A_145] : memref<64x80xi32, #tpu.memory_space<vmem>> -> memref<1x80xi32, #tpu.memory_space<vmem>>
        %dma_start3A_147 = tpu.memref_squeeze %dma_start3A_146 : memref<1x80xi32, #tpu.memory_space<vmem>> -> memref<80xi32, #tpu.memory_space<vmem>>
        %dma_start3A_148 = arith.constant 0 : i32
        %dma_start3A_149 = arith.constant 0 : i32
        %dma_start3A_150 = tpu.memref_slice %arg2[%dma_start3A_148, %dma_start3A_149] : memref<10112x128xf32, #tpu.memory_space<hbm>> -> memref<10112x128xf32, #tpu.memory_space<hbm>>
        tpu.enqueue_indirect_dma source(%dma_start3A_150 : memref<10112x128xf32, #tpu.memory_space<hbm>>) target(%arg9 : memref<80x128xf32, #tpu.memory_space<vmem>>) offsets(%dma_start3A_147 : memref<80xi32, #tpu.memory_space<vmem>>) semaphore(%arg12 : memref<!tpu.dma_semaphore, #tpu.memory_space<semaphore_mem>>)
      } else {
      }
      "tpu.region"() ({
        %run_scoped3A_143 = tpu.sem_alloc : memref<!tpu.dma_semaphore, #tpu.memory_space<semaphore_mem>>
        %dma_start3A_144 = arith.constant 0 : i32
        %dma_start3A_145 = tpu.memref_slice %arg8[%add3A_112, %dma_start3A_144] : memref<64x80xi32, #tpu.memory_space<vmem>> -> memref<1x80xi32, #tpu.memory_space<vmem>>
        %dma_start3A_146 = tpu.memref_squeeze %dma_start3A_145 : memref<1x80xi32, #tpu.memory_space<vmem>> -> memref<80xi32, #tpu.memory_space<vmem>>
        %dma_start3A_147 = arith.constant 0 : i32
        %dma_start3A_148 = arith.constant 0 : i32
        %dma_start3A_149 = tpu.memref_slice %arg6[%dma_start3A_147, %dma_start3A_148] : memref<10112x128xf32, #tpu.memory_space<vmem_shared>> -> memref<10112x128xf32, #tpu.memory_space<vmem_shared>>
        tpu.enqueue_indirect_dma source(%arg10 : memref<80x128xf32, #tpu.memory_space<vmem>>) target(%dma_start3A_149 : memref<10112x128xf32, #tpu.memory_space<vmem_shared>>) offsets(%dma_start3A_146 : memref<80xi32, #tpu.memory_space<vmem>>) semaphore(%run_scoped3A_143 : memref<!tpu.dma_semaphore, #tpu.memory_space<semaphore_mem>>) {add = true}
        %dma_wait3A_150 = arith.constant 0 : i32
        %dma_wait3A_151 = tpu.memref_slice %arg8[%add3A_112, %dma_wait3A_150] : memref<64x80xi32, #tpu.memory_space<vmem>> -> memref<1x80xi32, #tpu.memory_space<vmem>>
        %dma_wait3A_152 = tpu.memref_squeeze %dma_wait3A_151 : memref<1x80xi32, #tpu.memory_space<vmem>> -> memref<80xi32, #tpu.memory_space<vmem>>
        %dma_wait3A_153 = arith.constant 0 : i32
        %dma_wait3A_154 = arith.constant 0 : i32
        %dma_wait3A_155 = tpu.memref_slice %arg6[%dma_wait3A_153, %dma_wait3A_154] : memref<10112x128xf32, #tpu.memory_space<vmem_shared>> -> memref<10112x128xf32, #tpu.memory_space<vmem_shared>>
        tpu.wait_indirect_dma semaphore(%run_scoped3A_143 : memref<!tpu.dma_semaphore, #tpu.memory_space<semaphore_mem>>) src(%arg10 : memref<80x128xf32, #tpu.memory_space<vmem>>) dst(%dma_wait3A_155 : memref<10112x128xf32, #tpu.memory_space<vmem_shared>>)
        tpu.yield
      }) : () -> ()
      %add3A_127 = arith.constant 2 : i32
      %add3A_128 = arith.addi %add3A_97, %add3A_127 : i32
      %dma_wait3A_129 = arith.constant 0 : i32
      %dma_wait3A_130 = arith.constant 0 : i32
      %dma_wait3A_131 = tpu.memref_slice %arg7[%dma_wait3A_129, %dma_wait3A_130] : memref<64x80xi32, #tpu.memory_space<vmem>> -> memref<1x80xi32, #tpu.memory_space<vmem>>
      %dma_wait3A_132 = tpu.memref_squeeze %dma_wait3A_131 : memref<1x80xi32, #tpu.memory_space<vmem>> -> memref<80xi32, #tpu.memory_space<vmem>>
      %dma_wait3A_133 = arith.constant 0 : i32
      %dma_wait3A_134 = arith.constant 0 : i32
      %dma_wait3A_135 = tpu.memref_slice %arg2[%dma_wait3A_133, %dma_wait3A_134] : memref<10112x128xf32, #tpu.memory_space<hbm>> -> memref<10112x128xf32, #tpu.memory_space<hbm>>
      tpu.wait_indirect_dma semaphore(%arg14 : memref<!tpu.dma_semaphore, #tpu.memory_space<semaphore_mem>>) src(%dma_wait3A_135 : memref<10112x128xf32, #tpu.memory_space<hbm>>) dst(%arg11 : memref<80x128xf32, #tpu.memory_space<vmem>>)
      %add3A_136 = arith.constant 2 : i32
      %add3A_137 = arith.addi %add3A_128, %add3A_136 : i32
      %lt3A_138 = arith.constant 61 : i32
      %lt3A_139 = arith.cmpi slt, %add3A_137, %lt3A_138 : i32
      %convert_element_type3A_140 = arith.extui %lt3A_139 : i1 to i32
      %cond3A_141 = arith.constant 0 : i32
      %cond3A_142 = arith.cmpi ne, %convert_element_type3A_140, %cond3A_141 : i32
      scf.if %cond3A_142 {
        %add3A_143 = arith.constant 2 : i32
        %add3A_144 = arith.addi %add3A_128, %add3A_143 : i32
        %dma_start3A_145 = arith.constant 0 : i32
        %dma_start3A_146 = tpu.memref_slice %arg7[%add3A_144, %dma_start3A_145] : memref<64x80xi32, #tpu.memory_space<vmem>> -> memref<1x80xi32, #tpu.memory_space<vmem>>
        %dma_start3A_147 = tpu.memref_squeeze %dma_start3A_146 : memref<1x80xi32, #tpu.memory_space<vmem>> -> memref<80xi32, #tpu.memory_space<vmem>>
        %dma_start3A_148 = arith.constant 0 : i32
        %dma_start3A_149 = arith.constant 0 : i32
        %dma_start3A_150 = tpu.memref_slice %arg2[%dma_start3A_148, %dma_start3A_149] : memref<10112x128xf32, #tpu.memory_space<hbm>> -> memref<10112x128xf32, #tpu.memory_space<hbm>>
        tpu.enqueue_indirect_dma source(%dma_start3A_150 : memref<10112x128xf32, #tpu.memory_space<hbm>>) target(%arg10 : memref<80x128xf32, #tpu.memory_space<vmem>>) offsets(%dma_start3A_147 : memref<80xi32, #tpu.memory_space<vmem>>) semaphore(%arg13 : memref<!tpu.dma_semaphore, #tpu.memory_space<semaphore_mem>>)
      } else {
      }
      "tpu.region"() ({
        %run_scoped3A_143 = tpu.sem_alloc : memref<!tpu.dma_semaphore, #tpu.memory_space<semaphore_mem>>
        %dma_start3A_144 = arith.constant 0 : i32
        %dma_start3A_145 = tpu.memref_slice %arg8[%add3A_128, %dma_start3A_144] : memref<64x80xi32, #tpu.memory_space<vmem>> -> memref<1x80xi32, #tpu.memory_space<vmem>>
        %dma_start3A_146 = tpu.memref_squeeze %dma_start3A_145 : memref<1x80xi32, #tpu.memory_space<vmem>> -> memref<80xi32, #tpu.memory_space<vmem>>
        %dma_start3A_147 = arith.constant 0 : i32
        %dma_start3A_148 = arith.constant 0 : i32
        %dma_start3A_149 = tpu.memref_slice %arg6[%dma_start3A_147, %dma_start3A_148] : memref<10112x128xf32, #tpu.memory_space<vmem_shared>> -> memref<10112x128xf32, #tpu.memory_space<vmem_shared>>
        tpu.enqueue_indirect_dma source(%arg11 : memref<80x128xf32, #tpu.memory_space<vmem>>) target(%dma_start3A_149 : memref<10112x128xf32, #tpu.memory_space<vmem_shared>>) offsets(%dma_start3A_146 : memref<80xi32, #tpu.memory_space<vmem>>) semaphore(%run_scoped3A_143 : memref<!tpu.dma_semaphore, #tpu.memory_space<semaphore_mem>>) {add = true}
        %dma_wait3A_150 = arith.constant 0 : i32
        %dma_wait3A_151 = tpu.memref_slice %arg8[%add3A_128, %dma_wait3A_150] : memref<64x80xi32, #tpu.memory_space<vmem>> -> memref<1x80xi32, #tpu.memory_space<vmem>>
        %dma_wait3A_152 = tpu.memref_squeeze %dma_wait3A_151 : memref<1x80xi32, #tpu.memory_space<vmem>> -> memref<80xi32, #tpu.memory_space<vmem>>
        %dma_wait3A_153 = arith.constant 0 : i32
        %dma_wait3A_154 = arith.constant 0 : i32
        %dma_wait3A_155 = tpu.memref_slice %arg6[%dma_wait3A_153, %dma_wait3A_154] : memref<10112x128xf32, #tpu.memory_space<vmem_shared>> -> memref<10112x128xf32, #tpu.memory_space<vmem_shared>>
        tpu.wait_indirect_dma semaphore(%run_scoped3A_143 : memref<!tpu.dma_semaphore, #tpu.memory_space<semaphore_mem>>) src(%arg11 : memref<80x128xf32, #tpu.memory_space<vmem>>) dst(%dma_wait3A_155 : memref<10112x128xf32, #tpu.memory_space<vmem_shared>>)
        tpu.yield
      }) : () -> ()
    }
    %scan3A_79 = arith.constant 20 : i32
    %dma_wait3A_80 = arith.constant 0 : i32
    %dma_wait3A_81 = arith.constant 0 : i32
    %dma_wait3A_82 = tpu.memref_slice %arg7[%dma_wait3A_80, %dma_wait3A_81] : memref<64x80xi32, #tpu.memory_space<vmem>> -> memref<1x80xi32, #tpu.memory_space<vmem>>
    %dma_wait3A_83 = tpu.memref_squeeze %dma_wait3A_82 : memref<1x80xi32, #tpu.memory_space<vmem>> -> memref<80xi32, #tpu.memory_space<vmem>>
    %dma_wait3A_84 = arith.constant 0 : i32
    %dma_wait3A_85 = arith.constant 0 : i32
    %dma_wait3A_86 = tpu.memref_slice %arg2[%dma_wait3A_84, %dma_wait3A_85] : memref<10112x128xf32, #tpu.memory_space<hbm>> -> memref<10112x128xf32, #tpu.memory_space<hbm>>
    tpu.wait_indirect_dma semaphore(%arg12 : memref<!tpu.dma_semaphore, #tpu.memory_space<semaphore_mem>>) src(%dma_wait3A_86 : memref<10112x128xf32, #tpu.memory_space<hbm>>) dst(%arg9 : memref<80x128xf32, #tpu.memory_space<vmem>>)
    %run_scoped3A_87 = arith.constant 60 : i32
    "tpu.region"() ({
      %run_scoped3A_93 = tpu.sem_alloc : memref<!tpu.dma_semaphore, #tpu.memory_space<semaphore_mem>>
      %dma_start3A_94 = arith.constant 0 : i32
      %dma_start3A_95 = tpu.memref_slice %arg8[%run_scoped3A_87, %dma_start3A_94] : memref<64x80xi32, #tpu.memory_space<vmem>> -> memref<1x80xi32, #tpu.memory_space<vmem>>
      %dma_start3A_96 = tpu.memref_squeeze %dma_start3A_95 : memref<1x80xi32, #tpu.memory_space<vmem>> -> memref<80xi32, #tpu.memory_space<vmem>>
      %dma_start3A_97 = arith.constant 0 : i32
      %dma_start3A_98 = arith.constant 0 : i32
      %dma_start3A_99 = tpu.memref_slice %arg6[%dma_start3A_97, %dma_start3A_98] : memref<10112x128xf32, #tpu.memory_space<vmem_shared>> -> memref<10112x128xf32, #tpu.memory_space<vmem_shared>>
      tpu.enqueue_indirect_dma source(%arg9 : memref<80x128xf32, #tpu.memory_space<vmem>>) target(%dma_start3A_99 : memref<10112x128xf32, #tpu.memory_space<vmem_shared>>) offsets(%dma_start3A_96 : memref<80xi32, #tpu.memory_space<vmem>>) semaphore(%run_scoped3A_93 : memref<!tpu.dma_semaphore, #tpu.memory_space<semaphore_mem>>) {add = true}
      %dma_wait3A_100 = arith.constant 0 : i32
      %dma_wait3A_101 = tpu.memref_slice %arg8[%run_scoped3A_87, %dma_wait3A_100] : memref<64x80xi32, #tpu.memory_space<vmem>> -> memref<1x80xi32, #tpu.memory_space<vmem>>
      %dma_wait3A_102 = tpu.memref_squeeze %dma_wait3A_101 : memref<1x80xi32, #tpu.memory_space<vmem>> -> memref<80xi32, #tpu.memory_space<vmem>>
      %dma_wait3A_103 = arith.constant 0 : i32
      %dma_wait3A_104 = arith.constant 0 : i32
      %dma_wait3A_105 = tpu.memref_slice %arg6[%dma_wait3A_103, %dma_wait3A_104] : memref<10112x128xf32, #tpu.memory_space<vmem_shared>> -> memref<10112x128xf32, #tpu.memory_space<vmem_shared>>
      tpu.wait_indirect_dma semaphore(%run_scoped3A_93 : memref<!tpu.dma_semaphore, #tpu.memory_space<semaphore_mem>>) src(%arg9 : memref<80x128xf32, #tpu.memory_space<vmem>>) dst(%dma_wait3A_105 : memref<10112x128xf32, #tpu.memory_space<vmem_shared>>)
      tpu.yield
    }) : () -> ()
    %barrier3A_88 = arith.constant 0 : index
    tpu.barrier barrier_id(%barrier3A_88)
    %mul3A_89 = arith.constant 632 : i32
    %mul3A_90 = arith.muli %arg1, %mul3A_89 : i32
    %mul3A_91 = arith.constant 632 : i32
    %mul3A_92 = arith.muli %arg1, %mul3A_91 : i32
    "tpu.region"() ({
      %run_scoped3A_93 = tpu.sem_alloc : memref<!tpu.dma_semaphore, #tpu.memory_space<semaphore_mem>>
      %dma_start3A_94 = arith.constant 0 : i32
      %dma_start3A_95 = tpu.memref_slice %arg5[%arg0, %mul3A_92, %dma_start3A_94] : memref<2x10112x128xf32, #tpu.memory_space<hbm>> -> memref<1x632x128xf32, #tpu.memory_space<hbm>>
      %dma_start3A_96 = tpu.memref_squeeze %dma_start3A_95 : memref<1x632x128xf32, #tpu.memory_space<hbm>> -> memref<632x128xf32, #tpu.memory_space<hbm>>
      %dma_start3A_97 = arith.constant 0 : i32
      %dma_start3A_98 = tpu.memref_slice %arg6[%mul3A_90, %dma_start3A_97] : memref<10112x128xf32, #tpu.memory_space<vmem_shared>> -> memref<632x128xf32, #tpu.memory_space<vmem_shared>>
      tpu.enqueue_dma source(%dma_start3A_98 : memref<632x128xf32, #tpu.memory_space<vmem_shared>>) target(%dma_start3A_96 : memref<632x128xf32, #tpu.memory_space<hbm>>) target_semaphore(%run_scoped3A_93 : memref<!tpu.dma_semaphore, #tpu.memory_space<semaphore_mem>>)
      %dma_wait3A_99 = arith.constant 0 : i32
      %dma_wait3A_100 = tpu.memref_slice %arg5[%arg0, %mul3A_92, %dma_wait3A_99] : memref<2x10112x128xf32, #tpu.memory_space<hbm>> -> memref<1x632x128xf32, #tpu.memory_space<hbm>>
      %dma_wait3A_101 = tpu.memref_squeeze %dma_wait3A_100 : memref<1x632x128xf32, #tpu.memory_space<hbm>> -> memref<632x128xf32, #tpu.memory_space<hbm>>
      %dma_wait3A_102 = arith.constant 0 : i32
      %dma_wait3A_103 = tpu.memref_slice %arg6[%mul3A_90, %dma_wait3A_102] : memref<10112x128xf32, #tpu.memory_space<vmem_shared>> -> memref<632x128xf32, #tpu.memory_space<vmem_shared>>
      tpu.wait_dma2 semaphore(%run_scoped3A_93 : memref<!tpu.dma_semaphore, #tpu.memory_space<semaphore_mem>>) src(%dma_wait3A_103 : memref<632x128xf32, #tpu.memory_space<vmem_shared>>) dst(%dma_wait3A_101 : memref<632x128xf32, #tpu.memory_space<hbm>>)
      tpu.yield
    }) : () -> ()
    return
  }
}

#map = affine_map<(d0, d1) -> (0, 0)>
#map1 = affine_map<(d0, d1) -> (0, 0, 0)>
module attributes {stable_mosaic.version = 14 : i64} {
  func.func @gcn_agg_deg(%arg0: i32, %arg1: i32, %arg2: memref<10000x128xf32, #tpu.memory_space<hbm>>, %arg3: memref<32x125x80xi32, #tpu.memory_space<hbm>>, %arg4: memref<32x125x80xi32, #tpu.memory_space<hbm>>, %arg5: memref<2x10112x128xf32, #tpu.memory_space<hbm>>, %arg6: memref<2x1x10112xf32, #tpu.memory_space<hbm>>, %arg7: memref<10112x128xf32, #tpu.memory_space<vmem_shared>>, %arg8: memref<10112xf32, #tpu.memory_space<vmem_shared>>, %arg9: memref<64x80xi32, #tpu.memory_space<vmem>>, %arg10: memref<64x80xi32, #tpu.memory_space<vmem>>, %arg11: memref<80x128xf32, #tpu.memory_space<vmem>>, %arg12: memref<80x128xf32, #tpu.memory_space<vmem>>, %arg13: memref<80x128xf32, #tpu.memory_space<vmem>>, %arg14: memref<80xf32, #tpu.memory_space<vmem>>, %arg15: memref<!tpu.dma_semaphore, #tpu.memory_space<semaphore_mem>>, %arg16: memref<!tpu.dma_semaphore, #tpu.memory_space<semaphore_mem>>, %arg17: memref<!tpu.dma_semaphore, #tpu.memory_space<semaphore_mem>>) attributes {dimension_semantics = [#tpu.dimension_semantics<core_parallel>, #tpu.dimension_semantics<subcore_parallel>], iteration_bounds = array<i64: 2, 16>, scalar_prefetch = 0 : i64, scratch_operands = 11 : i64, tpu.core_type = #tpu.core_type<sc_vector_subcore>, window_params = [{transform_indices = #map}, {transform_indices = #map1}, {transform_indices = #map1}, {transform_indices = #map1}, {transform_indices = #map1}]} {
    %mul3A = arith.constant 2 : i32
    %mul3A_0 = arith.muli %arg1, %mul3A : i32
    %add3A = arith.addi %mul3A_0, %arg0 : i32
    %scan3A = arith.constant 0 : i32
    %scan3A_1 = arith.constant 80 : i32
    %scan3A_2 = arith.addi %scan3A, %scan3A_1 : i32
    %scan3A_3 = arith.constant 1 : i32
    scf.for %scan3A_150 = %scan3A to %scan3A_2 step %scan3A_3  : i32 {
      %mul3A_151 = arith.constant 1 : i32
      %mul3A_152 = arith.muli %scan3A_150, %mul3A_151 : i32
      %add3A_153 = arith.constant 0 : i32
      %add3A_154 = arith.addi %add3A_153, %mul3A_152 : i32
      %broadcast_in_dim3A_155 = arith.constant 0.000000e+00 : f32
      %broadcast_in_dim3A_156 = vector.broadcast %broadcast_in_dim3A_155 : f32 to vector<16xf32>
      %swap3A_157 = arith.index_cast %add3A_154 : i32 to index
      %swap3A_158 = arith.constant 0 : index
      %swap3A_159 = tpu.vector_load %arg11[%swap3A_157, %swap3A_158] {strides = array<i32>} : memref<80x128xf32, #tpu.memory_space<vmem>>, vector<1x16xf32>,
      %swap3A_160 = vector.shape_cast %swap3A_159 : vector<1x16xf32> to vector<16xf32>
      %swap3A_161 = vector.shape_cast %broadcast_in_dim3A_156 : vector<16xf32> to vector<1x16xf32>
      tpu.vector_store %arg11[%swap3A_157, %swap3A_158], %swap3A_161 {strides = array<i32>} : memref<80x128xf32, #tpu.memory_space<vmem>>, vector<1x16xf32>,
      %broadcast_in_dim3A_162 = arith.constant 0.000000e+00 : f32
      %broadcast_in_dim3A_163 = vector.broadcast %broadcast_in_dim3A_162 : f32 to vector<16xf32>
      %swap3A_164 = arith.index_cast %add3A_154 : i32 to index
      %swap3A_165 = arith.constant 16 : index
      %swap3A_166 = tpu.vector_load %arg11[%swap3A_164, %swap3A_165] {strides = array<i32>} : memref<80x128xf32, #tpu.memory_space<vmem>>, vector<1x16xf32>,
      %swap3A_167 = vector.shape_cast %swap3A_166 : vector<1x16xf32> to vector<16xf32>
      %swap3A_168 = vector.shape_cast %broadcast_in_dim3A_163 : vector<16xf32> to vector<1x16xf32>
      tpu.vector_store %arg11[%swap3A_164, %swap3A_165], %swap3A_168 {strides = array<i32>} : memref<80x128xf32, #tpu.memory_space<vmem>>, vector<1x16xf32>,
      %broadcast_in_dim3A_169 = arith.constant 0.000000e+00 : f32
      %broadcast_in_dim3A_170 = vector.broadcast %broadcast_in_dim3A_169 : f32 to vector<16xf32>
      %swap3A_171 = arith.index_cast %add3A_154 : i32 to index
      %swap3A_172 = arith.constant 32 : index
      %swap3A_173 = tpu.vector_load %arg11[%swap3A_171, %swap3A_172] {strides = array<i32>} : memref<80x128xf32, #tpu.memory_space<vmem>>, vector<1x16xf32>,
      %swap3A_174 = vector.shape_cast %swap3A_173 : vector<1x16xf32> to vector<16xf32>
      %swap3A_175 = vector.shape_cast %broadcast_in_dim3A_170 : vector<16xf32> to vector<1x16xf32>
      tpu.vector_store %arg11[%swap3A_171, %swap3A_172], %swap3A_175 {strides = array<i32>} : memref<80x128xf32, #tpu.memory_space<vmem>>, vector<1x16xf32>,
      %broadcast_in_dim3A_176 = arith.constant 0.000000e+00 : f32
      %broadcast_in_dim3A_177 = vector.broadcast %broadcast_in_dim3A_176 : f32 to vector<16xf32>
      %swap3A_178 = arith.index_cast %add3A_154 : i32 to index
      %swap3A_179 = arith.constant 48 : index
      %swap3A_180 = tpu.vector_load %arg11[%swap3A_178, %swap3A_179] {strides = array<i32>} : memref<80x128xf32, #tpu.memory_space<vmem>>, vector<1x16xf32>,
      %swap3A_181 = vector.shape_cast %swap3A_180 : vector<1x16xf32> to vector<16xf32>
      %swap3A_182 = vector.shape_cast %broadcast_in_dim3A_177 : vector<16xf32> to vector<1x16xf32>
      tpu.vector_store %arg11[%swap3A_178, %swap3A_179], %swap3A_182 {strides = array<i32>} : memref<80x128xf32, #tpu.memory_space<vmem>>, vector<1x16xf32>,
      %broadcast_in_dim3A_183 = arith.constant 0.000000e+00 : f32
      %broadcast_in_dim3A_184 = vector.broadcast %broadcast_in_dim3A_183 : f32 to vector<16xf32>
      %swap3A_185 = arith.index_cast %add3A_154 : i32 to index
      %swap3A_186 = arith.constant 64 : index
      %swap3A_187 = tpu.vector_load %arg11[%swap3A_185, %swap3A_186] {strides = array<i32>} : memref<80x128xf32, #tpu.memory_space<vmem>>, vector<1x16xf32>,
      %swap3A_188 = vector.shape_cast %swap3A_187 : vector<1x16xf32> to vector<16xf32>
      %swap3A_189 = vector.shape_cast %broadcast_in_dim3A_184 : vector<16xf32> to vector<1x16xf32>
      tpu.vector_store %arg11[%swap3A_185, %swap3A_186], %swap3A_189 {strides = array<i32>} : memref<80x128xf32, #tpu.memory_space<vmem>>, vector<1x16xf32>,
      %broadcast_in_dim3A_190 = arith.constant 0.000000e+00 : f32
      %broadcast_in_dim3A_191 = vector.broadcast %broadcast_in_dim3A_190 : f32 to vector<16xf32>
      %swap3A_192 = arith.index_cast %add3A_154 : i32 to index
      %swap3A_193 = arith.constant 80 : index
      %swap3A_194 = tpu.vector_load %arg11[%swap3A_192, %swap3A_193] {strides = array<i32>} : memref<80x128xf32, #tpu.memory_space<vmem>>, vector<1x16xf32>,
      %swap3A_195 = vector.shape_cast %swap3A_194 : vector<1x16xf32> to vector<16xf32>
      %swap3A_196 = vector.shape_cast %broadcast_in_dim3A_191 : vector<16xf32> to vector<1x16xf32>
      tpu.vector_store %arg11[%swap3A_192, %swap3A_193], %swap3A_196 {strides = array<i32>} : memref<80x128xf32, #tpu.memory_space<vmem>>, vector<1x16xf32>,
      %broadcast_in_dim3A_197 = arith.constant 0.000000e+00 : f32
      %broadcast_in_dim3A_198 = vector.broadcast %broadcast_in_dim3A_197 : f32 to vector<16xf32>
      %swap3A_199 = arith.index_cast %add3A_154 : i32 to index
      %swap3A_200 = arith.constant 96 : index
      %swap3A_201 = tpu.vector_load %arg11[%swap3A_199, %swap3A_200] {strides = array<i32>} : memref<80x128xf32, #tpu.memory_space<vmem>>, vector<1x16xf32>,
      %swap3A_202 = vector.shape_cast %swap3A_201 : vector<1x16xf32> to vector<16xf32>
      %swap3A_203 = vector.shape_cast %broadcast_in_dim3A_198 : vector<16xf32> to vector<1x16xf32>
      tpu.vector_store %arg11[%swap3A_199, %swap3A_200], %swap3A_203 {strides = array<i32>} : memref<80x128xf32, #tpu.memory_space<vmem>>, vector<1x16xf32>,
      %broadcast_in_dim3A_204 = arith.constant 0.000000e+00 : f32
      %broadcast_in_dim3A_205 = vector.broadcast %broadcast_in_dim3A_204 : f32 to vector<16xf32>
      %swap3A_206 = arith.index_cast %add3A_154 : i32 to index
      %swap3A_207 = arith.constant 112 : index
      %swap3A_208 = tpu.vector_load %arg11[%swap3A_206, %swap3A_207] {strides = array<i32>} : memref<80x128xf32, #tpu.memory_space<vmem>>, vector<1x16xf32>,
      %swap3A_209 = vector.shape_cast %swap3A_208 : vector<1x16xf32> to vector<16xf32>
      %swap3A_210 = vector.shape_cast %broadcast_in_dim3A_205 : vector<16xf32> to vector<1x16xf32>
      tpu.vector_store %arg11[%swap3A_206, %swap3A_207], %swap3A_210 {strides = array<i32>} : memref<80x128xf32, #tpu.memory_space<vmem>>, vector<1x16xf32>,
    }
    %scan3A_4 = arith.constant 80 : i32
    %mul3A_5 = arith.constant 632 : i32
    %mul3A_6 = arith.muli %arg1, %mul3A_5 : i32
    %add3A_7 = arith.constant 0 : i32
    %add3A_8 = arith.addi %mul3A_6, %add3A_7 : i32
    "tpu.region"() ({
      %run_scoped3A_150 = tpu.sem_alloc : memref<!tpu.dma_semaphore, #tpu.memory_space<semaphore_mem>>
      %dma_start3A_151 = arith.constant 0 : i32
      %dma_start3A_152 = tpu.memref_slice %arg7[%add3A_8, %dma_start3A_151] : memref<10112x128xf32, #tpu.memory_space<vmem_shared>> -> memref<80x128xf32, #tpu.memory_space<vmem_shared>>
      %dma_start3A_153 = arith.constant 0 : i32
      %dma_start3A_154 = tpu.memref_slice %arg7[%add3A_8, %dma_start3A_153] : memref<10112x128xf32, #tpu.memory_space<vmem_shared>> -> memref<80x128xf32, #tpu.memory_space<vmem_shared>>
      tpu.enqueue_dma source(%arg11 : memref<80x128xf32, #tpu.memory_space<vmem>>) target(%dma_start3A_154 : memref<80x128xf32, #tpu.memory_space<vmem_shared>>) target_semaphore(%run_scoped3A_150 : memref<!tpu.dma_semaphore, #tpu.memory_space<semaphore_mem>>)
      %dma_wait3A_155 = arith.constant 0 : i32
      %dma_wait3A_156 = tpu.memref_slice %arg7[%add3A_8, %dma_wait3A_155] : memref<10112x128xf32, #tpu.memory_space<vmem_shared>> -> memref<80x128xf32, #tpu.memory_space<vmem_shared>>
      %dma_wait3A_157 = arith.constant 0 : i32
      %dma_wait3A_158 = tpu.memref_slice %arg7[%add3A_8, %dma_wait3A_157] : memref<10112x128xf32, #tpu.memory_space<vmem_shared>> -> memref<80x128xf32, #tpu.memory_space<vmem_shared>>
      tpu.wait_dma2 semaphore(%run_scoped3A_150 : memref<!tpu.dma_semaphore, #tpu.memory_space<semaphore_mem>>) src(%arg11 : memref<80x128xf32, #tpu.memory_space<vmem>>) dst(%dma_wait3A_158 : memref<80x128xf32, #tpu.memory_space<vmem_shared>>)
      tpu.yield
    }) : () -> ()
    %mul3A_9 = arith.constant 632 : i32
    %mul3A_10 = arith.muli %arg1, %mul3A_9 : i32
    %add3A_11 = arith.constant 80 : i32
    %add3A_12 = arith.addi %mul3A_10, %add3A_11 : i32
    "tpu.region"() ({
      %run_scoped3A_150 = tpu.sem_alloc : memref<!tpu.dma_semaphore, #tpu.memory_space<semaphore_mem>>
      %dma_start3A_151 = arith.constant 0 : i32
      %dma_start3A_152 = tpu.memref_slice %arg7[%add3A_12, %dma_start3A_151] : memref<10112x128xf32, #tpu.memory_space<vmem_shared>> -> memref<80x128xf32, #tpu.memory_space<vmem_shared>>
      %dma_start3A_153 = arith.constant 0 : i32
      %dma_start3A_154 = tpu.memref_slice %arg7[%add3A_12, %dma_start3A_153] : memref<10112x128xf32, #tpu.memory_space<vmem_shared>> -> memref<80x128xf32, #tpu.memory_space<vmem_shared>>
      tpu.enqueue_dma source(%arg11 : memref<80x128xf32, #tpu.memory_space<vmem>>) target(%dma_start3A_154 : memref<80x128xf32, #tpu.memory_space<vmem_shared>>) target_semaphore(%run_scoped3A_150 : memref<!tpu.dma_semaphore, #tpu.memory_space<semaphore_mem>>)
      %dma_wait3A_155 = arith.constant 0 : i32
      %dma_wait3A_156 = tpu.memref_slice %arg7[%add3A_12, %dma_wait3A_155] : memref<10112x128xf32, #tpu.memory_space<vmem_shared>> -> memref<80x128xf32, #tpu.memory_space<vmem_shared>>
      %dma_wait3A_157 = arith.constant 0 : i32
      %dma_wait3A_158 = tpu.memref_slice %arg7[%add3A_12, %dma_wait3A_157] : memref<10112x128xf32, #tpu.memory_space<vmem_shared>> -> memref<80x128xf32, #tpu.memory_space<vmem_shared>>
      tpu.wait_dma2 semaphore(%run_scoped3A_150 : memref<!tpu.dma_semaphore, #tpu.memory_space<semaphore_mem>>) src(%arg11 : memref<80x128xf32, #tpu.memory_space<vmem>>) dst(%dma_wait3A_158 : memref<80x128xf32, #tpu.memory_space<vmem_shared>>)
      tpu.yield
    }) : () -> ()
    %mul3A_13 = arith.constant 632 : i32
    %mul3A_14 = arith.muli %arg1, %mul3A_13 : i32
    %add3A_15 = arith.constant 160 : i32
    %add3A_16 = arith.addi %mul3A_14, %add3A_15 : i32
    "tpu.region"() ({
      %run_scoped3A_150 = tpu.sem_alloc : memref<!tpu.dma_semaphore, #tpu.memory_space<semaphore_mem>>
      %dma_start3A_151 = arith.constant 0 : i32
      %dma_start3A_152 = tpu.memref_slice %arg7[%add3A_16, %dma_start3A_151] : memref<10112x128xf32, #tpu.memory_space<vmem_shared>> -> memref<80x128xf32, #tpu.memory_space<vmem_shared>>
      %dma_start3A_153 = arith.constant 0 : i32
      %dma_start3A_154 = tpu.memref_slice %arg7[%add3A_16, %dma_start3A_153] : memref<10112x128xf32, #tpu.memory_space<vmem_shared>> -> memref<80x128xf32, #tpu.memory_space<vmem_shared>>
      tpu.enqueue_dma source(%arg11 : memref<80x128xf32, #tpu.memory_space<vmem>>) target(%dma_start3A_154 : memref<80x128xf32, #tpu.memory_space<vmem_shared>>) target_semaphore(%run_scoped3A_150 : memref<!tpu.dma_semaphore, #tpu.memory_space<semaphore_mem>>)
      %dma_wait3A_155 = arith.constant 0 : i32
      %dma_wait3A_156 = tpu.memref_slice %arg7[%add3A_16, %dma_wait3A_155] : memref<10112x128xf32, #tpu.memory_space<vmem_shared>> -> memref<80x128xf32, #tpu.memory_space<vmem_shared>>
      %dma_wait3A_157 = arith.constant 0 : i32
      %dma_wait3A_158 = tpu.memref_slice %arg7[%add3A_16, %dma_wait3A_157] : memref<10112x128xf32, #tpu.memory_space<vmem_shared>> -> memref<80x128xf32, #tpu.memory_space<vmem_shared>>
      tpu.wait_dma2 semaphore(%run_scoped3A_150 : memref<!tpu.dma_semaphore, #tpu.memory_space<semaphore_mem>>) src(%arg11 : memref<80x128xf32, #tpu.memory_space<vmem>>) dst(%dma_wait3A_158 : memref<80x128xf32, #tpu.memory_space<vmem_shared>>)
      tpu.yield
    }) : () -> ()
    %mul3A_17 = arith.constant 632 : i32
    %mul3A_18 = arith.muli %arg1, %mul3A_17 : i32
    %add3A_19 = arith.constant 240 : i32
    %add3A_20 = arith.addi %mul3A_18, %add3A_19 : i32
    "tpu.region"() ({
      %run_scoped3A_150 = tpu.sem_alloc : memref<!tpu.dma_semaphore, #tpu.memory_space<semaphore_mem>>
      %dma_start3A_151 = arith.constant 0 : i32
      %dma_start3A_152 = tpu.memref_slice %arg7[%add3A_20, %dma_start3A_151] : memref<10112x128xf32, #tpu.memory_space<vmem_shared>> -> memref<80x128xf32, #tpu.memory_space<vmem_shared>>
      %dma_start3A_153 = arith.constant 0 : i32
      %dma_start3A_154 = tpu.memref_slice %arg7[%add3A_20, %dma_start3A_153] : memref<10112x128xf32, #tpu.memory_space<vmem_shared>> -> memref<80x128xf32, #tpu.memory_space<vmem_shared>>
      tpu.enqueue_dma source(%arg11 : memref<80x128xf32, #tpu.memory_space<vmem>>) target(%dma_start3A_154 : memref<80x128xf32, #tpu.memory_space<vmem_shared>>) target_semaphore(%run_scoped3A_150 : memref<!tpu.dma_semaphore, #tpu.memory_space<semaphore_mem>>)
      %dma_wait3A_155 = arith.constant 0 : i32
      %dma_wait3A_156 = tpu.memref_slice %arg7[%add3A_20, %dma_wait3A_155] : memref<10112x128xf32, #tpu.memory_space<vmem_shared>> -> memref<80x128xf32, #tpu.memory_space<vmem_shared>>
      %dma_wait3A_157 = arith.constant 0 : i32
      %dma_wait3A_158 = tpu.memref_slice %arg7[%add3A_20, %dma_wait3A_157] : memref<10112x128xf32, #tpu.memory_space<vmem_shared>> -> memref<80x128xf32, #tpu.memory_space<vmem_shared>>
      tpu.wait_dma2 semaphore(%run_scoped3A_150 : memref<!tpu.dma_semaphore, #tpu.memory_space<semaphore_mem>>) src(%arg11 : memref<80x128xf32, #tpu.memory_space<vmem>>) dst(%dma_wait3A_158 : memref<80x128xf32, #tpu.memory_space<vmem_shared>>)
      tpu.yield
    }) : () -> ()
    %mul3A_21 = arith.constant 632 : i32
    %mul3A_22 = arith.muli %arg1, %mul3A_21 : i32
    %add3A_23 = arith.constant 320 : i32
    %add3A_24 = arith.addi %mul3A_22, %add3A_23 : i32
    "tpu.region"() ({
      %run_scoped3A_150 = tpu.sem_alloc : memref<!tpu.dma_semaphore, #tpu.memory_space<semaphore_mem>>
      %dma_start3A_151 = arith.constant 0 : i32
      %dma_start3A_152 = tpu.memref_slice %arg7[%add3A_24, %dma_start3A_151] : memref<10112x128xf32, #tpu.memory_space<vmem_shared>> -> memref<80x128xf32, #tpu.memory_space<vmem_shared>>
      %dma_start3A_153 = arith.constant 0 : i32
      %dma_start3A_154 = tpu.memref_slice %arg7[%add3A_24, %dma_start3A_153] : memref<10112x128xf32, #tpu.memory_space<vmem_shared>> -> memref<80x128xf32, #tpu.memory_space<vmem_shared>>
      tpu.enqueue_dma source(%arg11 : memref<80x128xf32, #tpu.memory_space<vmem>>) target(%dma_start3A_154 : memref<80x128xf32, #tpu.memory_space<vmem_shared>>) target_semaphore(%run_scoped3A_150 : memref<!tpu.dma_semaphore, #tpu.memory_space<semaphore_mem>>)
      %dma_wait3A_155 = arith.constant 0 : i32
      %dma_wait3A_156 = tpu.memref_slice %arg7[%add3A_24, %dma_wait3A_155] : memref<10112x128xf32, #tpu.memory_space<vmem_shared>> -> memref<80x128xf32, #tpu.memory_space<vmem_shared>>
      %dma_wait3A_157 = arith.constant 0 : i32
      %dma_wait3A_158 = tpu.memref_slice %arg7[%add3A_24, %dma_wait3A_157] : memref<10112x128xf32, #tpu.memory_space<vmem_shared>> -> memref<80x128xf32, #tpu.memory_space<vmem_shared>>
      tpu.wait_dma2 semaphore(%run_scoped3A_150 : memref<!tpu.dma_semaphore, #tpu.memory_space<semaphore_mem>>) src(%arg11 : memref<80x128xf32, #tpu.memory_space<vmem>>) dst(%dma_wait3A_158 : memref<80x128xf32, #tpu.memory_space<vmem_shared>>)
      tpu.yield
    }) : () -> ()
    %mul3A_25 = arith.constant 632 : i32
    %mul3A_26 = arith.muli %arg1, %mul3A_25 : i32
    %add3A_27 = arith.constant 400 : i32
    %add3A_28 = arith.addi %mul3A_26, %add3A_27 : i32
    "tpu.region"() ({
      %run_scoped3A_150 = tpu.sem_alloc : memref<!tpu.dma_semaphore, #tpu.memory_space<semaphore_mem>>
      %dma_start3A_151 = arith.constant 0 : i32
      %dma_start3A_152 = tpu.memref_slice %arg7[%add3A_28, %dma_start3A_151] : memref<10112x128xf32, #tpu.memory_space<vmem_shared>> -> memref<80x128xf32, #tpu.memory_space<vmem_shared>>
      %dma_start3A_153 = arith.constant 0 : i32
      %dma_start3A_154 = tpu.memref_slice %arg7[%add3A_28, %dma_start3A_153] : memref<10112x128xf32, #tpu.memory_space<vmem_shared>> -> memref<80x128xf32, #tpu.memory_space<vmem_shared>>
      tpu.enqueue_dma source(%arg11 : memref<80x128xf32, #tpu.memory_space<vmem>>) target(%dma_start3A_154 : memref<80x128xf32, #tpu.memory_space<vmem_shared>>) target_semaphore(%run_scoped3A_150 : memref<!tpu.dma_semaphore, #tpu.memory_space<semaphore_mem>>)
      %dma_wait3A_155 = arith.constant 0 : i32
      %dma_wait3A_156 = tpu.memref_slice %arg7[%add3A_28, %dma_wait3A_155] : memref<10112x128xf32, #tpu.memory_space<vmem_shared>> -> memref<80x128xf32, #tpu.memory_space<vmem_shared>>
      %dma_wait3A_157 = arith.constant 0 : i32
      %dma_wait3A_158 = tpu.memref_slice %arg7[%add3A_28, %dma_wait3A_157] : memref<10112x128xf32, #tpu.memory_space<vmem_shared>> -> memref<80x128xf32, #tpu.memory_space<vmem_shared>>
      tpu.wait_dma2 semaphore(%run_scoped3A_150 : memref<!tpu.dma_semaphore, #tpu.memory_space<semaphore_mem>>) src(%arg11 : memref<80x128xf32, #tpu.memory_space<vmem>>) dst(%dma_wait3A_158 : memref<80x128xf32, #tpu.memory_space<vmem_shared>>)
      tpu.yield
    }) : () -> ()
    %mul3A_29 = arith.constant 632 : i32
    %mul3A_30 = arith.muli %arg1, %mul3A_29 : i32
    %add3A_31 = arith.constant 480 : i32
    %add3A_32 = arith.addi %mul3A_30, %add3A_31 : i32
    "tpu.region"() ({
      %run_scoped3A_150 = tpu.sem_alloc : memref<!tpu.dma_semaphore, #tpu.memory_space<semaphore_mem>>
      %dma_start3A_151 = arith.constant 0 : i32
      %dma_start3A_152 = tpu.memref_slice %arg7[%add3A_32, %dma_start3A_151] : memref<10112x128xf32, #tpu.memory_space<vmem_shared>> -> memref<80x128xf32, #tpu.memory_space<vmem_shared>>
      %dma_start3A_153 = arith.constant 0 : i32
      %dma_start3A_154 = tpu.memref_slice %arg7[%add3A_32, %dma_start3A_153] : memref<10112x128xf32, #tpu.memory_space<vmem_shared>> -> memref<80x128xf32, #tpu.memory_space<vmem_shared>>
      tpu.enqueue_dma source(%arg11 : memref<80x128xf32, #tpu.memory_space<vmem>>) target(%dma_start3A_154 : memref<80x128xf32, #tpu.memory_space<vmem_shared>>) target_semaphore(%run_scoped3A_150 : memref<!tpu.dma_semaphore, #tpu.memory_space<semaphore_mem>>)
      %dma_wait3A_155 = arith.constant 0 : i32
      %dma_wait3A_156 = tpu.memref_slice %arg7[%add3A_32, %dma_wait3A_155] : memref<10112x128xf32, #tpu.memory_space<vmem_shared>> -> memref<80x128xf32, #tpu.memory_space<vmem_shared>>
      %dma_wait3A_157 = arith.constant 0 : i32
      %dma_wait3A_158 = tpu.memref_slice %arg7[%add3A_32, %dma_wait3A_157] : memref<10112x128xf32, #tpu.memory_space<vmem_shared>> -> memref<80x128xf32, #tpu.memory_space<vmem_shared>>
      tpu.wait_dma2 semaphore(%run_scoped3A_150 : memref<!tpu.dma_semaphore, #tpu.memory_space<semaphore_mem>>) src(%arg11 : memref<80x128xf32, #tpu.memory_space<vmem>>) dst(%dma_wait3A_158 : memref<80x128xf32, #tpu.memory_space<vmem_shared>>)
      tpu.yield
    }) : () -> ()
    %mul3A_33 = arith.constant 632 : i32
    %mul3A_34 = arith.muli %arg1, %mul3A_33 : i32
    %add3A_35 = arith.constant 560 : i32
    %add3A_36 = arith.addi %mul3A_34, %add3A_35 : i32
    "tpu.region"() ({
      %run_scoped3A_150 = tpu.sem_alloc : memref<!tpu.dma_semaphore, #tpu.memory_space<semaphore_mem>>
      %dma_start3A_151 = arith.constant 0 : i32
      %dma_start3A_152 = arith.constant 0 : i32
      %dma_start3A_153 = tpu.memref_slice %arg11[%dma_start3A_151, %dma_start3A_152] : memref<80x128xf32, #tpu.memory_space<vmem>> -> memref<72x128xf32, #tpu.memory_space<vmem>>
      %dma_start3A_154 = arith.constant 0 : i32
      %dma_start3A_155 = tpu.memref_slice %arg7[%add3A_36, %dma_start3A_154] : memref<10112x128xf32, #tpu.memory_space<vmem_shared>> -> memref<72x128xf32, #tpu.memory_space<vmem_shared>>
      %dma_start3A_156 = arith.constant 0 : i32
      %dma_start3A_157 = tpu.memref_slice %arg7[%add3A_36, %dma_start3A_156] : memref<10112x128xf32, #tpu.memory_space<vmem_shared>> -> memref<72x128xf32, #tpu.memory_space<vmem_shared>>
      %dma_start3A_158 = arith.constant 0 : i32
      %dma_start3A_159 = arith.constant 0 : i32
      %dma_start3A_160 = tpu.memref_slice %arg11[%dma_start3A_158, %dma_start3A_159] : memref<80x128xf32, #tpu.memory_space<vmem>> -> memref<72x128xf32, #tpu.memory_space<vmem>>
      tpu.enqueue_dma source(%dma_start3A_160 : memref<72x128xf32, #tpu.memory_space<vmem>>) target(%dma_start3A_157 : memref<72x128xf32, #tpu.memory_space<vmem_shared>>) target_semaphore(%run_scoped3A_150 : memref<!tpu.dma_semaphore, #tpu.memory_space<semaphore_mem>>)
      %dma_wait3A_161 = arith.constant 0 : i32
      %dma_wait3A_162 = arith.constant 0 : i32
      %dma_wait3A_163 = tpu.memref_slice %arg11[%dma_wait3A_161, %dma_wait3A_162] : memref<80x128xf32, #tpu.memory_space<vmem>> -> memref<72x128xf32, #tpu.memory_space<vmem>>
      %dma_wait3A_164 = arith.constant 0 : i32
      %dma_wait3A_165 = tpu.memref_slice %arg7[%add3A_36, %dma_wait3A_164] : memref<10112x128xf32, #tpu.memory_space<vmem_shared>> -> memref<72x128xf32, #tpu.memory_space<vmem_shared>>
      %dma_wait3A_166 = arith.constant 0 : i32
      %dma_wait3A_167 = tpu.memref_slice %arg7[%add3A_36, %dma_wait3A_166] : memref<10112x128xf32, #tpu.memory_space<vmem_shared>> -> memref<72x128xf32, #tpu.memory_space<vmem_shared>>
      %dma_wait3A_168 = arith.constant 0 : i32
      %dma_wait3A_169 = arith.constant 0 : i32
      %dma_wait3A_170 = tpu.memref_slice %arg11[%dma_wait3A_168, %dma_wait3A_169] : memref<80x128xf32, #tpu.memory_space<vmem>> -> memref<72x128xf32, #tpu.memory_space<vmem>>
      tpu.wait_dma2 semaphore(%run_scoped3A_150 : memref<!tpu.dma_semaphore, #tpu.memory_space<semaphore_mem>>) src(%dma_wait3A_170 : memref<72x128xf32, #tpu.memory_space<vmem>>) dst(%dma_wait3A_167 : memref<72x128xf32, #tpu.memory_space<vmem_shared>>)
      tpu.yield
    }) : () -> ()
    %mul3A_37 = arith.constant 632 : i32
    %mul3A_38 = arith.muli %arg1, %mul3A_37 : i32
    %add3A_39 = arith.constant 0 : i32
    %add3A_40 = arith.addi %mul3A_38, %add3A_39 : i32
    %run_scoped3A = arith.constant 0 : i32
    "tpu.region"() ({
      %run_scoped3A_150 = tpu.sem_alloc : memref<!tpu.dma_semaphore, #tpu.memory_space<semaphore_mem>>
      %dma_start3A_151 = arith.constant 0 : i32
      %dma_start3A_152 = tpu.memref_slice %arg11[%run_scoped3A, %dma_start3A_151] : memref<80x128xf32, #tpu.memory_space<vmem>> -> memref<1x128xf32, #tpu.memory_space<vmem>>
      %dma_start3A_153 = tpu.memref_squeeze %dma_start3A_152 : memref<1x128xf32, #tpu.memory_space<vmem>> -> memref<128xf32, #tpu.memory_space<vmem>>
      %dma_start3A_154 = tpu.memref_slice %arg8[%add3A_40] : memref<10112xf32, #tpu.memory_space<vmem_shared>> -> memref<128xf32, #tpu.memory_space<vmem_shared>>
      %dma_start3A_155 = tpu.memref_slice %arg8[%add3A_40] : memref<10112xf32, #tpu.memory_space<vmem_shared>> -> memref<128xf32, #tpu.memory_space<vmem_shared>>
      %dma_start3A_156 = arith.constant 0 : i32
      %dma_start3A_157 = tpu.memref_slice %arg11[%run_scoped3A, %dma_start3A_156] : memref<80x128xf32, #tpu.memory_space<vmem>> -> memref<1x128xf32, #tpu.memory_space<vmem>>
      %dma_start3A_158 = tpu.memref_squeeze %dma_start3A_157 : memref<1x128xf32, #tpu.memory_space<vmem>> -> memref<128xf32, #tpu.memory_space<vmem>>
      tpu.enqueue_dma source(%dma_start3A_158 : memref<128xf32, #tpu.memory_space<vmem>>) target(%dma_start3A_155 : memref<128xf32, #tpu.memory_space<vmem_shared>>) target_semaphore(%run_scoped3A_150 : memref<!tpu.dma_semaphore, #tpu.memory_space<semaphore_mem>>)
      %dma_wait3A_159 = arith.constant 0 : i32
      %dma_wait3A_160 = tpu.memref_slice %arg11[%run_scoped3A, %dma_wait3A_159] : memref<80x128xf32, #tpu.memory_space<vmem>> -> memref<1x128xf32, #tpu.memory_space<vmem>>
      %dma_wait3A_161 = tpu.memref_squeeze %dma_wait3A_160 : memref<1x128xf32, #tpu.memory_space<vmem>> -> memref<128xf32, #tpu.memory_space<vmem>>
      %dma_wait3A_162 = tpu.memref_slice %arg8[%add3A_40] : memref<10112xf32, #tpu.memory_space<vmem_shared>> -> memref<128xf32, #tpu.memory_space<vmem_shared>>
      %dma_wait3A_163 = tpu.memref_slice %arg8[%add3A_40] : memref<10112xf32, #tpu.memory_space<vmem_shared>> -> memref<128xf32, #tpu.memory_space<vmem_shared>>
      %dma_wait3A_164 = arith.constant 0 : i32
      %dma_wait3A_165 = tpu.memref_slice %arg11[%run_scoped3A, %dma_wait3A_164] : memref<80x128xf32, #tpu.memory_space<vmem>> -> memref<1x128xf32, #tpu.memory_space<vmem>>
      %dma_wait3A_166 = tpu.memref_squeeze %dma_wait3A_165 : memref<1x128xf32, #tpu.memory_space<vmem>> -> memref<128xf32, #tpu.memory_space<vmem>>
      tpu.wait_dma2 semaphore(%run_scoped3A_150 : memref<!tpu.dma_semaphore, #tpu.memory_space<semaphore_mem>>) src(%dma_wait3A_166 : memref<128xf32, #tpu.memory_space<vmem>>) dst(%dma_wait3A_163 : memref<128xf32, #tpu.memory_space<vmem_shared>>)
      tpu.yield
    }) : () -> ()
    %mul3A_41 = arith.constant 632 : i32
    %mul3A_42 = arith.muli %arg1, %mul3A_41 : i32
    %add3A_43 = arith.constant 128 : i32
    %add3A_44 = arith.addi %mul3A_42, %add3A_43 : i32
    %run_scoped3A_45 = arith.constant 0 : i32
    "tpu.region"() ({
      %run_scoped3A_150 = tpu.sem_alloc : memref<!tpu.dma_semaphore, #tpu.memory_space<semaphore_mem>>
      %dma_start3A_151 = arith.constant 0 : i32
      %dma_start3A_152 = tpu.memref_slice %arg11[%run_scoped3A_45, %dma_start3A_151] : memref<80x128xf32, #tpu.memory_space<vmem>> -> memref<1x128xf32, #tpu.memory_space<vmem>>
      %dma_start3A_153 = tpu.memref_squeeze %dma_start3A_152 : memref<1x128xf32, #tpu.memory_space<vmem>> -> memref<128xf32, #tpu.memory_space<vmem>>
      %dma_start3A_154 = tpu.memref_slice %arg8[%add3A_44] : memref<10112xf32, #tpu.memory_space<vmem_shared>> -> memref<128xf32, #tpu.memory_space<vmem_shared>>
      %dma_start3A_155 = tpu.memref_slice %arg8[%add3A_44] : memref<10112xf32, #tpu.memory_space<vmem_shared>> -> memref<128xf32, #tpu.memory_space<vmem_shared>>
      %dma_start3A_156 = arith.constant 0 : i32
      %dma_start3A_157 = tpu.memref_slice %arg11[%run_scoped3A_45, %dma_start3A_156] : memref<80x128xf32, #tpu.memory_space<vmem>> -> memref<1x128xf32, #tpu.memory_space<vmem>>
      %dma_start3A_158 = tpu.memref_squeeze %dma_start3A_157 : memref<1x128xf32, #tpu.memory_space<vmem>> -> memref<128xf32, #tpu.memory_space<vmem>>
      tpu.enqueue_dma source(%dma_start3A_158 : memref<128xf32, #tpu.memory_space<vmem>>) target(%dma_start3A_155 : memref<128xf32, #tpu.memory_space<vmem_shared>>) target_semaphore(%run_scoped3A_150 : memref<!tpu.dma_semaphore, #tpu.memory_space<semaphore_mem>>)
      %dma_wait3A_159 = arith.constant 0 : i32
      %dma_wait3A_160 = tpu.memref_slice %arg11[%run_scoped3A_45, %dma_wait3A_159] : memref<80x128xf32, #tpu.memory_space<vmem>> -> memref<1x128xf32, #tpu.memory_space<vmem>>
      %dma_wait3A_161 = tpu.memref_squeeze %dma_wait3A_160 : memref<1x128xf32, #tpu.memory_space<vmem>> -> memref<128xf32, #tpu.memory_space<vmem>>
      %dma_wait3A_162 = tpu.memref_slice %arg8[%add3A_44] : memref<10112xf32, #tpu.memory_space<vmem_shared>> -> memref<128xf32, #tpu.memory_space<vmem_shared>>
      %dma_wait3A_163 = tpu.memref_slice %arg8[%add3A_44] : memref<10112xf32, #tpu.memory_space<vmem_shared>> -> memref<128xf32, #tpu.memory_space<vmem_shared>>
      %dma_wait3A_164 = arith.constant 0 : i32
      %dma_wait3A_165 = tpu.memref_slice %arg11[%run_scoped3A_45, %dma_wait3A_164] : memref<80x128xf32, #tpu.memory_space<vmem>> -> memref<1x128xf32, #tpu.memory_space<vmem>>
      %dma_wait3A_166 = tpu.memref_squeeze %dma_wait3A_165 : memref<1x128xf32, #tpu.memory_space<vmem>> -> memref<128xf32, #tpu.memory_space<vmem>>
      tpu.wait_dma2 semaphore(%run_scoped3A_150 : memref<!tpu.dma_semaphore, #tpu.memory_space<semaphore_mem>>) src(%dma_wait3A_166 : memref<128xf32, #tpu.memory_space<vmem>>) dst(%dma_wait3A_163 : memref<128xf32, #tpu.memory_space<vmem_shared>>)
      tpu.yield
    }) : () -> ()
    %mul3A_46 = arith.constant 632 : i32
    %mul3A_47 = arith.muli %arg1, %mul3A_46 : i32
    %add3A_48 = arith.constant 256 : i32
    %add3A_49 = arith.addi %mul3A_47, %add3A_48 : i32
    %run_scoped3A_50 = arith.constant 0 : i32
    "tpu.region"() ({
      %run_scoped3A_150 = tpu.sem_alloc : memref<!tpu.dma_semaphore, #tpu.memory_space<semaphore_mem>>
      %dma_start3A_151 = arith.constant 0 : i32
      %dma_start3A_152 = tpu.memref_slice %arg11[%run_scoped3A_50, %dma_start3A_151] : memref<80x128xf32, #tpu.memory_space<vmem>> -> memref<1x128xf32, #tpu.memory_space<vmem>>
      %dma_start3A_153 = tpu.memref_squeeze %dma_start3A_152 : memref<1x128xf32, #tpu.memory_space<vmem>> -> memref<128xf32, #tpu.memory_space<vmem>>
      %dma_start3A_154 = tpu.memref_slice %arg8[%add3A_49] : memref<10112xf32, #tpu.memory_space<vmem_shared>> -> memref<128xf32, #tpu.memory_space<vmem_shared>>
      %dma_start3A_155 = tpu.memref_slice %arg8[%add3A_49] : memref<10112xf32, #tpu.memory_space<vmem_shared>> -> memref<128xf32, #tpu.memory_space<vmem_shared>>
      %dma_start3A_156 = arith.constant 0 : i32
      %dma_start3A_157 = tpu.memref_slice %arg11[%run_scoped3A_50, %dma_start3A_156] : memref<80x128xf32, #tpu.memory_space<vmem>> -> memref<1x128xf32, #tpu.memory_space<vmem>>
      %dma_start3A_158 = tpu.memref_squeeze %dma_start3A_157 : memref<1x128xf32, #tpu.memory_space<vmem>> -> memref<128xf32, #tpu.memory_space<vmem>>
      tpu.enqueue_dma source(%dma_start3A_158 : memref<128xf32, #tpu.memory_space<vmem>>) target(%dma_start3A_155 : memref<128xf32, #tpu.memory_space<vmem_shared>>) target_semaphore(%run_scoped3A_150 : memref<!tpu.dma_semaphore, #tpu.memory_space<semaphore_mem>>)
      %dma_wait3A_159 = arith.constant 0 : i32
      %dma_wait3A_160 = tpu.memref_slice %arg11[%run_scoped3A_50, %dma_wait3A_159] : memref<80x128xf32, #tpu.memory_space<vmem>> -> memref<1x128xf32, #tpu.memory_space<vmem>>
      %dma_wait3A_161 = tpu.memref_squeeze %dma_wait3A_160 : memref<1x128xf32, #tpu.memory_space<vmem>> -> memref<128xf32, #tpu.memory_space<vmem>>
      %dma_wait3A_162 = tpu.memref_slice %arg8[%add3A_49] : memref<10112xf32, #tpu.memory_space<vmem_shared>> -> memref<128xf32, #tpu.memory_space<vmem_shared>>
      %dma_wait3A_163 = tpu.memref_slice %arg8[%add3A_49] : memref<10112xf32, #tpu.memory_space<vmem_shared>> -> memref<128xf32, #tpu.memory_space<vmem_shared>>
      %dma_wait3A_164 = arith.constant 0 : i32
      %dma_wait3A_165 = tpu.memref_slice %arg11[%run_scoped3A_50, %dma_wait3A_164] : memref<80x128xf32, #tpu.memory_space<vmem>> -> memref<1x128xf32, #tpu.memory_space<vmem>>
      %dma_wait3A_166 = tpu.memref_squeeze %dma_wait3A_165 : memref<1x128xf32, #tpu.memory_space<vmem>> -> memref<128xf32, #tpu.memory_space<vmem>>
      tpu.wait_dma2 semaphore(%run_scoped3A_150 : memref<!tpu.dma_semaphore, #tpu.memory_space<semaphore_mem>>) src(%dma_wait3A_166 : memref<128xf32, #tpu.memory_space<vmem>>) dst(%dma_wait3A_163 : memref<128xf32, #tpu.memory_space<vmem_shared>>)
      tpu.yield
    }) : () -> ()
    %mul3A_51 = arith.constant 632 : i32
    %mul3A_52 = arith.muli %arg1, %mul3A_51 : i32
    %add3A_53 = arith.constant 384 : i32
    %add3A_54 = arith.addi %mul3A_52, %add3A_53 : i32
    %run_scoped3A_55 = arith.constant 0 : i32
    "tpu.region"() ({
      %run_scoped3A_150 = tpu.sem_alloc : memref<!tpu.dma_semaphore, #tpu.memory_space<semaphore_mem>>
      %dma_start3A_151 = arith.constant 0 : i32
      %dma_start3A_152 = tpu.memref_slice %arg11[%run_scoped3A_55, %dma_start3A_151] : memref<80x128xf32, #tpu.memory_space<vmem>> -> memref<1x128xf32, #tpu.memory_space<vmem>>
      %dma_start3A_153 = tpu.memref_squeeze %dma_start3A_152 : memref<1x128xf32, #tpu.memory_space<vmem>> -> memref<128xf32, #tpu.memory_space<vmem>>
      %dma_start3A_154 = tpu.memref_slice %arg8[%add3A_54] : memref<10112xf32, #tpu.memory_space<vmem_shared>> -> memref<128xf32, #tpu.memory_space<vmem_shared>>
      %dma_start3A_155 = tpu.memref_slice %arg8[%add3A_54] : memref<10112xf32, #tpu.memory_space<vmem_shared>> -> memref<128xf32, #tpu.memory_space<vmem_shared>>
      %dma_start3A_156 = arith.constant 0 : i32
      %dma_start3A_157 = tpu.memref_slice %arg11[%run_scoped3A_55, %dma_start3A_156] : memref<80x128xf32, #tpu.memory_space<vmem>> -> memref<1x128xf32, #tpu.memory_space<vmem>>
      %dma_start3A_158 = tpu.memref_squeeze %dma_start3A_157 : memref<1x128xf32, #tpu.memory_space<vmem>> -> memref<128xf32, #tpu.memory_space<vmem>>
      tpu.enqueue_dma source(%dma_start3A_158 : memref<128xf32, #tpu.memory_space<vmem>>) target(%dma_start3A_155 : memref<128xf32, #tpu.memory_space<vmem_shared>>) target_semaphore(%run_scoped3A_150 : memref<!tpu.dma_semaphore, #tpu.memory_space<semaphore_mem>>)
      %dma_wait3A_159 = arith.constant 0 : i32
      %dma_wait3A_160 = tpu.memref_slice %arg11[%run_scoped3A_55, %dma_wait3A_159] : memref<80x128xf32, #tpu.memory_space<vmem>> -> memref<1x128xf32, #tpu.memory_space<vmem>>
      %dma_wait3A_161 = tpu.memref_squeeze %dma_wait3A_160 : memref<1x128xf32, #tpu.memory_space<vmem>> -> memref<128xf32, #tpu.memory_space<vmem>>
      %dma_wait3A_162 = tpu.memref_slice %arg8[%add3A_54] : memref<10112xf32, #tpu.memory_space<vmem_shared>> -> memref<128xf32, #tpu.memory_space<vmem_shared>>
      %dma_wait3A_163 = tpu.memref_slice %arg8[%add3A_54] : memref<10112xf32, #tpu.memory_space<vmem_shared>> -> memref<128xf32, #tpu.memory_space<vmem_shared>>
      %dma_wait3A_164 = arith.constant 0 : i32
      %dma_wait3A_165 = tpu.memref_slice %arg11[%run_scoped3A_55, %dma_wait3A_164] : memref<80x128xf32, #tpu.memory_space<vmem>> -> memref<1x128xf32, #tpu.memory_space<vmem>>
      %dma_wait3A_166 = tpu.memref_squeeze %dma_wait3A_165 : memref<1x128xf32, #tpu.memory_space<vmem>> -> memref<128xf32, #tpu.memory_space<vmem>>
      tpu.wait_dma2 semaphore(%run_scoped3A_150 : memref<!tpu.dma_semaphore, #tpu.memory_space<semaphore_mem>>) src(%dma_wait3A_166 : memref<128xf32, #tpu.memory_space<vmem>>) dst(%dma_wait3A_163 : memref<128xf32, #tpu.memory_space<vmem_shared>>)
      tpu.yield
    }) : () -> ()
    %mul3A_56 = arith.constant 632 : i32
    %mul3A_57 = arith.muli %arg1, %mul3A_56 : i32
    %add3A_58 = arith.constant 512 : i32
    %add3A_59 = arith.addi %mul3A_57, %add3A_58 : i32
    %run_scoped3A_60 = arith.constant 0 : i32
    "tpu.region"() ({
      %run_scoped3A_150 = tpu.sem_alloc : memref<!tpu.dma_semaphore, #tpu.memory_space<semaphore_mem>>
      %dma_start3A_151 = arith.constant 0 : i32
      %dma_start3A_152 = tpu.memref_slice %arg11[%run_scoped3A_60, %dma_start3A_151] : memref<80x128xf32, #tpu.memory_space<vmem>> -> memref<1x120xf32, #tpu.memory_space<vmem>>
      %dma_start3A_153 = tpu.memref_squeeze %dma_start3A_152 : memref<1x120xf32, #tpu.memory_space<vmem>> -> memref<120xf32, #tpu.memory_space<vmem>>
      %dma_start3A_154 = tpu.memref_slice %arg8[%add3A_59] : memref<10112xf32, #tpu.memory_space<vmem_shared>> -> memref<120xf32, #tpu.memory_space<vmem_shared>>
      %dma_start3A_155 = tpu.memref_slice %arg8[%add3A_59] : memref<10112xf32, #tpu.memory_space<vmem_shared>> -> memref<120xf32, #tpu.memory_space<vmem_shared>>
      %dma_start3A_156 = arith.constant 0 : i32
      %dma_start3A_157 = tpu.memref_slice %arg11[%run_scoped3A_60, %dma_start3A_156] : memref<80x128xf32, #tpu.memory_space<vmem>> -> memref<1x120xf32, #tpu.memory_space<vmem>>
      %dma_start3A_158 = tpu.memref_squeeze %dma_start3A_157 : memref<1x120xf32, #tpu.memory_space<vmem>> -> memref<120xf32, #tpu.memory_space<vmem>>
      tpu.enqueue_dma source(%dma_start3A_158 : memref<120xf32, #tpu.memory_space<vmem>>) target(%dma_start3A_155 : memref<120xf32, #tpu.memory_space<vmem_shared>>) target_semaphore(%run_scoped3A_150 : memref<!tpu.dma_semaphore, #tpu.memory_space<semaphore_mem>>)
      %dma_wait3A_159 = arith.constant 0 : i32
      %dma_wait3A_160 = tpu.memref_slice %arg11[%run_scoped3A_60, %dma_wait3A_159] : memref<80x128xf32, #tpu.memory_space<vmem>> -> memref<1x120xf32, #tpu.memory_space<vmem>>
      %dma_wait3A_161 = tpu.memref_squeeze %dma_wait3A_160 : memref<1x120xf32, #tpu.memory_space<vmem>> -> memref<120xf32, #tpu.memory_space<vmem>>
      %dma_wait3A_162 = tpu.memref_slice %arg8[%add3A_59] : memref<10112xf32, #tpu.memory_space<vmem_shared>> -> memref<120xf32, #tpu.memory_space<vmem_shared>>
      %dma_wait3A_163 = tpu.memref_slice %arg8[%add3A_59] : memref<10112xf32, #tpu.memory_space<vmem_shared>> -> memref<120xf32, #tpu.memory_space<vmem_shared>>
      %dma_wait3A_164 = arith.constant 0 : i32
      %dma_wait3A_165 = tpu.memref_slice %arg11[%run_scoped3A_60, %dma_wait3A_164] : memref<80x128xf32, #tpu.memory_space<vmem>> -> memref<1x120xf32, #tpu.memory_space<vmem>>
      %dma_wait3A_166 = tpu.memref_squeeze %dma_wait3A_165 : memref<1x120xf32, #tpu.memory_space<vmem>> -> memref<120xf32, #tpu.memory_space<vmem>>
      tpu.wait_dma2 semaphore(%run_scoped3A_150 : memref<!tpu.dma_semaphore, #tpu.memory_space<semaphore_mem>>) src(%dma_wait3A_166 : memref<120xf32, #tpu.memory_space<vmem>>) dst(%dma_wait3A_163 : memref<120xf32, #tpu.memory_space<vmem_shared>>)
      tpu.yield
    }) : () -> ()
    %broadcast_in_dim3A = arith.constant 1.000000e+00 : f32
    %broadcast_in_dim3A_61 = vector.broadcast %broadcast_in_dim3A : f32 to vector<16xf32>
    %swap3A = arith.constant 0 : index
    %swap3A_62 = tpu.vector_load %arg14[%swap3A] {strides = array<i32>} : memref<80xf32, #tpu.memory_space<vmem>>, vector<16xf32>,
    %swap3A_63 = vector.shape_cast %swap3A_62 : vector<16xf32> to vector<16xf32>
    %swap3A_64 = vector.shape_cast %broadcast_in_dim3A_61 : vector<16xf32> to vector<16xf32>
    tpu.vector_store %arg14[%swap3A], %swap3A_64 {strides = array<i32>} : memref<80xf32, #tpu.memory_space<vmem>>, vector<16xf32>,
    %broadcast_in_dim3A_65 = arith.constant 1.000000e+00 : f32
    %broadcast_in_dim3A_66 = vector.broadcast %broadcast_in_dim3A_65 : f32 to vector<16xf32>
    %swap3A_67 = arith.constant 16 : index
    %swap3A_68 = tpu.vector_load %arg14[%swap3A_67] {strides = array<i32>} : memref<80xf32, #tpu.memory_space<vmem>>, vector<16xf32>,
    %swap3A_69 = vector.shape_cast %swap3A_68 : vector<16xf32> to vector<16xf32>
    %swap3A_70 = vector.shape_cast %broadcast_in_dim3A_66 : vector<16xf32> to vector<16xf32>
    tpu.vector_store %arg14[%swap3A_67], %swap3A_70 {strides = array<i32>} : memref<80xf32, #tpu.memory_space<vmem>>, vector<16xf32>,
    %broadcast_in_dim3A_71 = arith.constant 1.000000e+00 : f32
    %broadcast_in_dim3A_72 = vector.broadcast %broadcast_in_dim3A_71 : f32 to vector<16xf32>
    %swap3A_73 = arith.constant 32 : index
    %swap3A_74 = tpu.vector_load %arg14[%swap3A_73] {strides = array<i32>} : memref<80xf32, #tpu.memory_space<vmem>>, vector<16xf32>,
    %swap3A_75 = vector.shape_cast %swap3A_74 : vector<16xf32> to vector<16xf32>
    %swap3A_76 = vector.shape_cast %broadcast_in_dim3A_72 : vector<16xf32> to vector<16xf32>
    tpu.vector_store %arg14[%swap3A_73], %swap3A_76 {strides = array<i32>} : memref<80xf32, #tpu.memory_space<vmem>>, vector<16xf32>,
    %broadcast_in_dim3A_77 = arith.constant 1.000000e+00 : f32
    %broadcast_in_dim3A_78 = vector.broadcast %broadcast_in_dim3A_77 : f32 to vector<16xf32>
    %swap3A_79 = arith.constant 48 : index
    %swap3A_80 = tpu.vector_load %arg14[%swap3A_79] {strides = array<i32>} : memref<80xf32, #tpu.memory_space<vmem>>, vector<16xf32>,
    %swap3A_81 = vector.shape_cast %swap3A_80 : vector<16xf32> to vector<16xf32>
    %swap3A_82 = vector.shape_cast %broadcast_in_dim3A_78 : vector<16xf32> to vector<16xf32>
    tpu.vector_store %arg14[%swap3A_79], %swap3A_82 {strides = array<i32>} : memref<80xf32, #tpu.memory_space<vmem>>, vector<16xf32>,
    %broadcast_in_dim3A_83 = arith.constant 1.000000e+00 : f32
    %broadcast_in_dim3A_84 = vector.broadcast %broadcast_in_dim3A_83 : f32 to vector<16xf32>
    %swap3A_85 = arith.constant 64 : index
    %swap3A_86 = tpu.vector_load %arg14[%swap3A_85] {strides = array<i32>} : memref<80xf32, #tpu.memory_space<vmem>>, vector<16xf32>,
    %swap3A_87 = vector.shape_cast %swap3A_86 : vector<16xf32> to vector<16xf32>
    %swap3A_88 = vector.shape_cast %broadcast_in_dim3A_84 : vector<16xf32> to vector<16xf32>
    tpu.vector_store %arg14[%swap3A_85], %swap3A_88 {strides = array<i32>} : memref<80xf32, #tpu.memory_space<vmem>>, vector<16xf32>,
    %barrier3A = arith.constant 0 : index
    tpu.barrier barrier_id(%barrier3A)
    "tpu.region"() ({
      %run_scoped3A_150 = tpu.sem_alloc : memref<!tpu.dma_semaphore, #tpu.memory_space<semaphore_mem>>
      %dma_start3A_151 = arith.constant 0 : i32
      %dma_start3A_152 = arith.constant 0 : i32
      %dma_start3A_153 = tpu.memref_slice %arg9[%dma_start3A_151, %dma_start3A_152] : memref<64x80xi32, #tpu.memory_space<vmem>> -> memref<64x80xi32, #tpu.memory_space<vmem>>
      %dma_start3A_154 = arith.constant 0 : i32
      %dma_start3A_155 = arith.constant 0 : i32
      %dma_start3A_156 = tpu.memref_slice %arg3[%add3A, %dma_start3A_154, %dma_start3A_155] : memref<32x125x80xi32, #tpu.memory_space<hbm>> -> memref<1x64x80xi32, #tpu.memory_space<hbm>>
      %dma_start3A_157 = tpu.memref_squeeze %dma_start3A_156 : memref<1x64x80xi32, #tpu.memory_space<hbm>> -> memref<64x80xi32, #tpu.memory_space<hbm>>
      %dma_start3A_158 = arith.constant 0 : i32
      %dma_start3A_159 = arith.constant 0 : i32
      %dma_start3A_160 = tpu.memref_slice %arg9[%dma_start3A_158, %dma_start3A_159] : memref<64x80xi32, #tpu.memory_space<vmem>> -> memref<64x80xi32, #tpu.memory_space<vmem>>
      %dma_start3A_161 = arith.constant 0 : i32
      %dma_start3A_162 = arith.constant 0 : i32
      %dma_start3A_163 = tpu.memref_slice %arg3[%add3A, %dma_start3A_161, %dma_start3A_162] : memref<32x125x80xi32, #tpu.memory_space<hbm>> -> memref<1x64x80xi32, #tpu.memory_space<hbm>>
      %dma_start3A_164 = tpu.memref_squeeze %dma_start3A_163 : memref<1x64x80xi32, #tpu.memory_space<hbm>> -> memref<64x80xi32, #tpu.memory_space<hbm>>
      tpu.enqueue_dma source(%dma_start3A_164 : memref<64x80xi32, #tpu.memory_space<hbm>>) target(%dma_start3A_160 : memref<64x80xi32, #tpu.memory_space<vmem>>) target_semaphore(%run_scoped3A_150 : memref<!tpu.dma_semaphore, #tpu.memory_space<semaphore_mem>>)
      %dma_wait3A_165 = arith.constant 0 : i32
      %dma_wait3A_166 = arith.constant 0 : i32
      %dma_wait3A_167 = tpu.memref_slice %arg9[%dma_wait3A_165, %dma_wait3A_166] : memref<64x80xi32, #tpu.memory_space<vmem>> -> memref<64x80xi32, #tpu.memory_space<vmem>>
      %dma_wait3A_168 = arith.constant 0 : i32
      %dma_wait3A_169 = arith.constant 0 : i32
      %dma_wait3A_170 = tpu.memref_slice %arg3[%add3A, %dma_wait3A_168, %dma_wait3A_169] : memref<32x125x80xi32, #tpu.memory_space<hbm>> -> memref<1x64x80xi32, #tpu.memory_space<hbm>>
      %dma_wait3A_171 = tpu.memref_squeeze %dma_wait3A_170 : memref<1x64x80xi32, #tpu.memory_space<hbm>> -> memref<64x80xi32, #tpu.memory_space<hbm>>
      %dma_wait3A_172 = arith.constant 0 : i32
      %dma_wait3A_173 = arith.constant 0 : i32
      %dma_wait3A_174 = tpu.memref_slice %arg9[%dma_wait3A_172, %dma_wait3A_173] : memref<64x80xi32, #tpu.memory_space<vmem>> -> memref<64x80xi32, #tpu.memory_space<vmem>>
      %dma_wait3A_175 = arith.constant 0 : i32
      %dma_wait3A_176 = arith.constant 0 : i32
      %dma_wait3A_177 = tpu.memref_slice %arg3[%add3A, %dma_wait3A_175, %dma_wait3A_176] : memref<32x125x80xi32, #tpu.memory_space<hbm>> -> memref<1x64x80xi32, #tpu.memory_space<hbm>>
      %dma_wait3A_178 = tpu.memref_squeeze %dma_wait3A_177 : memref<1x64x80xi32, #tpu.memory_space<hbm>> -> memref<64x80xi32, #tpu.memory_space<hbm>>
      tpu.wait_dma2 semaphore(%run_scoped3A_150 : memref<!tpu.dma_semaphore, #tpu.memory_space<semaphore_mem>>) src(%dma_wait3A_178 : memref<64x80xi32, #tpu.memory_space<hbm>>) dst(%dma_wait3A_174 : memref<64x80xi32, #tpu.memory_space<vmem>>)
      tpu.yield
    }) : () -> ()
    "tpu.region"() ({
      %run_scoped3A_150 = tpu.sem_alloc : memref<!tpu.dma_semaphore, #tpu.memory_space<semaphore_mem>>
      %dma_start3A_151 = arith.constant 0 : i32
      %dma_start3A_152 = arith.constant 0 : i32
      %dma_start3A_153 = tpu.memref_slice %arg10[%dma_start3A_151, %dma_start3A_152] : memref<64x80xi32, #tpu.memory_space<vmem>> -> memref<64x80xi32, #tpu.memory_space<vmem>>
      %dma_start3A_154 = arith.constant 0 : i32
      %dma_start3A_155 = arith.constant 0 : i32
      %dma_start3A_156 = tpu.memref_slice %arg4[%add3A, %dma_start3A_154, %dma_start3A_155] : memref<32x125x80xi32, #tpu.memory_space<hbm>> -> memref<1x64x80xi32, #tpu.memory_space<hbm>>
      %dma_start3A_157 = tpu.memref_squeeze %dma_start3A_156 : memref<1x64x80xi32, #tpu.memory_space<hbm>> -> memref<64x80xi32, #tpu.memory_space<hbm>>
      %dma_start3A_158 = arith.constant 0 : i32
      %dma_start3A_159 = arith.constant 0 : i32
      %dma_start3A_160 = tpu.memref_slice %arg10[%dma_start3A_158, %dma_start3A_159] : memref<64x80xi32, #tpu.memory_space<vmem>> -> memref<64x80xi32, #tpu.memory_space<vmem>>
      %dma_start3A_161 = arith.constant 0 : i32
      %dma_start3A_162 = arith.constant 0 : i32
      %dma_start3A_163 = tpu.memref_slice %arg4[%add3A, %dma_start3A_161, %dma_start3A_162] : memref<32x125x80xi32, #tpu.memory_space<hbm>> -> memref<1x64x80xi32, #tpu.memory_space<hbm>>
      %dma_start3A_164 = tpu.memref_squeeze %dma_start3A_163 : memref<1x64x80xi32, #tpu.memory_space<hbm>> -> memref<64x80xi32, #tpu.memory_space<hbm>>
      tpu.enqueue_dma source(%dma_start3A_164 : memref<64x80xi32, #tpu.memory_space<hbm>>) target(%dma_start3A_160 : memref<64x80xi32, #tpu.memory_space<vmem>>) target_semaphore(%run_scoped3A_150 : memref<!tpu.dma_semaphore, #tpu.memory_space<semaphore_mem>>)
      %dma_wait3A_165 = arith.constant 0 : i32
      %dma_wait3A_166 = arith.constant 0 : i32
      %dma_wait3A_167 = tpu.memref_slice %arg10[%dma_wait3A_165, %dma_wait3A_166] : memref<64x80xi32, #tpu.memory_space<vmem>> -> memref<64x80xi32, #tpu.memory_space<vmem>>
      %dma_wait3A_168 = arith.constant 0 : i32
      %dma_wait3A_169 = arith.constant 0 : i32
      %dma_wait3A_170 = tpu.memref_slice %arg4[%add3A, %dma_wait3A_168, %dma_wait3A_169] : memref<32x125x80xi32, #tpu.memory_space<hbm>> -> memref<1x64x80xi32, #tpu.memory_space<hbm>>
      %dma_wait3A_171 = tpu.memref_squeeze %dma_wait3A_170 : memref<1x64x80xi32, #tpu.memory_space<hbm>> -> memref<64x80xi32, #tpu.memory_space<hbm>>
      %dma_wait3A_172 = arith.constant 0 : i32
      %dma_wait3A_173 = arith.constant 0 : i32
      %dma_wait3A_174 = tpu.memref_slice %arg10[%dma_wait3A_172, %dma_wait3A_173] : memref<64x80xi32, #tpu.memory_space<vmem>> -> memref<64x80xi32, #tpu.memory_space<vmem>>
      %dma_wait3A_175 = arith.constant 0 : i32
      %dma_wait3A_176 = arith.constant 0 : i32
      %dma_wait3A_177 = tpu.memref_slice %arg4[%add3A, %dma_wait3A_175, %dma_wait3A_176] : memref<32x125x80xi32, #tpu.memory_space<hbm>> -> memref<1x64x80xi32, #tpu.memory_space<hbm>>
      %dma_wait3A_178 = tpu.memref_squeeze %dma_wait3A_177 : memref<1x64x80xi32, #tpu.memory_space<hbm>> -> memref<64x80xi32, #tpu.memory_space<hbm>>
      tpu.wait_dma2 semaphore(%run_scoped3A_150 : memref<!tpu.dma_semaphore, #tpu.memory_space<semaphore_mem>>) src(%dma_wait3A_178 : memref<64x80xi32, #tpu.memory_space<hbm>>) dst(%dma_wait3A_174 : memref<64x80xi32, #tpu.memory_space<vmem>>)
      tpu.yield
    }) : () -> ()
    %dma_start3A = arith.constant 0 : i32
    %dma_start3A_89 = arith.constant 0 : i32
    %dma_start3A_90 = tpu.memref_slice %arg9[%dma_start3A, %dma_start3A_89] : memref<64x80xi32, #tpu.memory_space<vmem>> -> memref<1x80xi32, #tpu.memory_space<vmem>>
    %dma_start3A_91 = tpu.memref_squeeze %dma_start3A_90 : memref<1x80xi32, #tpu.memory_space<vmem>> -> memref<80xi32, #tpu.memory_space<vmem>>
    %dma_start3A_92 = arith.constant 0 : i32
    %dma_start3A_93 = arith.constant 0 : i32
    %dma_start3A_94 = tpu.memref_slice %arg2[%dma_start3A_92, %dma_start3A_93] : memref<10000x128xf32, #tpu.memory_space<hbm>> -> memref<10000x128xf32, #tpu.memory_space<hbm>>
    tpu.enqueue_indirect_dma source(%dma_start3A_94 : memref<10000x128xf32, #tpu.memory_space<hbm>>) target(%arg11 : memref<80x128xf32, #tpu.memory_space<vmem>>) offsets(%dma_start3A_91 : memref<80xi32, #tpu.memory_space<vmem>>) semaphore(%arg15 : memref<!tpu.dma_semaphore, #tpu.memory_space<semaphore_mem>>)
    %dma_start3A_95 = arith.constant 1 : i32
    %dma_start3A_96 = arith.constant 0 : i32
    %dma_start3A_97 = tpu.memref_slice %arg9[%dma_start3A_95, %dma_start3A_96] : memref<64x80xi32, #tpu.memory_space<vmem>> -> memref<1x80xi32, #tpu.memory_space<vmem>>
    %dma_start3A_98 = tpu.memref_squeeze %dma_start3A_97 : memref<1x80xi32, #tpu.memory_space<vmem>> -> memref<80xi32, #tpu.memory_space<vmem>>
    %dma_start3A_99 = arith.constant 0 : i32
    %dma_start3A_100 = arith.constant 0 : i32
    %dma_start3A_101 = tpu.memref_slice %arg2[%dma_start3A_99, %dma_start3A_100] : memref<10000x128xf32, #tpu.memory_space<hbm>> -> memref<10000x128xf32, #tpu.memory_space<hbm>>
    tpu.enqueue_indirect_dma source(%dma_start3A_101 : memref<10000x128xf32, #tpu.memory_space<hbm>>) target(%arg12 : memref<80x128xf32, #tpu.memory_space<vmem>>) offsets(%dma_start3A_98 : memref<80xi32, #tpu.memory_space<vmem>>) semaphore(%arg16 : memref<!tpu.dma_semaphore, #tpu.memory_space<semaphore_mem>>)
    %scan3A_102 = arith.constant 0 : i32
    %scan3A_103 = arith.constant 21 : i32
    %scan3A_104 = arith.addi %scan3A_102, %scan3A_103 : i32
    %scan3A_105 = arith.constant 1 : i32
    scf.for %scan3A_150 = %scan3A_102 to %scan3A_104 step %scan3A_105  : i32 {
      %mul3A_151 = arith.constant 3 : i32
      %mul3A_152 = arith.muli %scan3A_150, %mul3A_151 : i32
      %add3A_153 = arith.constant 0 : i32
      %add3A_154 = arith.addi %add3A_153, %mul3A_152 : i32
      %add3A_155 = arith.constant 0 : i32
      %add3A_156 = arith.addi %add3A_154, %add3A_155 : i32
      %dma_wait3A_157 = arith.constant 0 : i32
      %dma_wait3A_158 = arith.constant 0 : i32
      %dma_wait3A_159 = tpu.memref_slice %arg9[%dma_wait3A_157, %dma_wait3A_158] : memref<64x80xi32, #tpu.memory_space<vmem>> -> memref<1x80xi32, #tpu.memory_space<vmem>>
      %dma_wait3A_160 = tpu.memref_squeeze %dma_wait3A_159 : memref<1x80xi32, #tpu.memory_space<vmem>> -> memref<80xi32, #tpu.memory_space<vmem>>
      %dma_wait3A_161 = arith.constant 0 : i32
      %dma_wait3A_162 = arith.constant 0 : i32
      %dma_wait3A_163 = tpu.memref_slice %arg2[%dma_wait3A_161, %dma_wait3A_162] : memref<10000x128xf32, #tpu.memory_space<hbm>> -> memref<10000x128xf32, #tpu.memory_space<hbm>>
      tpu.wait_indirect_dma semaphore(%arg15 : memref<!tpu.dma_semaphore, #tpu.memory_space<semaphore_mem>>) src(%dma_wait3A_163 : memref<10000x128xf32, #tpu.memory_space<hbm>>) dst(%arg11 : memref<80x128xf32, #tpu.memory_space<vmem>>)
      %add3A_164 = arith.constant 2 : i32
      %add3A_165 = arith.addi %add3A_156, %add3A_164 : i32
      %lt3A = arith.constant 64 : i32
      %lt3A_166 = arith.cmpi slt, %add3A_165, %lt3A : i32
      %convert_element_type3A_167 = arith.extui %lt3A_166 : i1 to i32
      %cond3A_168 = arith.constant 0 : i32
      %cond3A_169 = arith.cmpi ne, %convert_element_type3A_167, %cond3A_168 : i32
      scf.if %cond3A_169 {
        %add3A_202 = arith.constant 2 : i32
        %add3A_203 = arith.addi %add3A_156, %add3A_202 : i32
        %dma_start3A_204 = arith.constant 0 : i32
        %dma_start3A_205 = tpu.memref_slice %arg9[%add3A_203, %dma_start3A_204] : memref<64x80xi32, #tpu.memory_space<vmem>> -> memref<1x80xi32, #tpu.memory_space<vmem>>
        %dma_start3A_206 = tpu.memref_squeeze %dma_start3A_205 : memref<1x80xi32, #tpu.memory_space<vmem>> -> memref<80xi32, #tpu.memory_space<vmem>>
        %dma_start3A_207 = arith.constant 0 : i32
        %dma_start3A_208 = arith.constant 0 : i32
        %dma_start3A_209 = tpu.memref_slice %arg2[%dma_start3A_207, %dma_start3A_208] : memref<10000x128xf32, #tpu.memory_space<hbm>> -> memref<10000x128xf32, #tpu.memory_space<hbm>>
        tpu.enqueue_indirect_dma source(%dma_start3A_209 : memref<10000x128xf32, #tpu.memory_space<hbm>>) target(%arg13 : memref<80x128xf32, #tpu.memory_space<vmem>>) offsets(%dma_start3A_206 : memref<80xi32, #tpu.memory_space<vmem>>) semaphore(%arg17 : memref<!tpu.dma_semaphore, #tpu.memory_space<semaphore_mem>>)
      } else {
      }
      "tpu.region"() ({
        %run_scoped3A_202 = tpu.sem_alloc : memref<!tpu.dma_semaphore, #tpu.memory_space<semaphore_mem>>
        %dma_start3A_203 = arith.constant 0 : i32
        %dma_start3A_204 = tpu.memref_slice %arg10[%add3A_156, %dma_start3A_203] : memref<64x80xi32, #tpu.memory_space<vmem>> -> memref<1x80xi32, #tpu.memory_space<vmem>>
        %dma_start3A_205 = tpu.memref_squeeze %dma_start3A_204 : memref<1x80xi32, #tpu.memory_space<vmem>> -> memref<80xi32, #tpu.memory_space<vmem>>
        %dma_start3A_206 = arith.constant 0 : i32
        %dma_start3A_207 = arith.constant 0 : i32
        %dma_start3A_208 = tpu.memref_slice %arg7[%dma_start3A_206, %dma_start3A_207] : memref<10112x128xf32, #tpu.memory_space<vmem_shared>> -> memref<10112x128xf32, #tpu.memory_space<vmem_shared>>
        tpu.enqueue_indirect_dma source(%arg11 : memref<80x128xf32, #tpu.memory_space<vmem>>) target(%dma_start3A_208 : memref<10112x128xf32, #tpu.memory_space<vmem_shared>>) offsets(%dma_start3A_205 : memref<80xi32, #tpu.memory_space<vmem>>) semaphore(%run_scoped3A_202 : memref<!tpu.dma_semaphore, #tpu.memory_space<semaphore_mem>>) {add = true}
        %dma_wait3A_209 = arith.constant 0 : i32
        %dma_wait3A_210 = tpu.memref_slice %arg10[%add3A_156, %dma_wait3A_209] : memref<64x80xi32, #tpu.memory_space<vmem>> -> memref<1x80xi32, #tpu.memory_space<vmem>>
        %dma_wait3A_211 = tpu.memref_squeeze %dma_wait3A_210 : memref<1x80xi32, #tpu.memory_space<vmem>> -> memref<80xi32, #tpu.memory_space<vmem>>
        %dma_wait3A_212 = arith.constant 0 : i32
        %dma_wait3A_213 = arith.constant 0 : i32
        %dma_wait3A_214 = tpu.memref_slice %arg7[%dma_wait3A_212, %dma_wait3A_213] : memref<10112x128xf32, #tpu.memory_space<vmem_shared>> -> memref<10112x128xf32, #tpu.memory_space<vmem_shared>>
        tpu.wait_indirect_dma semaphore(%run_scoped3A_202 : memref<!tpu.dma_semaphore, #tpu.memory_space<semaphore_mem>>) src(%arg11 : memref<80x128xf32, #tpu.memory_space<vmem>>) dst(%dma_wait3A_214 : memref<10112x128xf32, #tpu.memory_space<vmem_shared>>)
        tpu.yield
      }) : () -> ()
      "tpu.region"() ({
        %run_scoped3A_202 = tpu.sem_alloc : memref<!tpu.dma_semaphore, #tpu.memory_space<semaphore_mem>>
        %dma_start3A_203 = arith.constant 0 : i32
        %dma_start3A_204 = tpu.memref_slice %arg10[%add3A_156, %dma_start3A_203] : memref<64x80xi32, #tpu.memory_space<vmem>> -> memref<1x80xi32, #tpu.memory_space<vmem>>
        %dma_start3A_205 = tpu.memref_squeeze %dma_start3A_204 : memref<1x80xi32, #tpu.memory_space<vmem>> -> memref<80xi32, #tpu.memory_space<vmem>>
        %dma_start3A_206 = arith.constant 0 : i32
        %dma_start3A_207 = tpu.memref_slice %arg8[%dma_start3A_206] : memref<10112xf32, #tpu.memory_space<vmem_shared>> -> memref<10112xf32, #tpu.memory_space<vmem_shared>>
        tpu.enqueue_indirect_dma source(%arg14 : memref<80xf32, #tpu.memory_space<vmem>>) target(%dma_start3A_207 : memref<10112xf32, #tpu.memory_space<vmem_shared>>) offsets(%dma_start3A_205 : memref<80xi32, #tpu.memory_space<vmem>>) semaphore(%run_scoped3A_202 : memref<!tpu.dma_semaphore, #tpu.memory_space<semaphore_mem>>) {add = true}
        %dma_wait3A_208 = arith.constant 0 : i32
        %dma_wait3A_209 = tpu.memref_slice %arg10[%add3A_156, %dma_wait3A_208] : memref<64x80xi32, #tpu.memory_space<vmem>> -> memref<1x80xi32, #tpu.memory_space<vmem>>
        %dma_wait3A_210 = tpu.memref_squeeze %dma_wait3A_209 : memref<1x80xi32, #tpu.memory_space<vmem>> -> memref<80xi32, #tpu.memory_space<vmem>>
        %dma_wait3A_211 = arith.constant 0 : i32
        %dma_wait3A_212 = tpu.memref_slice %arg8[%dma_wait3A_211] : memref<10112xf32, #tpu.memory_space<vmem_shared>> -> memref<10112xf32, #tpu.memory_space<vmem_shared>>
        tpu.wait_indirect_dma semaphore(%run_scoped3A_202 : memref<!tpu.dma_semaphore, #tpu.memory_space<semaphore_mem>>) src(%arg14 : memref<80xf32, #tpu.memory_space<vmem>>) dst(%dma_wait3A_212 : memref<10112xf32, #tpu.memory_space<vmem_shared>>)
        tpu.yield
      }) : () -> ()
      %add3A_170 = arith.constant 1 : i32
      %add3A_171 = arith.addi %add3A_154, %add3A_170 : i32
      %dma_wait3A_172 = arith.constant 0 : i32
      %dma_wait3A_173 = arith.constant 0 : i32
      %dma_wait3A_174 = tpu.memref_slice %arg9[%dma_wait3A_172, %dma_wait3A_173] : memref<64x80xi32, #tpu.memory_space<vmem>> -> memref<1x80xi32, #tpu.memory_space<vmem>>
      %dma_wait3A_175 = tpu.memref_squeeze %dma_wait3A_174 : memref<1x80xi32, #tpu.memory_space<vmem>> -> memref<80xi32, #tpu.memory_space<vmem>>
      %dma_wait3A_176 = arith.constant 0 : i32
      %dma_wait3A_177 = arith.constant 0 : i32
      %dma_wait3A_178 = tpu.memref_slice %arg2[%dma_wait3A_176, %dma_wait3A_177] : memref<10000x128xf32, #tpu.memory_space<hbm>> -> memref<10000x128xf32, #tpu.memory_space<hbm>>
      tpu.wait_indirect_dma semaphore(%arg16 : memref<!tpu.dma_semaphore, #tpu.memory_space<semaphore_mem>>) src(%dma_wait3A_178 : memref<10000x128xf32, #tpu.memory_space<hbm>>) dst(%arg12 : memref<80x128xf32, #tpu.memory_space<vmem>>)
      %add3A_179 = arith.constant 2 : i32
      %add3A_180 = arith.addi %add3A_171, %add3A_179 : i32
      %lt3A_181 = arith.constant 64 : i32
      %lt3A_182 = arith.cmpi slt, %add3A_180, %lt3A_181 : i32
      %convert_element_type3A_183 = arith.extui %lt3A_182 : i1 to i32
      %cond3A_184 = arith.constant 0 : i32
      %cond3A_185 = arith.cmpi ne, %convert_element_type3A_183, %cond3A_184 : i32
      scf.if %cond3A_185 {
        %add3A_202 = arith.constant 2 : i32
        %add3A_203 = arith.addi %add3A_171, %add3A_202 : i32
        %dma_start3A_204 = arith.constant 0 : i32
        %dma_start3A_205 = tpu.memref_slice %arg9[%add3A_203, %dma_start3A_204] : memref<64x80xi32, #tpu.memory_space<vmem>> -> memref<1x80xi32, #tpu.memory_space<vmem>>
        %dma_start3A_206 = tpu.memref_squeeze %dma_start3A_205 : memref<1x80xi32, #tpu.memory_space<vmem>> -> memref<80xi32, #tpu.memory_space<vmem>>
        %dma_start3A_207 = arith.constant 0 : i32
        %dma_start3A_208 = arith.constant 0 : i32
        %dma_start3A_209 = tpu.memref_slice %arg2[%dma_start3A_207, %dma_start3A_208] : memref<10000x128xf32, #tpu.memory_space<hbm>> -> memref<10000x128xf32, #tpu.memory_space<hbm>>
        tpu.enqueue_indirect_dma source(%dma_start3A_209 : memref<10000x128xf32, #tpu.memory_space<hbm>>) target(%arg11 : memref<80x128xf32, #tpu.memory_space<vmem>>) offsets(%dma_start3A_206 : memref<80xi32, #tpu.memory_space<vmem>>) semaphore(%arg15 : memref<!tpu.dma_semaphore, #tpu.memory_space<semaphore_mem>>)
      } else {
      }
      "tpu.region"() ({
        %run_scoped3A_202 = tpu.sem_alloc : memref<!tpu.dma_semaphore, #tpu.memory_space<semaphore_mem>>
        %dma_start3A_203 = arith.constant 0 : i32
        %dma_start3A_204 = tpu.memref_slice %arg10[%add3A_171, %dma_start3A_203] : memref<64x80xi32, #tpu.memory_space<vmem>> -> memref<1x80xi32, #tpu.memory_space<vmem>>
        %dma_start3A_205 = tpu.memref_squeeze %dma_start3A_204 : memref<1x80xi32, #tpu.memory_space<vmem>> -> memref<80xi32, #tpu.memory_space<vmem>>
        %dma_start3A_206 = arith.constant 0 : i32
        %dma_start3A_207 = arith.constant 0 : i32
        %dma_start3A_208 = tpu.memref_slice %arg7[%dma_start3A_206, %dma_start3A_207] : memref<10112x128xf32, #tpu.memory_space<vmem_shared>> -> memref<10112x128xf32, #tpu.memory_space<vmem_shared>>
        tpu.enqueue_indirect_dma source(%arg12 : memref<80x128xf32, #tpu.memory_space<vmem>>) target(%dma_start3A_208 : memref<10112x128xf32, #tpu.memory_space<vmem_shared>>) offsets(%dma_start3A_205 : memref<80xi32, #tpu.memory_space<vmem>>) semaphore(%run_scoped3A_202 : memref<!tpu.dma_semaphore, #tpu.memory_space<semaphore_mem>>) {add = true}
        %dma_wait3A_209 = arith.constant 0 : i32
        %dma_wait3A_210 = tpu.memref_slice %arg10[%add3A_171, %dma_wait3A_209] : memref<64x80xi32, #tpu.memory_space<vmem>> -> memref<1x80xi32, #tpu.memory_space<vmem>>
        %dma_wait3A_211 = tpu.memref_squeeze %dma_wait3A_210 : memref<1x80xi32, #tpu.memory_space<vmem>> -> memref<80xi32, #tpu.memory_space<vmem>>
        %dma_wait3A_212 = arith.constant 0 : i32
        %dma_wait3A_213 = arith.constant 0 : i32
        %dma_wait3A_214 = tpu.memref_slice %arg7[%dma_wait3A_212, %dma_wait3A_213] : memref<10112x128xf32, #tpu.memory_space<vmem_shared>> -> memref<10112x128xf32, #tpu.memory_space<vmem_shared>>
        tpu.wait_indirect_dma semaphore(%run_scoped3A_202 : memref<!tpu.dma_semaphore, #tpu.memory_space<semaphore_mem>>) src(%arg12 : memref<80x128xf32, #tpu.memory_space<vmem>>) dst(%dma_wait3A_214 : memref<10112x128xf32, #tpu.memory_space<vmem_shared>>)
        tpu.yield
      }) : () -> ()
      "tpu.region"() ({
        %run_scoped3A_202 = tpu.sem_alloc : memref<!tpu.dma_semaphore, #tpu.memory_space<semaphore_mem>>
        %dma_start3A_203 = arith.constant 0 : i32
        %dma_start3A_204 = tpu.memref_slice %arg10[%add3A_171, %dma_start3A_203] : memref<64x80xi32, #tpu.memory_space<vmem>> -> memref<1x80xi32, #tpu.memory_space<vmem>>
        %dma_start3A_205 = tpu.memref_squeeze %dma_start3A_204 : memref<1x80xi32, #tpu.memory_space<vmem>> -> memref<80xi32, #tpu.memory_space<vmem>>
        %dma_start3A_206 = arith.constant 0 : i32
        %dma_start3A_207 = tpu.memref_slice %arg8[%dma_start3A_206] : memref<10112xf32, #tpu.memory_space<vmem_shared>> -> memref<10112xf32, #tpu.memory_space<vmem_shared>>
        tpu.enqueue_indirect_dma source(%arg14 : memref<80xf32, #tpu.memory_space<vmem>>) target(%dma_start3A_207 : memref<10112xf32, #tpu.memory_space<vmem_shared>>) offsets(%dma_start3A_205 : memref<80xi32, #tpu.memory_space<vmem>>) semaphore(%run_scoped3A_202 : memref<!tpu.dma_semaphore, #tpu.memory_space<semaphore_mem>>) {add = true}
        %dma_wait3A_208 = arith.constant 0 : i32
        %dma_wait3A_209 = tpu.memref_slice %arg10[%add3A_171, %dma_wait3A_208] : memref<64x80xi32, #tpu.memory_space<vmem>> -> memref<1x80xi32, #tpu.memory_space<vmem>>
        %dma_wait3A_210 = tpu.memref_squeeze %dma_wait3A_209 : memref<1x80xi32, #tpu.memory_space<vmem>> -> memref<80xi32, #tpu.memory_space<vmem>>
        %dma_wait3A_211 = arith.constant 0 : i32
        %dma_wait3A_212 = tpu.memref_slice %arg8[%dma_wait3A_211] : memref<10112xf32, #tpu.memory_space<vmem_shared>> -> memref<10112xf32, #tpu.memory_space<vmem_shared>>
        tpu.wait_indirect_dma semaphore(%run_scoped3A_202 : memref<!tpu.dma_semaphore, #tpu.memory_space<semaphore_mem>>) src(%arg14 : memref<80xf32, #tpu.memory_space<vmem>>) dst(%dma_wait3A_212 : memref<10112xf32, #tpu.memory_space<vmem_shared>>)
        tpu.yield
      }) : () -> ()
      %add3A_186 = arith.constant 2 : i32
      %add3A_187 = arith.addi %add3A_154, %add3A_186 : i32
      %dma_wait3A_188 = arith.constant 0 : i32
      %dma_wait3A_189 = arith.constant 0 : i32
      %dma_wait3A_190 = tpu.memref_slice %arg9[%dma_wait3A_188, %dma_wait3A_189] : memref<64x80xi32, #tpu.memory_space<vmem>> -> memref<1x80xi32, #tpu.memory_space<vmem>>
      %dma_wait3A_191 = tpu.memref_squeeze %dma_wait3A_190 : memref<1x80xi32, #tpu.memory_space<vmem>> -> memref<80xi32, #tpu.memory_space<vmem>>
      %dma_wait3A_192 = arith.constant 0 : i32
      %dma_wait3A_193 = arith.constant 0 : i32
      %dma_wait3A_194 = tpu.memref_slice %arg2[%dma_wait3A_192, %dma_wait3A_193] : memref<10000x128xf32, #tpu.memory_space<hbm>> -> memref<10000x128xf32, #tpu.memory_space<hbm>>
      tpu.wait_indirect_dma semaphore(%arg17 : memref<!tpu.dma_semaphore, #tpu.memory_space<semaphore_mem>>) src(%dma_wait3A_194 : memref<10000x128xf32, #tpu.memory_space<hbm>>) dst(%arg13 : memref<80x128xf32, #tpu.memory_space<vmem>>)
      %add3A_195 = arith.constant 2 : i32
      %add3A_196 = arith.addi %add3A_187, %add3A_195 : i32
      %lt3A_197 = arith.constant 64 : i32
      %lt3A_198 = arith.cmpi slt, %add3A_196, %lt3A_197 : i32
      %convert_element_type3A_199 = arith.extui %lt3A_198 : i1 to i32
      %cond3A_200 = arith.constant 0 : i32
      %cond3A_201 = arith.cmpi ne, %convert_element_type3A_199, %cond3A_200 : i32
      scf.if %cond3A_201 {
        %add3A_202 = arith.constant 2 : i32
        %add3A_203 = arith.addi %add3A_187, %add3A_202 : i32
        %dma_start3A_204 = arith.constant 0 : i32
        %dma_start3A_205 = tpu.memref_slice %arg9[%add3A_203, %dma_start3A_204] : memref<64x80xi32, #tpu.memory_space<vmem>> -> memref<1x80xi32, #tpu.memory_space<vmem>>
        %dma_start3A_206 = tpu.memref_squeeze %dma_start3A_205 : memref<1x80xi32, #tpu.memory_space<vmem>> -> memref<80xi32, #tpu.memory_space<vmem>>
        %dma_start3A_207 = arith.constant 0 : i32
        %dma_start3A_208 = arith.constant 0 : i32
        %dma_start3A_209 = tpu.memref_slice %arg2[%dma_start3A_207, %dma_start3A_208] : memref<10000x128xf32, #tpu.memory_space<hbm>> -> memref<10000x128xf32, #tpu.memory_space<hbm>>
        tpu.enqueue_indirect_dma source(%dma_start3A_209 : memref<10000x128xf32, #tpu.memory_space<hbm>>) target(%arg12 : memref<80x128xf32, #tpu.memory_space<vmem>>) offsets(%dma_start3A_206 : memref<80xi32, #tpu.memory_space<vmem>>) semaphore(%arg16 : memref<!tpu.dma_semaphore, #tpu.memory_space<semaphore_mem>>)
      } else {
      }
      "tpu.region"() ({
        %run_scoped3A_202 = tpu.sem_alloc : memref<!tpu.dma_semaphore, #tpu.memory_space<semaphore_mem>>
        %dma_start3A_203 = arith.constant 0 : i32
        %dma_start3A_204 = tpu.memref_slice %arg10[%add3A_187, %dma_start3A_203] : memref<64x80xi32, #tpu.memory_space<vmem>> -> memref<1x80xi32, #tpu.memory_space<vmem>>
        %dma_start3A_205 = tpu.memref_squeeze %dma_start3A_204 : memref<1x80xi32, #tpu.memory_space<vmem>> -> memref<80xi32, #tpu.memory_space<vmem>>
        %dma_start3A_206 = arith.constant 0 : i32
        %dma_start3A_207 = arith.constant 0 : i32
        %dma_start3A_208 = tpu.memref_slice %arg7[%dma_start3A_206, %dma_start3A_207] : memref<10112x128xf32, #tpu.memory_space<vmem_shared>> -> memref<10112x128xf32, #tpu.memory_space<vmem_shared>>
        tpu.enqueue_indirect_dma source(%arg13 : memref<80x128xf32, #tpu.memory_space<vmem>>) target(%dma_start3A_208 : memref<10112x128xf32, #tpu.memory_space<vmem_shared>>) offsets(%dma_start3A_205 : memref<80xi32, #tpu.memory_space<vmem>>) semaphore(%run_scoped3A_202 : memref<!tpu.dma_semaphore, #tpu.memory_space<semaphore_mem>>) {add = true}
        %dma_wait3A_209 = arith.constant 0 : i32
        %dma_wait3A_210 = tpu.memref_slice %arg10[%add3A_187, %dma_wait3A_209] : memref<64x80xi32, #tpu.memory_space<vmem>> -> memref<1x80xi32, #tpu.memory_space<vmem>>
        %dma_wait3A_211 = tpu.memref_squeeze %dma_wait3A_210 : memref<1x80xi32, #tpu.memory_space<vmem>> -> memref<80xi32, #tpu.memory_space<vmem>>
        %dma_wait3A_212 = arith.constant 0 : i32
        %dma_wait3A_213 = arith.constant 0 : i32
        %dma_wait3A_214 = tpu.memref_slice %arg7[%dma_wait3A_212, %dma_wait3A_213] : memref<10112x128xf32, #tpu.memory_space<vmem_shared>> -> memref<10112x128xf32, #tpu.memory_space<vmem_shared>>
        tpu.wait_indirect_dma semaphore(%run_scoped3A_202 : memref<!tpu.dma_semaphore, #tpu.memory_space<semaphore_mem>>) src(%arg13 : memref<80x128xf32, #tpu.memory_space<vmem>>) dst(%dma_wait3A_214 : memref<10112x128xf32, #tpu.memory_space<vmem_shared>>)
        tpu.yield
      }) : () -> ()
      "tpu.region"() ({
        %run_scoped3A_202 = tpu.sem_alloc : memref<!tpu.dma_semaphore, #tpu.memory_space<semaphore_mem>>
        %dma_start3A_203 = arith.constant 0 : i32
        %dma_start3A_204 = tpu.memref_slice %arg10[%add3A_187, %dma_start3A_203] : memref<64x80xi32, #tpu.memory_space<vmem>> -> memref<1x80xi32, #tpu.memory_space<vmem>>
        %dma_start3A_205 = tpu.memref_squeeze %dma_start3A_204 : memref<1x80xi32, #tpu.memory_space<vmem>> -> memref<80xi32, #tpu.memory_space<vmem>>
        %dma_start3A_206 = arith.constant 0 : i32
        %dma_start3A_207 = tpu.memref_slice %arg8[%dma_start3A_206] : memref<10112xf32, #tpu.memory_space<vmem_shared>> -> memref<10112xf32, #tpu.memory_space<vmem_shared>>
        tpu.enqueue_indirect_dma source(%arg14 : memref<80xf32, #tpu.memory_space<vmem>>) target(%dma_start3A_207 : memref<10112xf32, #tpu.memory_space<vmem_shared>>) offsets(%dma_start3A_205 : memref<80xi32, #tpu.memory_space<vmem>>) semaphore(%run_scoped3A_202 : memref<!tpu.dma_semaphore, #tpu.memory_space<semaphore_mem>>) {add = true}
        %dma_wait3A_208 = arith.constant 0 : i32
        %dma_wait3A_209 = tpu.memref_slice %arg10[%add3A_187, %dma_wait3A_208] : memref<64x80xi32, #tpu.memory_space<vmem>> -> memref<1x80xi32, #tpu.memory_space<vmem>>
        %dma_wait3A_210 = tpu.memref_squeeze %dma_wait3A_209 : memref<1x80xi32, #tpu.memory_space<vmem>> -> memref<80xi32, #tpu.memory_space<vmem>>
        %dma_wait3A_211 = arith.constant 0 : i32
        %dma_wait3A_212 = tpu.memref_slice %arg8[%dma_wait3A_211] : memref<10112xf32, #tpu.memory_space<vmem_shared>> -> memref<10112xf32, #tpu.memory_space<vmem_shared>>
        tpu.wait_indirect_dma semaphore(%run_scoped3A_202 : memref<!tpu.dma_semaphore, #tpu.memory_space<semaphore_mem>>) src(%arg14 : memref<80xf32, #tpu.memory_space<vmem>>) dst(%dma_wait3A_212 : memref<10112xf32, #tpu.memory_space<vmem_shared>>)
        tpu.yield
      }) : () -> ()
    }
    %scan3A_106 = arith.constant 21 : i32
    %dma_wait3A = arith.constant 0 : i32
    %dma_wait3A_107 = arith.constant 0 : i32
    %dma_wait3A_108 = tpu.memref_slice %arg9[%dma_wait3A, %dma_wait3A_107] : memref<64x80xi32, #tpu.memory_space<vmem>> -> memref<1x80xi32, #tpu.memory_space<vmem>>
    %dma_wait3A_109 = tpu.memref_squeeze %dma_wait3A_108 : memref<1x80xi32, #tpu.memory_space<vmem>> -> memref<80xi32, #tpu.memory_space<vmem>>
    %dma_wait3A_110 = arith.constant 0 : i32
    %dma_wait3A_111 = arith.constant 0 : i32
    %dma_wait3A_112 = tpu.memref_slice %arg2[%dma_wait3A_110, %dma_wait3A_111] : memref<10000x128xf32, #tpu.memory_space<hbm>> -> memref<10000x128xf32, #tpu.memory_space<hbm>>
    tpu.wait_indirect_dma semaphore(%arg15 : memref<!tpu.dma_semaphore, #tpu.memory_space<semaphore_mem>>) src(%dma_wait3A_112 : memref<10000x128xf32, #tpu.memory_space<hbm>>) dst(%arg11 : memref<80x128xf32, #tpu.memory_space<vmem>>)
    %run_scoped3A_113 = arith.constant 63 : i32
    "tpu.region"() ({
      %run_scoped3A_150 = tpu.sem_alloc : memref<!tpu.dma_semaphore, #tpu.memory_space<semaphore_mem>>
      %dma_start3A_151 = arith.constant 0 : i32
      %dma_start3A_152 = tpu.memref_slice %arg10[%run_scoped3A_113, %dma_start3A_151] : memref<64x80xi32, #tpu.memory_space<vmem>> -> memref<1x80xi32, #tpu.memory_space<vmem>>
      %dma_start3A_153 = tpu.memref_squeeze %dma_start3A_152 : memref<1x80xi32, #tpu.memory_space<vmem>> -> memref<80xi32, #tpu.memory_space<vmem>>
      %dma_start3A_154 = arith.constant 0 : i32
      %dma_start3A_155 = arith.constant 0 : i32
      %dma_start3A_156 = tpu.memref_slice %arg7[%dma_start3A_154, %dma_start3A_155] : memref<10112x128xf32, #tpu.memory_space<vmem_shared>> -> memref<10112x128xf32, #tpu.memory_space<vmem_shared>>
      tpu.enqueue_indirect_dma source(%arg11 : memref<80x128xf32, #tpu.memory_space<vmem>>) target(%dma_start3A_156 : memref<10112x128xf32, #tpu.memory_space<vmem_shared>>) offsets(%dma_start3A_153 : memref<80xi32, #tpu.memory_space<vmem>>) semaphore(%run_scoped3A_150 : memref<!tpu.dma_semaphore, #tpu.memory_space<semaphore_mem>>) {add = true}
      %dma_wait3A_157 = arith.constant 0 : i32
      %dma_wait3A_158 = tpu.memref_slice %arg10[%run_scoped3A_113, %dma_wait3A_157] : memref<64x80xi32, #tpu.memory_space<vmem>> -> memref<1x80xi32, #tpu.memory_space<vmem>>
      %dma_wait3A_159 = tpu.memref_squeeze %dma_wait3A_158 : memref<1x80xi32, #tpu.memory_space<vmem>> -> memref<80xi32, #tpu.memory_space<vmem>>
      %dma_wait3A_160 = arith.constant 0 : i32
      %dma_wait3A_161 = arith.constant 0 : i32
      %dma_wait3A_162 = tpu.memref_slice %arg7[%dma_wait3A_160, %dma_wait3A_161] : memref<10112x128xf32, #tpu.memory_space<vmem_shared>> -> memref<10112x128xf32, #tpu.memory_space<vmem_shared>>
      tpu.wait_indirect_dma semaphore(%run_scoped3A_150 : memref<!tpu.dma_semaphore, #tpu.memory_space<semaphore_mem>>) src(%arg11 : memref<80x128xf32, #tpu.memory_space<vmem>>) dst(%dma_wait3A_162 : memref<10112x128xf32, #tpu.memory_space<vmem_shared>>)
      tpu.yield
    }) : () -> ()
    %run_scoped3A_114 = arith.constant 63 : i32
    "tpu.region"() ({
      %run_scoped3A_150 = tpu.sem_alloc : memref<!tpu.dma_semaphore, #tpu.memory_space<semaphore_mem>>
      %dma_start3A_151 = arith.constant 0 : i32
      %dma_start3A_152 = tpu.memref_slice %arg10[%run_scoped3A_114, %dma_start3A_151] : memref<64x80xi32, #tpu.memory_space<vmem>> -> memref<1x80xi32, #tpu.memory_space<vmem>>
      %dma_start3A_153 = tpu.memref_squeeze %dma_start3A_152 : memref<1x80xi32, #tpu.memory_space<vmem>> -> memref<80xi32, #tpu.memory_space<vmem>>
      %dma_start3A_154 = arith.constant 0 : i32
      %dma_start3A_155 = tpu.memref_slice %arg8[%dma_start3A_154] : memref<10112xf32, #tpu.memory_space<vmem_shared>> -> memref<10112xf32, #tpu.memory_space<vmem_shared>>
      tpu.enqueue_indirect_dma source(%arg14 : memref<80xf32, #tpu.memory_space<vmem>>) target(%dma_start3A_155 : memref<10112xf32, #tpu.memory_space<vmem_shared>>) offsets(%dma_start3A_153 : memref<80xi32, #tpu.memory_space<vmem>>) semaphore(%run_scoped3A_150 : memref<!tpu.dma_semaphore, #tpu.memory_space<semaphore_mem>>) {add = true}
      %dma_wait3A_156 = arith.constant 0 : i32
      %dma_wait3A_157 = tpu.memref_slice %arg10[%run_scoped3A_114, %dma_wait3A_156] : memref<64x80xi32, #tpu.memory_space<vmem>> -> memref<1x80xi32, #tpu.memory_space<vmem>>
      %dma_wait3A_158 = tpu.memref_squeeze %dma_wait3A_157 : memref<1x80xi32, #tpu.memory_space<vmem>> -> memref<80xi32, #tpu.memory_space<vmem>>
      %dma_wait3A_159 = arith.constant 0 : i32
      %dma_wait3A_160 = tpu.memref_slice %arg8[%dma_wait3A_159] : memref<10112xf32, #tpu.memory_space<vmem_shared>> -> memref<10112xf32, #tpu.memory_space<vmem_shared>>
      tpu.wait_indirect_dma semaphore(%run_scoped3A_150 : memref<!tpu.dma_semaphore, #tpu.memory_space<semaphore_mem>>) src(%arg14 : memref<80xf32, #tpu.memory_space<vmem>>) dst(%dma_wait3A_160 : memref<10112xf32, #tpu.memory_space<vmem_shared>>)
      tpu.yield
    }) : () -> ()
    "tpu.region"() ({
      %run_scoped3A_150 = tpu.sem_alloc : memref<!tpu.dma_semaphore, #tpu.memory_space<semaphore_mem>>
      %dma_start3A_151 = arith.constant 0 : i32
      %dma_start3A_152 = arith.constant 0 : i32
      %dma_start3A_153 = tpu.memref_slice %arg9[%dma_start3A_151, %dma_start3A_152] : memref<64x80xi32, #tpu.memory_space<vmem>> -> memref<61x80xi32, #tpu.memory_space<vmem>>
      %dma_start3A_154 = arith.constant 64 : i32
      %dma_start3A_155 = arith.constant 0 : i32
      %dma_start3A_156 = tpu.memref_slice %arg3[%add3A, %dma_start3A_154, %dma_start3A_155] : memref<32x125x80xi32, #tpu.memory_space<hbm>> -> memref<1x61x80xi32, #tpu.memory_space<hbm>>
      %dma_start3A_157 = tpu.memref_squeeze %dma_start3A_156 : memref<1x61x80xi32, #tpu.memory_space<hbm>> -> memref<61x80xi32, #tpu.memory_space<hbm>>
      %dma_start3A_158 = arith.constant 0 : i32
      %dma_start3A_159 = arith.constant 0 : i32
      %dma_start3A_160 = tpu.memref_slice %arg9[%dma_start3A_158, %dma_start3A_159] : memref<64x80xi32, #tpu.memory_space<vmem>> -> memref<61x80xi32, #tpu.memory_space<vmem>>
      %dma_start3A_161 = arith.constant 64 : i32
      %dma_start3A_162 = arith.constant 0 : i32
      %dma_start3A_163 = tpu.memref_slice %arg3[%add3A, %dma_start3A_161, %dma_start3A_162] : memref<32x125x80xi32, #tpu.memory_space<hbm>> -> memref<1x61x80xi32, #tpu.memory_space<hbm>>
      %dma_start3A_164 = tpu.memref_squeeze %dma_start3A_163 : memref<1x61x80xi32, #tpu.memory_space<hbm>> -> memref<61x80xi32, #tpu.memory_space<hbm>>
      tpu.enqueue_dma source(%dma_start3A_164 : memref<61x80xi32, #tpu.memory_space<hbm>>) target(%dma_start3A_160 : memref<61x80xi32, #tpu.memory_space<vmem>>) target_semaphore(%run_scoped3A_150 : memref<!tpu.dma_semaphore, #tpu.memory_space<semaphore_mem>>)
      %dma_wait3A_165 = arith.constant 0 : i32
      %dma_wait3A_166 = arith.constant 0 : i32
      %dma_wait3A_167 = tpu.memref_slice %arg9[%dma_wait3A_165, %dma_wait3A_166] : memref<64x80xi32, #tpu.memory_space<vmem>> -> memref<61x80xi32, #tpu.memory_space<vmem>>
      %dma_wait3A_168 = arith.constant 64 : i32
      %dma_wait3A_169 = arith.constant 0 : i32
      %dma_wait3A_170 = tpu.memref_slice %arg3[%add3A, %dma_wait3A_168, %dma_wait3A_169] : memref<32x125x80xi32, #tpu.memory_space<hbm>> -> memref<1x61x80xi32, #tpu.memory_space<hbm>>
      %dma_wait3A_171 = tpu.memref_squeeze %dma_wait3A_170 : memref<1x61x80xi32, #tpu.memory_space<hbm>> -> memref<61x80xi32, #tpu.memory_space<hbm>>
      %dma_wait3A_172 = arith.constant 0 : i32
      %dma_wait3A_173 = arith.constant 0 : i32
      %dma_wait3A_174 = tpu.memref_slice %arg9[%dma_wait3A_172, %dma_wait3A_173] : memref<64x80xi32, #tpu.memory_space<vmem>> -> memref<61x80xi32, #tpu.memory_space<vmem>>
      %dma_wait3A_175 = arith.constant 64 : i32
      %dma_wait3A_176 = arith.constant 0 : i32
      %dma_wait3A_177 = tpu.memref_slice %arg3[%add3A, %dma_wait3A_175, %dma_wait3A_176] : memref<32x125x80xi32, #tpu.memory_space<hbm>> -> memref<1x61x80xi32, #tpu.memory_space<hbm>>
      %dma_wait3A_178 = tpu.memref_squeeze %dma_wait3A_177 : memref<1x61x80xi32, #tpu.memory_space<hbm>> -> memref<61x80xi32, #tpu.memory_space<hbm>>
      tpu.wait_dma2 semaphore(%run_scoped3A_150 : memref<!tpu.dma_semaphore, #tpu.memory_space<semaphore_mem>>) src(%dma_wait3A_178 : memref<61x80xi32, #tpu.memory_space<hbm>>) dst(%dma_wait3A_174 : memref<61x80xi32, #tpu.memory_space<vmem>>)
      tpu.yield
    }) : () -> ()
    "tpu.region"() ({
      %run_scoped3A_150 = tpu.sem_alloc : memref<!tpu.dma_semaphore, #tpu.memory_space<semaphore_mem>>
      %dma_start3A_151 = arith.constant 0 : i32
      %dma_start3A_152 = arith.constant 0 : i32
      %dma_start3A_153 = tpu.memref_slice %arg10[%dma_start3A_151, %dma_start3A_152] : memref<64x80xi32, #tpu.memory_space<vmem>> -> memref<61x80xi32, #tpu.memory_space<vmem>>
      %dma_start3A_154 = arith.constant 64 : i32
      %dma_start3A_155 = arith.constant 0 : i32
      %dma_start3A_156 = tpu.memref_slice %arg4[%add3A, %dma_start3A_154, %dma_start3A_155] : memref<32x125x80xi32, #tpu.memory_space<hbm>> -> memref<1x61x80xi32, #tpu.memory_space<hbm>>
      %dma_start3A_157 = tpu.memref_squeeze %dma_start3A_156 : memref<1x61x80xi32, #tpu.memory_space<hbm>> -> memref<61x80xi32, #tpu.memory_space<hbm>>
      %dma_start3A_158 = arith.constant 0 : i32
      %dma_start3A_159 = arith.constant 0 : i32
      %dma_start3A_160 = tpu.memref_slice %arg10[%dma_start3A_158, %dma_start3A_159] : memref<64x80xi32, #tpu.memory_space<vmem>> -> memref<61x80xi32, #tpu.memory_space<vmem>>
      %dma_start3A_161 = arith.constant 64 : i32
      %dma_start3A_162 = arith.constant 0 : i32
      %dma_start3A_163 = tpu.memref_slice %arg4[%add3A, %dma_start3A_161, %dma_start3A_162] : memref<32x125x80xi32, #tpu.memory_space<hbm>> -> memref<1x61x80xi32, #tpu.memory_space<hbm>>
      %dma_start3A_164 = tpu.memref_squeeze %dma_start3A_163 : memref<1x61x80xi32, #tpu.memory_space<hbm>> -> memref<61x80xi32, #tpu.memory_space<hbm>>
      tpu.enqueue_dma source(%dma_start3A_164 : memref<61x80xi32, #tpu.memory_space<hbm>>) target(%dma_start3A_160 : memref<61x80xi32, #tpu.memory_space<vmem>>) target_semaphore(%run_scoped3A_150 : memref<!tpu.dma_semaphore, #tpu.memory_space<semaphore_mem>>)
      %dma_wait3A_165 = arith.constant 0 : i32
      %dma_wait3A_166 = arith.constant 0 : i32
      %dma_wait3A_167 = tpu.memref_slice %arg10[%dma_wait3A_165, %dma_wait3A_166] : memref<64x80xi32, #tpu.memory_space<vmem>> -> memref<61x80xi32, #tpu.memory_space<vmem>>
      %dma_wait3A_168 = arith.constant 64 : i32
      %dma_wait3A_169 = arith.constant 0 : i32
      %dma_wait3A_170 = tpu.memref_slice %arg4[%add3A, %dma_wait3A_168, %dma_wait3A_169] : memref<32x125x80xi32, #tpu.memory_space<hbm>> -> memref<1x61x80xi32, #tpu.memory_space<hbm>>
      %dma_wait3A_171 = tpu.memref_squeeze %dma_wait3A_170 : memref<1x61x80xi32, #tpu.memory_space<hbm>> -> memref<61x80xi32, #tpu.memory_space<hbm>>
      %dma_wait3A_172 = arith.constant 0 : i32
      %dma_wait3A_173 = arith.constant 0 : i32
      %dma_wait3A_174 = tpu.memref_slice %arg10[%dma_wait3A_172, %dma_wait3A_173] : memref<64x80xi32, #tpu.memory_space<vmem>> -> memref<61x80xi32, #tpu.memory_space<vmem>>
      %dma_wait3A_175 = arith.constant 64 : i32
      %dma_wait3A_176 = arith.constant 0 : i32
      %dma_wait3A_177 = tpu.memref_slice %arg4[%add3A, %dma_wait3A_175, %dma_wait3A_176] : memref<32x125x80xi32, #tpu.memory_space<hbm>> -> memref<1x61x80xi32, #tpu.memory_space<hbm>>
      %dma_wait3A_178 = tpu.memref_squeeze %dma_wait3A_177 : memref<1x61x80xi32, #tpu.memory_space<hbm>> -> memref<61x80xi32, #tpu.memory_space<hbm>>
      tpu.wait_dma2 semaphore(%run_scoped3A_150 : memref<!tpu.dma_semaphore, #tpu.memory_space<semaphore_mem>>) src(%dma_wait3A_178 : memref<61x80xi32, #tpu.memory_space<hbm>>) dst(%dma_wait3A_174 : memref<61x80xi32, #tpu.memory_space<vmem>>)
      tpu.yield
    }) : () -> ()
    %dma_start3A_115 = arith.constant 0 : i32
    %dma_start3A_116 = arith.constant 0 : i32
    %dma_start3A_117 = tpu.memref_slice %arg9[%dma_start3A_115, %dma_start3A_116] : memref<64x80xi32, #tpu.memory_space<vmem>> -> memref<1x80xi32, #tpu.memory_space<vmem>>
    %dma_start3A_118 = tpu.memref_squeeze %dma_start3A_117 : memref<1x80xi32, #tpu.memory_space<vmem>> -> memref<80xi32, #tpu.memory_space<vmem>>
    %dma_start3A_119 = arith.constant 0 : i32
    %dma_start3A_120 = arith.constant 0 : i32
    %dma_start3A_121 = tpu.memref_slice %arg2[%dma_start3A_119, %dma_start3A_120] : memref<10000x128xf32, #tpu.memory_space<hbm>> -> memref<10000x128xf32, #tpu.memory_space<hbm>>
    tpu.enqueue_indirect_dma source(%dma_start3A_121 : memref<10000x128xf32, #tpu.memory_space<hbm>>) target(%arg11 : memref<80x128xf32, #tpu.memory_space<vmem>>) offsets(%dma_start3A_118 : memref<80xi32, #tpu.memory_space<vmem>>) semaphore(%arg15 : memref<!tpu.dma_semaphore, #tpu.memory_space<semaphore_mem>>)
    %dma_start3A_122 = arith.constant 1 : i32
    %dma_start3A_123 = arith.constant 0 : i32
    %dma_start3A_124 = tpu.memref_slice %arg9[%dma_start3A_122, %dma_start3A_123] : memref<64x80xi32, #tpu.memory_space<vmem>> -> memref<1x80xi32, #tpu.memory_space<vmem>>
    %dma_start3A_125 = tpu.memref_squeeze %dma_start3A_124 : memref<1x80xi32, #tpu.memory_space<vmem>> -> memref<80xi32, #tpu.memory_space<vmem>>
    %dma_start3A_126 = arith.constant 0 : i32
    %dma_start3A_127 = arith.constant 0 : i32
    %dma_start3A_128 = tpu.memref_slice %arg2[%dma_start3A_126, %dma_start3A_127] : memref<10000x128xf32, #tpu.memory_space<hbm>> -> memref<10000x128xf32, #tpu.memory_space<hbm>>
    tpu.enqueue_indirect_dma source(%dma_start3A_128 : memref<10000x128xf32, #tpu.memory_space<hbm>>) target(%arg12 : memref<80x128xf32, #tpu.memory_space<vmem>>) offsets(%dma_start3A_125 : memref<80xi32, #tpu.memory_space<vmem>>) semaphore(%arg16 : memref<!tpu.dma_semaphore, #tpu.memory_space<semaphore_mem>>)
    %scan3A_129 = arith.constant 0 : i32
    %scan3A_130 = arith.constant 20 : i32
    %scan3A_131 = arith.addi %scan3A_129, %scan3A_130 : i32
    %scan3A_132 = arith.constant 1 : i32
    scf.for %scan3A_150 = %scan3A_129 to %scan3A_131 step %scan3A_132  : i32 {
      %mul3A_151 = arith.constant 3 : i32
      %mul3A_152 = arith.muli %scan3A_150, %mul3A_151 : i32
      %add3A_153 = arith.constant 0 : i32
      %add3A_154 = arith.addi %add3A_153, %mul3A_152 : i32
      %add3A_155 = arith.constant 0 : i32
      %add3A_156 = arith.addi %add3A_154, %add3A_155 : i32
      %dma_wait3A_157 = arith.constant 0 : i32
      %dma_wait3A_158 = arith.constant 0 : i32
      %dma_wait3A_159 = tpu.memref_slice %arg9[%dma_wait3A_157, %dma_wait3A_158] : memref<64x80xi32, #tpu.memory_space<vmem>> -> memref<1x80xi32, #tpu.memory_space<vmem>>
      %dma_wait3A_160 = tpu.memref_squeeze %dma_wait3A_159 : memref<1x80xi32, #tpu.memory_space<vmem>> -> memref<80xi32, #tpu.memory_space<vmem>>
      %dma_wait3A_161 = arith.constant 0 : i32
      %dma_wait3A_162 = arith.constant 0 : i32
      %dma_wait3A_163 = tpu.memref_slice %arg2[%dma_wait3A_161, %dma_wait3A_162] : memref<10000x128xf32, #tpu.memory_space<hbm>> -> memref<10000x128xf32, #tpu.memory_space<hbm>>
      tpu.wait_indirect_dma semaphore(%arg15 : memref<!tpu.dma_semaphore, #tpu.memory_space<semaphore_mem>>) src(%dma_wait3A_163 : memref<10000x128xf32, #tpu.memory_space<hbm>>) dst(%arg11 : memref<80x128xf32, #tpu.memory_space<vmem>>)
      %add3A_164 = arith.constant 2 : i32
      %add3A_165 = arith.addi %add3A_156, %add3A_164 : i32
      %lt3A = arith.constant 61 : i32
      %lt3A_166 = arith.cmpi slt, %add3A_165, %lt3A : i32
      %convert_element_type3A_167 = arith.extui %lt3A_166 : i1 to i32
      %cond3A_168 = arith.constant 0 : i32
      %cond3A_169 = arith.cmpi ne, %convert_element_type3A_167, %cond3A_168 : i32
      scf.if %cond3A_169 {
        %add3A_202 = arith.constant 2 : i32
        %add3A_203 = arith.addi %add3A_156, %add3A_202 : i32
        %dma_start3A_204 = arith.constant 0 : i32
        %dma_start3A_205 = tpu.memref_slice %arg9[%add3A_203, %dma_start3A_204] : memref<64x80xi32, #tpu.memory_space<vmem>> -> memref<1x80xi32, #tpu.memory_space<vmem>>
        %dma_start3A_206 = tpu.memref_squeeze %dma_start3A_205 : memref<1x80xi32, #tpu.memory_space<vmem>> -> memref<80xi32, #tpu.memory_space<vmem>>
        %dma_start3A_207 = arith.constant 0 : i32
        %dma_start3A_208 = arith.constant 0 : i32
        %dma_start3A_209 = tpu.memref_slice %arg2[%dma_start3A_207, %dma_start3A_208] : memref<10000x128xf32, #tpu.memory_space<hbm>> -> memref<10000x128xf32, #tpu.memory_space<hbm>>
        tpu.enqueue_indirect_dma source(%dma_start3A_209 : memref<10000x128xf32, #tpu.memory_space<hbm>>) target(%arg13 : memref<80x128xf32, #tpu.memory_space<vmem>>) offsets(%dma_start3A_206 : memref<80xi32, #tpu.memory_space<vmem>>) semaphore(%arg17 : memref<!tpu.dma_semaphore, #tpu.memory_space<semaphore_mem>>)
      } else {
      }
      "tpu.region"() ({
        %run_scoped3A_202 = tpu.sem_alloc : memref<!tpu.dma_semaphore, #tpu.memory_space<semaphore_mem>>
        %dma_start3A_203 = arith.constant 0 : i32
        %dma_start3A_204 = tpu.memref_slice %arg10[%add3A_156, %dma_start3A_203] : memref<64x80xi32, #tpu.memory_space<vmem>> -> memref<1x80xi32, #tpu.memory_space<vmem>>
        %dma_start3A_205 = tpu.memref_squeeze %dma_start3A_204 : memref<1x80xi32, #tpu.memory_space<vmem>> -> memref<80xi32, #tpu.memory_space<vmem>>
        %dma_start3A_206 = arith.constant 0 : i32
        %dma_start3A_207 = arith.constant 0 : i32
        %dma_start3A_208 = tpu.memref_slice %arg7[%dma_start3A_206, %dma_start3A_207] : memref<10112x128xf32, #tpu.memory_space<vmem_shared>> -> memref<10112x128xf32, #tpu.memory_space<vmem_shared>>
        tpu.enqueue_indirect_dma source(%arg11 : memref<80x128xf32, #tpu.memory_space<vmem>>) target(%dma_start3A_208 : memref<10112x128xf32, #tpu.memory_space<vmem_shared>>) offsets(%dma_start3A_205 : memref<80xi32, #tpu.memory_space<vmem>>) semaphore(%run_scoped3A_202 : memref<!tpu.dma_semaphore, #tpu.memory_space<semaphore_mem>>) {add = true}
        %dma_wait3A_209 = arith.constant 0 : i32
        %dma_wait3A_210 = tpu.memref_slice %arg10[%add3A_156, %dma_wait3A_209] : memref<64x80xi32, #tpu.memory_space<vmem>> -> memref<1x80xi32, #tpu.memory_space<vmem>>
        %dma_wait3A_211 = tpu.memref_squeeze %dma_wait3A_210 : memref<1x80xi32, #tpu.memory_space<vmem>> -> memref<80xi32, #tpu.memory_space<vmem>>
        %dma_wait3A_212 = arith.constant 0 : i32
        %dma_wait3A_213 = arith.constant 0 : i32
        %dma_wait3A_214 = tpu.memref_slice %arg7[%dma_wait3A_212, %dma_wait3A_213] : memref<10112x128xf32, #tpu.memory_space<vmem_shared>> -> memref<10112x128xf32, #tpu.memory_space<vmem_shared>>
        tpu.wait_indirect_dma semaphore(%run_scoped3A_202 : memref<!tpu.dma_semaphore, #tpu.memory_space<semaphore_mem>>) src(%arg11 : memref<80x128xf32, #tpu.memory_space<vmem>>) dst(%dma_wait3A_214 : memref<10112x128xf32, #tpu.memory_space<vmem_shared>>)
        tpu.yield
      }) : () -> ()
      "tpu.region"() ({
        %run_scoped3A_202 = tpu.sem_alloc : memref<!tpu.dma_semaphore, #tpu.memory_space<semaphore_mem>>
        %dma_start3A_203 = arith.constant 0 : i32
        %dma_start3A_204 = tpu.memref_slice %arg10[%add3A_156, %dma_start3A_203] : memref<64x80xi32, #tpu.memory_space<vmem>> -> memref<1x80xi32, #tpu.memory_space<vmem>>
        %dma_start3A_205 = tpu.memref_squeeze %dma_start3A_204 : memref<1x80xi32, #tpu.memory_space<vmem>> -> memref<80xi32, #tpu.memory_space<vmem>>
        %dma_start3A_206 = arith.constant 0 : i32
        %dma_start3A_207 = tpu.memref_slice %arg8[%dma_start3A_206] : memref<10112xf32, #tpu.memory_space<vmem_shared>> -> memref<10112xf32, #tpu.memory_space<vmem_shared>>
        tpu.enqueue_indirect_dma source(%arg14 : memref<80xf32, #tpu.memory_space<vmem>>) target(%dma_start3A_207 : memref<10112xf32, #tpu.memory_space<vmem_shared>>) offsets(%dma_start3A_205 : memref<80xi32, #tpu.memory_space<vmem>>) semaphore(%run_scoped3A_202 : memref<!tpu.dma_semaphore, #tpu.memory_space<semaphore_mem>>) {add = true}
        %dma_wait3A_208 = arith.constant 0 : i32
        %dma_wait3A_209 = tpu.memref_slice %arg10[%add3A_156, %dma_wait3A_208] : memref<64x80xi32, #tpu.memory_space<vmem>> -> memref<1x80xi32, #tpu.memory_space<vmem>>
        %dma_wait3A_210 = tpu.memref_squeeze %dma_wait3A_209 : memref<1x80xi32, #tpu.memory_space<vmem>> -> memref<80xi32, #tpu.memory_space<vmem>>
        %dma_wait3A_211 = arith.constant 0 : i32
        %dma_wait3A_212 = tpu.memref_slice %arg8[%dma_wait3A_211] : memref<10112xf32, #tpu.memory_space<vmem_shared>> -> memref<10112xf32, #tpu.memory_space<vmem_shared>>
        tpu.wait_indirect_dma semaphore(%run_scoped3A_202 : memref<!tpu.dma_semaphore, #tpu.memory_space<semaphore_mem>>) src(%arg14 : memref<80xf32, #tpu.memory_space<vmem>>) dst(%dma_wait3A_212 : memref<10112xf32, #tpu.memory_space<vmem_shared>>)
        tpu.yield
      }) : () -> ()
      %add3A_170 = arith.constant 1 : i32
      %add3A_171 = arith.addi %add3A_154, %add3A_170 : i32
      %dma_wait3A_172 = arith.constant 0 : i32
      %dma_wait3A_173 = arith.constant 0 : i32
      %dma_wait3A_174 = tpu.memref_slice %arg9[%dma_wait3A_172, %dma_wait3A_173] : memref<64x80xi32, #tpu.memory_space<vmem>> -> memref<1x80xi32, #tpu.memory_space<vmem>>
      %dma_wait3A_175 = tpu.memref_squeeze %dma_wait3A_174 : memref<1x80xi32, #tpu.memory_space<vmem>> -> memref<80xi32, #tpu.memory_space<vmem>>
      %dma_wait3A_176 = arith.constant 0 : i32
      %dma_wait3A_177 = arith.constant 0 : i32
      %dma_wait3A_178 = tpu.memref_slice %arg2[%dma_wait3A_176, %dma_wait3A_177] : memref<10000x128xf32, #tpu.memory_space<hbm>> -> memref<10000x128xf32, #tpu.memory_space<hbm>>
      tpu.wait_indirect_dma semaphore(%arg16 : memref<!tpu.dma_semaphore, #tpu.memory_space<semaphore_mem>>) src(%dma_wait3A_178 : memref<10000x128xf32, #tpu.memory_space<hbm>>) dst(%arg12 : memref<80x128xf32, #tpu.memory_space<vmem>>)
      %add3A_179 = arith.constant 2 : i32
      %add3A_180 = arith.addi %add3A_171, %add3A_179 : i32
      %lt3A_181 = arith.constant 61 : i32
      %lt3A_182 = arith.cmpi slt, %add3A_180, %lt3A_181 : i32
      %convert_element_type3A_183 = arith.extui %lt3A_182 : i1 to i32
      %cond3A_184 = arith.constant 0 : i32
      %cond3A_185 = arith.cmpi ne, %convert_element_type3A_183, %cond3A_184 : i32
      scf.if %cond3A_185 {
        %add3A_202 = arith.constant 2 : i32
        %add3A_203 = arith.addi %add3A_171, %add3A_202 : i32
        %dma_start3A_204 = arith.constant 0 : i32
        %dma_start3A_205 = tpu.memref_slice %arg9[%add3A_203, %dma_start3A_204] : memref<64x80xi32, #tpu.memory_space<vmem>> -> memref<1x80xi32, #tpu.memory_space<vmem>>
        %dma_start3A_206 = tpu.memref_squeeze %dma_start3A_205 : memref<1x80xi32, #tpu.memory_space<vmem>> -> memref<80xi32, #tpu.memory_space<vmem>>
        %dma_start3A_207 = arith.constant 0 : i32
        %dma_start3A_208 = arith.constant 0 : i32
        %dma_start3A_209 = tpu.memref_slice %arg2[%dma_start3A_207, %dma_start3A_208] : memref<10000x128xf32, #tpu.memory_space<hbm>> -> memref<10000x128xf32, #tpu.memory_space<hbm>>
        tpu.enqueue_indirect_dma source(%dma_start3A_209 : memref<10000x128xf32, #tpu.memory_space<hbm>>) target(%arg11 : memref<80x128xf32, #tpu.memory_space<vmem>>) offsets(%dma_start3A_206 : memref<80xi32, #tpu.memory_space<vmem>>) semaphore(%arg15 : memref<!tpu.dma_semaphore, #tpu.memory_space<semaphore_mem>>)
      } else {
      }
      "tpu.region"() ({
        %run_scoped3A_202 = tpu.sem_alloc : memref<!tpu.dma_semaphore, #tpu.memory_space<semaphore_mem>>
        %dma_start3A_203 = arith.constant 0 : i32
        %dma_start3A_204 = tpu.memref_slice %arg10[%add3A_171, %dma_start3A_203] : memref<64x80xi32, #tpu.memory_space<vmem>> -> memref<1x80xi32, #tpu.memory_space<vmem>>
        %dma_start3A_205 = tpu.memref_squeeze %dma_start3A_204 : memref<1x80xi32, #tpu.memory_space<vmem>> -> memref<80xi32, #tpu.memory_space<vmem>>
        %dma_start3A_206 = arith.constant 0 : i32
        %dma_start3A_207 = arith.constant 0 : i32
        %dma_start3A_208 = tpu.memref_slice %arg7[%dma_start3A_206, %dma_start3A_207] : memref<10112x128xf32, #tpu.memory_space<vmem_shared>> -> memref<10112x128xf32, #tpu.memory_space<vmem_shared>>
        tpu.enqueue_indirect_dma source(%arg12 : memref<80x128xf32, #tpu.memory_space<vmem>>) target(%dma_start3A_208 : memref<10112x128xf32, #tpu.memory_space<vmem_shared>>) offsets(%dma_start3A_205 : memref<80xi32, #tpu.memory_space<vmem>>) semaphore(%run_scoped3A_202 : memref<!tpu.dma_semaphore, #tpu.memory_space<semaphore_mem>>) {add = true}
        %dma_wait3A_209 = arith.constant 0 : i32
        %dma_wait3A_210 = tpu.memref_slice %arg10[%add3A_171, %dma_wait3A_209] : memref<64x80xi32, #tpu.memory_space<vmem>> -> memref<1x80xi32, #tpu.memory_space<vmem>>
        %dma_wait3A_211 = tpu.memref_squeeze %dma_wait3A_210 : memref<1x80xi32, #tpu.memory_space<vmem>> -> memref<80xi32, #tpu.memory_space<vmem>>
        %dma_wait3A_212 = arith.constant 0 : i32
        %dma_wait3A_213 = arith.constant 0 : i32
        %dma_wait3A_214 = tpu.memref_slice %arg7[%dma_wait3A_212, %dma_wait3A_213] : memref<10112x128xf32, #tpu.memory_space<vmem_shared>> -> memref<10112x128xf32, #tpu.memory_space<vmem_shared>>
        tpu.wait_indirect_dma semaphore(%run_scoped3A_202 : memref<!tpu.dma_semaphore, #tpu.memory_space<semaphore_mem>>) src(%arg12 : memref<80x128xf32, #tpu.memory_space<vmem>>) dst(%dma_wait3A_214 : memref<10112x128xf32, #tpu.memory_space<vmem_shared>>)
        tpu.yield
      }) : () -> ()
      "tpu.region"() ({
        %run_scoped3A_202 = tpu.sem_alloc : memref<!tpu.dma_semaphore, #tpu.memory_space<semaphore_mem>>
        %dma_start3A_203 = arith.constant 0 : i32
        %dma_start3A_204 = tpu.memref_slice %arg10[%add3A_171, %dma_start3A_203] : memref<64x80xi32, #tpu.memory_space<vmem>> -> memref<1x80xi32, #tpu.memory_space<vmem>>
        %dma_start3A_205 = tpu.memref_squeeze %dma_start3A_204 : memref<1x80xi32, #tpu.memory_space<vmem>> -> memref<80xi32, #tpu.memory_space<vmem>>
        %dma_start3A_206 = arith.constant 0 : i32
        %dma_start3A_207 = tpu.memref_slice %arg8[%dma_start3A_206] : memref<10112xf32, #tpu.memory_space<vmem_shared>> -> memref<10112xf32, #tpu.memory_space<vmem_shared>>
        tpu.enqueue_indirect_dma source(%arg14 : memref<80xf32, #tpu.memory_space<vmem>>) target(%dma_start3A_207 : memref<10112xf32, #tpu.memory_space<vmem_shared>>) offsets(%dma_start3A_205 : memref<80xi32, #tpu.memory_space<vmem>>) semaphore(%run_scoped3A_202 : memref<!tpu.dma_semaphore, #tpu.memory_space<semaphore_mem>>) {add = true}
        %dma_wait3A_208 = arith.constant 0 : i32
        %dma_wait3A_209 = tpu.memref_slice %arg10[%add3A_171, %dma_wait3A_208] : memref<64x80xi32, #tpu.memory_space<vmem>> -> memref<1x80xi32, #tpu.memory_space<vmem>>
        %dma_wait3A_210 = tpu.memref_squeeze %dma_wait3A_209 : memref<1x80xi32, #tpu.memory_space<vmem>> -> memref<80xi32, #tpu.memory_space<vmem>>
        %dma_wait3A_211 = arith.constant 0 : i32
        %dma_wait3A_212 = tpu.memref_slice %arg8[%dma_wait3A_211] : memref<10112xf32, #tpu.memory_space<vmem_shared>> -> memref<10112xf32, #tpu.memory_space<vmem_shared>>
        tpu.wait_indirect_dma semaphore(%run_scoped3A_202 : memref<!tpu.dma_semaphore, #tpu.memory_space<semaphore_mem>>) src(%arg14 : memref<80xf32, #tpu.memory_space<vmem>>) dst(%dma_wait3A_212 : memref<10112xf32, #tpu.memory_space<vmem_shared>>)
        tpu.yield
      }) : () -> ()
      %add3A_186 = arith.constant 2 : i32
      %add3A_187 = arith.addi %add3A_154, %add3A_186 : i32
      %dma_wait3A_188 = arith.constant 0 : i32
      %dma_wait3A_189 = arith.constant 0 : i32
      %dma_wait3A_190 = tpu.memref_slice %arg9[%dma_wait3A_188, %dma_wait3A_189] : memref<64x80xi32, #tpu.memory_space<vmem>> -> memref<1x80xi32, #tpu.memory_space<vmem>>
      %dma_wait3A_191 = tpu.memref_squeeze %dma_wait3A_190 : memref<1x80xi32, #tpu.memory_space<vmem>> -> memref<80xi32, #tpu.memory_space<vmem>>
      %dma_wait3A_192 = arith.constant 0 : i32
      %dma_wait3A_193 = arith.constant 0 : i32
      %dma_wait3A_194 = tpu.memref_slice %arg2[%dma_wait3A_192, %dma_wait3A_193] : memref<10000x128xf32, #tpu.memory_space<hbm>> -> memref<10000x128xf32, #tpu.memory_space<hbm>>
      tpu.wait_indirect_dma semaphore(%arg17 : memref<!tpu.dma_semaphore, #tpu.memory_space<semaphore_mem>>) src(%dma_wait3A_194 : memref<10000x128xf32, #tpu.memory_space<hbm>>) dst(%arg13 : memref<80x128xf32, #tpu.memory_space<vmem>>)
      %add3A_195 = arith.constant 2 : i32
      %add3A_196 = arith.addi %add3A_187, %add3A_195 : i32
      %lt3A_197 = arith.constant 61 : i32
      %lt3A_198 = arith.cmpi slt, %add3A_196, %lt3A_197 : i32
      %convert_element_type3A_199 = arith.extui %lt3A_198 : i1 to i32
      %cond3A_200 = arith.constant 0 : i32
      %cond3A_201 = arith.cmpi ne, %convert_element_type3A_199, %cond3A_200 : i32
      scf.if %cond3A_201 {
        %add3A_202 = arith.constant 2 : i32
        %add3A_203 = arith.addi %add3A_187, %add3A_202 : i32
        %dma_start3A_204 = arith.constant 0 : i32
        %dma_start3A_205 = tpu.memref_slice %arg9[%add3A_203, %dma_start3A_204] : memref<64x80xi32, #tpu.memory_space<vmem>> -> memref<1x80xi32, #tpu.memory_space<vmem>>
        %dma_start3A_206 = tpu.memref_squeeze %dma_start3A_205 : memref<1x80xi32, #tpu.memory_space<vmem>> -> memref<80xi32, #tpu.memory_space<vmem>>
        %dma_start3A_207 = arith.constant 0 : i32
        %dma_start3A_208 = arith.constant 0 : i32
        %dma_start3A_209 = tpu.memref_slice %arg2[%dma_start3A_207, %dma_start3A_208] : memref<10000x128xf32, #tpu.memory_space<hbm>> -> memref<10000x128xf32, #tpu.memory_space<hbm>>
        tpu.enqueue_indirect_dma source(%dma_start3A_209 : memref<10000x128xf32, #tpu.memory_space<hbm>>) target(%arg12 : memref<80x128xf32, #tpu.memory_space<vmem>>) offsets(%dma_start3A_206 : memref<80xi32, #tpu.memory_space<vmem>>) semaphore(%arg16 : memref<!tpu.dma_semaphore, #tpu.memory_space<semaphore_mem>>)
      } else {
      }
      "tpu.region"() ({
        %run_scoped3A_202 = tpu.sem_alloc : memref<!tpu.dma_semaphore, #tpu.memory_space<semaphore_mem>>
        %dma_start3A_203 = arith.constant 0 : i32
        %dma_start3A_204 = tpu.memref_slice %arg10[%add3A_187, %dma_start3A_203] : memref<64x80xi32, #tpu.memory_space<vmem>> -> memref<1x80xi32, #tpu.memory_space<vmem>>
        %dma_start3A_205 = tpu.memref_squeeze %dma_start3A_204 : memref<1x80xi32, #tpu.memory_space<vmem>> -> memref<80xi32, #tpu.memory_space<vmem>>
        %dma_start3A_206 = arith.constant 0 : i32
        %dma_start3A_207 = arith.constant 0 : i32
        %dma_start3A_208 = tpu.memref_slice %arg7[%dma_start3A_206, %dma_start3A_207] : memref<10112x128xf32, #tpu.memory_space<vmem_shared>> -> memref<10112x128xf32, #tpu.memory_space<vmem_shared>>
        tpu.enqueue_indirect_dma source(%arg13 : memref<80x128xf32, #tpu.memory_space<vmem>>) target(%dma_start3A_208 : memref<10112x128xf32, #tpu.memory_space<vmem_shared>>) offsets(%dma_start3A_205 : memref<80xi32, #tpu.memory_space<vmem>>) semaphore(%run_scoped3A_202 : memref<!tpu.dma_semaphore, #tpu.memory_space<semaphore_mem>>) {add = true}
        %dma_wait3A_209 = arith.constant 0 : i32
        %dma_wait3A_210 = tpu.memref_slice %arg10[%add3A_187, %dma_wait3A_209] : memref<64x80xi32, #tpu.memory_space<vmem>> -> memref<1x80xi32, #tpu.memory_space<vmem>>
        %dma_wait3A_211 = tpu.memref_squeeze %dma_wait3A_210 : memref<1x80xi32, #tpu.memory_space<vmem>> -> memref<80xi32, #tpu.memory_space<vmem>>
        %dma_wait3A_212 = arith.constant 0 : i32
        %dma_wait3A_213 = arith.constant 0 : i32
        %dma_wait3A_214 = tpu.memref_slice %arg7[%dma_wait3A_212, %dma_wait3A_213] : memref<10112x128xf32, #tpu.memory_space<vmem_shared>> -> memref<10112x128xf32, #tpu.memory_space<vmem_shared>>
        tpu.wait_indirect_dma semaphore(%run_scoped3A_202 : memref<!tpu.dma_semaphore, #tpu.memory_space<semaphore_mem>>) src(%arg13 : memref<80x128xf32, #tpu.memory_space<vmem>>) dst(%dma_wait3A_214 : memref<10112x128xf32, #tpu.memory_space<vmem_shared>>)
        tpu.yield
      }) : () -> ()
      "tpu.region"() ({
        %run_scoped3A_202 = tpu.sem_alloc : memref<!tpu.dma_semaphore, #tpu.memory_space<semaphore_mem>>
        %dma_start3A_203 = arith.constant 0 : i32
        %dma_start3A_204 = tpu.memref_slice %arg10[%add3A_187, %dma_start3A_203] : memref<64x80xi32, #tpu.memory_space<vmem>> -> memref<1x80xi32, #tpu.memory_space<vmem>>
        %dma_start3A_205 = tpu.memref_squeeze %dma_start3A_204 : memref<1x80xi32, #tpu.memory_space<vmem>> -> memref<80xi32, #tpu.memory_space<vmem>>
        %dma_start3A_206 = arith.constant 0 : i32
        %dma_start3A_207 = tpu.memref_slice %arg8[%dma_start3A_206] : memref<10112xf32, #tpu.memory_space<vmem_shared>> -> memref<10112xf32, #tpu.memory_space<vmem_shared>>
        tpu.enqueue_indirect_dma source(%arg14 : memref<80xf32, #tpu.memory_space<vmem>>) target(%dma_start3A_207 : memref<10112xf32, #tpu.memory_space<vmem_shared>>) offsets(%dma_start3A_205 : memref<80xi32, #tpu.memory_space<vmem>>) semaphore(%run_scoped3A_202 : memref<!tpu.dma_semaphore, #tpu.memory_space<semaphore_mem>>) {add = true}
        %dma_wait3A_208 = arith.constant 0 : i32
        %dma_wait3A_209 = tpu.memref_slice %arg10[%add3A_187, %dma_wait3A_208] : memref<64x80xi32, #tpu.memory_space<vmem>> -> memref<1x80xi32, #tpu.memory_space<vmem>>
        %dma_wait3A_210 = tpu.memref_squeeze %dma_wait3A_209 : memref<1x80xi32, #tpu.memory_space<vmem>> -> memref<80xi32, #tpu.memory_space<vmem>>
        %dma_wait3A_211 = arith.constant 0 : i32
        %dma_wait3A_212 = tpu.memref_slice %arg8[%dma_wait3A_211] : memref<10112xf32, #tpu.memory_space<vmem_shared>> -> memref<10112xf32, #tpu.memory_space<vmem_shared>>
        tpu.wait_indirect_dma semaphore(%run_scoped3A_202 : memref<!tpu.dma_semaphore, #tpu.memory_space<semaphore_mem>>) src(%arg14 : memref<80xf32, #tpu.memory_space<vmem>>) dst(%dma_wait3A_212 : memref<10112xf32, #tpu.memory_space<vmem_shared>>)
        tpu.yield
      }) : () -> ()
    }
    %scan3A_133 = arith.constant 20 : i32
    %dma_wait3A_134 = arith.constant 0 : i32
    %dma_wait3A_135 = arith.constant 0 : i32
    %dma_wait3A_136 = tpu.memref_slice %arg9[%dma_wait3A_134, %dma_wait3A_135] : memref<64x80xi32, #tpu.memory_space<vmem>> -> memref<1x80xi32, #tpu.memory_space<vmem>>
    %dma_wait3A_137 = tpu.memref_squeeze %dma_wait3A_136 : memref<1x80xi32, #tpu.memory_space<vmem>> -> memref<80xi32, #tpu.memory_space<vmem>>
    %dma_wait3A_138 = arith.constant 0 : i32
    %dma_wait3A_139 = arith.constant 0 : i32
    %dma_wait3A_140 = tpu.memref_slice %arg2[%dma_wait3A_138, %dma_wait3A_139] : memref<10000x128xf32, #tpu.memory_space<hbm>> -> memref<10000x128xf32, #tpu.memory_space<hbm>>
    tpu.wait_indirect_dma semaphore(%arg15 : memref<!tpu.dma_semaphore, #tpu.memory_space<semaphore_mem>>) src(%dma_wait3A_140 : memref<10000x128xf32, #tpu.memory_space<hbm>>) dst(%arg11 : memref<80x128xf32, #tpu.memory_space<vmem>>)
    %run_scoped3A_141 = arith.constant 60 : i32
    "tpu.region"() ({
      %run_scoped3A_150 = tpu.sem_alloc : memref<!tpu.dma_semaphore, #tpu.memory_space<semaphore_mem>>
      %dma_start3A_151 = arith.constant 0 : i32
      %dma_start3A_152 = tpu.memref_slice %arg10[%run_scoped3A_141, %dma_start3A_151] : memref<64x80xi32, #tpu.memory_space<vmem>> -> memref<1x80xi32, #tpu.memory_space<vmem>>
      %dma_start3A_153 = tpu.memref_squeeze %dma_start3A_152 : memref<1x80xi32, #tpu.memory_space<vmem>> -> memref<80xi32, #tpu.memory_space<vmem>>
      %dma_start3A_154 = arith.constant 0 : i32
      %dma_start3A_155 = arith.constant 0 : i32
      %dma_start3A_156 = tpu.memref_slice %arg7[%dma_start3A_154, %dma_start3A_155] : memref<10112x128xf32, #tpu.memory_space<vmem_shared>> -> memref<10112x128xf32, #tpu.memory_space<vmem_shared>>
      tpu.enqueue_indirect_dma source(%arg11 : memref<80x128xf32, #tpu.memory_space<vmem>>) target(%dma_start3A_156 : memref<10112x128xf32, #tpu.memory_space<vmem_shared>>) offsets(%dma_start3A_153 : memref<80xi32, #tpu.memory_space<vmem>>) semaphore(%run_scoped3A_150 : memref<!tpu.dma_semaphore, #tpu.memory_space<semaphore_mem>>) {add = true}
      %dma_wait3A_157 = arith.constant 0 : i32
      %dma_wait3A_158 = tpu.memref_slice %arg10[%run_scoped3A_141, %dma_wait3A_157] : memref<64x80xi32, #tpu.memory_space<vmem>> -> memref<1x80xi32, #tpu.memory_space<vmem>>
      %dma_wait3A_159 = tpu.memref_squeeze %dma_wait3A_158 : memref<1x80xi32, #tpu.memory_space<vmem>> -> memref<80xi32, #tpu.memory_space<vmem>>
      %dma_wait3A_160 = arith.constant 0 : i32
      %dma_wait3A_161 = arith.constant 0 : i32
      %dma_wait3A_162 = tpu.memref_slice %arg7[%dma_wait3A_160, %dma_wait3A_161] : memref<10112x128xf32, #tpu.memory_space<vmem_shared>> -> memref<10112x128xf32, #tpu.memory_space<vmem_shared>>
      tpu.wait_indirect_dma semaphore(%run_scoped3A_150 : memref<!tpu.dma_semaphore, #tpu.memory_space<semaphore_mem>>) src(%arg11 : memref<80x128xf32, #tpu.memory_space<vmem>>) dst(%dma_wait3A_162 : memref<10112x128xf32, #tpu.memory_space<vmem_shared>>)
      tpu.yield
    }) : () -> ()
    %run_scoped3A_142 = arith.constant 60 : i32
    "tpu.region"() ({
      %run_scoped3A_150 = tpu.sem_alloc : memref<!tpu.dma_semaphore, #tpu.memory_space<semaphore_mem>>
      %dma_start3A_151 = arith.constant 0 : i32
      %dma_start3A_152 = tpu.memref_slice %arg10[%run_scoped3A_142, %dma_start3A_151] : memref<64x80xi32, #tpu.memory_space<vmem>> -> memref<1x80xi32, #tpu.memory_space<vmem>>
      %dma_start3A_153 = tpu.memref_squeeze %dma_start3A_152 : memref<1x80xi32, #tpu.memory_space<vmem>> -> memref<80xi32, #tpu.memory_space<vmem>>
      %dma_start3A_154 = arith.constant 0 : i32
      %dma_start3A_155 = tpu.memref_slice %arg8[%dma_start3A_154] : memref<10112xf32, #tpu.memory_space<vmem_shared>> -> memref<10112xf32, #tpu.memory_space<vmem_shared>>
      tpu.enqueue_indirect_dma source(%arg14 : memref<80xf32, #tpu.memory_space<vmem>>) target(%dma_start3A_155 : memref<10112xf32, #tpu.memory_space<vmem_shared>>) offsets(%dma_start3A_153 : memref<80xi32, #tpu.memory_space<vmem>>) semaphore(%run_scoped3A_150 : memref<!tpu.dma_semaphore, #tpu.memory_space<semaphore_mem>>) {add = true}
      %dma_wait3A_156 = arith.constant 0 : i32
      %dma_wait3A_157 = tpu.memref_slice %arg10[%run_scoped3A_142, %dma_wait3A_156] : memref<64x80xi32, #tpu.memory_space<vmem>> -> memref<1x80xi32, #tpu.memory_space<vmem>>
      %dma_wait3A_158 = tpu.memref_squeeze %dma_wait3A_157 : memref<1x80xi32, #tpu.memory_space<vmem>> -> memref<80xi32, #tpu.memory_space<vmem>>
      %dma_wait3A_159 = arith.constant 0 : i32
      %dma_wait3A_160 = tpu.memref_slice %arg8[%dma_wait3A_159] : memref<10112xf32, #tpu.memory_space<vmem_shared>> -> memref<10112xf32, #tpu.memory_space<vmem_shared>>
      tpu.wait_indirect_dma semaphore(%run_scoped3A_150 : memref<!tpu.dma_semaphore, #tpu.memory_space<semaphore_mem>>) src(%arg14 : memref<80xf32, #tpu.memory_space<vmem>>) dst(%dma_wait3A_160 : memref<10112xf32, #tpu.memory_space<vmem_shared>>)
      tpu.yield
    }) : () -> ()
    %barrier3A_143 = arith.constant 0 : index
    tpu.barrier barrier_id(%barrier3A_143)
    %mul3A_144 = arith.constant 632 : i32
    %mul3A_145 = arith.muli %arg1, %mul3A_144 : i32
    %mul3A_146 = arith.constant 632 : i32
    %mul3A_147 = arith.muli %arg1, %mul3A_146 : i32
    "tpu.region"() ({
      %run_scoped3A_150 = tpu.sem_alloc : memref<!tpu.dma_semaphore, #tpu.memory_space<semaphore_mem>>
      %dma_start3A_151 = arith.constant 0 : i32
      %dma_start3A_152 = tpu.memref_slice %arg5[%arg0, %mul3A_147, %dma_start3A_151] : memref<2x10112x128xf32, #tpu.memory_space<hbm>> -> memref<1x632x128xf32, #tpu.memory_space<hbm>>
      %dma_start3A_153 = tpu.memref_squeeze %dma_start3A_152 : memref<1x632x128xf32, #tpu.memory_space<hbm>> -> memref<632x128xf32, #tpu.memory_space<hbm>>
      %dma_start3A_154 = arith.constant 0 : i32
      %dma_start3A_155 = tpu.memref_slice %arg7[%mul3A_145, %dma_start3A_154] : memref<10112x128xf32, #tpu.memory_space<vmem_shared>> -> memref<632x128xf32, #tpu.memory_space<vmem_shared>>
      tpu.enqueue_dma source(%dma_start3A_155 : memref<632x128xf32, #tpu.memory_space<vmem_shared>>) target(%dma_start3A_153 : memref<632x128xf32, #tpu.memory_space<hbm>>) target_semaphore(%run_scoped3A_150 : memref<!tpu.dma_semaphore, #tpu.memory_space<semaphore_mem>>)
      %dma_wait3A_156 = arith.constant 0 : i32
      %dma_wait3A_157 = tpu.memref_slice %arg5[%arg0, %mul3A_147, %dma_wait3A_156] : memref<2x10112x128xf32, #tpu.memory_space<hbm>> -> memref<1x632x128xf32, #tpu.memory_space<hbm>>
      %dma_wait3A_158 = tpu.memref_squeeze %dma_wait3A_157 : memref<1x632x128xf32, #tpu.memory_space<hbm>> -> memref<632x128xf32, #tpu.memory_space<hbm>>
      %dma_wait3A_159 = arith.constant 0 : i32
      %dma_wait3A_160 = tpu.memref_slice %arg7[%mul3A_145, %dma_wait3A_159] : memref<10112x128xf32, #tpu.memory_space<vmem_shared>> -> memref<632x128xf32, #tpu.memory_space<vmem_shared>>
      tpu.wait_dma2 semaphore(%run_scoped3A_150 : memref<!tpu.dma_semaphore, #tpu.memory_space<semaphore_mem>>) src(%dma_wait3A_160 : memref<632x128xf32, #tpu.memory_space<vmem_shared>>) dst(%dma_wait3A_158 : memref<632x128xf32, #tpu.memory_space<hbm>>)
      tpu.yield
    }) : () -> ()
    %eq3A = arith.constant 0 : i32
    %eq3A_148 = arith.cmpi eq, %arg1, %eq3A : i32
    %convert_element_type3A = arith.extui %eq3A_148 : i1 to i32
    %cond3A = arith.constant 0 : i32
    %cond3A_149 = arith.cmpi ne, %convert_element_type3A, %cond3A : i32
    scf.if %cond3A_149 {
      %run_scoped3A_150 = arith.constant 0 : i32
      "tpu.region"() ({
        %run_scoped3A_151 = tpu.sem_alloc : memref<!tpu.dma_semaphore, #tpu.memory_space<semaphore_mem>>
        %dma_start3A_152 = arith.constant 0 : i32
        %dma_start3A_153 = tpu.memref_slice %arg6[%arg0, %run_scoped3A_150, %dma_start3A_152] : memref<2x1x10112xf32, #tpu.memory_space<hbm>> -> memref<1x1x10112xf32, #tpu.memory_space<hbm>>
        %dma_start3A_154 = tpu.memref_squeeze %dma_start3A_153 : memref<1x1x10112xf32, #tpu.memory_space<hbm>> -> memref<10112xf32, #tpu.memory_space<hbm>>
        tpu.enqueue_dma source(%arg8 : memref<10112xf32, #tpu.memory_space<vmem_shared>>) target(%dma_start3A_154 : memref<10112xf32, #tpu.memory_space<hbm>>) target_semaphore(%run_scoped3A_151 : memref<!tpu.dma_semaphore, #tpu.memory_space<semaphore_mem>>)
        %dma_wait3A_155 = arith.constant 0 : i32
        %dma_wait3A_156 = tpu.memref_slice %arg6[%arg0, %run_scoped3A_150, %dma_wait3A_155] : memref<2x1x10112xf32, #tpu.memory_space<hbm>> -> memref<1x1x10112xf32, #tpu.memory_space<hbm>>
        %dma_wait3A_157 = tpu.memref_squeeze %dma_wait3A_156 : memref<1x1x10112xf32, #tpu.memory_space<hbm>> -> memref<10112xf32, #tpu.memory_space<hbm>>
        tpu.wait_dma2 semaphore(%run_scoped3A_151 : memref<!tpu.dma_semaphore, #tpu.memory_space<semaphore_mem>>) src(%arg8 : memref<10112xf32, #tpu.memory_space<vmem_shared>>) dst(%dma_wait3A_157 : memref<10112xf32, #tpu.memory_space<hbm>>)
        tpu.yield
      }) : () -> ()
    } else {
    }
    return
  }
}

#map = affine_map<(d0, d1) -> (0, 0)>
#map1 = affine_map<(d0, d1) -> (0, 0, 0)>
module attributes {stable_mosaic.version = 14 : i64} {
  func.func @gcn_agg(%arg0: i32, %arg1: i32, %arg2: memref<10112x128xf32, #tpu.memory_space<hbm>>, %arg3: memref<32x125x80xi32, #tpu.memory_space<hbm>>, %arg4: memref<32x125x80xi32, #tpu.memory_space<hbm>>, %arg5: memref<2x10112x128xf32, #tpu.memory_space<hbm>>, %arg6: memref<10112x128xf32, #tpu.memory_space<vmem_shared>>, %arg7: memref<64x80xi32, #tpu.memory_space<vmem>>, %arg8: memref<64x80xi32, #tpu.memory_space<vmem>>, %arg9: memref<80x128xf32, #tpu.memory_space<vmem>>, %arg10: memref<80x128xf32, #tpu.memory_space<vmem>>, %arg11: memref<80x128xf32, #tpu.memory_space<vmem>>, %arg12: memref<!tpu.dma_semaphore, #tpu.memory_space<semaphore_mem>>, %arg13: memref<!tpu.dma_semaphore, #tpu.memory_space<semaphore_mem>>, %arg14: memref<!tpu.dma_semaphore, #tpu.memory_space<semaphore_mem>>) attributes {dimension_semantics = [#tpu.dimension_semantics<core_parallel>, #tpu.dimension_semantics<subcore_parallel>], iteration_bounds = array<i64: 2, 16>, scalar_prefetch = 0 : i64, scratch_operands = 9 : i64, tpu.core_type = #tpu.core_type<sc_vector_subcore>, window_params = [{transform_indices = #map}, {transform_indices = #map1}, {transform_indices = #map1}, {transform_indices = #map1}]} {
    %mul3A = arith.constant 2 : i32
    %mul3A_0 = arith.muli %arg1, %mul3A : i32
    %add3A = arith.addi %mul3A_0, %arg0 : i32
    %scan3A = arith.constant 0 : i32
    %scan3A_1 = arith.constant 80 : i32
    %scan3A_2 = arith.addi %scan3A, %scan3A_1 : i32
    %scan3A_3 = arith.constant 1 : i32
    scf.for %scan3A_93 = %scan3A to %scan3A_2 step %scan3A_3  : i32 {
      %mul3A_94 = arith.constant 1 : i32
      %mul3A_95 = arith.muli %scan3A_93, %mul3A_94 : i32
      %add3A_96 = arith.constant 0 : i32
      %add3A_97 = arith.addi %add3A_96, %mul3A_95 : i32
      %broadcast_in_dim3A = arith.constant 0.000000e+00 : f32
      %broadcast_in_dim3A_98 = vector.broadcast %broadcast_in_dim3A : f32 to vector<16xf32>
      %swap3A = arith.index_cast %add3A_97 : i32 to index
      %swap3A_99 = arith.constant 0 : index
      %swap3A_100 = tpu.vector_load %arg9[%swap3A, %swap3A_99] {strides = array<i32>} : memref<80x128xf32, #tpu.memory_space<vmem>>, vector<1x16xf32>,
      %swap3A_101 = vector.shape_cast %swap3A_100 : vector<1x16xf32> to vector<16xf32>
      %swap3A_102 = vector.shape_cast %broadcast_in_dim3A_98 : vector<16xf32> to vector<1x16xf32>
      tpu.vector_store %arg9[%swap3A, %swap3A_99], %swap3A_102 {strides = array<i32>} : memref<80x128xf32, #tpu.memory_space<vmem>>, vector<1x16xf32>,
      %broadcast_in_dim3A_103 = arith.constant 0.000000e+00 : f32
      %broadcast_in_dim3A_104 = vector.broadcast %broadcast_in_dim3A_103 : f32 to vector<16xf32>
      %swap3A_105 = arith.index_cast %add3A_97 : i32 to index
      %swap3A_106 = arith.constant 16 : index
      %swap3A_107 = tpu.vector_load %arg9[%swap3A_105, %swap3A_106] {strides = array<i32>} : memref<80x128xf32, #tpu.memory_space<vmem>>, vector<1x16xf32>,
      %swap3A_108 = vector.shape_cast %swap3A_107 : vector<1x16xf32> to vector<16xf32>
      %swap3A_109 = vector.shape_cast %broadcast_in_dim3A_104 : vector<16xf32> to vector<1x16xf32>
      tpu.vector_store %arg9[%swap3A_105, %swap3A_106], %swap3A_109 {strides = array<i32>} : memref<80x128xf32, #tpu.memory_space<vmem>>, vector<1x16xf32>,
      %broadcast_in_dim3A_110 = arith.constant 0.000000e+00 : f32
      %broadcast_in_dim3A_111 = vector.broadcast %broadcast_in_dim3A_110 : f32 to vector<16xf32>
      %swap3A_112 = arith.index_cast %add3A_97 : i32 to index
      %swap3A_113 = arith.constant 32 : index
      %swap3A_114 = tpu.vector_load %arg9[%swap3A_112, %swap3A_113] {strides = array<i32>} : memref<80x128xf32, #tpu.memory_space<vmem>>, vector<1x16xf32>,
      %swap3A_115 = vector.shape_cast %swap3A_114 : vector<1x16xf32> to vector<16xf32>
      %swap3A_116 = vector.shape_cast %broadcast_in_dim3A_111 : vector<16xf32> to vector<1x16xf32>
      tpu.vector_store %arg9[%swap3A_112, %swap3A_113], %swap3A_116 {strides = array<i32>} : memref<80x128xf32, #tpu.memory_space<vmem>>, vector<1x16xf32>,
      %broadcast_in_dim3A_117 = arith.constant 0.000000e+00 : f32
      %broadcast_in_dim3A_118 = vector.broadcast %broadcast_in_dim3A_117 : f32 to vector<16xf32>
      %swap3A_119 = arith.index_cast %add3A_97 : i32 to index
      %swap3A_120 = arith.constant 48 : index
      %swap3A_121 = tpu.vector_load %arg9[%swap3A_119, %swap3A_120] {strides = array<i32>} : memref<80x128xf32, #tpu.memory_space<vmem>>, vector<1x16xf32>,
      %swap3A_122 = vector.shape_cast %swap3A_121 : vector<1x16xf32> to vector<16xf32>
      %swap3A_123 = vector.shape_cast %broadcast_in_dim3A_118 : vector<16xf32> to vector<1x16xf32>
      tpu.vector_store %arg9[%swap3A_119, %swap3A_120], %swap3A_123 {strides = array<i32>} : memref<80x128xf32, #tpu.memory_space<vmem>>, vector<1x16xf32>,
      %broadcast_in_dim3A_124 = arith.constant 0.000000e+00 : f32
      %broadcast_in_dim3A_125 = vector.broadcast %broadcast_in_dim3A_124 : f32 to vector<16xf32>
      %swap3A_126 = arith.index_cast %add3A_97 : i32 to index
      %swap3A_127 = arith.constant 64 : index
      %swap3A_128 = tpu.vector_load %arg9[%swap3A_126, %swap3A_127] {strides = array<i32>} : memref<80x128xf32, #tpu.memory_space<vmem>>, vector<1x16xf32>,
      %swap3A_129 = vector.shape_cast %swap3A_128 : vector<1x16xf32> to vector<16xf32>
      %swap3A_130 = vector.shape_cast %broadcast_in_dim3A_125 : vector<16xf32> to vector<1x16xf32>
      tpu.vector_store %arg9[%swap3A_126, %swap3A_127], %swap3A_130 {strides = array<i32>} : memref<80x128xf32, #tpu.memory_space<vmem>>, vector<1x16xf32>,
      %broadcast_in_dim3A_131 = arith.constant 0.000000e+00 : f32
      %broadcast_in_dim3A_132 = vector.broadcast %broadcast_in_dim3A_131 : f32 to vector<16xf32>
      %swap3A_133 = arith.index_cast %add3A_97 : i32 to index
      %swap3A_134 = arith.constant 80 : index
      %swap3A_135 = tpu.vector_load %arg9[%swap3A_133, %swap3A_134] {strides = array<i32>} : memref<80x128xf32, #tpu.memory_space<vmem>>, vector<1x16xf32>,
      %swap3A_136 = vector.shape_cast %swap3A_135 : vector<1x16xf32> to vector<16xf32>
      %swap3A_137 = vector.shape_cast %broadcast_in_dim3A_132 : vector<16xf32> to vector<1x16xf32>
      tpu.vector_store %arg9[%swap3A_133, %swap3A_134], %swap3A_137 {strides = array<i32>} : memref<80x128xf32, #tpu.memory_space<vmem>>, vector<1x16xf32>,
      %broadcast_in_dim3A_138 = arith.constant 0.000000e+00 : f32
      %broadcast_in_dim3A_139 = vector.broadcast %broadcast_in_dim3A_138 : f32 to vector<16xf32>
      %swap3A_140 = arith.index_cast %add3A_97 : i32 to index
      %swap3A_141 = arith.constant 96 : index
      %swap3A_142 = tpu.vector_load %arg9[%swap3A_140, %swap3A_141] {strides = array<i32>} : memref<80x128xf32, #tpu.memory_space<vmem>>, vector<1x16xf32>,
      %swap3A_143 = vector.shape_cast %swap3A_142 : vector<1x16xf32> to vector<16xf32>
      %swap3A_144 = vector.shape_cast %broadcast_in_dim3A_139 : vector<16xf32> to vector<1x16xf32>
      tpu.vector_store %arg9[%swap3A_140, %swap3A_141], %swap3A_144 {strides = array<i32>} : memref<80x128xf32, #tpu.memory_space<vmem>>, vector<1x16xf32>,
      %broadcast_in_dim3A_145 = arith.constant 0.000000e+00 : f32
      %broadcast_in_dim3A_146 = vector.broadcast %broadcast_in_dim3A_145 : f32 to vector<16xf32>
      %swap3A_147 = arith.index_cast %add3A_97 : i32 to index
      %swap3A_148 = arith.constant 112 : index
      %swap3A_149 = tpu.vector_load %arg9[%swap3A_147, %swap3A_148] {strides = array<i32>} : memref<80x128xf32, #tpu.memory_space<vmem>>, vector<1x16xf32>,
      %swap3A_150 = vector.shape_cast %swap3A_149 : vector<1x16xf32> to vector<16xf32>
      %swap3A_151 = vector.shape_cast %broadcast_in_dim3A_146 : vector<16xf32> to vector<1x16xf32>
      tpu.vector_store %arg9[%swap3A_147, %swap3A_148], %swap3A_151 {strides = array<i32>} : memref<80x128xf32, #tpu.memory_space<vmem>>, vector<1x16xf32>,
    }
    %scan3A_4 = arith.constant 80 : i32
    %mul3A_5 = arith.constant 632 : i32
    %mul3A_6 = arith.muli %arg1, %mul3A_5 : i32
    %add3A_7 = arith.constant 0 : i32
    %add3A_8 = arith.addi %mul3A_6, %add3A_7 : i32
    "tpu.region"() ({
      %run_scoped3A_93 = tpu.sem_alloc : memref<!tpu.dma_semaphore, #tpu.memory_space<semaphore_mem>>
      %dma_start3A_94 = arith.constant 0 : i32
      %dma_start3A_95 = tpu.memref_slice %arg6[%add3A_8, %dma_start3A_94] : memref<10112x128xf32, #tpu.memory_space<vmem_shared>> -> memref<80x128xf32, #tpu.memory_space<vmem_shared>>
      %dma_start3A_96 = arith.constant 0 : i32
      %dma_start3A_97 = tpu.memref_slice %arg6[%add3A_8, %dma_start3A_96] : memref<10112x128xf32, #tpu.memory_space<vmem_shared>> -> memref<80x128xf32, #tpu.memory_space<vmem_shared>>
      tpu.enqueue_dma source(%arg9 : memref<80x128xf32, #tpu.memory_space<vmem>>) target(%dma_start3A_97 : memref<80x128xf32, #tpu.memory_space<vmem_shared>>) target_semaphore(%run_scoped3A_93 : memref<!tpu.dma_semaphore, #tpu.memory_space<semaphore_mem>>)
      %dma_wait3A_98 = arith.constant 0 : i32
      %dma_wait3A_99 = tpu.memref_slice %arg6[%add3A_8, %dma_wait3A_98] : memref<10112x128xf32, #tpu.memory_space<vmem_shared>> -> memref<80x128xf32, #tpu.memory_space<vmem_shared>>
      %dma_wait3A_100 = arith.constant 0 : i32
      %dma_wait3A_101 = tpu.memref_slice %arg6[%add3A_8, %dma_wait3A_100] : memref<10112x128xf32, #tpu.memory_space<vmem_shared>> -> memref<80x128xf32, #tpu.memory_space<vmem_shared>>
      tpu.wait_dma2 semaphore(%run_scoped3A_93 : memref<!tpu.dma_semaphore, #tpu.memory_space<semaphore_mem>>) src(%arg9 : memref<80x128xf32, #tpu.memory_space<vmem>>) dst(%dma_wait3A_101 : memref<80x128xf32, #tpu.memory_space<vmem_shared>>)
      tpu.yield
    }) : () -> ()
    %mul3A_9 = arith.constant 632 : i32
    %mul3A_10 = arith.muli %arg1, %mul3A_9 : i32
    %add3A_11 = arith.constant 80 : i32
    %add3A_12 = arith.addi %mul3A_10, %add3A_11 : i32
    "tpu.region"() ({
      %run_scoped3A_93 = tpu.sem_alloc : memref<!tpu.dma_semaphore, #tpu.memory_space<semaphore_mem>>
      %dma_start3A_94 = arith.constant 0 : i32
      %dma_start3A_95 = tpu.memref_slice %arg6[%add3A_12, %dma_start3A_94] : memref<10112x128xf32, #tpu.memory_space<vmem_shared>> -> memref<80x128xf32, #tpu.memory_space<vmem_shared>>
      %dma_start3A_96 = arith.constant 0 : i32
      %dma_start3A_97 = tpu.memref_slice %arg6[%add3A_12, %dma_start3A_96] : memref<10112x128xf32, #tpu.memory_space<vmem_shared>> -> memref<80x128xf32, #tpu.memory_space<vmem_shared>>
      tpu.enqueue_dma source(%arg9 : memref<80x128xf32, #tpu.memory_space<vmem>>) target(%dma_start3A_97 : memref<80x128xf32, #tpu.memory_space<vmem_shared>>) target_semaphore(%run_scoped3A_93 : memref<!tpu.dma_semaphore, #tpu.memory_space<semaphore_mem>>)
      %dma_wait3A_98 = arith.constant 0 : i32
      %dma_wait3A_99 = tpu.memref_slice %arg6[%add3A_12, %dma_wait3A_98] : memref<10112x128xf32, #tpu.memory_space<vmem_shared>> -> memref<80x128xf32, #tpu.memory_space<vmem_shared>>
      %dma_wait3A_100 = arith.constant 0 : i32
      %dma_wait3A_101 = tpu.memref_slice %arg6[%add3A_12, %dma_wait3A_100] : memref<10112x128xf32, #tpu.memory_space<vmem_shared>> -> memref<80x128xf32, #tpu.memory_space<vmem_shared>>
      tpu.wait_dma2 semaphore(%run_scoped3A_93 : memref<!tpu.dma_semaphore, #tpu.memory_space<semaphore_mem>>) src(%arg9 : memref<80x128xf32, #tpu.memory_space<vmem>>) dst(%dma_wait3A_101 : memref<80x128xf32, #tpu.memory_space<vmem_shared>>)
      tpu.yield
    }) : () -> ()
    %mul3A_13 = arith.constant 632 : i32
    %mul3A_14 = arith.muli %arg1, %mul3A_13 : i32
    %add3A_15 = arith.constant 160 : i32
    %add3A_16 = arith.addi %mul3A_14, %add3A_15 : i32
    "tpu.region"() ({
      %run_scoped3A_93 = tpu.sem_alloc : memref<!tpu.dma_semaphore, #tpu.memory_space<semaphore_mem>>
      %dma_start3A_94 = arith.constant 0 : i32
      %dma_start3A_95 = tpu.memref_slice %arg6[%add3A_16, %dma_start3A_94] : memref<10112x128xf32, #tpu.memory_space<vmem_shared>> -> memref<80x128xf32, #tpu.memory_space<vmem_shared>>
      %dma_start3A_96 = arith.constant 0 : i32
      %dma_start3A_97 = tpu.memref_slice %arg6[%add3A_16, %dma_start3A_96] : memref<10112x128xf32, #tpu.memory_space<vmem_shared>> -> memref<80x128xf32, #tpu.memory_space<vmem_shared>>
      tpu.enqueue_dma source(%arg9 : memref<80x128xf32, #tpu.memory_space<vmem>>) target(%dma_start3A_97 : memref<80x128xf32, #tpu.memory_space<vmem_shared>>) target_semaphore(%run_scoped3A_93 : memref<!tpu.dma_semaphore, #tpu.memory_space<semaphore_mem>>)
      %dma_wait3A_98 = arith.constant 0 : i32
      %dma_wait3A_99 = tpu.memref_slice %arg6[%add3A_16, %dma_wait3A_98] : memref<10112x128xf32, #tpu.memory_space<vmem_shared>> -> memref<80x128xf32, #tpu.memory_space<vmem_shared>>
      %dma_wait3A_100 = arith.constant 0 : i32
      %dma_wait3A_101 = tpu.memref_slice %arg6[%add3A_16, %dma_wait3A_100] : memref<10112x128xf32, #tpu.memory_space<vmem_shared>> -> memref<80x128xf32, #tpu.memory_space<vmem_shared>>
      tpu.wait_dma2 semaphore(%run_scoped3A_93 : memref<!tpu.dma_semaphore, #tpu.memory_space<semaphore_mem>>) src(%arg9 : memref<80x128xf32, #tpu.memory_space<vmem>>) dst(%dma_wait3A_101 : memref<80x128xf32, #tpu.memory_space<vmem_shared>>)
      tpu.yield
    }) : () -> ()
    %mul3A_17 = arith.constant 632 : i32
    %mul3A_18 = arith.muli %arg1, %mul3A_17 : i32
    %add3A_19 = arith.constant 240 : i32
    %add3A_20 = arith.addi %mul3A_18, %add3A_19 : i32
    "tpu.region"() ({
      %run_scoped3A_93 = tpu.sem_alloc : memref<!tpu.dma_semaphore, #tpu.memory_space<semaphore_mem>>
      %dma_start3A_94 = arith.constant 0 : i32
      %dma_start3A_95 = tpu.memref_slice %arg6[%add3A_20, %dma_start3A_94] : memref<10112x128xf32, #tpu.memory_space<vmem_shared>> -> memref<80x128xf32, #tpu.memory_space<vmem_shared>>
      %dma_start3A_96 = arith.constant 0 : i32
      %dma_start3A_97 = tpu.memref_slice %arg6[%add3A_20, %dma_start3A_96] : memref<10112x128xf32, #tpu.memory_space<vmem_shared>> -> memref<80x128xf32, #tpu.memory_space<vmem_shared>>
      tpu.enqueue_dma source(%arg9 : memref<80x128xf32, #tpu.memory_space<vmem>>) target(%dma_start3A_97 : memref<80x128xf32, #tpu.memory_space<vmem_shared>>) target_semaphore(%run_scoped3A_93 : memref<!tpu.dma_semaphore, #tpu.memory_space<semaphore_mem>>)
      %dma_wait3A_98 = arith.constant 0 : i32
      %dma_wait3A_99 = tpu.memref_slice %arg6[%add3A_20, %dma_wait3A_98] : memref<10112x128xf32, #tpu.memory_space<vmem_shared>> -> memref<80x128xf32, #tpu.memory_space<vmem_shared>>
      %dma_wait3A_100 = arith.constant 0 : i32
      %dma_wait3A_101 = tpu.memref_slice %arg6[%add3A_20, %dma_wait3A_100] : memref<10112x128xf32, #tpu.memory_space<vmem_shared>> -> memref<80x128xf32, #tpu.memory_space<vmem_shared>>
      tpu.wait_dma2 semaphore(%run_scoped3A_93 : memref<!tpu.dma_semaphore, #tpu.memory_space<semaphore_mem>>) src(%arg9 : memref<80x128xf32, #tpu.memory_space<vmem>>) dst(%dma_wait3A_101 : memref<80x128xf32, #tpu.memory_space<vmem_shared>>)
      tpu.yield
    }) : () -> ()
    %mul3A_21 = arith.constant 632 : i32
    %mul3A_22 = arith.muli %arg1, %mul3A_21 : i32
    %add3A_23 = arith.constant 320 : i32
    %add3A_24 = arith.addi %mul3A_22, %add3A_23 : i32
    "tpu.region"() ({
      %run_scoped3A_93 = tpu.sem_alloc : memref<!tpu.dma_semaphore, #tpu.memory_space<semaphore_mem>>
      %dma_start3A_94 = arith.constant 0 : i32
      %dma_start3A_95 = tpu.memref_slice %arg6[%add3A_24, %dma_start3A_94] : memref<10112x128xf32, #tpu.memory_space<vmem_shared>> -> memref<80x128xf32, #tpu.memory_space<vmem_shared>>
      %dma_start3A_96 = arith.constant 0 : i32
      %dma_start3A_97 = tpu.memref_slice %arg6[%add3A_24, %dma_start3A_96] : memref<10112x128xf32, #tpu.memory_space<vmem_shared>> -> memref<80x128xf32, #tpu.memory_space<vmem_shared>>
      tpu.enqueue_dma source(%arg9 : memref<80x128xf32, #tpu.memory_space<vmem>>) target(%dma_start3A_97 : memref<80x128xf32, #tpu.memory_space<vmem_shared>>) target_semaphore(%run_scoped3A_93 : memref<!tpu.dma_semaphore, #tpu.memory_space<semaphore_mem>>)
      %dma_wait3A_98 = arith.constant 0 : i32
      %dma_wait3A_99 = tpu.memref_slice %arg6[%add3A_24, %dma_wait3A_98] : memref<10112x128xf32, #tpu.memory_space<vmem_shared>> -> memref<80x128xf32, #tpu.memory_space<vmem_shared>>
      %dma_wait3A_100 = arith.constant 0 : i32
      %dma_wait3A_101 = tpu.memref_slice %arg6[%add3A_24, %dma_wait3A_100] : memref<10112x128xf32, #tpu.memory_space<vmem_shared>> -> memref<80x128xf32, #tpu.memory_space<vmem_shared>>
      tpu.wait_dma2 semaphore(%run_scoped3A_93 : memref<!tpu.dma_semaphore, #tpu.memory_space<semaphore_mem>>) src(%arg9 : memref<80x128xf32, #tpu.memory_space<vmem>>) dst(%dma_wait3A_101 : memref<80x128xf32, #tpu.memory_space<vmem_shared>>)
      tpu.yield
    }) : () -> ()
    %mul3A_25 = arith.constant 632 : i32
    %mul3A_26 = arith.muli %arg1, %mul3A_25 : i32
    %add3A_27 = arith.constant 400 : i32
    %add3A_28 = arith.addi %mul3A_26, %add3A_27 : i32
    "tpu.region"() ({
      %run_scoped3A_93 = tpu.sem_alloc : memref<!tpu.dma_semaphore, #tpu.memory_space<semaphore_mem>>
      %dma_start3A_94 = arith.constant 0 : i32
      %dma_start3A_95 = tpu.memref_slice %arg6[%add3A_28, %dma_start3A_94] : memref<10112x128xf32, #tpu.memory_space<vmem_shared>> -> memref<80x128xf32, #tpu.memory_space<vmem_shared>>
      %dma_start3A_96 = arith.constant 0 : i32
      %dma_start3A_97 = tpu.memref_slice %arg6[%add3A_28, %dma_start3A_96] : memref<10112x128xf32, #tpu.memory_space<vmem_shared>> -> memref<80x128xf32, #tpu.memory_space<vmem_shared>>
      tpu.enqueue_dma source(%arg9 : memref<80x128xf32, #tpu.memory_space<vmem>>) target(%dma_start3A_97 : memref<80x128xf32, #tpu.memory_space<vmem_shared>>) target_semaphore(%run_scoped3A_93 : memref<!tpu.dma_semaphore, #tpu.memory_space<semaphore_mem>>)
      %dma_wait3A_98 = arith.constant 0 : i32
      %dma_wait3A_99 = tpu.memref_slice %arg6[%add3A_28, %dma_wait3A_98] : memref<10112x128xf32, #tpu.memory_space<vmem_shared>> -> memref<80x128xf32, #tpu.memory_space<vmem_shared>>
      %dma_wait3A_100 = arith.constant 0 : i32
      %dma_wait3A_101 = tpu.memref_slice %arg6[%add3A_28, %dma_wait3A_100] : memref<10112x128xf32, #tpu.memory_space<vmem_shared>> -> memref<80x128xf32, #tpu.memory_space<vmem_shared>>
      tpu.wait_dma2 semaphore(%run_scoped3A_93 : memref<!tpu.dma_semaphore, #tpu.memory_space<semaphore_mem>>) src(%arg9 : memref<80x128xf32, #tpu.memory_space<vmem>>) dst(%dma_wait3A_101 : memref<80x128xf32, #tpu.memory_space<vmem_shared>>)
      tpu.yield
    }) : () -> ()
    %mul3A_29 = arith.constant 632 : i32
    %mul3A_30 = arith.muli %arg1, %mul3A_29 : i32
    %add3A_31 = arith.constant 480 : i32
    %add3A_32 = arith.addi %mul3A_30, %add3A_31 : i32
    "tpu.region"() ({
      %run_scoped3A_93 = tpu.sem_alloc : memref<!tpu.dma_semaphore, #tpu.memory_space<semaphore_mem>>
      %dma_start3A_94 = arith.constant 0 : i32
      %dma_start3A_95 = tpu.memref_slice %arg6[%add3A_32, %dma_start3A_94] : memref<10112x128xf32, #tpu.memory_space<vmem_shared>> -> memref<80x128xf32, #tpu.memory_space<vmem_shared>>
      %dma_start3A_96 = arith.constant 0 : i32
      %dma_start3A_97 = tpu.memref_slice %arg6[%add3A_32, %dma_start3A_96] : memref<10112x128xf32, #tpu.memory_space<vmem_shared>> -> memref<80x128xf32, #tpu.memory_space<vmem_shared>>
      tpu.enqueue_dma source(%arg9 : memref<80x128xf32, #tpu.memory_space<vmem>>) target(%dma_start3A_97 : memref<80x128xf32, #tpu.memory_space<vmem_shared>>) target_semaphore(%run_scoped3A_93 : memref<!tpu.dma_semaphore, #tpu.memory_space<semaphore_mem>>)
      %dma_wait3A_98 = arith.constant 0 : i32
      %dma_wait3A_99 = tpu.memref_slice %arg6[%add3A_32, %dma_wait3A_98] : memref<10112x128xf32, #tpu.memory_space<vmem_shared>> -> memref<80x128xf32, #tpu.memory_space<vmem_shared>>
      %dma_wait3A_100 = arith.constant 0 : i32
      %dma_wait3A_101 = tpu.memref_slice %arg6[%add3A_32, %dma_wait3A_100] : memref<10112x128xf32, #tpu.memory_space<vmem_shared>> -> memref<80x128xf32, #tpu.memory_space<vmem_shared>>
      tpu.wait_dma2 semaphore(%run_scoped3A_93 : memref<!tpu.dma_semaphore, #tpu.memory_space<semaphore_mem>>) src(%arg9 : memref<80x128xf32, #tpu.memory_space<vmem>>) dst(%dma_wait3A_101 : memref<80x128xf32, #tpu.memory_space<vmem_shared>>)
      tpu.yield
    }) : () -> ()
    %mul3A_33 = arith.constant 632 : i32
    %mul3A_34 = arith.muli %arg1, %mul3A_33 : i32
    %add3A_35 = arith.constant 560 : i32
    %add3A_36 = arith.addi %mul3A_34, %add3A_35 : i32
    "tpu.region"() ({
      %run_scoped3A_93 = tpu.sem_alloc : memref<!tpu.dma_semaphore, #tpu.memory_space<semaphore_mem>>
      %dma_start3A_94 = arith.constant 0 : i32
      %dma_start3A_95 = arith.constant 0 : i32
      %dma_start3A_96 = tpu.memref_slice %arg9[%dma_start3A_94, %dma_start3A_95] : memref<80x128xf32, #tpu.memory_space<vmem>> -> memref<72x128xf32, #tpu.memory_space<vmem>>
      %dma_start3A_97 = arith.constant 0 : i32
      %dma_start3A_98 = tpu.memref_slice %arg6[%add3A_36, %dma_start3A_97] : memref<10112x128xf32, #tpu.memory_space<vmem_shared>> -> memref<72x128xf32, #tpu.memory_space<vmem_shared>>
      %dma_start3A_99 = arith.constant 0 : i32
      %dma_start3A_100 = tpu.memref_slice %arg6[%add3A_36, %dma_start3A_99] : memref<10112x128xf32, #tpu.memory_space<vmem_shared>> -> memref<72x128xf32, #tpu.memory_space<vmem_shared>>
      %dma_start3A_101 = arith.constant 0 : i32
      %dma_start3A_102 = arith.constant 0 : i32
      %dma_start3A_103 = tpu.memref_slice %arg9[%dma_start3A_101, %dma_start3A_102] : memref<80x128xf32, #tpu.memory_space<vmem>> -> memref<72x128xf32, #tpu.memory_space<vmem>>
      tpu.enqueue_dma source(%dma_start3A_103 : memref<72x128xf32, #tpu.memory_space<vmem>>) target(%dma_start3A_100 : memref<72x128xf32, #tpu.memory_space<vmem_shared>>) target_semaphore(%run_scoped3A_93 : memref<!tpu.dma_semaphore, #tpu.memory_space<semaphore_mem>>)
      %dma_wait3A_104 = arith.constant 0 : i32
      %dma_wait3A_105 = arith.constant 0 : i32
      %dma_wait3A_106 = tpu.memref_slice %arg9[%dma_wait3A_104, %dma_wait3A_105] : memref<80x128xf32, #tpu.memory_space<vmem>> -> memref<72x128xf32, #tpu.memory_space<vmem>>
      %dma_wait3A_107 = arith.constant 0 : i32
      %dma_wait3A_108 = tpu.memref_slice %arg6[%add3A_36, %dma_wait3A_107] : memref<10112x128xf32, #tpu.memory_space<vmem_shared>> -> memref<72x128xf32, #tpu.memory_space<vmem_shared>>
      %dma_wait3A_109 = arith.constant 0 : i32
      %dma_wait3A_110 = tpu.memref_slice %arg6[%add3A_36, %dma_wait3A_109] : memref<10112x128xf32, #tpu.memory_space<vmem_shared>> -> memref<72x128xf32, #tpu.memory_space<vmem_shared>>
      %dma_wait3A_111 = arith.constant 0 : i32
      %dma_wait3A_112 = arith.constant 0 : i32
      %dma_wait3A_113 = tpu.memref_slice %arg9[%dma_wait3A_111, %dma_wait3A_112] : memref<80x128xf32, #tpu.memory_space<vmem>> -> memref<72x128xf32, #tpu.memory_space<vmem>>
      tpu.wait_dma2 semaphore(%run_scoped3A_93 : memref<!tpu.dma_semaphore, #tpu.memory_space<semaphore_mem>>) src(%dma_wait3A_113 : memref<72x128xf32, #tpu.memory_space<vmem>>) dst(%dma_wait3A_110 : memref<72x128xf32, #tpu.memory_space<vmem_shared>>)
      tpu.yield
    }) : () -> ()
    %barrier3A = arith.constant 0 : index
    tpu.barrier barrier_id(%barrier3A)
    "tpu.region"() ({
      %run_scoped3A_93 = tpu.sem_alloc : memref<!tpu.dma_semaphore, #tpu.memory_space<semaphore_mem>>
      %dma_start3A_94 = arith.constant 0 : i32
      %dma_start3A_95 = arith.constant 0 : i32
      %dma_start3A_96 = tpu.memref_slice %arg7[%dma_start3A_94, %dma_start3A_95] : memref<64x80xi32, #tpu.memory_space<vmem>> -> memref<64x80xi32, #tpu.memory_space<vmem>>
      %dma_start3A_97 = arith.constant 0 : i32
      %dma_start3A_98 = arith.constant 0 : i32
      %dma_start3A_99 = tpu.memref_slice %arg3[%add3A, %dma_start3A_97, %dma_start3A_98] : memref<32x125x80xi32, #tpu.memory_space<hbm>> -> memref<1x64x80xi32, #tpu.memory_space<hbm>>
      %dma_start3A_100 = tpu.memref_squeeze %dma_start3A_99 : memref<1x64x80xi32, #tpu.memory_space<hbm>> -> memref<64x80xi32, #tpu.memory_space<hbm>>
      %dma_start3A_101 = arith.constant 0 : i32
      %dma_start3A_102 = arith.constant 0 : i32
      %dma_start3A_103 = tpu.memref_slice %arg7[%dma_start3A_101, %dma_start3A_102] : memref<64x80xi32, #tpu.memory_space<vmem>> -> memref<64x80xi32, #tpu.memory_space<vmem>>
      %dma_start3A_104 = arith.constant 0 : i32
      %dma_start3A_105 = arith.constant 0 : i32
      %dma_start3A_106 = tpu.memref_slice %arg3[%add3A, %dma_start3A_104, %dma_start3A_105] : memref<32x125x80xi32, #tpu.memory_space<hbm>> -> memref<1x64x80xi32, #tpu.memory_space<hbm>>
      %dma_start3A_107 = tpu.memref_squeeze %dma_start3A_106 : memref<1x64x80xi32, #tpu.memory_space<hbm>> -> memref<64x80xi32, #tpu.memory_space<hbm>>
      tpu.enqueue_dma source(%dma_start3A_107 : memref<64x80xi32, #tpu.memory_space<hbm>>) target(%dma_start3A_103 : memref<64x80xi32, #tpu.memory_space<vmem>>) target_semaphore(%run_scoped3A_93 : memref<!tpu.dma_semaphore, #tpu.memory_space<semaphore_mem>>)
      %dma_wait3A_108 = arith.constant 0 : i32
      %dma_wait3A_109 = arith.constant 0 : i32
      %dma_wait3A_110 = tpu.memref_slice %arg7[%dma_wait3A_108, %dma_wait3A_109] : memref<64x80xi32, #tpu.memory_space<vmem>> -> memref<64x80xi32, #tpu.memory_space<vmem>>
      %dma_wait3A_111 = arith.constant 0 : i32
      %dma_wait3A_112 = arith.constant 0 : i32
      %dma_wait3A_113 = tpu.memref_slice %arg3[%add3A, %dma_wait3A_111, %dma_wait3A_112] : memref<32x125x80xi32, #tpu.memory_space<hbm>> -> memref<1x64x80xi32, #tpu.memory_space<hbm>>
      %dma_wait3A_114 = tpu.memref_squeeze %dma_wait3A_113 : memref<1x64x80xi32, #tpu.memory_space<hbm>> -> memref<64x80xi32, #tpu.memory_space<hbm>>
      %dma_wait3A_115 = arith.constant 0 : i32
      %dma_wait3A_116 = arith.constant 0 : i32
      %dma_wait3A_117 = tpu.memref_slice %arg7[%dma_wait3A_115, %dma_wait3A_116] : memref<64x80xi32, #tpu.memory_space<vmem>> -> memref<64x80xi32, #tpu.memory_space<vmem>>
      %dma_wait3A_118 = arith.constant 0 : i32
      %dma_wait3A_119 = arith.constant 0 : i32
      %dma_wait3A_120 = tpu.memref_slice %arg3[%add3A, %dma_wait3A_118, %dma_wait3A_119] : memref<32x125x80xi32, #tpu.memory_space<hbm>> -> memref<1x64x80xi32, #tpu.memory_space<hbm>>
      %dma_wait3A_121 = tpu.memref_squeeze %dma_wait3A_120 : memref<1x64x80xi32, #tpu.memory_space<hbm>> -> memref<64x80xi32, #tpu.memory_space<hbm>>
      tpu.wait_dma2 semaphore(%run_scoped3A_93 : memref<!tpu.dma_semaphore, #tpu.memory_space<semaphore_mem>>) src(%dma_wait3A_121 : memref<64x80xi32, #tpu.memory_space<hbm>>) dst(%dma_wait3A_117 : memref<64x80xi32, #tpu.memory_space<vmem>>)
      tpu.yield
    }) : () -> ()
    "tpu.region"() ({
      %run_scoped3A_93 = tpu.sem_alloc : memref<!tpu.dma_semaphore, #tpu.memory_space<semaphore_mem>>
      %dma_start3A_94 = arith.constant 0 : i32
      %dma_start3A_95 = arith.constant 0 : i32
      %dma_start3A_96 = tpu.memref_slice %arg8[%dma_start3A_94, %dma_start3A_95] : memref<64x80xi32, #tpu.memory_space<vmem>> -> memref<64x80xi32, #tpu.memory_space<vmem>>
      %dma_start3A_97 = arith.constant 0 : i32
      %dma_start3A_98 = arith.constant 0 : i32
      %dma_start3A_99 = tpu.memref_slice %arg4[%add3A, %dma_start3A_97, %dma_start3A_98] : memref<32x125x80xi32, #tpu.memory_space<hbm>> -> memref<1x64x80xi32, #tpu.memory_space<hbm>>
      %dma_start3A_100 = tpu.memref_squeeze %dma_start3A_99 : memref<1x64x80xi32, #tpu.memory_space<hbm>> -> memref<64x80xi32, #tpu.memory_space<hbm>>
      %dma_start3A_101 = arith.constant 0 : i32
      %dma_start3A_102 = arith.constant 0 : i32
      %dma_start3A_103 = tpu.memref_slice %arg8[%dma_start3A_101, %dma_start3A_102] : memref<64x80xi32, #tpu.memory_space<vmem>> -> memref<64x80xi32, #tpu.memory_space<vmem>>
      %dma_start3A_104 = arith.constant 0 : i32
      %dma_start3A_105 = arith.constant 0 : i32
      %dma_start3A_106 = tpu.memref_slice %arg4[%add3A, %dma_start3A_104, %dma_start3A_105] : memref<32x125x80xi32, #tpu.memory_space<hbm>> -> memref<1x64x80xi32, #tpu.memory_space<hbm>>
      %dma_start3A_107 = tpu.memref_squeeze %dma_start3A_106 : memref<1x64x80xi32, #tpu.memory_space<hbm>> -> memref<64x80xi32, #tpu.memory_space<hbm>>
      tpu.enqueue_dma source(%dma_start3A_107 : memref<64x80xi32, #tpu.memory_space<hbm>>) target(%dma_start3A_103 : memref<64x80xi32, #tpu.memory_space<vmem>>) target_semaphore(%run_scoped3A_93 : memref<!tpu.dma_semaphore, #tpu.memory_space<semaphore_mem>>)
      %dma_wait3A_108 = arith.constant 0 : i32
      %dma_wait3A_109 = arith.constant 0 : i32
      %dma_wait3A_110 = tpu.memref_slice %arg8[%dma_wait3A_108, %dma_wait3A_109] : memref<64x80xi32, #tpu.memory_space<vmem>> -> memref<64x80xi32, #tpu.memory_space<vmem>>
      %dma_wait3A_111 = arith.constant 0 : i32
      %dma_wait3A_112 = arith.constant 0 : i32
      %dma_wait3A_113 = tpu.memref_slice %arg4[%add3A, %dma_wait3A_111, %dma_wait3A_112] : memref<32x125x80xi32, #tpu.memory_space<hbm>> -> memref<1x64x80xi32, #tpu.memory_space<hbm>>
      %dma_wait3A_114 = tpu.memref_squeeze %dma_wait3A_113 : memref<1x64x80xi32, #tpu.memory_space<hbm>> -> memref<64x80xi32, #tpu.memory_space<hbm>>
      %dma_wait3A_115 = arith.constant 0 : i32
      %dma_wait3A_116 = arith.constant 0 : i32
      %dma_wait3A_117 = tpu.memref_slice %arg8[%dma_wait3A_115, %dma_wait3A_116] : memref<64x80xi32, #tpu.memory_space<vmem>> -> memref<64x80xi32, #tpu.memory_space<vmem>>
      %dma_wait3A_118 = arith.constant 0 : i32
      %dma_wait3A_119 = arith.constant 0 : i32
      %dma_wait3A_120 = tpu.memref_slice %arg4[%add3A, %dma_wait3A_118, %dma_wait3A_119] : memref<32x125x80xi32, #tpu.memory_space<hbm>> -> memref<1x64x80xi32, #tpu.memory_space<hbm>>
      %dma_wait3A_121 = tpu.memref_squeeze %dma_wait3A_120 : memref<1x64x80xi32, #tpu.memory_space<hbm>> -> memref<64x80xi32, #tpu.memory_space<hbm>>
      tpu.wait_dma2 semaphore(%run_scoped3A_93 : memref<!tpu.dma_semaphore, #tpu.memory_space<semaphore_mem>>) src(%dma_wait3A_121 : memref<64x80xi32, #tpu.memory_space<hbm>>) dst(%dma_wait3A_117 : memref<64x80xi32, #tpu.memory_space<vmem>>)
      tpu.yield
    }) : () -> ()
    %dma_start3A = arith.constant 0 : i32
    %dma_start3A_37 = arith.constant 0 : i32
    %dma_start3A_38 = tpu.memref_slice %arg7[%dma_start3A, %dma_start3A_37] : memref<64x80xi32, #tpu.memory_space<vmem>> -> memref<1x80xi32, #tpu.memory_space<vmem>>
    %dma_start3A_39 = tpu.memref_squeeze %dma_start3A_38 : memref<1x80xi32, #tpu.memory_space<vmem>> -> memref<80xi32, #tpu.memory_space<vmem>>
    %dma_start3A_40 = arith.constant 0 : i32
    %dma_start3A_41 = arith.constant 0 : i32
    %dma_start3A_42 = tpu.memref_slice %arg2[%dma_start3A_40, %dma_start3A_41] : memref<10112x128xf32, #tpu.memory_space<hbm>> -> memref<10112x128xf32, #tpu.memory_space<hbm>>
    tpu.enqueue_indirect_dma source(%dma_start3A_42 : memref<10112x128xf32, #tpu.memory_space<hbm>>) target(%arg9 : memref<80x128xf32, #tpu.memory_space<vmem>>) offsets(%dma_start3A_39 : memref<80xi32, #tpu.memory_space<vmem>>) semaphore(%arg12 : memref<!tpu.dma_semaphore, #tpu.memory_space<semaphore_mem>>)
    %dma_start3A_43 = arith.constant 1 : i32
    %dma_start3A_44 = arith.constant 0 : i32
    %dma_start3A_45 = tpu.memref_slice %arg7[%dma_start3A_43, %dma_start3A_44] : memref<64x80xi32, #tpu.memory_space<vmem>> -> memref<1x80xi32, #tpu.memory_space<vmem>>
    %dma_start3A_46 = tpu.memref_squeeze %dma_start3A_45 : memref<1x80xi32, #tpu.memory_space<vmem>> -> memref<80xi32, #tpu.memory_space<vmem>>
    %dma_start3A_47 = arith.constant 0 : i32
    %dma_start3A_48 = arith.constant 0 : i32
    %dma_start3A_49 = tpu.memref_slice %arg2[%dma_start3A_47, %dma_start3A_48] : memref<10112x128xf32, #tpu.memory_space<hbm>> -> memref<10112x128xf32, #tpu.memory_space<hbm>>
    tpu.enqueue_indirect_dma source(%dma_start3A_49 : memref<10112x128xf32, #tpu.memory_space<hbm>>) target(%arg10 : memref<80x128xf32, #tpu.memory_space<vmem>>) offsets(%dma_start3A_46 : memref<80xi32, #tpu.memory_space<vmem>>) semaphore(%arg13 : memref<!tpu.dma_semaphore, #tpu.memory_space<semaphore_mem>>)
    %scan3A_50 = arith.constant 0 : i32
    %scan3A_51 = arith.constant 21 : i32
    %scan3A_52 = arith.addi %scan3A_50, %scan3A_51 : i32
    %scan3A_53 = arith.constant 1 : i32
    scf.for %scan3A_93 = %scan3A_50 to %scan3A_52 step %scan3A_53  : i32 {
      %mul3A_94 = arith.constant 3 : i32
      %mul3A_95 = arith.muli %scan3A_93, %mul3A_94 : i32
      %add3A_96 = arith.constant 0 : i32
      %add3A_97 = arith.addi %add3A_96, %mul3A_95 : i32
      %add3A_98 = arith.constant 0 : i32
      %add3A_99 = arith.addi %add3A_97, %add3A_98 : i32
      %dma_wait3A_100 = arith.constant 0 : i32
      %dma_wait3A_101 = arith.constant 0 : i32
      %dma_wait3A_102 = tpu.memref_slice %arg7[%dma_wait3A_100, %dma_wait3A_101] : memref<64x80xi32, #tpu.memory_space<vmem>> -> memref<1x80xi32, #tpu.memory_space<vmem>>
      %dma_wait3A_103 = tpu.memref_squeeze %dma_wait3A_102 : memref<1x80xi32, #tpu.memory_space<vmem>> -> memref<80xi32, #tpu.memory_space<vmem>>
      %dma_wait3A_104 = arith.constant 0 : i32
      %dma_wait3A_105 = arith.constant 0 : i32
      %dma_wait3A_106 = tpu.memref_slice %arg2[%dma_wait3A_104, %dma_wait3A_105] : memref<10112x128xf32, #tpu.memory_space<hbm>> -> memref<10112x128xf32, #tpu.memory_space<hbm>>
      tpu.wait_indirect_dma semaphore(%arg12 : memref<!tpu.dma_semaphore, #tpu.memory_space<semaphore_mem>>) src(%dma_wait3A_106 : memref<10112x128xf32, #tpu.memory_space<hbm>>) dst(%arg9 : memref<80x128xf32, #tpu.memory_space<vmem>>)
      %add3A_107 = arith.constant 2 : i32
      %add3A_108 = arith.addi %add3A_99, %add3A_107 : i32
      %lt3A = arith.constant 64 : i32
      %lt3A_109 = arith.cmpi slt, %add3A_108, %lt3A : i32
      %convert_element_type3A = arith.extui %lt3A_109 : i1 to i32
      %cond3A = arith.constant 0 : i32
      %cond3A_110 = arith.cmpi ne, %convert_element_type3A, %cond3A : i32
      scf.if %cond3A_110 {
        %add3A_143 = arith.constant 2 : i32
        %add3A_144 = arith.addi %add3A_99, %add3A_143 : i32
        %dma_start3A_145 = arith.constant 0 : i32
        %dma_start3A_146 = tpu.memref_slice %arg7[%add3A_144, %dma_start3A_145] : memref<64x80xi32, #tpu.memory_space<vmem>> -> memref<1x80xi32, #tpu.memory_space<vmem>>
        %dma_start3A_147 = tpu.memref_squeeze %dma_start3A_146 : memref<1x80xi32, #tpu.memory_space<vmem>> -> memref<80xi32, #tpu.memory_space<vmem>>
        %dma_start3A_148 = arith.constant 0 : i32
        %dma_start3A_149 = arith.constant 0 : i32
        %dma_start3A_150 = tpu.memref_slice %arg2[%dma_start3A_148, %dma_start3A_149] : memref<10112x128xf32, #tpu.memory_space<hbm>> -> memref<10112x128xf32, #tpu.memory_space<hbm>>
        tpu.enqueue_indirect_dma source(%dma_start3A_150 : memref<10112x128xf32, #tpu.memory_space<hbm>>) target(%arg11 : memref<80x128xf32, #tpu.memory_space<vmem>>) offsets(%dma_start3A_147 : memref<80xi32, #tpu.memory_space<vmem>>) semaphore(%arg14 : memref<!tpu.dma_semaphore, #tpu.memory_space<semaphore_mem>>)
      } else {
      }
      "tpu.region"() ({
        %run_scoped3A_143 = tpu.sem_alloc : memref<!tpu.dma_semaphore, #tpu.memory_space<semaphore_mem>>
        %dma_start3A_144 = arith.constant 0 : i32
        %dma_start3A_145 = tpu.memref_slice %arg8[%add3A_99, %dma_start3A_144] : memref<64x80xi32, #tpu.memory_space<vmem>> -> memref<1x80xi32, #tpu.memory_space<vmem>>
        %dma_start3A_146 = tpu.memref_squeeze %dma_start3A_145 : memref<1x80xi32, #tpu.memory_space<vmem>> -> memref<80xi32, #tpu.memory_space<vmem>>
        %dma_start3A_147 = arith.constant 0 : i32
        %dma_start3A_148 = arith.constant 0 : i32
        %dma_start3A_149 = tpu.memref_slice %arg6[%dma_start3A_147, %dma_start3A_148] : memref<10112x128xf32, #tpu.memory_space<vmem_shared>> -> memref<10112x128xf32, #tpu.memory_space<vmem_shared>>
        tpu.enqueue_indirect_dma source(%arg9 : memref<80x128xf32, #tpu.memory_space<vmem>>) target(%dma_start3A_149 : memref<10112x128xf32, #tpu.memory_space<vmem_shared>>) offsets(%dma_start3A_146 : memref<80xi32, #tpu.memory_space<vmem>>) semaphore(%run_scoped3A_143 : memref<!tpu.dma_semaphore, #tpu.memory_space<semaphore_mem>>) {add = true}
        %dma_wait3A_150 = arith.constant 0 : i32
        %dma_wait3A_151 = tpu.memref_slice %arg8[%add3A_99, %dma_wait3A_150] : memref<64x80xi32, #tpu.memory_space<vmem>> -> memref<1x80xi32, #tpu.memory_space<vmem>>
        %dma_wait3A_152 = tpu.memref_squeeze %dma_wait3A_151 : memref<1x80xi32, #tpu.memory_space<vmem>> -> memref<80xi32, #tpu.memory_space<vmem>>
        %dma_wait3A_153 = arith.constant 0 : i32
        %dma_wait3A_154 = arith.constant 0 : i32
        %dma_wait3A_155 = tpu.memref_slice %arg6[%dma_wait3A_153, %dma_wait3A_154] : memref<10112x128xf32, #tpu.memory_space<vmem_shared>> -> memref<10112x128xf32, #tpu.memory_space<vmem_shared>>
        tpu.wait_indirect_dma semaphore(%run_scoped3A_143 : memref<!tpu.dma_semaphore, #tpu.memory_space<semaphore_mem>>) src(%arg9 : memref<80x128xf32, #tpu.memory_space<vmem>>) dst(%dma_wait3A_155 : memref<10112x128xf32, #tpu.memory_space<vmem_shared>>)
        tpu.yield
      }) : () -> ()
      %add3A_111 = arith.constant 1 : i32
      %add3A_112 = arith.addi %add3A_97, %add3A_111 : i32
      %dma_wait3A_113 = arith.constant 0 : i32
      %dma_wait3A_114 = arith.constant 0 : i32
      %dma_wait3A_115 = tpu.memref_slice %arg7[%dma_wait3A_113, %dma_wait3A_114] : memref<64x80xi32, #tpu.memory_space<vmem>> -> memref<1x80xi32, #tpu.memory_space<vmem>>
      %dma_wait3A_116 = tpu.memref_squeeze %dma_wait3A_115 : memref<1x80xi32, #tpu.memory_space<vmem>> -> memref<80xi32, #tpu.memory_space<vmem>>
      %dma_wait3A_117 = arith.constant 0 : i32
      %dma_wait3A_118 = arith.constant 0 : i32
      %dma_wait3A_119 = tpu.memref_slice %arg2[%dma_wait3A_117, %dma_wait3A_118] : memref<10112x128xf32, #tpu.memory_space<hbm>> -> memref<10112x128xf32, #tpu.memory_space<hbm>>
      tpu.wait_indirect_dma semaphore(%arg13 : memref<!tpu.dma_semaphore, #tpu.memory_space<semaphore_mem>>) src(%dma_wait3A_119 : memref<10112x128xf32, #tpu.memory_space<hbm>>) dst(%arg10 : memref<80x128xf32, #tpu.memory_space<vmem>>)
      %add3A_120 = arith.constant 2 : i32
      %add3A_121 = arith.addi %add3A_112, %add3A_120 : i32
      %lt3A_122 = arith.constant 64 : i32
      %lt3A_123 = arith.cmpi slt, %add3A_121, %lt3A_122 : i32
      %convert_element_type3A_124 = arith.extui %lt3A_123 : i1 to i32
      %cond3A_125 = arith.constant 0 : i32
      %cond3A_126 = arith.cmpi ne, %convert_element_type3A_124, %cond3A_125 : i32
      scf.if %cond3A_126 {
        %add3A_143 = arith.constant 2 : i32
        %add3A_144 = arith.addi %add3A_112, %add3A_143 : i32
        %dma_start3A_145 = arith.constant 0 : i32
        %dma_start3A_146 = tpu.memref_slice %arg7[%add3A_144, %dma_start3A_145] : memref<64x80xi32, #tpu.memory_space<vmem>> -> memref<1x80xi32, #tpu.memory_space<vmem>>
        %dma_start3A_147 = tpu.memref_squeeze %dma_start3A_146 : memref<1x80xi32, #tpu.memory_space<vmem>> -> memref<80xi32, #tpu.memory_space<vmem>>
        %dma_start3A_148 = arith.constant 0 : i32
        %dma_start3A_149 = arith.constant 0 : i32
        %dma_start3A_150 = tpu.memref_slice %arg2[%dma_start3A_148, %dma_start3A_149] : memref<10112x128xf32, #tpu.memory_space<hbm>> -> memref<10112x128xf32, #tpu.memory_space<hbm>>
        tpu.enqueue_indirect_dma source(%dma_start3A_150 : memref<10112x128xf32, #tpu.memory_space<hbm>>) target(%arg9 : memref<80x128xf32, #tpu.memory_space<vmem>>) offsets(%dma_start3A_147 : memref<80xi32, #tpu.memory_space<vmem>>) semaphore(%arg12 : memref<!tpu.dma_semaphore, #tpu.memory_space<semaphore_mem>>)
      } else {
      }
      "tpu.region"() ({
        %run_scoped3A_143 = tpu.sem_alloc : memref<!tpu.dma_semaphore, #tpu.memory_space<semaphore_mem>>
        %dma_start3A_144 = arith.constant 0 : i32
        %dma_start3A_145 = tpu.memref_slice %arg8[%add3A_112, %dma_start3A_144] : memref<64x80xi32, #tpu.memory_space<vmem>> -> memref<1x80xi32, #tpu.memory_space<vmem>>
        %dma_start3A_146 = tpu.memref_squeeze %dma_start3A_145 : memref<1x80xi32, #tpu.memory_space<vmem>> -> memref<80xi32, #tpu.memory_space<vmem>>
        %dma_start3A_147 = arith.constant 0 : i32
        %dma_start3A_148 = arith.constant 0 : i32
        %dma_start3A_149 = tpu.memref_slice %arg6[%dma_start3A_147, %dma_start3A_148] : memref<10112x128xf32, #tpu.memory_space<vmem_shared>> -> memref<10112x128xf32, #tpu.memory_space<vmem_shared>>
        tpu.enqueue_indirect_dma source(%arg10 : memref<80x128xf32, #tpu.memory_space<vmem>>) target(%dma_start3A_149 : memref<10112x128xf32, #tpu.memory_space<vmem_shared>>) offsets(%dma_start3A_146 : memref<80xi32, #tpu.memory_space<vmem>>) semaphore(%run_scoped3A_143 : memref<!tpu.dma_semaphore, #tpu.memory_space<semaphore_mem>>) {add = true}
        %dma_wait3A_150 = arith.constant 0 : i32
        %dma_wait3A_151 = tpu.memref_slice %arg8[%add3A_112, %dma_wait3A_150] : memref<64x80xi32, #tpu.memory_space<vmem>> -> memref<1x80xi32, #tpu.memory_space<vmem>>
        %dma_wait3A_152 = tpu.memref_squeeze %dma_wait3A_151 : memref<1x80xi32, #tpu.memory_space<vmem>> -> memref<80xi32, #tpu.memory_space<vmem>>
        %dma_wait3A_153 = arith.constant 0 : i32
        %dma_wait3A_154 = arith.constant 0 : i32
        %dma_wait3A_155 = tpu.memref_slice %arg6[%dma_wait3A_153, %dma_wait3A_154] : memref<10112x128xf32, #tpu.memory_space<vmem_shared>> -> memref<10112x128xf32, #tpu.memory_space<vmem_shared>>
        tpu.wait_indirect_dma semaphore(%run_scoped3A_143 : memref<!tpu.dma_semaphore, #tpu.memory_space<semaphore_mem>>) src(%arg10 : memref<80x128xf32, #tpu.memory_space<vmem>>) dst(%dma_wait3A_155 : memref<10112x128xf32, #tpu.memory_space<vmem_shared>>)
        tpu.yield
      }) : () -> ()
      %add3A_127 = arith.constant 2 : i32
      %add3A_128 = arith.addi %add3A_97, %add3A_127 : i32
      %dma_wait3A_129 = arith.constant 0 : i32
      %dma_wait3A_130 = arith.constant 0 : i32
      %dma_wait3A_131 = tpu.memref_slice %arg7[%dma_wait3A_129, %dma_wait3A_130] : memref<64x80xi32, #tpu.memory_space<vmem>> -> memref<1x80xi32, #tpu.memory_space<vmem>>
      %dma_wait3A_132 = tpu.memref_squeeze %dma_wait3A_131 : memref<1x80xi32, #tpu.memory_space<vmem>> -> memref<80xi32, #tpu.memory_space<vmem>>
      %dma_wait3A_133 = arith.constant 0 : i32
      %dma_wait3A_134 = arith.constant 0 : i32
      %dma_wait3A_135 = tpu.memref_slice %arg2[%dma_wait3A_133, %dma_wait3A_134] : memref<10112x128xf32, #tpu.memory_space<hbm>> -> memref<10112x128xf32, #tpu.memory_space<hbm>>
      tpu.wait_indirect_dma semaphore(%arg14 : memref<!tpu.dma_semaphore, #tpu.memory_space<semaphore_mem>>) src(%dma_wait3A_135 : memref<10112x128xf32, #tpu.memory_space<hbm>>) dst(%arg11 : memref<80x128xf32, #tpu.memory_space<vmem>>)
      %add3A_136 = arith.constant 2 : i32
      %add3A_137 = arith.addi %add3A_128, %add3A_136 : i32
      %lt3A_138 = arith.constant 64 : i32
      %lt3A_139 = arith.cmpi slt, %add3A_137, %lt3A_138 : i32
      %convert_element_type3A_140 = arith.extui %lt3A_139 : i1 to i32
      %cond3A_141 = arith.constant 0 : i32
      %cond3A_142 = arith.cmpi ne, %convert_element_type3A_140, %cond3A_141 : i32
      scf.if %cond3A_142 {
        %add3A_143 = arith.constant 2 : i32
        %add3A_144 = arith.addi %add3A_128, %add3A_143 : i32
        %dma_start3A_145 = arith.constant 0 : i32
        %dma_start3A_146 = tpu.memref_slice %arg7[%add3A_144, %dma_start3A_145] : memref<64x80xi32, #tpu.memory_space<vmem>> -> memref<1x80xi32, #tpu.memory_space<vmem>>
        %dma_start3A_147 = tpu.memref_squeeze %dma_start3A_146 : memref<1x80xi32, #tpu.memory_space<vmem>> -> memref<80xi32, #tpu.memory_space<vmem>>
        %dma_start3A_148 = arith.constant 0 : i32
        %dma_start3A_149 = arith.constant 0 : i32
        %dma_start3A_150 = tpu.memref_slice %arg2[%dma_start3A_148, %dma_start3A_149] : memref<10112x128xf32, #tpu.memory_space<hbm>> -> memref<10112x128xf32, #tpu.memory_space<hbm>>
        tpu.enqueue_indirect_dma source(%dma_start3A_150 : memref<10112x128xf32, #tpu.memory_space<hbm>>) target(%arg10 : memref<80x128xf32, #tpu.memory_space<vmem>>) offsets(%dma_start3A_147 : memref<80xi32, #tpu.memory_space<vmem>>) semaphore(%arg13 : memref<!tpu.dma_semaphore, #tpu.memory_space<semaphore_mem>>)
      } else {
      }
      "tpu.region"() ({
        %run_scoped3A_143 = tpu.sem_alloc : memref<!tpu.dma_semaphore, #tpu.memory_space<semaphore_mem>>
        %dma_start3A_144 = arith.constant 0 : i32
        %dma_start3A_145 = tpu.memref_slice %arg8[%add3A_128, %dma_start3A_144] : memref<64x80xi32, #tpu.memory_space<vmem>> -> memref<1x80xi32, #tpu.memory_space<vmem>>
        %dma_start3A_146 = tpu.memref_squeeze %dma_start3A_145 : memref<1x80xi32, #tpu.memory_space<vmem>> -> memref<80xi32, #tpu.memory_space<vmem>>
        %dma_start3A_147 = arith.constant 0 : i32
        %dma_start3A_148 = arith.constant 0 : i32
        %dma_start3A_149 = tpu.memref_slice %arg6[%dma_start3A_147, %dma_start3A_148] : memref<10112x128xf32, #tpu.memory_space<vmem_shared>> -> memref<10112x128xf32, #tpu.memory_space<vmem_shared>>
        tpu.enqueue_indirect_dma source(%arg11 : memref<80x128xf32, #tpu.memory_space<vmem>>) target(%dma_start3A_149 : memref<10112x128xf32, #tpu.memory_space<vmem_shared>>) offsets(%dma_start3A_146 : memref<80xi32, #tpu.memory_space<vmem>>) semaphore(%run_scoped3A_143 : memref<!tpu.dma_semaphore, #tpu.memory_space<semaphore_mem>>) {add = true}
        %dma_wait3A_150 = arith.constant 0 : i32
        %dma_wait3A_151 = tpu.memref_slice %arg8[%add3A_128, %dma_wait3A_150] : memref<64x80xi32, #tpu.memory_space<vmem>> -> memref<1x80xi32, #tpu.memory_space<vmem>>
        %dma_wait3A_152 = tpu.memref_squeeze %dma_wait3A_151 : memref<1x80xi32, #tpu.memory_space<vmem>> -> memref<80xi32, #tpu.memory_space<vmem>>
        %dma_wait3A_153 = arith.constant 0 : i32
        %dma_wait3A_154 = arith.constant 0 : i32
        %dma_wait3A_155 = tpu.memref_slice %arg6[%dma_wait3A_153, %dma_wait3A_154] : memref<10112x128xf32, #tpu.memory_space<vmem_shared>> -> memref<10112x128xf32, #tpu.memory_space<vmem_shared>>
        tpu.wait_indirect_dma semaphore(%run_scoped3A_143 : memref<!tpu.dma_semaphore, #tpu.memory_space<semaphore_mem>>) src(%arg11 : memref<80x128xf32, #tpu.memory_space<vmem>>) dst(%dma_wait3A_155 : memref<10112x128xf32, #tpu.memory_space<vmem_shared>>)
        tpu.yield
      }) : () -> ()
    }
    %scan3A_54 = arith.constant 21 : i32
    %dma_wait3A = arith.constant 0 : i32
    %dma_wait3A_55 = arith.constant 0 : i32
    %dma_wait3A_56 = tpu.memref_slice %arg7[%dma_wait3A, %dma_wait3A_55] : memref<64x80xi32, #tpu.memory_space<vmem>> -> memref<1x80xi32, #tpu.memory_space<vmem>>
    %dma_wait3A_57 = tpu.memref_squeeze %dma_wait3A_56 : memref<1x80xi32, #tpu.memory_space<vmem>> -> memref<80xi32, #tpu.memory_space<vmem>>
    %dma_wait3A_58 = arith.constant 0 : i32
    %dma_wait3A_59 = arith.constant 0 : i32
    %dma_wait3A_60 = tpu.memref_slice %arg2[%dma_wait3A_58, %dma_wait3A_59] : memref<10112x128xf32, #tpu.memory_space<hbm>> -> memref<10112x128xf32, #tpu.memory_space<hbm>>
    tpu.wait_indirect_dma semaphore(%arg12 : memref<!tpu.dma_semaphore, #tpu.memory_space<semaphore_mem>>) src(%dma_wait3A_60 : memref<10112x128xf32, #tpu.memory_space<hbm>>) dst(%arg9 : memref<80x128xf32, #tpu.memory_space<vmem>>)
    %run_scoped3A = arith.constant 63 : i32
    "tpu.region"() ({
      %run_scoped3A_93 = tpu.sem_alloc : memref<!tpu.dma_semaphore, #tpu.memory_space<semaphore_mem>>
      %dma_start3A_94 = arith.constant 0 : i32
      %dma_start3A_95 = tpu.memref_slice %arg8[%run_scoped3A, %dma_start3A_94] : memref<64x80xi32, #tpu.memory_space<vmem>> -> memref<1x80xi32, #tpu.memory_space<vmem>>
      %dma_start3A_96 = tpu.memref_squeeze %dma_start3A_95 : memref<1x80xi32, #tpu.memory_space<vmem>> -> memref<80xi32, #tpu.memory_space<vmem>>
      %dma_start3A_97 = arith.constant 0 : i32
      %dma_start3A_98 = arith.constant 0 : i32
      %dma_start3A_99 = tpu.memref_slice %arg6[%dma_start3A_97, %dma_start3A_98] : memref<10112x128xf32, #tpu.memory_space<vmem_shared>> -> memref<10112x128xf32, #tpu.memory_space<vmem_shared>>
      tpu.enqueue_indirect_dma source(%arg9 : memref<80x128xf32, #tpu.memory_space<vmem>>) target(%dma_start3A_99 : memref<10112x128xf32, #tpu.memory_space<vmem_shared>>) offsets(%dma_start3A_96 : memref<80xi32, #tpu.memory_space<vmem>>) semaphore(%run_scoped3A_93 : memref<!tpu.dma_semaphore, #tpu.memory_space<semaphore_mem>>) {add = true}
      %dma_wait3A_100 = arith.constant 0 : i32
      %dma_wait3A_101 = tpu.memref_slice %arg8[%run_scoped3A, %dma_wait3A_100] : memref<64x80xi32, #tpu.memory_space<vmem>> -> memref<1x80xi32, #tpu.memory_space<vmem>>
      %dma_wait3A_102 = tpu.memref_squeeze %dma_wait3A_101 : memref<1x80xi32, #tpu.memory_space<vmem>> -> memref<80xi32, #tpu.memory_space<vmem>>
      %dma_wait3A_103 = arith.constant 0 : i32
      %dma_wait3A_104 = arith.constant 0 : i32
      %dma_wait3A_105 = tpu.memref_slice %arg6[%dma_wait3A_103, %dma_wait3A_104] : memref<10112x128xf32, #tpu.memory_space<vmem_shared>> -> memref<10112x128xf32, #tpu.memory_space<vmem_shared>>
      tpu.wait_indirect_dma semaphore(%run_scoped3A_93 : memref<!tpu.dma_semaphore, #tpu.memory_space<semaphore_mem>>) src(%arg9 : memref<80x128xf32, #tpu.memory_space<vmem>>) dst(%dma_wait3A_105 : memref<10112x128xf32, #tpu.memory_space<vmem_shared>>)
      tpu.yield
    }) : () -> ()
    "tpu.region"() ({
      %run_scoped3A_93 = tpu.sem_alloc : memref<!tpu.dma_semaphore, #tpu.memory_space<semaphore_mem>>
      %dma_start3A_94 = arith.constant 0 : i32
      %dma_start3A_95 = arith.constant 0 : i32
      %dma_start3A_96 = tpu.memref_slice %arg7[%dma_start3A_94, %dma_start3A_95] : memref<64x80xi32, #tpu.memory_space<vmem>> -> memref<61x80xi32, #tpu.memory_space<vmem>>
      %dma_start3A_97 = arith.constant 64 : i32
      %dma_start3A_98 = arith.constant 0 : i32
      %dma_start3A_99 = tpu.memref_slice %arg3[%add3A, %dma_start3A_97, %dma_start3A_98] : memref<32x125x80xi32, #tpu.memory_space<hbm>> -> memref<1x61x80xi32, #tpu.memory_space<hbm>>
      %dma_start3A_100 = tpu.memref_squeeze %dma_start3A_99 : memref<1x61x80xi32, #tpu.memory_space<hbm>> -> memref<61x80xi32, #tpu.memory_space<hbm>>
      %dma_start3A_101 = arith.constant 0 : i32
      %dma_start3A_102 = arith.constant 0 : i32
      %dma_start3A_103 = tpu.memref_slice %arg7[%dma_start3A_101, %dma_start3A_102] : memref<64x80xi32, #tpu.memory_space<vmem>> -> memref<61x80xi32, #tpu.memory_space<vmem>>
      %dma_start3A_104 = arith.constant 64 : i32
      %dma_start3A_105 = arith.constant 0 : i32
      %dma_start3A_106 = tpu.memref_slice %arg3[%add3A, %dma_start3A_104, %dma_start3A_105] : memref<32x125x80xi32, #tpu.memory_space<hbm>> -> memref<1x61x80xi32, #tpu.memory_space<hbm>>
      %dma_start3A_107 = tpu.memref_squeeze %dma_start3A_106 : memref<1x61x80xi32, #tpu.memory_space<hbm>> -> memref<61x80xi32, #tpu.memory_space<hbm>>
      tpu.enqueue_dma source(%dma_start3A_107 : memref<61x80xi32, #tpu.memory_space<hbm>>) target(%dma_start3A_103 : memref<61x80xi32, #tpu.memory_space<vmem>>) target_semaphore(%run_scoped3A_93 : memref<!tpu.dma_semaphore, #tpu.memory_space<semaphore_mem>>)
      %dma_wait3A_108 = arith.constant 0 : i32
      %dma_wait3A_109 = arith.constant 0 : i32
      %dma_wait3A_110 = tpu.memref_slice %arg7[%dma_wait3A_108, %dma_wait3A_109] : memref<64x80xi32, #tpu.memory_space<vmem>> -> memref<61x80xi32, #tpu.memory_space<vmem>>
      %dma_wait3A_111 = arith.constant 64 : i32
      %dma_wait3A_112 = arith.constant 0 : i32
      %dma_wait3A_113 = tpu.memref_slice %arg3[%add3A, %dma_wait3A_111, %dma_wait3A_112] : memref<32x125x80xi32, #tpu.memory_space<hbm>> -> memref<1x61x80xi32, #tpu.memory_space<hbm>>
      %dma_wait3A_114 = tpu.memref_squeeze %dma_wait3A_113 : memref<1x61x80xi32, #tpu.memory_space<hbm>> -> memref<61x80xi32, #tpu.memory_space<hbm>>
      %dma_wait3A_115 = arith.constant 0 : i32
      %dma_wait3A_116 = arith.constant 0 : i32
      %dma_wait3A_117 = tpu.memref_slice %arg7[%dma_wait3A_115, %dma_wait3A_116] : memref<64x80xi32, #tpu.memory_space<vmem>> -> memref<61x80xi32, #tpu.memory_space<vmem>>
      %dma_wait3A_118 = arith.constant 64 : i32
      %dma_wait3A_119 = arith.constant 0 : i32
      %dma_wait3A_120 = tpu.memref_slice %arg3[%add3A, %dma_wait3A_118, %dma_wait3A_119] : memref<32x125x80xi32, #tpu.memory_space<hbm>> -> memref<1x61x80xi32, #tpu.memory_space<hbm>>
      %dma_wait3A_121 = tpu.memref_squeeze %dma_wait3A_120 : memref<1x61x80xi32, #tpu.memory_space<hbm>> -> memref<61x80xi32, #tpu.memory_space<hbm>>
      tpu.wait_dma2 semaphore(%run_scoped3A_93 : memref<!tpu.dma_semaphore, #tpu.memory_space<semaphore_mem>>) src(%dma_wait3A_121 : memref<61x80xi32, #tpu.memory_space<hbm>>) dst(%dma_wait3A_117 : memref<61x80xi32, #tpu.memory_space<vmem>>)
      tpu.yield
    }) : () -> ()
    "tpu.region"() ({
      %run_scoped3A_93 = tpu.sem_alloc : memref<!tpu.dma_semaphore, #tpu.memory_space<semaphore_mem>>
      %dma_start3A_94 = arith.constant 0 : i32
      %dma_start3A_95 = arith.constant 0 : i32
      %dma_start3A_96 = tpu.memref_slice %arg8[%dma_start3A_94, %dma_start3A_95] : memref<64x80xi32, #tpu.memory_space<vmem>> -> memref<61x80xi32, #tpu.memory_space<vmem>>
      %dma_start3A_97 = arith.constant 64 : i32
      %dma_start3A_98 = arith.constant 0 : i32
      %dma_start3A_99 = tpu.memref_slice %arg4[%add3A, %dma_start3A_97, %dma_start3A_98] : memref<32x125x80xi32, #tpu.memory_space<hbm>> -> memref<1x61x80xi32, #tpu.memory_space<hbm>>
      %dma_start3A_100 = tpu.memref_squeeze %dma_start3A_99 : memref<1x61x80xi32, #tpu.memory_space<hbm>> -> memref<61x80xi32, #tpu.memory_space<hbm>>
      %dma_start3A_101 = arith.constant 0 : i32
      %dma_start3A_102 = arith.constant 0 : i32
      %dma_start3A_103 = tpu.memref_slice %arg8[%dma_start3A_101, %dma_start3A_102] : memref<64x80xi32, #tpu.memory_space<vmem>> -> memref<61x80xi32, #tpu.memory_space<vmem>>
      %dma_start3A_104 = arith.constant 64 : i32
      %dma_start3A_105 = arith.constant 0 : i32
      %dma_start3A_106 = tpu.memref_slice %arg4[%add3A, %dma_start3A_104, %dma_start3A_105] : memref<32x125x80xi32, #tpu.memory_space<hbm>> -> memref<1x61x80xi32, #tpu.memory_space<hbm>>
      %dma_start3A_107 = tpu.memref_squeeze %dma_start3A_106 : memref<1x61x80xi32, #tpu.memory_space<hbm>> -> memref<61x80xi32, #tpu.memory_space<hbm>>
      tpu.enqueue_dma source(%dma_start3A_107 : memref<61x80xi32, #tpu.memory_space<hbm>>) target(%dma_start3A_103 : memref<61x80xi32, #tpu.memory_space<vmem>>) target_semaphore(%run_scoped3A_93 : memref<!tpu.dma_semaphore, #tpu.memory_space<semaphore_mem>>)
      %dma_wait3A_108 = arith.constant 0 : i32
      %dma_wait3A_109 = arith.constant 0 : i32
      %dma_wait3A_110 = tpu.memref_slice %arg8[%dma_wait3A_108, %dma_wait3A_109] : memref<64x80xi32, #tpu.memory_space<vmem>> -> memref<61x80xi32, #tpu.memory_space<vmem>>
      %dma_wait3A_111 = arith.constant 64 : i32
      %dma_wait3A_112 = arith.constant 0 : i32
      %dma_wait3A_113 = tpu.memref_slice %arg4[%add3A, %dma_wait3A_111, %dma_wait3A_112] : memref<32x125x80xi32, #tpu.memory_space<hbm>> -> memref<1x61x80xi32, #tpu.memory_space<hbm>>
      %dma_wait3A_114 = tpu.memref_squeeze %dma_wait3A_113 : memref<1x61x80xi32, #tpu.memory_space<hbm>> -> memref<61x80xi32, #tpu.memory_space<hbm>>
      %dma_wait3A_115 = arith.constant 0 : i32
      %dma_wait3A_116 = arith.constant 0 : i32
      %dma_wait3A_117 = tpu.memref_slice %arg8[%dma_wait3A_115, %dma_wait3A_116] : memref<64x80xi32, #tpu.memory_space<vmem>> -> memref<61x80xi32, #tpu.memory_space<vmem>>
      %dma_wait3A_118 = arith.constant 64 : i32
      %dma_wait3A_119 = arith.constant 0 : i32
      %dma_wait3A_120 = tpu.memref_slice %arg4[%add3A, %dma_wait3A_118, %dma_wait3A_119] : memref<32x125x80xi32, #tpu.memory_space<hbm>> -> memref<1x61x80xi32, #tpu.memory_space<hbm>>
      %dma_wait3A_121 = tpu.memref_squeeze %dma_wait3A_120 : memref<1x61x80xi32, #tpu.memory_space<hbm>> -> memref<61x80xi32, #tpu.memory_space<hbm>>
      tpu.wait_dma2 semaphore(%run_scoped3A_93 : memref<!tpu.dma_semaphore, #tpu.memory_space<semaphore_mem>>) src(%dma_wait3A_121 : memref<61x80xi32, #tpu.memory_space<hbm>>) dst(%dma_wait3A_117 : memref<61x80xi32, #tpu.memory_space<vmem>>)
      tpu.yield
    }) : () -> ()
    %dma_start3A_61 = arith.constant 0 : i32
    %dma_start3A_62 = arith.constant 0 : i32
    %dma_start3A_63 = tpu.memref_slice %arg7[%dma_start3A_61, %dma_start3A_62] : memref<64x80xi32, #tpu.memory_space<vmem>> -> memref<1x80xi32, #tpu.memory_space<vmem>>
    %dma_start3A_64 = tpu.memref_squeeze %dma_start3A_63 : memref<1x80xi32, #tpu.memory_space<vmem>> -> memref<80xi32, #tpu.memory_space<vmem>>
    %dma_start3A_65 = arith.constant 0 : i32
    %dma_start3A_66 = arith.constant 0 : i32
    %dma_start3A_67 = tpu.memref_slice %arg2[%dma_start3A_65, %dma_start3A_66] : memref<10112x128xf32, #tpu.memory_space<hbm>> -> memref<10112x128xf32, #tpu.memory_space<hbm>>
    tpu.enqueue_indirect_dma source(%dma_start3A_67 : memref<10112x128xf32, #tpu.memory_space<hbm>>) target(%arg9 : memref<80x128xf32, #tpu.memory_space<vmem>>) offsets(%dma_start3A_64 : memref<80xi32, #tpu.memory_space<vmem>>) semaphore(%arg12 : memref<!tpu.dma_semaphore, #tpu.memory_space<semaphore_mem>>)
    %dma_start3A_68 = arith.constant 1 : i32
    %dma_start3A_69 = arith.constant 0 : i32
    %dma_start3A_70 = tpu.memref_slice %arg7[%dma_start3A_68, %dma_start3A_69] : memref<64x80xi32, #tpu.memory_space<vmem>> -> memref<1x80xi32, #tpu.memory_space<vmem>>
    %dma_start3A_71 = tpu.memref_squeeze %dma_start3A_70 : memref<1x80xi32, #tpu.memory_space<vmem>> -> memref<80xi32, #tpu.memory_space<vmem>>
    %dma_start3A_72 = arith.constant 0 : i32
    %dma_start3A_73 = arith.constant 0 : i32
    %dma_start3A_74 = tpu.memref_slice %arg2[%dma_start3A_72, %dma_start3A_73] : memref<10112x128xf32, #tpu.memory_space<hbm>> -> memref<10112x128xf32, #tpu.memory_space<hbm>>
    tpu.enqueue_indirect_dma source(%dma_start3A_74 : memref<10112x128xf32, #tpu.memory_space<hbm>>) target(%arg10 : memref<80x128xf32, #tpu.memory_space<vmem>>) offsets(%dma_start3A_71 : memref<80xi32, #tpu.memory_space<vmem>>) semaphore(%arg13 : memref<!tpu.dma_semaphore, #tpu.memory_space<semaphore_mem>>)
    %scan3A_75 = arith.constant 0 : i32
    %scan3A_76 = arith.constant 20 : i32
    %scan3A_77 = arith.addi %scan3A_75, %scan3A_76 : i32
    %scan3A_78 = arith.constant 1 : i32
    scf.for %scan3A_93 = %scan3A_75 to %scan3A_77 step %scan3A_78  : i32 {
      %mul3A_94 = arith.constant 3 : i32
      %mul3A_95 = arith.muli %scan3A_93, %mul3A_94 : i32
      %add3A_96 = arith.constant 0 : i32
      %add3A_97 = arith.addi %add3A_96, %mul3A_95 : i32
      %add3A_98 = arith.constant 0 : i32
      %add3A_99 = arith.addi %add3A_97, %add3A_98 : i32
      %dma_wait3A_100 = arith.constant 0 : i32
      %dma_wait3A_101 = arith.constant 0 : i32
      %dma_wait3A_102 = tpu.memref_slice %arg7[%dma_wait3A_100, %dma_wait3A_101] : memref<64x80xi32, #tpu.memory_space<vmem>> -> memref<1x80xi32, #tpu.memory_space<vmem>>
      %dma_wait3A_103 = tpu.memref_squeeze %dma_wait3A_102 : memref<1x80xi32, #tpu.memory_space<vmem>> -> memref<80xi32, #tpu.memory_space<vmem>>
      %dma_wait3A_104 = arith.constant 0 : i32
      %dma_wait3A_105 = arith.constant 0 : i32
      %dma_wait3A_106 = tpu.memref_slice %arg2[%dma_wait3A_104, %dma_wait3A_105] : memref<10112x128xf32, #tpu.memory_space<hbm>> -> memref<10112x128xf32, #tpu.memory_space<hbm>>
      tpu.wait_indirect_dma semaphore(%arg12 : memref<!tpu.dma_semaphore, #tpu.memory_space<semaphore_mem>>) src(%dma_wait3A_106 : memref<10112x128xf32, #tpu.memory_space<hbm>>) dst(%arg9 : memref<80x128xf32, #tpu.memory_space<vmem>>)
      %add3A_107 = arith.constant 2 : i32
      %add3A_108 = arith.addi %add3A_99, %add3A_107 : i32
      %lt3A = arith.constant 61 : i32
      %lt3A_109 = arith.cmpi slt, %add3A_108, %lt3A : i32
      %convert_element_type3A = arith.extui %lt3A_109 : i1 to i32
      %cond3A = arith.constant 0 : i32
      %cond3A_110 = arith.cmpi ne, %convert_element_type3A, %cond3A : i32
      scf.if %cond3A_110 {
        %add3A_143 = arith.constant 2 : i32
        %add3A_144 = arith.addi %add3A_99, %add3A_143 : i32
        %dma_start3A_145 = arith.constant 0 : i32
        %dma_start3A_146 = tpu.memref_slice %arg7[%add3A_144, %dma_start3A_145] : memref<64x80xi32, #tpu.memory_space<vmem>> -> memref<1x80xi32, #tpu.memory_space<vmem>>
        %dma_start3A_147 = tpu.memref_squeeze %dma_start3A_146 : memref<1x80xi32, #tpu.memory_space<vmem>> -> memref<80xi32, #tpu.memory_space<vmem>>
        %dma_start3A_148 = arith.constant 0 : i32
        %dma_start3A_149 = arith.constant 0 : i32
        %dma_start3A_150 = tpu.memref_slice %arg2[%dma_start3A_148, %dma_start3A_149] : memref<10112x128xf32, #tpu.memory_space<hbm>> -> memref<10112x128xf32, #tpu.memory_space<hbm>>
        tpu.enqueue_indirect_dma source(%dma_start3A_150 : memref<10112x128xf32, #tpu.memory_space<hbm>>) target(%arg11 : memref<80x128xf32, #tpu.memory_space<vmem>>) offsets(%dma_start3A_147 : memref<80xi32, #tpu.memory_space<vmem>>) semaphore(%arg14 : memref<!tpu.dma_semaphore, #tpu.memory_space<semaphore_mem>>)
      } else {
      }
      "tpu.region"() ({
        %run_scoped3A_143 = tpu.sem_alloc : memref<!tpu.dma_semaphore, #tpu.memory_space<semaphore_mem>>
        %dma_start3A_144 = arith.constant 0 : i32
        %dma_start3A_145 = tpu.memref_slice %arg8[%add3A_99, %dma_start3A_144] : memref<64x80xi32, #tpu.memory_space<vmem>> -> memref<1x80xi32, #tpu.memory_space<vmem>>
        %dma_start3A_146 = tpu.memref_squeeze %dma_start3A_145 : memref<1x80xi32, #tpu.memory_space<vmem>> -> memref<80xi32, #tpu.memory_space<vmem>>
        %dma_start3A_147 = arith.constant 0 : i32
        %dma_start3A_148 = arith.constant 0 : i32
        %dma_start3A_149 = tpu.memref_slice %arg6[%dma_start3A_147, %dma_start3A_148] : memref<10112x128xf32, #tpu.memory_space<vmem_shared>> -> memref<10112x128xf32, #tpu.memory_space<vmem_shared>>
        tpu.enqueue_indirect_dma source(%arg9 : memref<80x128xf32, #tpu.memory_space<vmem>>) target(%dma_start3A_149 : memref<10112x128xf32, #tpu.memory_space<vmem_shared>>) offsets(%dma_start3A_146 : memref<80xi32, #tpu.memory_space<vmem>>) semaphore(%run_scoped3A_143 : memref<!tpu.dma_semaphore, #tpu.memory_space<semaphore_mem>>) {add = true}
        %dma_wait3A_150 = arith.constant 0 : i32
        %dma_wait3A_151 = tpu.memref_slice %arg8[%add3A_99, %dma_wait3A_150] : memref<64x80xi32, #tpu.memory_space<vmem>> -> memref<1x80xi32, #tpu.memory_space<vmem>>
        %dma_wait3A_152 = tpu.memref_squeeze %dma_wait3A_151 : memref<1x80xi32, #tpu.memory_space<vmem>> -> memref<80xi32, #tpu.memory_space<vmem>>
        %dma_wait3A_153 = arith.constant 0 : i32
        %dma_wait3A_154 = arith.constant 0 : i32
        %dma_wait3A_155 = tpu.memref_slice %arg6[%dma_wait3A_153, %dma_wait3A_154] : memref<10112x128xf32, #tpu.memory_space<vmem_shared>> -> memref<10112x128xf32, #tpu.memory_space<vmem_shared>>
        tpu.wait_indirect_dma semaphore(%run_scoped3A_143 : memref<!tpu.dma_semaphore, #tpu.memory_space<semaphore_mem>>) src(%arg9 : memref<80x128xf32, #tpu.memory_space<vmem>>) dst(%dma_wait3A_155 : memref<10112x128xf32, #tpu.memory_space<vmem_shared>>)
        tpu.yield
      }) : () -> ()
      %add3A_111 = arith.constant 1 : i32
      %add3A_112 = arith.addi %add3A_97, %add3A_111 : i32
      %dma_wait3A_113 = arith.constant 0 : i32
      %dma_wait3A_114 = arith.constant 0 : i32
      %dma_wait3A_115 = tpu.memref_slice %arg7[%dma_wait3A_113, %dma_wait3A_114] : memref<64x80xi32, #tpu.memory_space<vmem>> -> memref<1x80xi32, #tpu.memory_space<vmem>>
      %dma_wait3A_116 = tpu.memref_squeeze %dma_wait3A_115 : memref<1x80xi32, #tpu.memory_space<vmem>> -> memref<80xi32, #tpu.memory_space<vmem>>
      %dma_wait3A_117 = arith.constant 0 : i32
      %dma_wait3A_118 = arith.constant 0 : i32
      %dma_wait3A_119 = tpu.memref_slice %arg2[%dma_wait3A_117, %dma_wait3A_118] : memref<10112x128xf32, #tpu.memory_space<hbm>> -> memref<10112x128xf32, #tpu.memory_space<hbm>>
      tpu.wait_indirect_dma semaphore(%arg13 : memref<!tpu.dma_semaphore, #tpu.memory_space<semaphore_mem>>) src(%dma_wait3A_119 : memref<10112x128xf32, #tpu.memory_space<hbm>>) dst(%arg10 : memref<80x128xf32, #tpu.memory_space<vmem>>)
      %add3A_120 = arith.constant 2 : i32
      %add3A_121 = arith.addi %add3A_112, %add3A_120 : i32
      %lt3A_122 = arith.constant 61 : i32
      %lt3A_123 = arith.cmpi slt, %add3A_121, %lt3A_122 : i32
      %convert_element_type3A_124 = arith.extui %lt3A_123 : i1 to i32
      %cond3A_125 = arith.constant 0 : i32
      %cond3A_126 = arith.cmpi ne, %convert_element_type3A_124, %cond3A_125 : i32
      scf.if %cond3A_126 {
        %add3A_143 = arith.constant 2 : i32
        %add3A_144 = arith.addi %add3A_112, %add3A_143 : i32
        %dma_start3A_145 = arith.constant 0 : i32
        %dma_start3A_146 = tpu.memref_slice %arg7[%add3A_144, %dma_start3A_145] : memref<64x80xi32, #tpu.memory_space<vmem>> -> memref<1x80xi32, #tpu.memory_space<vmem>>
        %dma_start3A_147 = tpu.memref_squeeze %dma_start3A_146 : memref<1x80xi32, #tpu.memory_space<vmem>> -> memref<80xi32, #tpu.memory_space<vmem>>
        %dma_start3A_148 = arith.constant 0 : i32
        %dma_start3A_149 = arith.constant 0 : i32
        %dma_start3A_150 = tpu.memref_slice %arg2[%dma_start3A_148, %dma_start3A_149] : memref<10112x128xf32, #tpu.memory_space<hbm>> -> memref<10112x128xf32, #tpu.memory_space<hbm>>
        tpu.enqueue_indirect_dma source(%dma_start3A_150 : memref<10112x128xf32, #tpu.memory_space<hbm>>) target(%arg9 : memref<80x128xf32, #tpu.memory_space<vmem>>) offsets(%dma_start3A_147 : memref<80xi32, #tpu.memory_space<vmem>>) semaphore(%arg12 : memref<!tpu.dma_semaphore, #tpu.memory_space<semaphore_mem>>)
      } else {
      }
      "tpu.region"() ({
        %run_scoped3A_143 = tpu.sem_alloc : memref<!tpu.dma_semaphore, #tpu.memory_space<semaphore_mem>>
        %dma_start3A_144 = arith.constant 0 : i32
        %dma_start3A_145 = tpu.memref_slice %arg8[%add3A_112, %dma_start3A_144] : memref<64x80xi32, #tpu.memory_space<vmem>> -> memref<1x80xi32, #tpu.memory_space<vmem>>
        %dma_start3A_146 = tpu.memref_squeeze %dma_start3A_145 : memref<1x80xi32, #tpu.memory_space<vmem>> -> memref<80xi32, #tpu.memory_space<vmem>>
        %dma_start3A_147 = arith.constant 0 : i32
        %dma_start3A_148 = arith.constant 0 : i32
        %dma_start3A_149 = tpu.memref_slice %arg6[%dma_start3A_147, %dma_start3A_148] : memref<10112x128xf32, #tpu.memory_space<vmem_shared>> -> memref<10112x128xf32, #tpu.memory_space<vmem_shared>>
        tpu.enqueue_indirect_dma source(%arg10 : memref<80x128xf32, #tpu.memory_space<vmem>>) target(%dma_start3A_149 : memref<10112x128xf32, #tpu.memory_space<vmem_shared>>) offsets(%dma_start3A_146 : memref<80xi32, #tpu.memory_space<vmem>>) semaphore(%run_scoped3A_143 : memref<!tpu.dma_semaphore, #tpu.memory_space<semaphore_mem>>) {add = true}
        %dma_wait3A_150 = arith.constant 0 : i32
        %dma_wait3A_151 = tpu.memref_slice %arg8[%add3A_112, %dma_wait3A_150] : memref<64x80xi32, #tpu.memory_space<vmem>> -> memref<1x80xi32, #tpu.memory_space<vmem>>
        %dma_wait3A_152 = tpu.memref_squeeze %dma_wait3A_151 : memref<1x80xi32, #tpu.memory_space<vmem>> -> memref<80xi32, #tpu.memory_space<vmem>>
        %dma_wait3A_153 = arith.constant 0 : i32
        %dma_wait3A_154 = arith.constant 0 : i32
        %dma_wait3A_155 = tpu.memref_slice %arg6[%dma_wait3A_153, %dma_wait3A_154] : memref<10112x128xf32, #tpu.memory_space<vmem_shared>> -> memref<10112x128xf32, #tpu.memory_space<vmem_shared>>
        tpu.wait_indirect_dma semaphore(%run_scoped3A_143 : memref<!tpu.dma_semaphore, #tpu.memory_space<semaphore_mem>>) src(%arg10 : memref<80x128xf32, #tpu.memory_space<vmem>>) dst(%dma_wait3A_155 : memref<10112x128xf32, #tpu.memory_space<vmem_shared>>)
        tpu.yield
      }) : () -> ()
      %add3A_127 = arith.constant 2 : i32
      %add3A_128 = arith.addi %add3A_97, %add3A_127 : i32
      %dma_wait3A_129 = arith.constant 0 : i32
      %dma_wait3A_130 = arith.constant 0 : i32
      %dma_wait3A_131 = tpu.memref_slice %arg7[%dma_wait3A_129, %dma_wait3A_130] : memref<64x80xi32, #tpu.memory_space<vmem>> -> memref<1x80xi32, #tpu.memory_space<vmem>>
      %dma_wait3A_132 = tpu.memref_squeeze %dma_wait3A_131 : memref<1x80xi32, #tpu.memory_space<vmem>> -> memref<80xi32, #tpu.memory_space<vmem>>
      %dma_wait3A_133 = arith.constant 0 : i32
      %dma_wait3A_134 = arith.constant 0 : i32
      %dma_wait3A_135 = tpu.memref_slice %arg2[%dma_wait3A_133, %dma_wait3A_134] : memref<10112x128xf32, #tpu.memory_space<hbm>> -> memref<10112x128xf32, #tpu.memory_space<hbm>>
      tpu.wait_indirect_dma semaphore(%arg14 : memref<!tpu.dma_semaphore, #tpu.memory_space<semaphore_mem>>) src(%dma_wait3A_135 : memref<10112x128xf32, #tpu.memory_space<hbm>>) dst(%arg11 : memref<80x128xf32, #tpu.memory_space<vmem>>)
      %add3A_136 = arith.constant 2 : i32
      %add3A_137 = arith.addi %add3A_128, %add3A_136 : i32
      %lt3A_138 = arith.constant 61 : i32
      %lt3A_139 = arith.cmpi slt, %add3A_137, %lt3A_138 : i32
      %convert_element_type3A_140 = arith.extui %lt3A_139 : i1 to i32
      %cond3A_141 = arith.constant 0 : i32
      %cond3A_142 = arith.cmpi ne, %convert_element_type3A_140, %cond3A_141 : i32
      scf.if %cond3A_142 {
        %add3A_143 = arith.constant 2 : i32
        %add3A_144 = arith.addi %add3A_128, %add3A_143 : i32
        %dma_start3A_145 = arith.constant 0 : i32
        %dma_start3A_146 = tpu.memref_slice %arg7[%add3A_144, %dma_start3A_145] : memref<64x80xi32, #tpu.memory_space<vmem>> -> memref<1x80xi32, #tpu.memory_space<vmem>>
        %dma_start3A_147 = tpu.memref_squeeze %dma_start3A_146 : memref<1x80xi32, #tpu.memory_space<vmem>> -> memref<80xi32, #tpu.memory_space<vmem>>
        %dma_start3A_148 = arith.constant 0 : i32
        %dma_start3A_149 = arith.constant 0 : i32
        %dma_start3A_150 = tpu.memref_slice %arg2[%dma_start3A_148, %dma_start3A_149] : memref<10112x128xf32, #tpu.memory_space<hbm>> -> memref<10112x128xf32, #tpu.memory_space<hbm>>
        tpu.enqueue_indirect_dma source(%dma_start3A_150 : memref<10112x128xf32, #tpu.memory_space<hbm>>) target(%arg10 : memref<80x128xf32, #tpu.memory_space<vmem>>) offsets(%dma_start3A_147 : memref<80xi32, #tpu.memory_space<vmem>>) semaphore(%arg13 : memref<!tpu.dma_semaphore, #tpu.memory_space<semaphore_mem>>)
      } else {
      }
      "tpu.region"() ({
        %run_scoped3A_143 = tpu.sem_alloc : memref<!tpu.dma_semaphore, #tpu.memory_space<semaphore_mem>>
        %dma_start3A_144 = arith.constant 0 : i32
        %dma_start3A_145 = tpu.memref_slice %arg8[%add3A_128, %dma_start3A_144] : memref<64x80xi32, #tpu.memory_space<vmem>> -> memref<1x80xi32, #tpu.memory_space<vmem>>
        %dma_start3A_146 = tpu.memref_squeeze %dma_start3A_145 : memref<1x80xi32, #tpu.memory_space<vmem>> -> memref<80xi32, #tpu.memory_space<vmem>>
        %dma_start3A_147 = arith.constant 0 : i32
        %dma_start3A_148 = arith.constant 0 : i32
        %dma_start3A_149 = tpu.memref_slice %arg6[%dma_start3A_147, %dma_start3A_148] : memref<10112x128xf32, #tpu.memory_space<vmem_shared>> -> memref<10112x128xf32, #tpu.memory_space<vmem_shared>>
        tpu.enqueue_indirect_dma source(%arg11 : memref<80x128xf32, #tpu.memory_space<vmem>>) target(%dma_start3A_149 : memref<10112x128xf32, #tpu.memory_space<vmem_shared>>) offsets(%dma_start3A_146 : memref<80xi32, #tpu.memory_space<vmem>>) semaphore(%run_scoped3A_143 : memref<!tpu.dma_semaphore, #tpu.memory_space<semaphore_mem>>) {add = true}
        %dma_wait3A_150 = arith.constant 0 : i32
        %dma_wait3A_151 = tpu.memref_slice %arg8[%add3A_128, %dma_wait3A_150] : memref<64x80xi32, #tpu.memory_space<vmem>> -> memref<1x80xi32, #tpu.memory_space<vmem>>
        %dma_wait3A_152 = tpu.memref_squeeze %dma_wait3A_151 : memref<1x80xi32, #tpu.memory_space<vmem>> -> memref<80xi32, #tpu.memory_space<vmem>>
        %dma_wait3A_153 = arith.constant 0 : i32
        %dma_wait3A_154 = arith.constant 0 : i32
        %dma_wait3A_155 = tpu.memref_slice %arg6[%dma_wait3A_153, %dma_wait3A_154] : memref<10112x128xf32, #tpu.memory_space<vmem_shared>> -> memref<10112x128xf32, #tpu.memory_space<vmem_shared>>
        tpu.wait_indirect_dma semaphore(%run_scoped3A_143 : memref<!tpu.dma_semaphore, #tpu.memory_space<semaphore_mem>>) src(%arg11 : memref<80x128xf32, #tpu.memory_space<vmem>>) dst(%dma_wait3A_155 : memref<10112x128xf32, #tpu.memory_space<vmem_shared>>)
        tpu.yield
      }) : () -> ()
    }
    %scan3A_79 = arith.constant 20 : i32
    %dma_wait3A_80 = arith.constant 0 : i32
    %dma_wait3A_81 = arith.constant 0 : i32
    %dma_wait3A_82 = tpu.memref_slice %arg7[%dma_wait3A_80, %dma_wait3A_81] : memref<64x80xi32, #tpu.memory_space<vmem>> -> memref<1x80xi32, #tpu.memory_space<vmem>>
    %dma_wait3A_83 = tpu.memref_squeeze %dma_wait3A_82 : memref<1x80xi32, #tpu.memory_space<vmem>> -> memref<80xi32, #tpu.memory_space<vmem>>
    %dma_wait3A_84 = arith.constant 0 : i32
    %dma_wait3A_85 = arith.constant 0 : i32
    %dma_wait3A_86 = tpu.memref_slice %arg2[%dma_wait3A_84, %dma_wait3A_85] : memref<10112x128xf32, #tpu.memory_space<hbm>> -> memref<10112x128xf32, #tpu.memory_space<hbm>>
    tpu.wait_indirect_dma semaphore(%arg12 : memref<!tpu.dma_semaphore, #tpu.memory_space<semaphore_mem>>) src(%dma_wait3A_86 : memref<10112x128xf32, #tpu.memory_space<hbm>>) dst(%arg9 : memref<80x128xf32, #tpu.memory_space<vmem>>)
    %run_scoped3A_87 = arith.constant 60 : i32
    "tpu.region"() ({
      %run_scoped3A_93 = tpu.sem_alloc : memref<!tpu.dma_semaphore, #tpu.memory_space<semaphore_mem>>
      %dma_start3A_94 = arith.constant 0 : i32
      %dma_start3A_95 = tpu.memref_slice %arg8[%run_scoped3A_87, %dma_start3A_94] : memref<64x80xi32, #tpu.memory_space<vmem>> -> memref<1x80xi32, #tpu.memory_space<vmem>>
      %dma_start3A_96 = tpu.memref_squeeze %dma_start3A_95 : memref<1x80xi32, #tpu.memory_space<vmem>> -> memref<80xi32, #tpu.memory_space<vmem>>
      %dma_start3A_97 = arith.constant 0 : i32
      %dma_start3A_98 = arith.constant 0 : i32
      %dma_start3A_99 = tpu.memref_slice %arg6[%dma_start3A_97, %dma_start3A_98] : memref<10112x128xf32, #tpu.memory_space<vmem_shared>> -> memref<10112x128xf32, #tpu.memory_space<vmem_shared>>
      tpu.enqueue_indirect_dma source(%arg9 : memref<80x128xf32, #tpu.memory_space<vmem>>) target(%dma_start3A_99 : memref<10112x128xf32, #tpu.memory_space<vmem_shared>>) offsets(%dma_start3A_96 : memref<80xi32, #tpu.memory_space<vmem>>) semaphore(%run_scoped3A_93 : memref<!tpu.dma_semaphore, #tpu.memory_space<semaphore_mem>>) {add = true}
      %dma_wait3A_100 = arith.constant 0 : i32
      %dma_wait3A_101 = tpu.memref_slice %arg8[%run_scoped3A_87, %dma_wait3A_100] : memref<64x80xi32, #tpu.memory_space<vmem>> -> memref<1x80xi32, #tpu.memory_space<vmem>>
      %dma_wait3A_102 = tpu.memref_squeeze %dma_wait3A_101 : memref<1x80xi32, #tpu.memory_space<vmem>> -> memref<80xi32, #tpu.memory_space<vmem>>
      %dma_wait3A_103 = arith.constant 0 : i32
      %dma_wait3A_104 = arith.constant 0 : i32
      %dma_wait3A_105 = tpu.memref_slice %arg6[%dma_wait3A_103, %dma_wait3A_104] : memref<10112x128xf32, #tpu.memory_space<vmem_shared>> -> memref<10112x128xf32, #tpu.memory_space<vmem_shared>>
      tpu.wait_indirect_dma semaphore(%run_scoped3A_93 : memref<!tpu.dma_semaphore, #tpu.memory_space<semaphore_mem>>) src(%arg9 : memref<80x128xf32, #tpu.memory_space<vmem>>) dst(%dma_wait3A_105 : memref<10112x128xf32, #tpu.memory_space<vmem_shared>>)
      tpu.yield
    }) : () -> ()
    %barrier3A_88 = arith.constant 0 : index
    tpu.barrier barrier_id(%barrier3A_88)
    %mul3A_89 = arith.constant 632 : i32
    %mul3A_90 = arith.muli %arg1, %mul3A_89 : i32
    %mul3A_91 = arith.constant 632 : i32
    %mul3A_92 = arith.muli %arg1, %mul3A_91 : i32
    "tpu.region"() ({
      %run_scoped3A_93 = tpu.sem_alloc : memref<!tpu.dma_semaphore, #tpu.memory_space<semaphore_mem>>
      %dma_start3A_94 = arith.constant 0 : i32
      %dma_start3A_95 = tpu.memref_slice %arg5[%arg0, %mul3A_92, %dma_start3A_94] : memref<2x10112x128xf32, #tpu.memory_space<hbm>> -> memref<1x632x128xf32, #tpu.memory_space<hbm>>
      %dma_start3A_96 = tpu.memref_squeeze %dma_start3A_95 : memref<1x632x128xf32, #tpu.memory_space<hbm>> -> memref<632x128xf32, #tpu.memory_space<hbm>>
      %dma_start3A_97 = arith.constant 0 : i32
      %dma_start3A_98 = tpu.memref_slice %arg6[%mul3A_90, %dma_start3A_97] : memref<10112x128xf32, #tpu.memory_space<vmem_shared>> -> memref<632x128xf32, #tpu.memory_space<vmem_shared>>
      tpu.enqueue_dma source(%dma_start3A_98 : memref<632x128xf32, #tpu.memory_space<vmem_shared>>) target(%dma_start3A_96 : memref<632x128xf32, #tpu.memory_space<hbm>>) target_semaphore(%run_scoped3A_93 : memref<!tpu.dma_semaphore, #tpu.memory_space<semaphore_mem>>)
      %dma_wait3A_99 = arith.constant 0 : i32
      %dma_wait3A_100 = tpu.memref_slice %arg5[%arg0, %mul3A_92, %dma_wait3A_99] : memref<2x10112x128xf32, #tpu.memory_space<hbm>> -> memref<1x632x128xf32, #tpu.memory_space<hbm>>
      %dma_wait3A_101 = tpu.memref_squeeze %dma_wait3A_100 : memref<1x632x128xf32, #tpu.memory_space<hbm>> -> memref<632x128xf32, #tpu.memory_space<hbm>>
      %dma_wait3A_102 = arith.constant 0 : i32
      %dma_wait3A_103 = tpu.memref_slice %arg6[%mul3A_90, %dma_wait3A_102] : memref<10112x128xf32, #tpu.memory_space<vmem_shared>> -> memref<632x128xf32, #tpu.memory_space<vmem_shared>>
      tpu.wait_dma2 semaphore(%run_scoped3A_93 : memref<!tpu.dma_semaphore, #tpu.memory_space<semaphore_mem>>) src(%dma_wait3A_103 : memref<632x128xf32, #tpu.memory_space<vmem_shared>>) dst(%dma_wait3A_101 : memref<632x128xf32, #tpu.memory_space<hbm>>)
      tpu.yield
    }) : () -> ()
    return
  }
}

module attributes {stable_mosaic.version = 14 : i64} {
  func.func @gcn_fused_layer(%arg0: i32, %arg1: memref<2x10112x128xf32, #tpu.memory_space<vmem>>, %arg2: memref<2x10112x1xf32, #tpu.memory_space<vmem>>, %arg3: memref<128x128xf32, #tpu.memory_space<vmem>>, %arg4: memref<1x128xf32, #tpu.memory_space<vmem>>, %arg5: memref<10112x128xf32, #tpu.memory_space<vmem>>) attributes {dimension_semantics = [#tpu.dimension_semantics<arbitrary>], iteration_bounds = array<i64: 1>, scalar_prefetch = 0 : i64, scratch_operands = 0 : i64, tpu.core_type = #tpu.core_type<tc>, window_params = [{transform_indices = @transform_0, window_bounds = array<i64: 2, 10112, 128>}, {transform_indices = @transform_1, window_bounds = array<i64: 2, 10112, 1>}, {pipeline_mode = #tpu.pipeline_mode<synchronous>, transform_indices = @transform_2, window_bounds = array<i64: 128, 128>}, {pipeline_mode = #tpu.pipeline_mode<synchronous>, transform_indices = @transform_3, window_bounds = array<i64: 1, 128>}, {transform_indices = @transform_4, window_bounds = array<i64: 10112, 128>}]} {
    %get3A = arith.constant 0 : index
    %get3A_0 = arith.constant 0 : index
    %get3A_1 = arith.constant 0 : index
    %get3A_2 = vector.load %arg1[%get3A, %get3A_0, %get3A_1] : memref<2x10112x128xf32, #tpu.memory_space<vmem>>, vector<1x10112x128xf32>
    %get3A_3 = vector.shape_cast %get3A_2 : vector<1x10112x128xf32> to vector<10112x128xf32>
    %get3A_4 = arith.constant 1 : index
    %get3A_5 = arith.constant 0 : index
    %get3A_6 = arith.constant 0 : index
    %get3A_7 = vector.load %arg1[%get3A_4, %get3A_5, %get3A_6] : memref<2x10112x128xf32, #tpu.memory_space<vmem>>, vector<1x10112x128xf32>
    %get3A_8 = vector.shape_cast %get3A_7 : vector<1x10112x128xf32> to vector<10112x128xf32>
    %add3A = arith.addf %get3A_3, %get3A_8 : vector<10112x128xf32>
    %get3A_9 = arith.constant 0 : index
    %get3A_10 = arith.constant 0 : index
    %get3A_11 = arith.constant 0 : index
    %get3A_12 = vector.load %arg2[%get3A_9, %get3A_10, %get3A_11] : memref<2x10112x1xf32, #tpu.memory_space<vmem>>, vector<1x10112x1xf32>
    %get3A_13 = vector.shape_cast %get3A_12 : vector<1x10112x1xf32> to vector<10112x1xf32>
    %get3A_14 = arith.constant 1 : index
    %get3A_15 = arith.constant 0 : index
    %get3A_16 = arith.constant 0 : index
    %get3A_17 = vector.load %arg2[%get3A_14, %get3A_15, %get3A_16] : memref<2x10112x1xf32, #tpu.memory_space<vmem>>, vector<1x10112x1xf32>
    %get3A_18 = vector.shape_cast %get3A_17 : vector<1x10112x1xf32> to vector<10112x1xf32>
    %add3A_19 = arith.addf %get3A_13, %get3A_18 : vector<10112x1xf32>
    %max3A = arith.constant 1.000000e+00 : f32
    %max3A_20 = vector.broadcast %max3A : f32 to vector<10112x1xf32>
    %max3A_21 = arith.maximumf %add3A_19, %max3A_20 : vector<10112x1xf32>
    %div3A = arith.constant 1.000000e+00 : f32
    %div3A_22 = vector.broadcast %div3A : f32 to vector<10112x1xf32>
    %div3A_23 = arith.divf %div3A_22, %max3A_21 : vector<10112x1xf32>
    %get3A_24 = arith.constant 0 : index
    %get3A_25 = arith.constant 0 : index
    %get3A_26 = vector.load %arg3[%get3A_24, %get3A_25] : memref<128x128xf32, #tpu.memory_space<vmem>>, vector<128x128xf32>
    %dot_general3A = arith.constant dense<0.000000e+00> : vector<10112x128xf32>
    %dot_general3A_27 = tpu.matmul %add3A, %get3A_26, %dot_general3A {dimension_numbers = #tpu.dot_dimension_numbers<[1], [0], [0], [1], [0, 0, 1, 1], [], []>, transpose_lhs_hint = false} : vector<10112x128xf32>, vector<128x128xf32>, vector<10112x128xf32> -> vector<10112x128xf32>
    %mul3A = vector.broadcast %div3A_23 : vector<10112x1xf32> to vector<10112x128xf32>
    %mul3A_28 = arith.mulf %dot_general3A_27, %mul3A : vector<10112x128xf32>
    %get3A_29 = arith.constant 0 : index
    %get3A_30 = arith.constant 0 : index
    %get3A_31 = vector.load %arg4[%get3A_29, %get3A_30] : memref<1x128xf32, #tpu.memory_space<vmem>>, vector<1x128xf32>
    %add3A_32 = vector.broadcast %get3A_31 : vector<1x128xf32> to vector<10112x128xf32>
    %add3A_33 = arith.addf %mul3A_28, %add3A_32 : vector<10112x128xf32>
    %max3A_34 = arith.constant 0.000000e+00 : f32
    %max3A_35 = vector.broadcast %max3A_34 : f32 to vector<10112x128xf32>
    %max3A_36 = arith.maximumf %add3A_33, %max3A_35 : vector<10112x128xf32>
    %swap3A = arith.constant 0 : index
    %swap3A_37 = arith.constant 0 : index
    %swap3A_38 = vector.load %arg5[%swap3A, %swap3A_37] : memref<10112x128xf32, #tpu.memory_space<vmem>>, vector<10112x128xf32>
    tpu.vector_store %arg5[%swap3A, %swap3A_37], %max3A_36 {strides = array<i32>} : memref<10112x128xf32, #tpu.memory_space<vmem>>, vector<10112x128xf32>,
    return
  }
  func.func @transform_0(%arg0: i32) -> (i32, i32, i32) {
    %c0_i32 = arith.constant 0 : i32
    %c0_i32_0 = arith.constant 0 : i32
    %c0_i32_1 = arith.constant 0 : i32
    return %c0_i32, %arg0, %c0_i32_0 : i32, i32, i32
  }
  func.func @transform_1(%arg0: i32) -> (i32, i32, i32) {
    %c0_i32 = arith.constant 0 : i32
    %c0_i32_0 = arith.constant 0 : i32
    %c0_i32_1 = arith.constant 0 : i32
    return %c0_i32, %arg0, %c0_i32_0 : i32, i32, i32
  }
  func.func @transform_2(%arg0: i32) -> (i32, i32) {
    %c0_i32 = arith.constant 0 : i32
    %c0_i32_0 = arith.constant 0 : i32
    %c0_i32_1 = arith.constant 0 : i32
    return %c0_i32, %c0_i32_0 : i32, i32
  }
  func.func @transform_3(%arg0: i32) -> (i32, i32) {
    %c0_i32 = arith.constant 0 : i32
    %c0_i32_0 = arith.constant 0 : i32
    %c0_i32_1 = arith.constant 0 : i32
    return %c0_i32, %c0_i32_0 : i32, i32
  }
  func.func @transform_4(%arg0: i32) -> (i32, i32) {
    %c0_i32 = arith.constant 0 : i32
    %c0_i32_0 = arith.constant 0 : i32
    return %arg0, %c0_i32 : i32, i32
  }
}

module attributes {stable_mosaic.version = 14 : i64} {
  func.func @gcn_fused_layer(%arg0: i32, %arg1: memref<2x10112x128xf32, #tpu.memory_space<vmem>>, %arg2: memref<2x10112x1xf32, #tpu.memory_space<vmem>>, %arg3: memref<128x128xf32, #tpu.memory_space<vmem>>, %arg4: memref<1x128xf32, #tpu.memory_space<vmem>>, %arg5: memref<10112x128xf32, #tpu.memory_space<vmem>>) attributes {dimension_semantics = [#tpu.dimension_semantics<arbitrary>], iteration_bounds = array<i64: 1>, scalar_prefetch = 0 : i64, scratch_operands = 0 : i64, tpu.core_type = #tpu.core_type<tc>, window_params = [{transform_indices = @transform_0, window_bounds = array<i64: 2, 10112, 128>}, {transform_indices = @transform_1, window_bounds = array<i64: 2, 10112, 1>}, {pipeline_mode = #tpu.pipeline_mode<synchronous>, transform_indices = @transform_2, window_bounds = array<i64: 128, 128>}, {pipeline_mode = #tpu.pipeline_mode<synchronous>, transform_indices = @transform_3, window_bounds = array<i64: 1, 128>}, {transform_indices = @transform_4, window_bounds = array<i64: 10112, 128>}]} {
    %get3A = arith.constant 0 : index
    %get3A_0 = arith.constant 0 : index
    %get3A_1 = arith.constant 0 : index
    %get3A_2 = vector.load %arg1[%get3A, %get3A_0, %get3A_1] : memref<2x10112x128xf32, #tpu.memory_space<vmem>>, vector<1x10112x128xf32>
    %get3A_3 = vector.shape_cast %get3A_2 : vector<1x10112x128xf32> to vector<10112x128xf32>
    %get3A_4 = arith.constant 1 : index
    %get3A_5 = arith.constant 0 : index
    %get3A_6 = arith.constant 0 : index
    %get3A_7 = vector.load %arg1[%get3A_4, %get3A_5, %get3A_6] : memref<2x10112x128xf32, #tpu.memory_space<vmem>>, vector<1x10112x128xf32>
    %get3A_8 = vector.shape_cast %get3A_7 : vector<1x10112x128xf32> to vector<10112x128xf32>
    %add3A = arith.addf %get3A_3, %get3A_8 : vector<10112x128xf32>
    %get3A_9 = arith.constant 0 : index
    %get3A_10 = arith.constant 0 : index
    %get3A_11 = arith.constant 0 : index
    %get3A_12 = vector.load %arg2[%get3A_9, %get3A_10, %get3A_11] : memref<2x10112x1xf32, #tpu.memory_space<vmem>>, vector<1x10112x1xf32>
    %get3A_13 = vector.shape_cast %get3A_12 : vector<1x10112x1xf32> to vector<10112x1xf32>
    %get3A_14 = arith.constant 1 : index
    %get3A_15 = arith.constant 0 : index
    %get3A_16 = arith.constant 0 : index
    %get3A_17 = vector.load %arg2[%get3A_14, %get3A_15, %get3A_16] : memref<2x10112x1xf32, #tpu.memory_space<vmem>>, vector<1x10112x1xf32>
    %get3A_18 = vector.shape_cast %get3A_17 : vector<1x10112x1xf32> to vector<10112x1xf32>
    %add3A_19 = arith.addf %get3A_13, %get3A_18 : vector<10112x1xf32>
    %max3A = arith.constant 1.000000e+00 : f32
    %max3A_20 = vector.broadcast %max3A : f32 to vector<10112x1xf32>
    %max3A_21 = arith.maximumf %add3A_19, %max3A_20 : vector<10112x1xf32>
    %div3A = arith.constant 1.000000e+00 : f32
    %div3A_22 = vector.broadcast %div3A : f32 to vector<10112x1xf32>
    %div3A_23 = arith.divf %div3A_22, %max3A_21 : vector<10112x1xf32>
    %get3A_24 = arith.constant 0 : index
    %get3A_25 = arith.constant 0 : index
    %get3A_26 = vector.load %arg3[%get3A_24, %get3A_25] : memref<128x128xf32, #tpu.memory_space<vmem>>, vector<128x128xf32>
    %dot_general3A = arith.constant dense<0.000000e+00> : vector<10112x128xf32>
    %dot_general3A_27 = tpu.matmul %add3A, %get3A_26, %dot_general3A {dimension_numbers = #tpu.dot_dimension_numbers<[1], [0], [0], [1], [0, 0, 1, 1], [], []>, transpose_lhs_hint = false} : vector<10112x128xf32>, vector<128x128xf32>, vector<10112x128xf32> -> vector<10112x128xf32>
    %mul3A = vector.broadcast %div3A_23 : vector<10112x1xf32> to vector<10112x128xf32>
    %mul3A_28 = arith.mulf %dot_general3A_27, %mul3A : vector<10112x128xf32>
    %get3A_29 = arith.constant 0 : index
    %get3A_30 = arith.constant 0 : index
    %get3A_31 = vector.load %arg4[%get3A_29, %get3A_30] : memref<1x128xf32, #tpu.memory_space<vmem>>, vector<1x128xf32>
    %add3A_32 = vector.broadcast %get3A_31 : vector<1x128xf32> to vector<10112x128xf32>
    %add3A_33 = arith.addf %mul3A_28, %add3A_32 : vector<10112x128xf32>
    %swap3A = arith.constant 0 : index
    %swap3A_34 = arith.constant 0 : index
    %swap3A_35 = vector.load %arg5[%swap3A, %swap3A_34] : memref<10112x128xf32, #tpu.memory_space<vmem>>, vector<10112x128xf32>
    tpu.vector_store %arg5[%swap3A, %swap3A_34], %add3A_33 {strides = array<i32>} : memref<10112x128xf32, #tpu.memory_space<vmem>>, vector<10112x128xf32>,
    return
  }
  func.func @transform_0(%arg0: i32) -> (i32, i32, i32) {
    %c0_i32 = arith.constant 0 : i32
    %c0_i32_0 = arith.constant 0 : i32
    %c0_i32_1 = arith.constant 0 : i32
    return %c0_i32, %arg0, %c0_i32_0 : i32, i32, i32
  }
  func.func @transform_1(%arg0: i32) -> (i32, i32, i32) {
    %c0_i32 = arith.constant 0 : i32
    %c0_i32_0 = arith.constant 0 : i32
    %c0_i32_1 = arith.constant 0 : i32
    return %c0_i32, %arg0, %c0_i32_0 : i32, i32, i32
  }
  func.func @transform_2(%arg0: i32) -> (i32, i32) {
    %c0_i32 = arith.constant 0 : i32
    %c0_i32_0 = arith.constant 0 : i32
    %c0_i32_1 = arith.constant 0 : i32
    return %c0_i32, %c0_i32_0 : i32, i32
  }
  func.func @transform_3(%arg0: i32) -> (i32, i32) {
    %c0_i32 = arith.constant 0 : i32
    %c0_i32_0 = arith.constant 0 : i32
    %c0_i32_1 = arith.constant 0 : i32
    return %c0_i32, %c0_i32_0 : i32, i32
  }
  func.func @transform_4(%arg0: i32) -> (i32, i32) {
    %c0_i32 = arith.constant 0 : i32
    %c0_i32_0 = arith.constant 0 : i32
    return %arg0, %c0_i32 : i32, i32
  }
}

</mosaic_0001>

<sc_bundles>
// kernel: gcn_agg.4.cloned.1.call-start
scs
__scs_entry_jumppad:
0x0: {  	(pc) =	sbr.rel $0x88, $3  }
0x1: {  	(tag) =	ssettag $0x0;
	lr =	simm.s32 $0x1  }
0x2: {  	[smem:$0x3F99] =	sst lr;
	_ =	strace $0xD0000000  }
0x3: {  	_ = 	snop  }
0x4: {  	_ = 	snop  }
0x5: {  	_ = 	snop  }
0x6: {  	_ = 	snop  }
0x7: {  	_ = 	snop  }
__scs_overlays_trampoline_lowered:
0x8: {  	[smem:$0x3FA8] =	sst s0  }
0x9: {  	[smem:$0x3FA9] =	sst s1  }
0xa: {  	[smem:$0x3FAA] =	sst s2  }
0xb: {  	[smem:$0x3FAB] =	sst s3  }
0xc: {  	[smem:$0x3FAC] =	sst s4  }
0xd: {  	[smem:$0x3FAD] =	sst s5  }
0xe: {  	[smem:$0x3FAE] =	sst s6  }
0xf: {  	[smem:$0x3FAF] =	sst s7  }
0x10: {  	[smem:$0x3FB0] =	sst s8  }
0x11: {  	[smem:$0x3FB1] =	sst s9;
	s0 =	simm.s32 @!p0 $0x0  }
0x12: {  	s1 =	sld [smem:$0x3F97];
	s0 =	simm.s32 @p0 $0x1  }
0x13: {  	[smem:$0x3FB2] =	sst s0;
	s0 =	simm.s32 @!p1 $0x0  }
0x14: {  	s2 =	sld [smem:$0x3F96];
	s0 =	simm.s32 @p1 $0x1  }
0x15: {  	[smem:$0x3FB3] =	sst s0;
	s0 =	simm.s32 @!p2 $0x0  }
0x16: {  	s3 =	sld [smem:$0x3FDB];
	s0 =	simm.s32 @p2 $0x1  }
0x17: {  	s4 =	simm.s32 $0x1BF5;
	[smem:$0x3FB5] =	sst s0  }
0x18: {  	s0 =	sld [smem:$0x3F98];
	_ =	swait.ge [sflag:s4], $0x0  }
0x19: {  	s7 =	sld [smem:$0x3F99]  }
0x1a: {  	s8 =	sadd.s32 $0xFFFFE003, lr  }
0x1b: {  	s9 =	sadd.s32 $0xFFFFFEF7, lr;
	s5 =	simm.s32 $0xFFFFFFFF;
	p2 =	slt.u32 s8, $0xFFFFF086  }
0x1c: {  	p1 =	slt.u32 s9, $0xF7A;
	s5 =	simm.s32 @!p2 $0x0  }
0x1d: {  	s5 =	simm.s32 @p1 $0x1;
	p0 =	seq.s32 s7, s2  }
0x1e: {  	s7 =	smul.u32 @!p0 $0xF7A, s2;
	p2 =	seq.s32 @!p0 s5, $0x0  }
0x1f: {  	s9 =	smul.u32 $0xF7A, s1;
	s8 =	simm.s32 @!p0 $0x1BF5;
	p2 =	por !p2, p0  }
0x20: {  	[sflag:s8] =	ssyncset.s32 @!p0 $0xFFFFF086;
	s6 =	sadd.s32 @!p0 s3, s7;
	s7 =	simm.s32 @!p0 $0x108  }
0x21: {  	s3 =	sadd.s32 s3, s9;
	s6 =	sadd.s32 @!p0 $0x88, s6;
	s7 =	simm.s32 @p2 $0x1082  }
0x22: {  	[simem:s7], [sflag:s8] =	dma.local @!p0 [hbm:s6], $0xF7A  }
0x23: {  	s9 =	sor.u32 $0xD0000000, s2;
	s6 =	simm.s32 $0x108;
	_ =	swait.ge @!p0 [sflag:s8], $0x0  }
0x24: {  	s3 =	sadd.s32 $0x88, s3;
	s6 =	simm.s32 @!p1 $0x1082;
	[sflag:s4] =	ssyncset.s32 $0xFFFFF086  }
0x25: {  	[simem:s6], [sflag:s4] =	dma.local [hbm:s3], $0xF7A  }
0x26: {  	[smem:$0x3F99] =	sst s1;
	(tag) =	ssettag s2;
	_ =	strace s9  }
0x27: {  	s1 =	sld [smem:$0x3FA9]  }
0x28: {  	s2 =	sld [smem:$0x3FAA]  }
0x29: {  	s4 =	sld [smem:$0x3FAC]  }
0x2a: {  	p0 =	seq.s32 s5, $0x0;
	s5 =	sld [smem:$0x3FAD]  }
0x2b: {  	s6 =	sld [smem:$0x3FAE]  }
0x2c: {  	s7 =	sld [smem:$0x3FAF]  }
0x2d: {  	s3 =	simm.s32 $0x108;
	s8 =	sld [smem:$0x3FB0]  }
0x2e: {  	s3 =	simm.s32 @!p0 $0x1082;
	s9 =	sld [smem:$0x3FB1]  }
0x2f: {  	lr =	sadd.s32 s0, s3;
	s0 =	sld [smem:$0x3FA8]  }
0x30: {  	s3 =	sld [smem:$0x3FAB]  }
0x31: {  	[smem:$0x3FB4] =	sst s10  }
0x32: {  	s10 =	sld [smem:$0x3FB2];
	_ =	sdelay $0x3  }
0x33: {  	p0 =	seq.s32 s10, $0x1;
	s10 =	sld [smem:$0x3FB4];
	_ =	sdelay $0x3  }
0x34: {  	[smem:$0x3FB4] =	sst s10  }
0x35: {  	s10 =	sld [smem:$0x3FB3];
	_ =	sdelay $0x3  }
0x36: {  	p1 =	seq.s32 s10, $0x1;
	s10 =	sld [smem:$0x3FB4];
	_ =	sdelay $0x3  }
0x37: {  	[smem:$0x3FB4] =	sst s10  }
0x38: {  	s10 =	sld [smem:$0x3FB5]  }
0x39: {  	_ = 	snop;
	(pc) =	sbr.ind lr, $3  }
0x3a: {  	_ = 	snop  }
0x3b: {  	_ = 	snop  }
0x3c: {  	p2 =	seq.s32 s10, $0x1;
	s10 =	sld [smem:$0x3FB4]  }
0x3d: {  	_ =	shalt  }
0x3e: {  	_ =	shalt  }
0x3f: {  	_ =	shalt  }
0x40: {  	_ =	shalt  }
0x41: {  	_ =	shalt  }
0x42: {  	_ =	shalt  }
0x43: {  	_ =	shalt  }
0x44: {  	_ =	shalt  }
0x45: {  	_ =	shalt  }
0x46: {  	_ =	shalt  }
0x47: {  	_ =	shalt  }
0x48: {  	_ =	shalt  }
0x49: {  	_ =	shalt  }
0x4a: {  	_ =	shalt  }
0x4b: {  	_ =	shalt  }
0x4c: {  	_ =	shalt  }
0x4d: {  	_ =	shalt  }
0x4e: {  	_ =	shalt  }
0x4f: {  	_ =	shalt  }
0x50: {  	_ =	shalt  }
0x51: {  	_ =	shalt  }
0x52: {  	_ =	shalt  }
0x53: {  	_ =	shalt  }
0x54: {  	_ =	shalt  }
0x55: {  	_ =	shalt  }
0x56: {  	_ =	shalt  }
0x57: {  	_ =	shalt  }
0x58: {  	_ =	shalt  }
0x59: {  	_ =	shalt  }
0x5a: {  	_ =	shalt  }
0x5b: {  	_ =	shalt  }
0x5c: {  	_ =	shalt  }
0x5d: {  	_ =	shalt  }
0x5e: {  	_ =	shalt  }
0x5f: {  	_ =	shalt  }
0x60: {  	_ =	shalt  }
0x61: {  	_ =	shalt  }
0x62: {  	_ =	shalt  }
0x63: {  	_ =	shalt  }
0x64: {  	_ =	shalt  }
0x65: {  	_ =	shalt  }
0x66: {  	_ =	shalt  }
0x67: {  	_ =	shalt  }
0x68: {  	_ =	shalt  }
0x69: {  	_ =	shalt  }
0x6a: {  	_ =	shalt  }
0x6b: {  	_ =	shalt  }
0x6c: {  	_ =	shalt  }
0x6d: {  	_ =	shalt  }
0x6e: {  	_ =	shalt  }
0x6f: {  	_ =	shalt  }
0x70: {  	_ =	shalt  }
0x71: {  	_ =	shalt  }
0x72: {  	_ =	shalt  }
0x73: {  	_ =	shalt  }
0x74: {  	_ =	shalt  }
0x75: {  	_ =	shalt  }
0x76: {  	_ =	shalt  }
0x77: {  	_ =	shalt  }
0x78: {  	_ =	shalt  }
0x79: {  	_ =	shalt  }
0x7a: {  	_ =	shalt  }
0x7b: {  	_ =	shalt  }
0x7c: {  	_ =	shalt  }
0x7d: {  	_ =	shalt  }
0x7e: {  	_ =	shalt  }
0x7f: {  	_ =	shalt  }
0x80: {  	_ =	shalt  }
0x81: {  	_ =	shalt  }
0x82: {  	_ =	shalt  }
0x83: {  	_ =	shalt  }
0x84: {  	_ =	shalt  }
0x85: {  	_ =	shalt  }
0x86: {  	_ =	shalt  }
0x87: {  	_ =	shalt  }
.Lfunc_end0:
.L_simem_size_0:
called_computation.1_lowered:
.L_overlay_start_0:
0x88: {  	s2 =	sld [smem:$0x3FD9]  }
0x89: {  	s3 =	sld [smem:$0x3FFE];
	_ =	sdelay $0x1  }
0x8a: {  	s1 =	srdreg.scid  }
0x8b: {  	s0 =	sand.u32 $0x1, s1  }
0x8c: {  	s16 =	sshll.u32 s0, $0xA;
	s2 =	sadd.s32 s3, s2  }
0x8d: {  	s2 =	sadd.s32 s2, s16  }
0x8e: {  	[smem:$0x3FC0] =	sst s2  }
0x8f: {  	_ = 	snop  }
0x90: {  	(tm) =	ssettm $0x1  }
0x91: {  	s17 =	sld [smem:$0x3FFB];
	_ =	sdelay $0x3  }
0x92: {  	_ =	strace s17  }
0x93: {  	s2 =	sld [smem:$0x3FFC];
	_ =	sdelay $0x3  }
0x94: {  	_ =	strace s2  }
0x95: {  	s2 =	sld [smem:$0x3FFD];
	_ =	sdelay $0x3  }
0x96: {  	_ =	strace s2  }
0x97: {  	_ =	strace $0x8FFFFFFF  }
0x98: {  	s18 =	sld [smem:$0x3FDB];
	_ =	sdelay $0x1  }
0x99: {  	s19 =	simm.s32 $_scs_section_size  }
0x9a: {  	s4 =	simm.s32 $_size__tile_overlayer_lowered;
	s5 =	simm.s32 $_tile_overlayer_lowered  }
0x9b: {  	s22 =	simm.s32 $0x1BFF;
	s21 =	sshll.u32 s5, $0x1;
	s2 =	sadd.s32 s19, s18  }
0x9c: {  	s6 =	simm.s32 $0x0;
	s20 =	sshll.u32 s4, $0x1;
	s4 =	sadd.s32 s21, s2  }
0x9d: {  	[timem:s6], [sflag:s22] =	dma.local [hbm:s4], s20  }
0x9e: {  	_ =	swait.ge [sflag:s22], s20  }
0x9f: {  	s3 =	ssub.s32 $0x0, s20;
	[sflag:s22] =	ssyncset.done $0x0  }
0xa0: {  	[sflag:s22] =	ssyncadd.s32 s3;
	_ =	sdelay $0x1  }
0xa1: {  	s23 =	simm.s32 $0x1B8B  }
0xa2: {  	_ =	swait.ge [sflag:s23], $0x1  }
0xa3: {  	[sflag:s23] =	ssyncset.done $0x0  }
0xa4: {  	s25 =	simm.s32 $0x1B8E;
	s24 =	sld [smem:$0x3FFE];
	[sflag:s23] =	ssyncadd.s32 $0xFFFFFFFF  }
0xa5: {  	s26 =	simm.s32 $execute0_lowered;
	[smem:$0x3FD2] =	sst s25  }
0xa6: {  	s4 =	sshll.u32 s26, $0x1;
	_ =	strace $0x80000049;
	[dreg:$0x1] =	wrdreg $0xFFFFFFFF  }
0xa7: {  	s28 =	simm.s32 $_size_execute0_lowered;
	s2 =	sadd.s32 s2, s4;
	[dreg:$0x0] =	wrdreg $0x0  }
0xa8: {  	s4 =	sshll.u32 s28, $0x1;
	[dreg:$0x2] =	wrdreg s2  }
0xa9: {  	[dreg:$0x3] =	wrdreg s4  }
0xaa: {  	[dreg:$0x4] =	wrdreg $0xC0  }
0xab: {  	_ =	task [dreg:s6], $0x5FFFF  }
0xac: {  	[dreg:$0x1] =	wrdreg $0xFFFFFFFF  }
0xad: {  	[dreg:$0x0] =	wrdreg $0x60  }
0xae: {  	[dreg:$0x2] =	wrdreg s24  }
0xaf: {  	[dreg:$0x3] =	wrdreg $0x0  }
0xb0: {  	[dreg:$0x4] =	wrdreg $0x9  }
0xb1: {  	_ =	task.clear_ibuf [dreg:s6], $0x5FFFF;
	_ =	strace $0x90000049  }
0xb2: {  	s29 =	simm.s32 $0x9;
	_ =	strace $0x8000004B  }
0xb3: {  	_ =	swait.ge [sflag:s29], $0x1  }
0xb4: {  	[sflag:s29] =	ssyncadd.s32 $0xFFFFFFFF  }
0xb5: {  	_ =	strace $0x9000004B  }
0xb6: {  	_ =	sfence  }
0xb7: {  	s30 =	sld [smem:$0x0];
	_ =	sdelay $0x2  }
0xb8: {  	s31 =	sshll.u32 s1, $0xD;
	s1 =	sshrl.u32 s1, $0x2  }
0xb9: {  	s3 =	sand.u32 $0x4000, s31;
	s1 =	sadd.s32 s1, s30  }
0xba: {  	s0 =	sor.u32 s3, s0;
	s1 =	sshll.u32 s1, $0x11  }
0xbb: {  	s0 =	sor.u32 s1, s0  }
0xbc: {  	s0 =	sadd.s32 $0x8F2B, s0  }
0xbd: {  	[sflag:s0] =	ssyncadd.remote.s32 $0x1  }
0xbe: {  	_ =	sfence.sel $0xFFFF  }
0xbf: {  	[dreg:$0x0] =	wrdreg $0xFFFFFFFF;
	(pc) =	sbr.abs _section_cstart, $3  }
0xc0: {  	[dreg:$0x1] =	wrdreg $0xFFFFFFFF  }
0xc1: {  	_ =	task.clear_ibuf [dreg:s6], $0x2FFFF;
	_ =	strace $0x9FFFFFFF  }
0xc2: {  	(tm) =	ssettm $0x7FFFFFFF  }
0xc3: {  	_ =	shalt  }
tec
execute0_lowered:
.L_overlay_start_1:
0x0: {  	(tag) =	ssettag $0x1  }
0x1: {  	s0 =	rddreg [dreg:$0x0]  }
0x2: {  	s1 =	rddreg [dreg:$0x1];
	s3 =	simm.s32 $0x0;
	s2 =	srdreg.scid  }
0x3: {  	s10 =	stileid.u32;
	s19 =	simm.s32 $0x17C00;
	s20 =	simm.s32 $0x4  }
0x4: {  	s21 =	simm.s32 $0x13C00;
	s22 =	simm.s32 $0x15C00;
	s23 =	simm.s32 $0x50  }
0x5: {  	s24 =	simm.s32 $0x13C80;
	s25 =	simm.s32 $0x1A400;
	s28 =	simm.s32 $0x1CC00  }
0x6: {  	s29 =	simm.s32 $0x2;
	s30 =	simm.s32 $0x3;
	[smem:$0x7FF] =	sst s3  }
0x7: {  	s2 =	sand.u32 $0x1, s2;
	s6 =	smul.u32 $0x13C00, s10;
	s4 =	sadd.s32 $0x21200, s0  }
0x8: {  	s15 =	sadd.s32 $0x1200, s0;
	s7 =	smul.u32 $0x4F000, s10;
	s16 =	sadd.s32 $0x11200, s0  }
0x9: {  	s12 =	sshll.u32 s10, $0xC;
	s5 =	smul.u32 $0x13C000, s2;
	s26 =	ssub.s32 $0x2, s2  }
0xa: {  	_ =	strace $0x8000004A;
	s2 =	sshll.u32 s2, $0xB;
	s8 =	sshrl.u32 s26, $0x1  }
0xb: {  	s7 =	sshrl.u32 s7, $0x2;
	s2 =	sor.u32 s2, s12;
	s5 =	sadd.s32 s6, s5  }
0xc: {  	s18 =	ssub.s32 s26, s8;
	s13 =	sadd.s32 s15, s2;
	s17 =	sor.u32 $0x400, s2  }
0xd: {  	s14 =	sadd.s32 s16, s2;
	s26 =	simm.s32 $0x1;
	s5 =	sshrl.u32 s5, $0x3  }
0xe: {  	s15 =	sadd.s32 s15, s17;
	s0 =	sadd.s32 s5, s0;
	s5 =	sadd.s32 s7, s1  }
0xf: {  	s16 =	sadd.s32 s16, s17;
	s18 =	smax.u32 s18, $0x1;
	s31 =	sadd.s32 $0x2800, s5  }
0x10: {  	s7 =	sadd.s32 $0x5000, s5;
	s8 =	sadd.s32 $0x7800, s5;
	s9 =	sadd.s32 $0xA000, s5  }
0x11: {  	s10 =	sadd.s32 $0xC800, s5;
	s11 =	sadd.s32 $0xF000, s5;
	s12 =	sadd.s32 $0x11800, s5  }
0x12: {  	v0 =	vimm.f32 $0.0e+00;
	s17 =	sadd.s32 $0xBF200, s0;
	s0 =	simm.s32 $0x17A00;
	[dreg:$0x3] =	wrdreg s31  }
.LBB2_1:
0x13: {  	s31 =	simm.s32 $0x0;
	s2 =	simm.s32 $0x200  }
.LBB2_2:
0x14: {  	p0 =	sne.s32 s2, $0x9E00;
	[tilespmem:s31+$0x17C70] =	vst v0  }
0x15: {  	[tilespmem:s31+$0x17C00] =	vst v0  }
0x16: {  	[tilespmem:s31+$0x17C10] =	vst v0  }
.Ltmp0:
0x17: {  	[tilespmem:s31+$0x17C20] =	vst v0;
	(pc) =	sbr.rel @p0 .LBB2_2-.Ltmp0, $4  }
0x18: {  	[tilespmem:s31+$0x17C30] =	vst v0  }
0x19: {  	[tilespmem:s31+$0x17C40] =	vst v0  }
0x1a: {  	[tilespmem:s31+$0x17C50] =	vst v0  }
0x1b: {  	[tilespmem:s31+$0x17C60] =	vst v0;
	s31 =	sshra.s32 s2, $0x2;
	s2 =	sadd.s32 $0x200, s2  }
0x1c: {  	[tilespmem:s31+$0x17C70] =	vst v0  }
0x1d: {  	[tilespmem:s31+$0x17C00] =	vst v0  }
0x1e: {  	[tilespmem:s31+$0x17C10] =	vst v0  }
0x1f: {  	[tilespmem:s31+$0x17C20] =	vst v0  }
0x20: {  	[tilespmem:s31+$0x17C30] =	vst v0  }
0x21: {  	[tilespmem:s31+$0x17C40] =	vst v0  }
0x22: {  	[tilespmem:s31+$0x17C50] =	vst v0  }
0x23: {  	[tilespmem:s31+$0x17C60] =	vst v0  }
0x24: {  	[spmem:s5] =	stream.linear.scatter [tilespmem:s19], [sflag:$0x4], $0x2800, $0x38;
	[tilespmem:$0x1F400] =	vst v63  }
0x25: {  	_ =	swait.ge [sflag:s20], $0x2800  }
0x26: {  	[sflag:s20] =	ssyncset.done $0x0  }
0x27: {  	s2 =	rddreg [dreg:$0x3];
	[sflag:s20] =	ssyncadd.s32 $0xFFFFD800  }
0x28: {  	[spmem:s2] =	stream.linear.scatter [tilespmem:s19], [sflag:$0x4], $0x2800, $0x38;
	[tilespmem:$0x1F400] =	vst v63  }
0x29: {  	_ =	swait.ge [sflag:s20], $0x2800  }
0x2a: {  	[sflag:s20] =	ssyncset.done $0x0  }
0x2b: {  	[sflag:s20] =	ssyncadd.s32 $0xFFFFD800  }
0x2c: {  	[spmem:s7] =	stream.linear.scatter [tilespmem:s19], [sflag:$0x4], $0x2800, $0x38;
	[tilespmem:$0x1F400] =	vst v63  }
0x2d: {  	_ =	swait.ge [sflag:s20], $0x2800  }
0x2e: {  	[sflag:s20] =	ssyncset.done $0x0  }
0x2f: {  	[sflag:s20] =	ssyncadd.s32 $0xFFFFD800  }
0x30: {  	[spmem:s8] =	stream.linear.scatter [tilespmem:s19], [sflag:$0x4], $0x2800, $0x38;
	[tilespmem:$0x1F400] =	vst v63  }
0x31: {  	_ =	swait.ge [sflag:s20], $0x2800  }
0x32: {  	[sflag:s20] =	ssyncset.done $0x0  }
0x33: {  	[sflag:s20] =	ssyncadd.s32 $0xFFFFD800  }
0x34: {  	[spmem:s9] =	stream.linear.scatter [tilespmem:s19], [sflag:$0x4], $0x2800, $0x38;
	[tilespmem:$0x1F400] =	vst v63  }
0x35: {  	_ =	swait.ge [sflag:s20], $0x2800  }
0x36: {  	[sflag:s20] =	ssyncset.done $0x0  }
0x37: {  	[sflag:s20] =	ssyncadd.s32 $0xFFFFD800  }
0x38: {  	[spmem:s10] =	stream.linear.scatter [tilespmem:s19], [sflag:$0x4], $0x2800, $0x38;
	[tilespmem:$0x1F400] =	vst v63  }
0x39: {  	_ =	swait.ge [sflag:s20], $0x2800  }
0x3a: {  	[sflag:s20] =	ssyncset.done $0x0  }
0x3b: {  	[sflag:s20] =	ssyncadd.s32 $0xFFFFD800  }
0x3c: {  	[spmem:s11] =	stream.linear.scatter [tilespmem:s19], [sflag:$0x4], $0x2800, $0x38;
	[tilespmem:$0x1F400] =	vst v63  }
0x3d: {  	_ =	swait.ge [sflag:s20], $0x2800  }
0x3e: {  	[sflag:s20] =	ssyncset.done $0x0  }
0x3f: {  	[sflag:s20] =	ssyncadd.s32 $0xFFFFD800  }
0x40: {  	[spmem:s12] =	stream.linear.scatter [tilespmem:s19], [sflag:$0x4], $0x2400, $0x38;
	[tilespmem:$0x1F400] =	vst v63  }
0x41: {  	_ =	swait.ge [sflag:s20], $0x2400  }
0x42: {  	[sflag:s20] =	ssyncset.done $0x0  }
0x43: {  	[sflag:s20] =	ssyncadd.s32 $0xFFFFDC00  }
0x44: {  	s6 =	simm.s32 $0x0;
	[bflag:$0x0] =	sbarrier.arrive $0xFFFF  }
0x45: {  	[tilespmem:s21], [sflag:$0x4] =	stream.linear.gather [hbm4b:s13+s6], $0x2000, $0x38;
	[tilespmem:$0x1F400] =	vst v63  }
0x46: {  	_ =	swait.ge [sflag:s20], $0x2000  }
0x47: {  	[sflag:s20] =	ssyncset.done $0x0  }
0x48: {  	[sflag:s20] =	ssyncadd.s32 $0xFFFFE000  }
0x49: {  	[tilespmem:s22], [sflag:$0x4] =	stream.linear.gather [hbm4b:s14+s6], $0x2000, $0x38;
	[tilespmem:$0x1F400] =	vst v63  }
0x4a: {  	_ =	swait.ge [sflag:s20], $0x2000  }
0x4b: {  	[sflag:s20] =	ssyncset.done $0x0  }
0x4c: {  	[sflag:s20] =	ssyncadd.s32 $0xFFFFE000  }
0x4d: {  	[tilespmem:s19], [sflag:$0x1] =	stream.indirect.gather [hbm4b:s4+s23], $0x80, s21, s23, $0xb8;
	[tilespmem:$0x1F400] =	vst v63  }
0x4e: {  	_ = 	snop  }
0x4f: {  	[tilespmem:s25], [sflag:$0x2] =	stream.indirect.gather [hbm4b:s4+s23], $0x80, s24, s23, $0xb8;
	[tilespmem:$0x1F400] =	vst v63  }
0x50: {  	_ =	swait.ge [sflag:s26], $0x2800  }
0x51: {  	[sflag:s26] =	ssyncset.done $0x0  }
0x52: {  	s6 =	simm.s32 $0x13D00;
	[sflag:s26] =	ssyncadd.s32 $0xFFFFD800  }
0x53: {  	[tilespmem:s28], [sflag:$0x3] =	stream.indirect.gather [hbm4b:s4+s23], $0x80, s6, s23, $0xb8;
	[tilespmem:$0x1F400] =	vst v63  }
0x54: {  	s6 =	simm.s32 $0x15C00  }
0x55: {  	[spmem:s1] =	stream.indirect.scatter.add.f32 [tilespmem:s19], [sflag:$0x4], $0x80, s6, s23, $0xb8;
	[tilespmem:$0x1F400] =	vst v63  }
0x56: {  	_ =	swait.ge [sflag:s20], $0x2800  }
0x57: {  	[sflag:s20] =	ssyncset.done $0x0  }
0x58: {  	[sflag:s20] =	ssyncadd.s32 $0xFFFFD800  }
0x59: {  	_ =	swait.ge [sflag:s29], $0x2800  }
0x5a: {  	[sflag:s29] =	ssyncset.done $0x0  }
0x5b: {  	s6 =	simm.s32 $0x13D80;
	[sflag:s29] =	ssyncadd.s32 $0xFFFFD800  }
0x5c: {  	[tilespmem:s19], [sflag:$0x1] =	stream.indirect.gather [hbm4b:s4+s23], $0x80, s6, s23, $0xb8;
	[tilespmem:$0x1F400] =	vst v63  }
0x5d: {  	s6 =	simm.s32 $0x15C80  }
0x5e: {  	[spmem:s1] =	stream.indirect.scatter.add.f32 [tilespmem:s25], [sflag:$0x4], $0x80, s6, s23, $0xb8;
	[tilespmem:$0x1F400] =	vst v63  }
0x5f: {  	_ =	swait.ge [sflag:s20], $0x2800  }
0x60: {  	[sflag:s20] =	ssyncset.done $0x0  }
0x61: {  	[sflag:s20] =	ssyncadd.s32 $0xFFFFD800  }
0x62: {  	_ =	swait.ge [sflag:s30], $0x2800  }
0x63: {  	[sflag:s30] =	ssyncset.done $0x0  }
0x64: {  	s6 =	simm.s32 $0x13E00;
	[sflag:s30] =	ssyncadd.s32 $0xFFFFD800  }
0x65: {  	[tilespmem:s25], [sflag:$0x2] =	stream.indirect.gather [hbm4b:s4+s23], $0x80, s6, s23, $0xb8;
	[tilespmem:$0x1F400] =	vst v63  }
0x66: {  	s6 =	simm.s32 $0x15D00  }
0x67: {  	[spmem:s1] =	stream.indirect.scatter.add.f32 [tilespmem:s28], [sflag:$0x4], $0x80, s6, s23, $0xb8;
	[tilespmem:$0x1F400] =	vst v63  }
0x68: {  	_ =	swait.ge [sflag:s20], $0x2800  }
0x69: {  	s31 =	simm.s32 $0x600;
	[sflag:s20] =	ssyncset.done $0x0  }
.LBB2_4:
0x6a: {  	p0 =	sne.s32 s31, $0x7200  }
0x6b: {  	[sflag:s20] =	ssyncadd.s32 $0xFFFFD800;
	s2 =	smov.u32 s31;
	s31 =	sadd.s32 $0x600, s31  }
0x6c: {  	_ = 	snop  }
0x6d: {  	_ =	swait.ge [sflag:s26], $0x2800  }
0x6e: {  	s2 =	sshra.s32 s2, $0x2;
	[sflag:s26] =	ssyncset.done $0x0  }
0x6f: {  	s6 =	sadd.s32 $0x13D00, s2;
	[sflag:s26] =	ssyncadd.s32 $0xFFFFD800  }
0x70: {  	[tilespmem:s28], [sflag:$0x3] =	stream.indirect.gather [hbm4b:s4+s23], $0x80, s6, s23, $0xb8;
	[tilespmem:$0x1F400] =	vst v63  }
0x71: {  	s6 =	sadd.s32 $0x15C00, s2  }
0x72: {  	[spmem:s1] =	stream.indirect.scatter.add.f32 [tilespmem:s19], [sflag:$0x4], $0x80, s6, s23, $0xb8;
	[tilespmem:$0x1F400] =	vst v63  }
0x73: {  	_ =	swait.ge [sflag:s20], $0x2800  }
0x74: {  	[sflag:s20] =	ssyncset.done $0x0  }
0x75: {  	[sflag:s20] =	ssyncadd.s32 $0xFFFFD800  }
0x76: {  	_ =	swait.ge [sflag:s29], $0x2800  }
0x77: {  	[sflag:s29] =	ssyncset.done $0x0  }
0x78: {  	s6 =	sadd.s32 $0x13D80, s2;
	[sflag:s29] =	ssyncadd.s32 $0xFFFFD800  }
0x79: {  	[tilespmem:s19], [sflag:$0x1] =	stream.indirect.gather [hbm4b:s4+s23], $0x80, s6, s23, $0xb8;
	[tilespmem:$0x1F400] =	vst v63  }
0x7a: {  	s6 =	sadd.s32 $0x15C80, s2  }
0x7b: {  	[spmem:s1] =	stream.indirect.scatter.add.f32 [tilespmem:s25], [sflag:$0x4], $0x80, s6, s23, $0xb8;
	[tilespmem:$0x1F400] =	vst v63  }
0x7c: {  	_ =	swait.ge [sflag:s20], $0x2800  }
0x7d: {  	[sflag:s20] =	ssyncset.done $0x0  }
0x7e: {  	[sflag:s20] =	ssyncadd.s32 $0xFFFFD800  }
0x7f: {  	_ =	swait.ge [sflag:s30], $0x2800  }
0x80: {  	[sflag:s30] =	ssyncset.done $0x0  }
0x81: {  	s6 =	sadd.s32 $0x13E00, s2;
	[sflag:s30] =	ssyncadd.s32 $0xFFFFD800  }
0x82: {  	[tilespmem:s25], [sflag:$0x2] =	stream.indirect.gather [hbm4b:s4+s23], $0x80, s6, s23, $0xb8;
	[tilespmem:$0x1F400] =	vst v63  }
.Ltmp1:
0x83: {  	_ = 	snop;
	(pc) =	sbr.rel @p0 .LBB2_4-.Ltmp1, $4  }
0x84: {  	s2 =	sadd.s32 $0x15D00, s2  }
0x85: {  	[spmem:s1] =	stream.indirect.scatter.add.f32 [tilespmem:s28], [sflag:$0x4], $0x80, s2, s23, $0xb8;
	[tilespmem:$0x1F400] =	vst v63  }
0x86: {  	_ =	swait.ge [sflag:s20], $0x2800  }
0x87: {  	[sflag:s20] =	ssyncset.done $0x0  }
0x88: {  	[sflag:s20] =	ssyncadd.s32 $0xFFFFD800  }
0x89: {  	_ =	swait.ge [sflag:s26], $0x2800  }
0x8a: {  	[sflag:s26] =	ssyncset.done $0x0  }
0x8b: {  	s2 =	simm.s32 $0x15B00;
	[sflag:s26] =	ssyncadd.s32 $0xFFFFD800  }
0x8c: {  	[tilespmem:s28], [sflag:$0x3] =	stream.indirect.gather [hbm4b:s4+s23], $0x80, s2, s23, $0xb8;
	[tilespmem:$0x1F400] =	vst v63  }
0x8d: {  	_ = 	snop  }
0x8e: {  	[spmem:s1] =	stream.indirect.scatter.add.f32 [tilespmem:s19], [sflag:$0x4], $0x80, s0, s23, $0xb8;
	[tilespmem:$0x1F400] =	vst v63  }
0x8f: {  	_ =	swait.ge [sflag:s20], $0x2800  }
0x90: {  	[sflag:s20] =	ssyncset.done $0x0  }
0x91: {  	[sflag:s20] =	ssyncadd.s32 $0xFFFFD800  }
0x92: {  	_ =	swait.ge [sflag:s29], $0x2800  }
0x93: {  	[sflag:s29] =	ssyncset.done $0x0  }
0x94: {  	s6 =	simm.s32 $0x15B80;
	[sflag:s29] =	ssyncadd.s32 $0xFFFFD800  }
0x95: {  	[tilespmem:s19], [sflag:$0x1] =	stream.indirect.gather [hbm4b:s4+s23], $0x80, s6, s23, $0xb8;
	[tilespmem:$0x1F400] =	vst v63  }
0x96: {  	s6 =	simm.s32 $0x17A80  }
0x97: {  	[spmem:s1] =	stream.indirect.scatter.add.f32 [tilespmem:s25], [sflag:$0x4], $0x80, s6, s23, $0xb8;
	[tilespmem:$0x1F400] =	vst v63  }
0x98: {  	_ =	swait.ge [sflag:s20], $0x2800  }
0x99: {  	[sflag:s20] =	ssyncset.done $0x0  }
0x9a: {  	[sflag:s20] =	ssyncadd.s32 $0xFFFFD800  }
0x9b: {  	_ =	swait.ge [sflag:s30], $0x2800  }
0x9c: {  	[sflag:s30] =	ssyncset.done $0x0  }
0x9d: {  	s6 =	simm.s32 $0x17B00;
	[sflag:s30] =	ssyncadd.s32 $0xFFFFD800  }
0x9e: {  	[spmem:s1] =	stream.indirect.scatter.add.f32 [tilespmem:s28], [sflag:$0x4], $0x80, s6, s23, $0xb8;
	[tilespmem:$0x1F400] =	vst v63  }
0x9f: {  	_ =	swait.ge [sflag:s20], $0x2800  }
0xa0: {  	[sflag:s20] =	ssyncset.done $0x0  }
0xa1: {  	[sflag:s20] =	ssyncadd.s32 $0xFFFFD800  }
0xa2: {  	_ =	swait.ge [sflag:s26], $0x2800  }
0xa3: {  	[sflag:s26] =	ssyncset.done $0x0  }
0xa4: {  	s6 =	simm.s32 $0x17B80;
	[sflag:s26] =	ssyncadd.s32 $0xFFFFD800  }
0xa5: {  	[spmem:s1] =	stream.indirect.scatter.add.f32 [tilespmem:s19], [sflag:$0x4], $0x80, s6, s23, $0xb8;
	[tilespmem:$0x1F400] =	vst v63  }
0xa6: {  	_ =	swait.ge [sflag:s20], $0x2800  }
0xa7: {  	[sflag:s20] =	ssyncset.done $0x0  }
0xa8: {  	s6 =	simm.s32 $0x0;
	[sflag:s20] =	ssyncadd.s32 $0xFFFFD800  }
0xa9: {  	[tilespmem:s21], [sflag:$0x4] =	stream.linear.gather [hbm4b:s15+s6], $0x1E80, $0x38;
	[tilespmem:$0x1F400] =	vst v63  }
0xaa: {  	_ =	swait.ge [sflag:s20], $0x1E80  }
0xab: {  	[sflag:s20] =	ssyncset.done $0x0  }
0xac: {  	[sflag:s20] =	ssyncadd.s32 $0xFFFFE180  }
0xad: {  	[tilespmem:s22], [sflag:$0x4] =	stream.linear.gather [hbm4b:s16+s6], $0x1E80, $0x38;
	[tilespmem:$0x1F400] =	vst v63  }
0xae: {  	_ =	swait.ge [sflag:s20], $0x1E80  }
0xaf: {  	[sflag:s20] =	ssyncset.done $0x0  }
0xb0: {  	[sflag:s20] =	ssyncadd.s32 $0xFFFFE180  }
0xb1: {  	[tilespmem:s19], [sflag:$0x1] =	stream.indirect.gather [hbm4b:s4+s23], $0x80, s21, s23, $0xb8;
	[tilespmem:$0x1F400] =	vst v63  }
0xb2: {  	_ = 	snop  }
0xb3: {  	[tilespmem:s25], [sflag:$0x2] =	stream.indirect.gather [hbm4b:s4+s23], $0x80, s24, s23, $0xb8;
	[tilespmem:$0x1F400] =	vst v63  }
0xb4: {  	_ =	swait.ge [sflag:s26], $0x2800  }
0xb5: {  	[sflag:s26] =	ssyncset.done $0x0  }
0xb6: {  	s6 =	simm.s32 $0x13D00;
	[sflag:s26] =	ssyncadd.s32 $0xFFFFD800  }
0xb7: {  	[tilespmem:s28], [sflag:$0x3] =	stream.indirect.gather [hbm4b:s4+s23], $0x80, s6, s23, $0xb8;
	[tilespmem:$0x1F400] =	vst v63  }
0xb8: {  	s6 =	simm.s32 $0x15C00  }
0xb9: {  	[spmem:s1] =	stream.indirect.scatter.add.f32 [tilespmem:s19], [sflag:$0x4], $0x80, s6, s23, $0xb8;
	[tilespmem:$0x1F400] =	vst v63  }
0xba: {  	_ =	swait.ge [sflag:s20], $0x2800  }
0xbb: {  	[sflag:s20] =	ssyncset.done $0x0  }
0xbc: {  	[sflag:s20] =	ssyncadd.s32 $0xFFFFD800  }
0xbd: {  	_ =	swait.ge [sflag:s29], $0x2800  }
0xbe: {  	[sflag:s29] =	ssyncset.done $0x0  }
0xbf: {  	s6 =	simm.s32 $0x13D80;
	[sflag:s29] =	ssyncadd.s32 $0xFFFFD800  }
0xc0: {  	[tilespmem:s19], [sflag:$0x1] =	stream.indirect.gather [hbm4b:s4+s23], $0x80, s6, s23, $0xb8;
	[tilespmem:$0x1F400] =	vst v63  }
0xc1: {  	s6 =	simm.s32 $0x15C80  }
0xc2: {  	[spmem:s1] =	stream.indirect.scatter.add.f32 [tilespmem:s25], [sflag:$0x4], $0x80, s6, s23, $0xb8;
	[tilespmem:$0x1F400] =	vst v63  }
0xc3: {  	_ =	swait.ge [sflag:s20], $0x2800  }
0xc4: {  	[sflag:s20] =	ssyncset.done $0x0  }
0xc5: {  	[sflag:s20] =	ssyncadd.s32 $0xFFFFD800  }
0xc6: {  	_ =	swait.ge [sflag:s30], $0x2800  }
0xc7: {  	[sflag:s30] =	ssyncset.done $0x0  }
0xc8: {  	s6 =	simm.s32 $0x13E00;
	[sflag:s30] =	ssyncadd.s32 $0xFFFFD800  }
0xc9: {  	[tilespmem:s25], [sflag:$0x2] =	stream.indirect.gather [hbm4b:s4+s23], $0x80, s6, s23, $0xb8;
	[tilespmem:$0x1F400] =	vst v63  }
0xca: {  	s6 =	simm.s32 $0x15D00  }
0xcb: {  	[spmem:s1] =	stream.indirect.scatter.add.f32 [tilespmem:s28], [sflag:$0x4], $0x80, s6, s23, $0xb8;
	[tilespmem:$0x1F400] =	vst v63  }
0xcc: {  	_ =	swait.ge [sflag:s20], $0x2800  }
0xcd: {  	s31 =	simm.s32 $0x600;
	[sflag:s20] =	ssyncset.done $0x0  }
.LBB2_6:
0xce: {  	p0 =	sne.s32 s31, $0x6C00  }
0xcf: {  	[sflag:s20] =	ssyncadd.s32 $0xFFFFD800;
	s2 =	smov.u32 s31;
	s31 =	sadd.s32 $0x600, s31  }
0xd0: {  	_ = 	snop  }
0xd1: {  	_ =	swait.ge [sflag:s26], $0x2800  }
0xd2: {  	s2 =	sshra.s32 s2, $0x2;
	[sflag:s26] =	ssyncset.done $0x0  }
0xd3: {  	s6 =	sadd.s32 $0x13D00, s2;
	[sflag:s26] =	ssyncadd.s32 $0xFFFFD800  }
0xd4: {  	[tilespmem:s28], [sflag:$0x3] =	stream.indirect.gather [hbm4b:s4+s23], $0x80, s6, s23, $0xb8;
	[tilespmem:$0x1F400] =	vst v63  }
0xd5: {  	s6 =	sadd.s32 $0x15C00, s2  }
0xd6: {  	[spmem:s1] =	stream.indirect.scatter.add.f32 [tilespmem:s19], [sflag:$0x4], $0x80, s6, s23, $0xb8;
	[tilespmem:$0x1F400] =	vst v63  }
0xd7: {  	_ =	swait.ge [sflag:s20], $0x2800  }
0xd8: {  	[sflag:s20] =	ssyncset.done $0x0  }
0xd9: {  	[sflag:s20] =	ssyncadd.s32 $0xFFFFD800  }
0xda: {  	_ =	swait.ge [sflag:s29], $0x2800  }
0xdb: {  	[sflag:s29] =	ssyncset.done $0x0  }
0xdc: {  	s6 =	sadd.s32 $0x13D80, s2;
	[sflag:s29] =	ssyncadd.s32 $0xFFFFD800  }
0xdd: {  	[tilespmem:s19], [sflag:$0x1] =	stream.indirect.gather [hbm4b:s4+s23], $0x80, s6, s23, $0xb8;
	[tilespmem:$0x1F400] =	vst v63  }
0xde: {  	s6 =	sadd.s32 $0x15C80, s2  }
0xdf: {  	[spmem:s1] =	stream.indirect.scatter.add.f32 [tilespmem:s25], [sflag:$0x4], $0x80, s6, s23, $0xb8;
	[tilespmem:$0x1F400] =	vst v63  }
0xe0: {  	_ =	swait.ge [sflag:s20], $0x2800  }
0xe1: {  	[sflag:s20] =	ssyncset.done $0x0  }
0xe2: {  	[sflag:s20] =	ssyncadd.s32 $0xFFFFD800  }
0xe3: {  	_ =	swait.ge [sflag:s30], $0x2800  }
0xe4: {  	[sflag:s30] =	ssyncset.done $0x0  }
0xe5: {  	s6 =	sadd.s32 $0x13E00, s2;
	[sflag:s30] =	ssyncadd.s32 $0xFFFFD800  }
0xe6: {  	[tilespmem:s25], [sflag:$0x2] =	stream.indirect.gather [hbm4b:s4+s23], $0x80, s6, s23, $0xb8;
	[tilespmem:$0x1F400] =	vst v63  }
.Ltmp2:
0xe7: {  	_ = 	snop;
	(pc) =	sbr.rel @p0 .LBB2_6-.Ltmp2, $4  }
0xe8: {  	s2 =	sadd.s32 $0x15D00, s2  }
0xe9: {  	[spmem:s1] =	stream.indirect.scatter.add.f32 [tilespmem:s28], [sflag:$0x4], $0x80, s2, s23, $0xb8;
	[tilespmem:$0x1F400] =	vst v63  }
0xea: {  	_ =	swait.ge [sflag:s20], $0x2800  }
0xeb: {  	[sflag:s20] =	ssyncset.done $0x0  }
0xec: {  	[sflag:s20] =	ssyncadd.s32 $0xFFFFD800  }
0xed: {  	_ =	swait.ge [sflag:s26], $0x2800  }
0xee: {  	[sflag:s26] =	ssyncset.done $0x0  }
0xef: {  	s2 =	simm.s32 $0x15980;
	[sflag:s26] =	ssyncadd.s32 $0xFFFFD800  }
0xf0: {  	[tilespmem:s28], [sflag:$0x3] =	stream.indirect.gather [hbm4b:s4+s23], $0x80, s2, s23, $0xb8;
	[tilespmem:$0x1F400] =	vst v63  }
0xf1: {  	s31 =	simm.s32 $0x17880  }
0xf2: {  	[spmem:s1] =	stream.indirect.scatter.add.f32 [tilespmem:s19], [sflag:$0x4], $0x80, s31, s23, $0xb8;
	[tilespmem:$0x1F400] =	vst v63  }
0xf3: {  	_ =	swait.ge [sflag:s20], $0x2800  }
0xf4: {  	[sflag:s20] =	ssyncset.done $0x0  }
0xf5: {  	[sflag:s20] =	ssyncadd.s32 $0xFFFFD800  }
0xf6: {  	_ =	swait.ge [sflag:s29], $0x2800  }
0xf7: {  	[sflag:s29] =	ssyncset.done $0x0  }
0xf8: {  	s6 =	simm.s32 $0x15A00;
	[sflag:s29] =	ssyncadd.s32 $0xFFFFD800  }
0xf9: {  	[tilespmem:s19], [sflag:$0x1] =	stream.indirect.gather [hbm4b:s4+s23], $0x80, s6, s23, $0xb8;
	[tilespmem:$0x1F400] =	vst v63  }
0xfa: {  	s31 =	simm.s32 $0x17900  }
0xfb: {  	[spmem:s1] =	stream.indirect.scatter.add.f32 [tilespmem:s25], [sflag:$0x4], $0x80, s31, s23, $0xb8;
	[tilespmem:$0x1F400] =	vst v63  }
0xfc: {  	_ =	swait.ge [sflag:s20], $0x2800  }
0xfd: {  	[sflag:s20] =	ssyncset.done $0x0  }
0xfe: {  	[sflag:s20] =	ssyncadd.s32 $0xFFFFD800  }
0xff: {  	_ =	swait.ge [sflag:s30], $0x2800  }
0x100: {  	[sflag:s30] =	ssyncset.done $0x0  }
0x101: {  	s6 =	simm.s32 $0x17980;
	[sflag:s30] =	ssyncadd.s32 $0xFFFFD800  }
0x102: {  	[spmem:s1] =	stream.indirect.scatter.add.f32 [tilespmem:s28], [sflag:$0x4], $0x80, s6, s23, $0xb8;
	[tilespmem:$0x1F400] =	vst v63  }
0x103: {  	_ =	swait.ge [sflag:s20], $0x2800  }
0x104: {  	[sflag:s20] =	ssyncset.done $0x0  }
0x105: {  	[sflag:s20] =	ssyncadd.s32 $0xFFFFD800  }
0x106: {  	_ =	swait.ge [sflag:s26], $0x2800  }
0x107: {  	[sflag:s26] =	ssyncset.done $0x0  }
0x108: {  	[sflag:s26] =	ssyncadd.s32 $0xFFFFD800  }
0x109: {  	[spmem:s1] =	stream.indirect.scatter.add.f32 [tilespmem:s19], [sflag:$0x4], $0x80, s0, s23, $0xb8;
	[tilespmem:$0x1F400] =	vst v63  }
0x10a: {  	s31 =	stileid.u32;
	_ =	swait.ge [sflag:s20], $0x2800  }
0x10b: {  	s3 =	sadd.s32 $0x1, s3;
	s2 =	sshll.u32 s31, $0x6;
	[sflag:s20] =	ssyncset.done $0x0  }
0x10c: {  	p0 =	sne.s32 s3, s18;
	s2 =	sor.u32 $0x1C04, s2;
	[sflag:s20] =	ssyncadd.s32 $0xFFFFD800  }
.Ltmp3:
0x10d: {  	s6 =	sshrl.u32 s5, $0x3;
	[bflag:$0x0] =	sbarrier.arrive $0xFFFF;
	(pc) =	sbr.rel @p0 .LBB2_1-.Ltmp3, $4  }
0x10e: {  	[hbm:s17], [sflag:s2] =	dma.local [spmem:s6], $0x2780  }
0x10f: {  	_ =	swait.ge [sflag:s20], $0x2780  }
0x110: {  	[sflag:s20] =	ssyncset.done $0x0  }
0x111: {  	[sflag:s20] =	ssyncadd.s32 $0xFFFFD880  }
0x112: {  	_ =	sfence.sel $0x180000  }
0x113: {  	[bflag:$0x0] =	sbarrier.arrive $0xFFFF  }
0x114: {  	_ =	strace $0x9000004A  }
0x115: {  	s0 =	stileid.u32;
	[bflag:$0x2] =	sbarrier.arrive $0xFFFF  }
0x116: {  	p0 =	sne.s32 s0, $0x0;
	s0 =	rddreg [dreg:$0x2]  }
0x117: {  	s0 =	sadd.s32 @!p0 $0x100000, s0  }
0x118: {  	[sflag:s0] =	ssyncadd.tile.s32 @!p0 $0x1;
	_ =	shalt  }
.Lfunc_end2:
_tile_overlayer_lowered:
.L_overlay_start_2:
0x119: {  	(tag) =	ssettag $0x2  }
0x11a: {  	s0 =	rddreg [dreg:$0x0];
	s2 =	stileid.u32  }
0x11b: {  	s1 =	rddreg [dreg:$0x1];
	p0 =	sne.s32 s2, $0x0  }
0x11c: {  	s3 =	rddreg [dreg:$0x2];
	[bflag:$0x3] =	sbarrier.arrive $0xFFFF;
	s2 =	simm.s32 @!p0 $0x1C04  }
0x11d: {  	[timem:s3], [sflag:s2] =	dma.local @!p0 [hbm:s0], s1  }
0x11e: {  	s0 =	simm.s32 @!p0 $0x4  }
0x11f: {  	_ =	swait.ge @!p0 [sflag:s0], s1  }
0x120: {  	s1 =	ssub.s32 @!p0 $0x0, s1;
	[sflag:s0] =	ssyncset.done @!p0 $0x0  }
0x121: {  	[sflag:s0] =	ssyncadd.s32 @!p0 s1  }
0x122: {  	[bflag:$0x3] =	sbarrier.arrive $0xFFFF  }
0x123: {  	_ =	shalt  }

// kernel: gcn_agg.7.cloned.1.call-start
scs
__scs_entry_jumppad:
0x0: {  	(pc) =	sbr.rel $0x88, $3  }
0x1: {  	(tag) =	ssettag $0x0;
	lr =	simm.s32 $0x1  }
0x2: {  	[smem:$0x3F99] =	sst lr;
	_ =	strace $0xD0000000  }
0x3: {  	_ = 	snop  }
0x4: {  	_ = 	snop  }
0x5: {  	_ = 	snop  }
0x6: {  	_ = 	snop  }
0x7: {  	_ = 	snop  }
__scs_overlays_trampoline_lowered:
0x8: {  	[smem:$0x3FA8] =	sst s0  }
0x9: {  	[smem:$0x3FA9] =	sst s1  }
0xa: {  	[smem:$0x3FAA] =	sst s2  }
0xb: {  	[smem:$0x3FAB] =	sst s3  }
0xc: {  	[smem:$0x3FAC] =	sst s4  }
0xd: {  	[smem:$0x3FAD] =	sst s5  }
0xe: {  	[smem:$0x3FAE] =	sst s6  }
0xf: {  	[smem:$0x3FAF] =	sst s7  }
0x10: {  	[smem:$0x3FB0] =	sst s8  }
0x11: {  	[smem:$0x3FB1] =	sst s9;
	s0 =	simm.s32 @!p0 $0x0  }
0x12: {  	s1 =	sld [smem:$0x3F97];
	s0 =	simm.s32 @p0 $0x1  }
0x13: {  	[smem:$0x3FB2] =	sst s0;
	s0 =	simm.s32 @!p1 $0x0  }
0x14: {  	s2 =	sld [smem:$0x3F96];
	s0 =	simm.s32 @p1 $0x1  }
0x15: {  	[smem:$0x3FB3] =	sst s0;
	s0 =	simm.s32 @!p2 $0x0  }
0x16: {  	s3 =	sld [smem:$0x3FDB];
	s0 =	simm.s32 @p2 $0x1  }
0x17: {  	s4 =	simm.s32 $0x1BF5;
	[smem:$0x3FB5] =	sst s0  }
0x18: {  	s0 =	sld [smem:$0x3F98];
	_ =	swait.ge [sflag:s4], $0x0  }
0x19: {  	s7 =	sld [smem:$0x3F99]  }
0x1a: {  	s8 =	sadd.s32 $0xFFFFE003, lr  }
0x1b: {  	s9 =	sadd.s32 $0xFFFFFEF7, lr;
	s5 =	simm.s32 $0xFFFFFFFF;
	p2 =	slt.u32 s8, $0xFFFFF086  }
0x1c: {  	p1 =	slt.u32 s9, $0xF7A;
	s5 =	simm.s32 @!p2 $0x0  }
0x1d: {  	s5 =	simm.s32 @p1 $0x1;
	p0 =	seq.s32 s7, s2  }
0x1e: {  	s7 =	smul.u32 @!p0 $0xF7A, s2;
	p2 =	seq.s32 @!p0 s5, $0x0  }
0x1f: {  	s9 =	smul.u32 $0xF7A, s1;
	s8 =	simm.s32 @!p0 $0x1BF5;
	p2 =	por !p2, p0  }
0x20: {  	[sflag:s8] =	ssyncset.s32 @!p0 $0xFFFFF086;
	s6 =	sadd.s32 @!p0 s3, s7;
	s7 =	simm.s32 @!p0 $0x108  }
0x21: {  	s3 =	sadd.s32 s3, s9;
	s6 =	sadd.s32 @!p0 $0x88, s6;
	s7 =	simm.s32 @p2 $0x1082  }
0x22: {  	[simem:s7], [sflag:s8] =	dma.local @!p0 [hbm:s6], $0xF7A  }
0x23: {  	s9 =	sor.u32 $0xD0000000, s2;
	s6 =	simm.s32 $0x108;
	_ =	swait.ge @!p0 [sflag:s8], $0x0  }
0x24: {  	s3 =	sadd.s32 $0x88, s3;
	s6 =	simm.s32 @!p1 $0x1082;
	[sflag:s4] =	ssyncset.s32 $0xFFFFF086  }
0x25: {  	[simem:s6], [sflag:s4] =	dma.local [hbm:s3], $0xF7A  }
0x26: {  	[smem:$0x3F99] =	sst s1;
	(tag) =	ssettag s2;
	_ =	strace s9  }
0x27: {  	s1 =	sld [smem:$0x3FA9]  }
0x28: {  	s2 =	sld [smem:$0x3FAA]  }
0x29: {  	s4 =	sld [smem:$0x3FAC]  }
0x2a: {  	p0 =	seq.s32 s5, $0x0;
	s5 =	sld [smem:$0x3FAD]  }
0x2b: {  	s6 =	sld [smem:$0x3FAE]  }
0x2c: {  	s7 =	sld [smem:$0x3FAF]  }
0x2d: {  	s3 =	simm.s32 $0x108;
	s8 =	sld [smem:$0x3FB0]  }
0x2e: {  	s3 =	simm.s32 @!p0 $0x1082;
	s9 =	sld [smem:$0x3FB1]  }
0x2f: {  	lr =	sadd.s32 s0, s3;
	s0 =	sld [smem:$0x3FA8]  }
0x30: {  	s3 =	sld [smem:$0x3FAB]  }
0x31: {  	[smem:$0x3FB4] =	sst s10  }
0x32: {  	s10 =	sld [smem:$0x3FB2];
	_ =	sdelay $0x3  }
0x33: {  	p0 =	seq.s32 s10, $0x1;
	s10 =	sld [smem:$0x3FB4];
	_ =	sdelay $0x3  }
0x34: {  	[smem:$0x3FB4] =	sst s10  }
0x35: {  	s10 =	sld [smem:$0x3FB3];
	_ =	sdelay $0x3  }
0x36: {  	p1 =	seq.s32 s10, $0x1;
	s10 =	sld [smem:$0x3FB4];
	_ =	sdelay $0x3  }
0x37: {  	[smem:$0x3FB4] =	sst s10  }
0x38: {  	s10 =	sld [smem:$0x3FB5]  }
0x39: {  	_ = 	snop;
	(pc) =	sbr.ind lr, $3  }
0x3a: {  	_ = 	snop  }
0x3b: {  	_ = 	snop  }
0x3c: {  	p2 =	seq.s32 s10, $0x1;
	s10 =	sld [smem:$0x3FB4]  }
0x3d: {  	_ =	shalt  }
0x3e: {  	_ =	shalt  }
0x3f: {  	_ =	shalt  }
0x40: {  	_ =	shalt  }
0x41: {  	_ =	shalt  }
0x42: {  	_ =	shalt  }
0x43: {  	_ =	shalt  }
0x44: {  	_ =	shalt  }
0x45: {  	_ =	shalt  }
0x46: {  	_ =	shalt  }
0x47: {  	_ =	shalt  }
0x48: {  	_ =	shalt  }
0x49: {  	_ =	shalt  }
0x4a: {  	_ =	shalt  }
0x4b: {  	_ =	shalt  }
0x4c: {  	_ =	shalt  }
0x4d: {  	_ =	shalt  }
0x4e: {  	_ =	shalt  }
0x4f: {  	_ =	shalt  }
0x50: {  	_ =	shalt  }
0x51: {  	_ =	shalt  }
0x52: {  	_ =	shalt  }
0x53: {  	_ =	shalt  }
0x54: {  	_ =	shalt  }
0x55: {  	_ =	shalt  }
0x56: {  	_ =	shalt  }
0x57: {  	_ =	shalt  }
0x58: {  	_ =	shalt  }
0x59: {  	_ =	shalt  }
0x5a: {  	_ =	shalt  }
0x5b: {  	_ =	shalt  }
0x5c: {  	_ =	shalt  }
0x5d: {  	_ =	shalt  }
0x5e: {  	_ =	shalt  }
0x5f: {  	_ =	shalt  }
0x60: {  	_ =	shalt  }
0x61: {  	_ =	shalt  }
0x62: {  	_ =	shalt  }
0x63: {  	_ =	shalt  }
0x64: {  	_ =	shalt  }
0x65: {  	_ =	shalt  }
0x66: {  	_ =	shalt  }
0x67: {  	_ =	shalt  }
0x68: {  	_ =	shalt  }
0x69: {  	_ =	shalt  }
0x6a: {  	_ =	shalt  }
0x6b: {  	_ =	shalt  }
0x6c: {  	_ =	shalt  }
0x6d: {  	_ =	shalt  }
0x6e: {  	_ =	shalt  }
0x6f: {  	_ =	shalt  }
0x70: {  	_ =	shalt  }
0x71: {  	_ =	shalt  }
0x72: {  	_ =	shalt  }
0x73: {  	_ =	shalt  }
0x74: {  	_ =	shalt  }
0x75: {  	_ =	shalt  }
0x76: {  	_ =	shalt  }
0x77: {  	_ =	shalt  }
0x78: {  	_ =	shalt  }
0x79: {  	_ =	shalt  }
0x7a: {  	_ =	shalt  }
0x7b: {  	_ =	shalt  }
0x7c: {  	_ =	shalt  }
0x7d: {  	_ =	shalt  }
0x7e: {  	_ =	shalt  }
0x7f: {  	_ =	shalt  }
0x80: {  	_ =	shalt  }
0x81: {  	_ =	shalt  }
0x82: {  	_ =	shalt  }
0x83: {  	_ =	shalt  }
0x84: {  	_ =	shalt  }
0x85: {  	_ =	shalt  }
0x86: {  	_ =	shalt  }
0x87: {  	_ =	shalt  }
.Lfunc_end0:
.L_simem_size_0:
called_computation.2_lowered:
.L_overlay_start_0:
0x88: {  	s2 =	sld [smem:$0x3FD9]  }
0x89: {  	s3 =	sld [smem:$0x3FFE];
	_ =	sdelay $0x1  }
0x8a: {  	s1 =	srdreg.scid  }
0x8b: {  	s0 =	sand.u32 $0x1, s1  }
0x8c: {  	s16 =	sshll.u32 s0, $0xA;
	s2 =	sadd.s32 s3, s2  }
0x8d: {  	s2 =	sadd.s32 s2, s16  }
0x8e: {  	[smem:$0x3FC0] =	sst s2  }
0x8f: {  	_ = 	snop  }
0x90: {  	(tm) =	ssettm $0x1  }
0x91: {  	s17 =	sld [smem:$0x3FFB];
	_ =	sdelay $0x3  }
0x92: {  	_ =	strace s17  }
0x93: {  	s2 =	sld [smem:$0x3FFC];
	_ =	sdelay $0x3  }
0x94: {  	_ =	strace s2  }
0x95: {  	s2 =	sld [smem:$0x3FFD];
	_ =	sdelay $0x3  }
0x96: {  	_ =	strace s2  }
0x97: {  	_ =	strace $0x8FFFFFFF  }
0x98: {  	s18 =	sld [smem:$0x3FDB];
	_ =	sdelay $0x1  }
0x99: {  	s19 =	simm.s32 $_scs_section_size  }
0x9a: {  	s4 =	simm.s32 $_size__tile_overlayer_lowered;
	s5 =	simm.s32 $_tile_overlayer_lowered  }
0x9b: {  	s22 =	simm.s32 $0x1BFF;
	s21 =	sshll.u32 s5, $0x1;
	s2 =	sadd.s32 s19, s18  }
0x9c: {  	s6 =	simm.s32 $0x0;
	s20 =	sshll.u32 s4, $0x1;
	s4 =	sadd.s32 s21, s2  }
0x9d: {  	[timem:s6], [sflag:s22] =	dma.local [hbm:s4], s20  }
0x9e: {  	_ =	swait.ge [sflag:s22], s20  }
0x9f: {  	s3 =	ssub.s32 $0x0, s20;
	[sflag:s22] =	ssyncset.done $0x0  }
0xa0: {  	[sflag:s22] =	ssyncadd.s32 s3;
	_ =	sdelay $0x1  }
0xa1: {  	s23 =	simm.s32 $0x1B8B  }
0xa2: {  	_ =	swait.ge [sflag:s23], $0x1  }
0xa3: {  	[sflag:s23] =	ssyncset.done $0x0  }
0xa4: {  	s25 =	simm.s32 $0x1B8E;
	s24 =	sld [smem:$0x3FFE];
	[sflag:s23] =	ssyncadd.s32 $0xFFFFFFFF  }
0xa5: {  	s26 =	simm.s32 $execute0_lowered;
	[smem:$0x3FD2] =	sst s25  }
0xa6: {  	s4 =	sshll.u32 s26, $0x1;
	_ =	strace $0x8000004C;
	[dreg:$0x1] =	wrdreg $0xFFFFFFFF  }
0xa7: {  	s28 =	simm.s32 $_size_execute0_lowered;
	s2 =	sadd.s32 s2, s4;
	[dreg:$0x0] =	wrdreg $0x0  }
0xa8: {  	s4 =	sshll.u32 s28, $0x1;
	[dreg:$0x2] =	wrdreg s2  }
0xa9: {  	[dreg:$0x3] =	wrdreg s4  }
0xaa: {  	[dreg:$0x4] =	wrdreg $0xC0  }
0xab: {  	_ =	task [dreg:s6], $0x5FFFF  }
0xac: {  	[dreg:$0x1] =	wrdreg $0xFFFFFFFF  }
0xad: {  	[dreg:$0x0] =	wrdreg $0x60  }
0xae: {  	[dreg:$0x2] =	wrdreg s24  }
0xaf: {  	[dreg:$0x3] =	wrdreg $0x0  }
0xb0: {  	[dreg:$0x4] =	wrdreg $0x9  }
0xb1: {  	_ =	task.clear_ibuf [dreg:s6], $0x5FFFF;
	_ =	strace $0x9000004C  }
0xb2: {  	s29 =	simm.s32 $0x9;
	_ =	strace $0x8000004E  }
0xb3: {  	_ =	swait.ge [sflag:s29], $0x1  }
0xb4: {  	[sflag:s29] =	ssyncadd.s32 $0xFFFFFFFF  }
0xb5: {  	_ =	strace $0x9000004E  }
0xb6: {  	_ =	sfence  }
0xb7: {  	s30 =	sld [smem:$0x0];
	_ =	sdelay $0x2  }
0xb8: {  	s31 =	sshll.u32 s1, $0xD;
	s1 =	sshrl.u32 s1, $0x2  }
0xb9: {  	s3 =	sand.u32 $0x4000, s31;
	s1 =	sadd.s32 s1, s30  }
0xba: {  	s0 =	sor.u32 s3, s0;
	s1 =	sshll.u32 s1, $0x11  }
0xbb: {  	s0 =	sor.u32 s1, s0  }
0xbc: {  	s0 =	sadd.s32 $0x8F2B, s0  }
0xbd: {  	[sflag:s0] =	ssyncadd.remote.s32 $0x1  }
0xbe: {  	_ =	sfence.sel $0xFFFF  }
0xbf: {  	[dreg:$0x0] =	wrdreg $0xFFFFFFFF;
	(pc) =	sbr.abs _section_cstart, $3  }
0xc0: {  	[dreg:$0x1] =	wrdreg $0xFFFFFFFF  }
0xc1: {  	_ =	task.clear_ibuf [dreg:s6], $0x2FFFF;
	_ =	strace $0x9FFFFFFF  }
0xc2: {  	(tm) =	ssettm $0x7FFFFFFF  }
0xc3: {  	_ =	shalt  }
tec
execute0_lowered:
.L_overlay_start_1:
0x0: {  	(tag) =	ssettag $0x1  }
0x1: {  	s0 =	rddreg [dreg:$0x0]  }
0x2: {  	s1 =	rddreg [dreg:$0x1];
	s3 =	simm.s32 $0x0;
	s2 =	srdreg.scid  }
0x3: {  	s10 =	stileid.u32;
	s19 =	simm.s32 $0x17C00;
	s20 =	simm.s32 $0x4  }
0x4: {  	s21 =	simm.s32 $0x13C00;
	s22 =	simm.s32 $0x15C00;
	s23 =	simm.s32 $0x50  }
0x5: {  	s24 =	simm.s32 $0x13C80;
	s25 =	simm.s32 $0x1A400;
	s28 =	simm.s32 $0x1CC00  }
0x6: {  	s29 =	simm.s32 $0x2;
	s30 =	simm.s32 $0x3;
	[smem:$0x7FF] =	sst s3  }
0x7: {  	s2 =	sand.u32 $0x1, s2;
	s6 =	smul.u32 $0x13C00, s10;
	s4 =	sadd.s32 $0x21200, s0  }
0x8: {  	s15 =	sadd.s32 $0x1200, s0;
	s7 =	smul.u32 $0x4F000, s10;
	s16 =	sadd.s32 $0x11200, s0  }
0x9: {  	s12 =	sshll.u32 s10, $0xC;
	s5 =	smul.u32 $0x13C000, s2;
	s26 =	ssub.s32 $0x2, s2  }
0xa: {  	_ =	strace $0x8000004D;
	s2 =	sshll.u32 s2, $0xB;
	s8 =	sshrl.u32 s26, $0x1  }
0xb: {  	s7 =	sshrl.u32 s7, $0x2;
	s2 =	sor.u32 s2, s12;
	s5 =	sadd.s32 s6, s5  }
0xc: {  	s18 =	ssub.s32 s26, s8;
	s13 =	sadd.s32 s15, s2;
	s17 =	sor.u32 $0x400, s2  }
0xd: {  	s14 =	sadd.s32 s16, s2;
	s26 =	simm.s32 $0x1;
	s5 =	sshrl.u32 s5, $0x3  }
0xe: {  	s15 =	sadd.s32 s15, s17;
	s0 =	sadd.s32 s5, s0;
	s5 =	sadd.s32 s7, s1  }
0xf: {  	s16 =	sadd.s32 s16, s17;
	s18 =	smax.u32 s18, $0x1;
	s31 =	sadd.s32 $0x2800, s5  }
0x10: {  	s7 =	sadd.s32 $0x5000, s5;
	s8 =	sadd.s32 $0x7800, s5;
	s9 =	sadd.s32 $0xA000, s5  }
0x11: {  	s10 =	sadd.s32 $0xC800, s5;
	s11 =	sadd.s32 $0xF000, s5;
	s12 =	sadd.s32 $0x11800, s5  }
0x12: {  	v0 =	vimm.f32 $0.0e+00;
	s17 =	sadd.s32 $0xBF200, s0;
	s0 =	simm.s32 $0x17A00;
	[dreg:$0x3] =	wrdreg s31  }
.LBB2_1:
0x13: {  	s31 =	simm.s32 $0x0;
	s2 =	simm.s32 $0x200  }
.LBB2_2:
0x14: {  	p0 =	sne.s32 s2, $0x9E00;
	[tilespmem:s31+$0x17C70] =	vst v0  }
0x15: {  	[tilespmem:s31+$0x17C00] =	vst v0  }
0x16: {  	[tilespmem:s31+$0x17C10] =	vst v0  }
.Ltmp0:
0x17: {  	[tilespmem:s31+$0x17C20] =	vst v0;
	(pc) =	sbr.rel @p0 .LBB2_2-.Ltmp0, $4  }
0x18: {  	[tilespmem:s31+$0x17C30] =	vst v0  }
0x19: {  	[tilespmem:s31+$0x17C40] =	vst v0  }
0x1a: {  	[tilespmem:s31+$0x17C50] =	vst v0  }
0x1b: {  	[tilespmem:s31+$0x17C60] =	vst v0;
	s31 =	sshra.s32 s2, $0x2;
	s2 =	sadd.s32 $0x200, s2  }
0x1c: {  	[tilespmem:s31+$0x17C70] =	vst v0  }
0x1d: {  	[tilespmem:s31+$0x17C00] =	vst v0  }
0x1e: {  	[tilespmem:s31+$0x17C10] =	vst v0  }
0x1f: {  	[tilespmem:s31+$0x17C20] =	vst v0  }
0x20: {  	[tilespmem:s31+$0x17C30] =	vst v0  }
0x21: {  	[tilespmem:s31+$0x17C40] =	vst v0  }
0x22: {  	[tilespmem:s31+$0x17C50] =	vst v0  }
0x23: {  	[tilespmem:s31+$0x17C60] =	vst v0  }
0x24: {  	[spmem:s5] =	stream.linear.scatter [tilespmem:s19], [sflag:$0x4], $0x2800, $0x38;
	[tilespmem:$0x1F400] =	vst v63  }
0x25: {  	_ =	swait.ge [sflag:s20], $0x2800  }
0x26: {  	[sflag:s20] =	ssyncset.done $0x0  }
0x27: {  	s2 =	rddreg [dreg:$0x3];
	[sflag:s20] =	ssyncadd.s32 $0xFFFFD800  }
0x28: {  	[spmem:s2] =	stream.linear.scatter [tilespmem:s19], [sflag:$0x4], $0x2800, $0x38;
	[tilespmem:$0x1F400] =	vst v63  }
0x29: {  	_ =	swait.ge [sflag:s20], $0x2800  }
0x2a: {  	[sflag:s20] =	ssyncset.done $0x0  }
0x2b: {  	[sflag:s20] =	ssyncadd.s32 $0xFFFFD800  }
0x2c: {  	[spmem:s7] =	stream.linear.scatter [tilespmem:s19], [sflag:$0x4], $0x2800, $0x38;
	[tilespmem:$0x1F400] =	vst v63  }
0x2d: {  	_ =	swait.ge [sflag:s20], $0x2800  }
0x2e: {  	[sflag:s20] =	ssyncset.done $0x0  }
0x2f: {  	[sflag:s20] =	ssyncadd.s32 $0xFFFFD800  }
0x30: {  	[spmem:s8] =	stream.linear.scatter [tilespmem:s19], [sflag:$0x4], $0x2800, $0x38;
	[tilespmem:$0x1F400] =	vst v63  }
0x31: {  	_ =	swait.ge [sflag:s20], $0x2800  }
0x32: {  	[sflag:s20] =	ssyncset.done $0x0  }
0x33: {  	[sflag:s20] =	ssyncadd.s32 $0xFFFFD800  }
0x34: {  	[spmem:s9] =	stream.linear.scatter [tilespmem:s19], [sflag:$0x4], $0x2800, $0x38;
	[tilespmem:$0x1F400] =	vst v63  }
0x35: {  	_ =	swait.ge [sflag:s20], $0x2800  }
0x36: {  	[sflag:s20] =	ssyncset.done $0x0  }
0x37: {  	[sflag:s20] =	ssyncadd.s32 $0xFFFFD800  }
0x38: {  	[spmem:s10] =	stream.linear.scatter [tilespmem:s19], [sflag:$0x4], $0x2800, $0x38;
	[tilespmem:$0x1F400] =	vst v63  }
0x39: {  	_ =	swait.ge [sflag:s20], $0x2800  }
0x3a: {  	[sflag:s20] =	ssyncset.done $0x0  }
0x3b: {  	[sflag:s20] =	ssyncadd.s32 $0xFFFFD800  }
0x3c: {  	[spmem:s11] =	stream.linear.scatter [tilespmem:s19], [sflag:$0x4], $0x2800, $0x38;
	[tilespmem:$0x1F400] =	vst v63  }
0x3d: {  	_ =	swait.ge [sflag:s20], $0x2800  }
0x3e: {  	[sflag:s20] =	ssyncset.done $0x0  }
0x3f: {  	[sflag:s20] =	ssyncadd.s32 $0xFFFFD800  }
0x40: {  	[spmem:s12] =	stream.linear.scatter [tilespmem:s19], [sflag:$0x4], $0x2400, $0x38;
	[tilespmem:$0x1F400] =	vst v63  }
0x41: {  	_ =	swait.ge [sflag:s20], $0x2400  }
0x42: {  	[sflag:s20] =	ssyncset.done $0x0  }
0x43: {  	[sflag:s20] =	ssyncadd.s32 $0xFFFFDC00  }
0x44: {  	s6 =	simm.s32 $0x0;
	[bflag:$0x0] =	sbarrier.arrive $0xFFFF  }
0x45: {  	[tilespmem:s21], [sflag:$0x4] =	stream.linear.gather [hbm4b:s13+s6], $0x2000, $0x38;
	[tilespmem:$0x1F400] =	vst v63  }
0x46: {  	_ =	swait.ge [sflag:s20], $0x2000  }
0x47: {  	[sflag:s20] =	ssyncset.done $0x0  }
0x48: {  	[sflag:s20] =	ssyncadd.s32 $0xFFFFE000  }
0x49: {  	[tilespmem:s22], [sflag:$0x4] =	stream.linear.gather [hbm4b:s14+s6], $0x2000, $0x38;
	[tilespmem:$0x1F400] =	vst v63  }
0x4a: {  	_ =	swait.ge [sflag:s20], $0x2000  }
0x4b: {  	[sflag:s20] =	ssyncset.done $0x0  }
0x4c: {  	[sflag:s20] =	ssyncadd.s32 $0xFFFFE000  }
0x4d: {  	[tilespmem:s19], [sflag:$0x1] =	stream.indirect.gather [hbm4b:s4+s23], $0x80, s21, s23, $0xb8;
	[tilespmem:$0x1F400] =	vst v63  }
0x4e: {  	_ = 	snop  }
0x4f: {  	[tilespmem:s25], [sflag:$0x2] =	stream.indirect.gather [hbm4b:s4+s23], $0x80, s24, s23, $0xb8;
	[tilespmem:$0x1F400] =	vst v63  }
0x50: {  	_ =	swait.ge [sflag:s26], $0x2800  }
0x51: {  	[sflag:s26] =	ssyncset.done $0x0  }
0x52: {  	s6 =	simm.s32 $0x13D00;
	[sflag:s26] =	ssyncadd.s32 $0xFFFFD800  }
0x53: {  	[tilespmem:s28], [sflag:$0x3] =	stream.indirect.gather [hbm4b:s4+s23], $0x80, s6, s23, $0xb8;
	[tilespmem:$0x1F400] =	vst v63  }
0x54: {  	s6 =	simm.s32 $0x15C00  }
0x55: {  	[spmem:s1] =	stream.indirect.scatter.add.f32 [tilespmem:s19], [sflag:$0x4], $0x80, s6, s23, $0xb8;
	[tilespmem:$0x1F400] =	vst v63  }
0x56: {  	_ =	swait.ge [sflag:s20], $0x2800  }
0x57: {  	[sflag:s20] =	ssyncset.done $0x0  }
0x58: {  	[sflag:s20] =	ssyncadd.s32 $0xFFFFD800  }
0x59: {  	_ =	swait.ge [sflag:s29], $0x2800  }
0x5a: {  	[sflag:s29] =	ssyncset.done $0x0  }
0x5b: {  	s6 =	simm.s32 $0x13D80;
	[sflag:s29] =	ssyncadd.s32 $0xFFFFD800  }
0x5c: {  	[tilespmem:s19], [sflag:$0x1] =	stream.indirect.gather [hbm4b:s4+s23], $0x80, s6, s23, $0xb8;
	[tilespmem:$0x1F400] =	vst v63  }
0x5d: {  	s6 =	simm.s32 $0x15C80  }
0x5e: {  	[spmem:s1] =	stream.indirect.scatter.add.f32 [tilespmem:s25], [sflag:$0x4], $0x80, s6, s23, $0xb8;
	[tilespmem:$0x1F400] =	vst v63  }
0x5f: {  	_ =	swait.ge [sflag:s20], $0x2800  }
0x60: {  	[sflag:s20] =	ssyncset.done $0x0  }
0x61: {  	[sflag:s20] =	ssyncadd.s32 $0xFFFFD800  }
0x62: {  	_ =	swait.ge [sflag:s30], $0x2800  }
0x63: {  	[sflag:s30] =	ssyncset.done $0x0  }
0x64: {  	s6 =	simm.s32 $0x13E00;
	[sflag:s30] =	ssyncadd.s32 $0xFFFFD800  }
0x65: {  	[tilespmem:s25], [sflag:$0x2] =	stream.indirect.gather [hbm4b:s4+s23], $0x80, s6, s23, $0xb8;
	[tilespmem:$0x1F400] =	vst v63  }
0x66: {  	s6 =	simm.s32 $0x15D00  }
0x67: {  	[spmem:s1] =	stream.indirect.scatter.add.f32 [tilespmem:s28], [sflag:$0x4], $0x80, s6, s23, $0xb8;
	[tilespmem:$0x1F400] =	vst v63  }
0x68: {  	_ =	swait.ge [sflag:s20], $0x2800  }
0x69: {  	s31 =	simm.s32 $0x600;
	[sflag:s20] =	ssyncset.done $0x0  }
.LBB2_4:
0x6a: {  	p0 =	sne.s32 s31, $0x7200  }
0x6b: {  	[sflag:s20] =	ssyncadd.s32 $0xFFFFD800;
	s2 =	smov.u32 s31;
	s31 =	sadd.s32 $0x600, s31  }
0x6c: {  	_ = 	snop  }
0x6d: {  	_ =	swait.ge [sflag:s26], $0x2800  }
0x6e: {  	s2 =	sshra.s32 s2, $0x2;
	[sflag:s26] =	ssyncset.done $0x0  }
0x6f: {  	s6 =	sadd.s32 $0x13D00, s2;
	[sflag:s26] =	ssyncadd.s32 $0xFFFFD800  }
0x70: {  	[tilespmem:s28], [sflag:$0x3] =	stream.indirect.gather [hbm4b:s4+s23], $0x80, s6, s23, $0xb8;
	[tilespmem:$0x1F400] =	vst v63  }
0x71: {  	s6 =	sadd.s32 $0x15C00, s2  }
0x72: {  	[spmem:s1] =	stream.indirect.scatter.add.f32 [tilespmem:s19], [sflag:$0x4], $0x80, s6, s23, $0xb8;
	[tilespmem:$0x1F400] =	vst v63  }
0x73: {  	_ =	swait.ge [sflag:s20], $0x2800  }
0x74: {  	[sflag:s20] =	ssyncset.done $0x0  }
0x75: {  	[sflag:s20] =	ssyncadd.s32 $0xFFFFD800  }
0x76: {  	_ =	swait.ge [sflag:s29], $0x2800  }
0x77: {  	[sflag:s29] =	ssyncset.done $0x0  }
0x78: {  	s6 =	sadd.s32 $0x13D80, s2;
	[sflag:s29] =	ssyncadd.s32 $0xFFFFD800  }
0x79: {  	[tilespmem:s19], [sflag:$0x1] =	stream.indirect.gather [hbm4b:s4+s23], $0x80, s6, s23, $0xb8;
	[tilespmem:$0x1F400] =	vst v63  }
0x7a: {  	s6 =	sadd.s32 $0x15C80, s2  }
0x7b: {  	[spmem:s1] =	stream.indirect.scatter.add.f32 [tilespmem:s25], [sflag:$0x4], $0x80, s6, s23, $0xb8;
	[tilespmem:$0x1F400] =	vst v63  }
0x7c: {  	_ =	swait.ge [sflag:s20], $0x2800  }
0x7d: {  	[sflag:s20] =	ssyncset.done $0x0  }
0x7e: {  	[sflag:s20] =	ssyncadd.s32 $0xFFFFD800  }
0x7f: {  	_ =	swait.ge [sflag:s30], $0x2800  }
0x80: {  	[sflag:s30] =	ssyncset.done $0x0  }
0x81: {  	s6 =	sadd.s32 $0x13E00, s2;
	[sflag:s30] =	ssyncadd.s32 $0xFFFFD800  }
0x82: {  	[tilespmem:s25], [sflag:$0x2] =	stream.indirect.gather [hbm4b:s4+s23], $0x80, s6, s23, $0xb8;
	[tilespmem:$0x1F400] =	vst v63  }
.Ltmp1:
0x83: {  	_ = 	snop;
	(pc) =	sbr.rel @p0 .LBB2_4-.Ltmp1, $4  }
0x84: {  	s2 =	sadd.s32 $0x15D00, s2  }
0x85: {  	[spmem:s1] =	stream.indirect.scatter.add.f32 [tilespmem:s28], [sflag:$0x4], $0x80, s2, s23, $0xb8;
	[tilespmem:$0x1F400] =	vst v63  }
0x86: {  	_ =	swait.ge [sflag:s20], $0x2800  }
0x87: {  	[sflag:s20] =	ssyncset.done $0x0  }
0x88: {  	[sflag:s20] =	ssyncadd.s32 $0xFFFFD800  }
0x89: {  	_ =	swait.ge [sflag:s26], $0x2800  }
0x8a: {  	[sflag:s26] =	ssyncset.done $0x0  }
0x8b: {  	s2 =	simm.s32 $0x15B00;
	[sflag:s26] =	ssyncadd.s32 $0xFFFFD800  }
0x8c: {  	[tilespmem:s28], [sflag:$0x3] =	stream.indirect.gather [hbm4b:s4+s23], $0x80, s2, s23, $0xb8;
	[tilespmem:$0x1F400] =	vst v63  }
0x8d: {  	_ = 	snop  }
0x8e: {  	[spmem:s1] =	stream.indirect.scatter.add.f32 [tilespmem:s19], [sflag:$0x4], $0x80, s0, s23, $0xb8;
	[tilespmem:$0x1F400] =	vst v63  }
0x8f: {  	_ =	swait.ge [sflag:s20], $0x2800  }
0x90: {  	[sflag:s20] =	ssyncset.done $0x0  }
0x91: {  	[sflag:s20] =	ssyncadd.s32 $0xFFFFD800  }
0x92: {  	_ =	swait.ge [sflag:s29], $0x2800  }
0x93: {  	[sflag:s29] =	ssyncset.done $0x0  }
0x94: {  	s6 =	simm.s32 $0x15B80;
	[sflag:s29] =	ssyncadd.s32 $0xFFFFD800  }
0x95: {  	[tilespmem:s19], [sflag:$0x1] =	stream.indirect.gather [hbm4b:s4+s23], $0x80, s6, s23, $0xb8;
	[tilespmem:$0x1F400] =	vst v63  }
0x96: {  	s6 =	simm.s32 $0x17A80  }
0x97: {  	[spmem:s1] =	stream.indirect.scatter.add.f32 [tilespmem:s25], [sflag:$0x4], $0x80, s6, s23, $0xb8;
	[tilespmem:$0x1F400] =	vst v63  }
0x98: {  	_ =	swait.ge [sflag:s20], $0x2800  }
0x99: {  	[sflag:s20] =	ssyncset.done $0x0  }
0x9a: {  	[sflag:s20] =	ssyncadd.s32 $0xFFFFD800  }
0x9b: {  	_ =	swait.ge [sflag:s30], $0x2800  }
0x9c: {  	[sflag:s30] =	ssyncset.done $0x0  }
0x9d: {  	s6 =	simm.s32 $0x17B00;
	[sflag:s30] =	ssyncadd.s32 $0xFFFFD800  }
0x9e: {  	[spmem:s1] =	stream.indirect.scatter.add.f32 [tilespmem:s28], [sflag:$0x4], $0x80, s6, s23, $0xb8;
	[tilespmem:$0x1F400] =	vst v63  }
0x9f: {  	_ =	swait.ge [sflag:s20], $0x2800  }
0xa0: {  	[sflag:s20] =	ssyncset.done $0x0  }
0xa1: {  	[sflag:s20] =	ssyncadd.s32 $0xFFFFD800  }
0xa2: {  	_ =	swait.ge [sflag:s26], $0x2800  }
0xa3: {  	[sflag:s26] =	ssyncset.done $0x0  }
0xa4: {  	s6 =	simm.s32 $0x17B80;
	[sflag:s26] =	ssyncadd.s32 $0xFFFFD800  }
0xa5: {  	[spmem:s1] =	stream.indirect.scatter.add.f32 [tilespmem:s19], [sflag:$0x4], $0x80, s6, s23, $0xb8;
	[tilespmem:$0x1F400] =	vst v63  }
0xa6: {  	_ =	swait.ge [sflag:s20], $0x2800  }
0xa7: {  	[sflag:s20] =	ssyncset.done $0x0  }
0xa8: {  	s6 =	simm.s32 $0x0;
	[sflag:s20] =	ssyncadd.s32 $0xFFFFD800  }
0xa9: {  	[tilespmem:s21], [sflag:$0x4] =	stream.linear.gather [hbm4b:s15+s6], $0x1E80, $0x38;
	[tilespmem:$0x1F400] =	vst v63  }
0xaa: {  	_ =	swait.ge [sflag:s20], $0x1E80  }
0xab: {  	[sflag:s20] =	ssyncset.done $0x0  }
0xac: {  	[sflag:s20] =	ssyncadd.s32 $0xFFFFE180  }
0xad: {  	[tilespmem:s22], [sflag:$0x4] =	stream.linear.gather [hbm4b:s16+s6], $0x1E80, $0x38;
	[tilespmem:$0x1F400] =	vst v63  }
0xae: {  	_ =	swait.ge [sflag:s20], $0x1E80  }
0xaf: {  	[sflag:s20] =	ssyncset.done $0x0  }
0xb0: {  	[sflag:s20] =	ssyncadd.s32 $0xFFFFE180  }
0xb1: {  	[tilespmem:s19], [sflag:$0x1] =	stream.indirect.gather [hbm4b:s4+s23], $0x80, s21, s23, $0xb8;
	[tilespmem:$0x1F400] =	vst v63  }
0xb2: {  	_ = 	snop  }
0xb3: {  	[tilespmem:s25], [sflag:$0x2] =	stream.indirect.gather [hbm4b:s4+s23], $0x80, s24, s23, $0xb8;
	[tilespmem:$0x1F400] =	vst v63  }
0xb4: {  	_ =	swait.ge [sflag:s26], $0x2800  }
0xb5: {  	[sflag:s26] =	ssyncset.done $0x0  }
0xb6: {  	s6 =	simm.s32 $0x13D00;
	[sflag:s26] =	ssyncadd.s32 $0xFFFFD800  }
0xb7: {  	[tilespmem:s28], [sflag:$0x3] =	stream.indirect.gather [hbm4b:s4+s23], $0x80, s6, s23, $0xb8;
	[tilespmem:$0x1F400] =	vst v63  }
0xb8: {  	s6 =	simm.s32 $0x15C00  }
0xb9: {  	[spmem:s1] =	stream.indirect.scatter.add.f32 [tilespmem:s19], [sflag:$0x4], $0x80, s6, s23, $0xb8;
	[tilespmem:$0x1F400] =	vst v63  }
0xba: {  	_ =	swait.ge [sflag:s20], $0x2800  }
0xbb: {  	[sflag:s20] =	ssyncset.done $0x0  }
0xbc: {  	[sflag:s20] =	ssyncadd.s32 $0xFFFFD800  }
0xbd: {  	_ =	swait.ge [sflag:s29], $0x2800  }
0xbe: {  	[sflag:s29] =	ssyncset.done $0x0  }
0xbf: {  	s6 =	simm.s32 $0x13D80;
	[sflag:s29] =	ssyncadd.s32 $0xFFFFD800  }
0xc0: {  	[tilespmem:s19], [sflag:$0x1] =	stream.indirect.gather [hbm4b:s4+s23], $0x80, s6, s23, $0xb8;
	[tilespmem:$0x1F400] =	vst v63  }
0xc1: {  	s6 =	simm.s32 $0x15C80  }
0xc2: {  	[spmem:s1] =	stream.indirect.scatter.add.f32 [tilespmem:s25], [sflag:$0x4], $0x80, s6, s23, $0xb8;
	[tilespmem:$0x1F400] =	vst v63  }
0xc3: {  	_ =	swait.ge [sflag:s20], $0x2800  }
0xc4: {  	[sflag:s20] =	ssyncset.done $0x0  }
0xc5: {  	[sflag:s20] =	ssyncadd.s32 $0xFFFFD800  }
0xc6: {  	_ =	swait.ge [sflag:s30], $0x2800  }
0xc7: {  	[sflag:s30] =	ssyncset.done $0x0  }
0xc8: {  	s6 =	simm.s32 $0x13E00;
	[sflag:s30] =	ssyncadd.s32 $0xFFFFD800  }
0xc9: {  	[tilespmem:s25], [sflag:$0x2] =	stream.indirect.gather [hbm4b:s4+s23], $0x80, s6, s23, $0xb8;
	[tilespmem:$0x1F400] =	vst v63  }
0xca: {  	s6 =	simm.s32 $0x15D00  }
0xcb: {  	[spmem:s1] =	stream.indirect.scatter.add.f32 [tilespmem:s28], [sflag:$0x4], $0x80, s6, s23, $0xb8;
	[tilespmem:$0x1F400] =	vst v63  }
0xcc: {  	_ =	swait.ge [sflag:s20], $0x2800  }
0xcd: {  	s31 =	simm.s32 $0x600;
	[sflag:s20] =	ssyncset.done $0x0  }
.LBB2_6:
0xce: {  	p0 =	sne.s32 s31, $0x6C00  }
0xcf: {  	[sflag:s20] =	ssyncadd.s32 $0xFFFFD800;
	s2 =	smov.u32 s31;
	s31 =	sadd.s32 $0x600, s31  }
0xd0: {  	_ = 	snop  }
0xd1: {  	_ =	swait.ge [sflag:s26], $0x2800  }
0xd2: {  	s2 =	sshra.s32 s2, $0x2;
	[sflag:s26] =	ssyncset.done $0x0  }
0xd3: {  	s6 =	sadd.s32 $0x13D00, s2;
	[sflag:s26] =	ssyncadd.s32 $0xFFFFD800  }
0xd4: {  	[tilespmem:s28], [sflag:$0x3] =	stream.indirect.gather [hbm4b:s4+s23], $0x80, s6, s23, $0xb8;
	[tilespmem:$0x1F400] =	vst v63  }
0xd5: {  	s6 =	sadd.s32 $0x15C00, s2  }
0xd6: {  	[spmem:s1] =	stream.indirect.scatter.add.f32 [tilespmem:s19], [sflag:$0x4], $0x80, s6, s23, $0xb8;
	[tilespmem:$0x1F400] =	vst v63  }
0xd7: {  	_ =	swait.ge [sflag:s20], $0x2800  }
0xd8: {  	[sflag:s20] =	ssyncset.done $0x0  }
0xd9: {  	[sflag:s20] =	ssyncadd.s32 $0xFFFFD800  }
0xda: {  	_ =	swait.ge [sflag:s29], $0x2800  }
0xdb: {  	[sflag:s29] =	ssyncset.done $0x0  }
0xdc: {  	s6 =	sadd.s32 $0x13D80, s2;
	[sflag:s29] =	ssyncadd.s32 $0xFFFFD800  }
0xdd: {  	[tilespmem:s19], [sflag:$0x1] =	stream.indirect.gather [hbm4b:s4+s23], $0x80, s6, s23, $0xb8;
	[tilespmem:$0x1F400] =	vst v63  }
0xde: {  	s6 =	sadd.s32 $0x15C80, s2  }
0xdf: {  	[spmem:s1] =	stream.indirect.scatter.add.f32 [tilespmem:s25], [sflag:$0x4], $0x80, s6, s23, $0xb8;
	[tilespmem:$0x1F400] =	vst v63  }
0xe0: {  	_ =	swait.ge [sflag:s20], $0x2800  }
0xe1: {  	[sflag:s20] =	ssyncset.done $0x0  }
0xe2: {  	[sflag:s20] =	ssyncadd.s32 $0xFFFFD800  }
0xe3: {  	_ =	swait.ge [sflag:s30], $0x2800  }
0xe4: {  	[sflag:s30] =	ssyncset.done $0x0  }
0xe5: {  	s6 =	sadd.s32 $0x13E00, s2;
	[sflag:s30] =	ssyncadd.s32 $0xFFFFD800  }
0xe6: {  	[tilespmem:s25], [sflag:$0x2] =	stream.indirect.gather [hbm4b:s4+s23], $0x80, s6, s23, $0xb8;
	[tilespmem:$0x1F400] =	vst v63  }
.Ltmp2:
0xe7: {  	_ = 	snop;
	(pc) =	sbr.rel @p0 .LBB2_6-.Ltmp2, $4  }
0xe8: {  	s2 =	sadd.s32 $0x15D00, s2  }
0xe9: {  	[spmem:s1] =	stream.indirect.scatter.add.f32 [tilespmem:s28], [sflag:$0x4], $0x80, s2, s23, $0xb8;
	[tilespmem:$0x1F400] =	vst v63  }
0xea: {  	_ =	swait.ge [sflag:s20], $0x2800  }
0xeb: {  	[sflag:s20] =	ssyncset.done $0x0  }
0xec: {  	[sflag:s20] =	ssyncadd.s32 $0xFFFFD800  }
0xed: {  	_ =	swait.ge [sflag:s26], $0x2800  }
0xee: {  	[sflag:s26] =	ssyncset.done $0x0  }
0xef: {  	s2 =	simm.s32 $0x15980;
	[sflag:s26] =	ssyncadd.s32 $0xFFFFD800  }
0xf0: {  	[tilespmem:s28], [sflag:$0x3] =	stream.indirect.gather [hbm4b:s4+s23], $0x80, s2, s23, $0xb8;
	[tilespmem:$0x1F400] =	vst v63  }
0xf1: {  	s31 =	simm.s32 $0x17880  }
0xf2: {  	[spmem:s1] =	stream.indirect.scatter.add.f32 [tilespmem:s19], [sflag:$0x4], $0x80, s31, s23, $0xb8;
	[tilespmem:$0x1F400] =	vst v63  }
0xf3: {  	_ =	swait.ge [sflag:s20], $0x2800  }
0xf4: {  	[sflag:s20] =	ssyncset.done $0x0  }
0xf5: {  	[sflag:s20] =	ssyncadd.s32 $0xFFFFD800  }
0xf6: {  	_ =	swait.ge [sflag:s29], $0x2800  }
0xf7: {  	[sflag:s29] =	ssyncset.done $0x0  }
0xf8: {  	s6 =	simm.s32 $0x15A00;
	[sflag:s29] =	ssyncadd.s32 $0xFFFFD800  }
0xf9: {  	[tilespmem:s19], [sflag:$0x1] =	stream.indirect.gather [hbm4b:s4+s23], $0x80, s6, s23, $0xb8;
	[tilespmem:$0x1F400] =	vst v63  }
0xfa: {  	s31 =	simm.s32 $0x17900  }
0xfb: {  	[spmem:s1] =	stream.indirect.scatter.add.f32 [tilespmem:s25], [sflag:$0x4], $0x80, s31, s23, $0xb8;
	[tilespmem:$0x1F400] =	vst v63  }
0xfc: {  	_ =	swait.ge [sflag:s20], $0x2800  }
0xfd: {  	[sflag:s20] =	ssyncset.done $0x0  }
0xfe: {  	[sflag:s20] =	ssyncadd.s32 $0xFFFFD800  }
0xff: {  	_ =	swait.ge [sflag:s30], $0x2800  }
0x100: {  	[sflag:s30] =	ssyncset.done $0x0  }
0x101: {  	s6 =	simm.s32 $0x17980;
	[sflag:s30] =	ssyncadd.s32 $0xFFFFD800  }
0x102: {  	[spmem:s1] =	stream.indirect.scatter.add.f32 [tilespmem:s28], [sflag:$0x4], $0x80, s6, s23, $0xb8;
	[tilespmem:$0x1F400] =	vst v63  }
0x103: {  	_ =	swait.ge [sflag:s20], $0x2800  }
0x104: {  	[sflag:s20] =	ssyncset.done $0x0  }
0x105: {  	[sflag:s20] =	ssyncadd.s32 $0xFFFFD800  }
0x106: {  	_ =	swait.ge [sflag:s26], $0x2800  }
0x107: {  	[sflag:s26] =	ssyncset.done $0x0  }
0x108: {  	[sflag:s26] =	ssyncadd.s32 $0xFFFFD800  }
0x109: {  	[spmem:s1] =	stream.indirect.scatter.add.f32 [tilespmem:s19], [sflag:$0x4], $0x80, s0, s23, $0xb8;
	[tilespmem:$0x1F400] =	vst v63  }
0x10a: {  	s31 =	stileid.u32;
	_ =	swait.ge [sflag:s20], $0x2800  }
0x10b: {  	s3 =	sadd.s32 $0x1, s3;
	s2 =	sshll.u32 s31, $0x6;
	[sflag:s20] =	ssyncset.done $0x0  }
0x10c: {  	p0 =	sne.s32 s3, s18;
	s2 =	sor.u32 $0x1C04, s2;
	[sflag:s20] =	ssyncadd.s32 $0xFFFFD800  }
.Ltmp3:
0x10d: {  	s6 =	sshrl.u32 s5, $0x3;
	[bflag:$0x0] =	sbarrier.arrive $0xFFFF;
	(pc) =	sbr.rel @p0 .LBB2_1-.Ltmp3, $4  }
0x10e: {  	[hbm:s17], [sflag:s2] =	dma.local [spmem:s6], $0x2780  }
0x10f: {  	_ =	swait.ge [sflag:s20], $0x2780  }
0x110: {  	[sflag:s20] =	ssyncset.done $0x0  }
0x111: {  	[sflag:s20] =	ssyncadd.s32 $0xFFFFD880  }
0x112: {  	_ =	sfence.sel $0x180000  }
0x113: {  	[bflag:$0x0] =	sbarrier.arrive $0xFFFF  }
0x114: {  	_ =	strace $0x9000004D  }
0x115: {  	s0 =	stileid.u32;
	[bflag:$0x2] =	sbarrier.arrive $0xFFFF  }
0x116: {  	p0 =	sne.s32 s0, $0x0;
	s0 =	rddreg [dreg:$0x2]  }
0x117: {  	s0 =	sadd.s32 @!p0 $0x100000, s0  }
0x118: {  	[sflag:s0] =	ssyncadd.tile.s32 @!p0 $0x1;
	_ =	shalt  }
.Lfunc_end2:
_tile_overlayer_lowered:
.L_overlay_start_2:
0x119: {  	(tag) =	ssettag $0x2  }
0x11a: {  	s0 =	rddreg [dreg:$0x0];
	s2 =	stileid.u32  }
0x11b: {  	s1 =	rddreg [dreg:$0x1];
	p0 =	sne.s32 s2, $0x0  }
0x11c: {  	s3 =	rddreg [dreg:$0x2];
	[bflag:$0x3] =	sbarrier.arrive $0xFFFF;
	s2 =	simm.s32 @!p0 $0x1C04  }
0x11d: {  	[timem:s3], [sflag:s2] =	dma.local @!p0 [hbm:s0], s1  }
0x11e: {  	s0 =	simm.s32 @!p0 $0x4  }
0x11f: {  	_ =	swait.ge @!p0 [sflag:s0], s1  }
0x120: {  	s1 =	ssub.s32 @!p0 $0x0, s1;
	[sflag:s0] =	ssyncset.done @!p0 $0x0  }
0x121: {  	[sflag:s0] =	ssyncadd.s32 @!p0 s1  }
0x122: {  	[bflag:$0x3] =	sbarrier.arrive $0xFFFF  }
0x123: {  	_ =	shalt  }

// kernel: gcn_agg_deg.3.cloned.1.call-start
scs
__scs_entry_jumppad:
0x0: {  	(pc) =	sbr.rel $0x88, $3  }
0x1: {  	(tag) =	ssettag $0x0;
	lr =	simm.s32 $0x1  }
0x2: {  	[smem:$0x3F99] =	sst lr;
	_ =	strace $0xD0000000  }
0x3: {  	_ = 	snop  }
0x4: {  	_ = 	snop  }
0x5: {  	_ = 	snop  }
0x6: {  	_ = 	snop  }
0x7: {  	_ = 	snop  }
__scs_overlays_trampoline_lowered:
0x8: {  	[smem:$0x3FA8] =	sst s0  }
0x9: {  	[smem:$0x3FA9] =	sst s1  }
0xa: {  	[smem:$0x3FAA] =	sst s2  }
0xb: {  	[smem:$0x3FAB] =	sst s3  }
0xc: {  	[smem:$0x3FAC] =	sst s4  }
0xd: {  	[smem:$0x3FAD] =	sst s5  }
0xe: {  	[smem:$0x3FAE] =	sst s6  }
0xf: {  	[smem:$0x3FAF] =	sst s7  }
0x10: {  	[smem:$0x3FB0] =	sst s8  }
0x11: {  	[smem:$0x3FB1] =	sst s9;
	s0 =	simm.s32 @!p0 $0x0  }
0x12: {  	s1 =	sld [smem:$0x3F97];
	s0 =	simm.s32 @p0 $0x1  }
0x13: {  	[smem:$0x3FB2] =	sst s0;
	s0 =	simm.s32 @!p1 $0x0  }
0x14: {  	s2 =	sld [smem:$0x3F96];
	s0 =	simm.s32 @p1 $0x1  }
0x15: {  	[smem:$0x3FB3] =	sst s0;
	s0 =	simm.s32 @!p2 $0x0  }
0x16: {  	s3 =	sld [smem:$0x3FDB];
	s0 =	simm.s32 @p2 $0x1  }
0x17: {  	s4 =	simm.s32 $0x1BF5;
	[smem:$0x3FB5] =	sst s0  }
0x18: {  	s0 =	sld [smem:$0x3F98];
	_ =	swait.ge [sflag:s4], $0x0  }
0x19: {  	s7 =	sld [smem:$0x3F99]  }
0x1a: {  	s8 =	sadd.s32 $0xFFFFE003, lr  }
0x1b: {  	s9 =	sadd.s32 $0xFFFFFEF7, lr;
	s5 =	simm.s32 $0xFFFFFFFF;
	p2 =	slt.u32 s8, $0xFFFFF086  }
0x1c: {  	p1 =	slt.u32 s9, $0xF7A;
	s5 =	simm.s32 @!p2 $0x0  }
0x1d: {  	s5 =	simm.s32 @p1 $0x1;
	p0 =	seq.s32 s7, s2  }
0x1e: {  	s7 =	smul.u32 @!p0 $0xF7A, s2;
	p2 =	seq.s32 @!p0 s5, $0x0  }
0x1f: {  	s9 =	smul.u32 $0xF7A, s1;
	s8 =	simm.s32 @!p0 $0x1BF5;
	p2 =	por !p2, p0  }
0x20: {  	[sflag:s8] =	ssyncset.s32 @!p0 $0xFFFFF086;
	s6 =	sadd.s32 @!p0 s3, s7;
	s7 =	simm.s32 @!p0 $0x108  }
0x21: {  	s3 =	sadd.s32 s3, s9;
	s6 =	sadd.s32 @!p0 $0x88, s6;
	s7 =	simm.s32 @p2 $0x1082  }
0x22: {  	[simem:s7], [sflag:s8] =	dma.local @!p0 [hbm:s6], $0xF7A  }
0x23: {  	s9 =	sor.u32 $0xD0000000, s2;
	s6 =	simm.s32 $0x108;
	_ =	swait.ge @!p0 [sflag:s8], $0x0  }
0x24: {  	s3 =	sadd.s32 $0x88, s3;
	s6 =	simm.s32 @!p1 $0x1082;
	[sflag:s4] =	ssyncset.s32 $0xFFFFF086  }
0x25: {  	[simem:s6], [sflag:s4] =	dma.local [hbm:s3], $0xF7A  }
0x26: {  	[smem:$0x3F99] =	sst s1;
	(tag) =	ssettag s2;
	_ =	strace s9  }
0x27: {  	s1 =	sld [smem:$0x3FA9]  }
0x28: {  	s2 =	sld [smem:$0x3FAA]  }
0x29: {  	s4 =	sld [smem:$0x3FAC]  }
0x2a: {  	p0 =	seq.s32 s5, $0x0;
	s5 =	sld [smem:$0x3FAD]  }
0x2b: {  	s6 =	sld [smem:$0x3FAE]  }
0x2c: {  	s7 =	sld [smem:$0x3FAF]  }
0x2d: {  	s3 =	simm.s32 $0x108;
	s8 =	sld [smem:$0x3FB0]  }
0x2e: {  	s3 =	simm.s32 @!p0 $0x1082;
	s9 =	sld [smem:$0x3FB1]  }
0x2f: {  	lr =	sadd.s32 s0, s3;
	s0 =	sld [smem:$0x3FA8]  }
0x30: {  	s3 =	sld [smem:$0x3FAB]  }
0x31: {  	[smem:$0x3FB4] =	sst s10  }
0x32: {  	s10 =	sld [smem:$0x3FB2];
	_ =	sdelay $0x3  }
0x33: {  	p0 =	seq.s32 s10, $0x1;
	s10 =	sld [smem:$0x3FB4];
	_ =	sdelay $0x3  }
0x34: {  	[smem:$0x3FB4] =	sst s10  }
0x35: {  	s10 =	sld [smem:$0x3FB3];
	_ =	sdelay $0x3  }
0x36: {  	p1 =	seq.s32 s10, $0x1;
	s10 =	sld [smem:$0x3FB4];
	_ =	sdelay $0x3  }
0x37: {  	[smem:$0x3FB4] =	sst s10  }
0x38: {  	s10 =	sld [smem:$0x3FB5]  }
0x39: {  	_ = 	snop;
	(pc) =	sbr.ind lr, $3  }
0x3a: {  	_ = 	snop  }
0x3b: {  	_ = 	snop  }
0x3c: {  	p2 =	seq.s32 s10, $0x1;
	s10 =	sld [smem:$0x3FB4]  }
0x3d: {  	_ =	shalt  }
0x3e: {  	_ =	shalt  }
0x3f: {  	_ =	shalt  }
0x40: {  	_ =	shalt  }
0x41: {  	_ =	shalt  }
0x42: {  	_ =	shalt  }
0x43: {  	_ =	shalt  }
0x44: {  	_ =	shalt  }
0x45: {  	_ =	shalt  }
0x46: {  	_ =	shalt  }
0x47: {  	_ =	shalt  }
0x48: {  	_ =	shalt  }
0x49: {  	_ =	shalt  }
0x4a: {  	_ =	shalt  }
0x4b: {  	_ =	shalt  }
0x4c: {  	_ =	shalt  }
0x4d: {  	_ =	shalt  }
0x4e: {  	_ =	shalt  }
0x4f: {  	_ =	shalt  }
0x50: {  	_ =	shalt  }
0x51: {  	_ =	shalt  }
0x52: {  	_ =	shalt  }
0x53: {  	_ =	shalt  }
0x54: {  	_ =	shalt  }
0x55: {  	_ =	shalt  }
0x56: {  	_ =	shalt  }
0x57: {  	_ =	shalt  }
0x58: {  	_ =	shalt  }
0x59: {  	_ =	shalt  }
0x5a: {  	_ =	shalt  }
0x5b: {  	_ =	shalt  }
0x5c: {  	_ =	shalt  }
0x5d: {  	_ =	shalt  }
0x5e: {  	_ =	shalt  }
0x5f: {  	_ =	shalt  }
0x60: {  	_ =	shalt  }
0x61: {  	_ =	shalt  }
0x62: {  	_ =	shalt  }
0x63: {  	_ =	shalt  }
0x64: {  	_ =	shalt  }
0x65: {  	_ =	shalt  }
0x66: {  	_ =	shalt  }
0x67: {  	_ =	shalt  }
0x68: {  	_ =	shalt  }
0x69: {  	_ =	shalt  }
0x6a: {  	_ =	shalt  }
0x6b: {  	_ =	shalt  }
0x6c: {  	_ =	shalt  }
0x6d: {  	_ =	shalt  }
0x6e: {  	_ =	shalt  }
0x6f: {  	_ =	shalt  }
0x70: {  	_ =	shalt  }
0x71: {  	_ =	shalt  }
0x72: {  	_ =	shalt  }
0x73: {  	_ =	shalt  }
0x74: {  	_ =	shalt  }
0x75: {  	_ =	shalt  }
0x76: {  	_ =	shalt  }
0x77: {  	_ =	shalt  }
0x78: {  	_ =	shalt  }
0x79: {  	_ =	shalt  }
0x7a: {  	_ =	shalt  }
0x7b: {  	_ =	shalt  }
0x7c: {  	_ =	shalt  }
0x7d: {  	_ =	shalt  }
0x7e: {  	_ =	shalt  }
0x7f: {  	_ =	shalt  }
0x80: {  	_ =	shalt  }
0x81: {  	_ =	shalt  }
0x82: {  	_ =	shalt  }
0x83: {  	_ =	shalt  }
0x84: {  	_ =	shalt  }
0x85: {  	_ =	shalt  }
0x86: {  	_ =	shalt  }
0x87: {  	_ =	shalt  }
.Lfunc_end0:
.L_simem_size_0:
called_computation_lowered:
.L_overlay_start_0:
0x88: {  	s2 =	sld [smem:$0x3FD9]  }
0x89: {  	s3 =	sld [smem:$0x3FFE];
	_ =	sdelay $0x1  }
0x8a: {  	s1 =	srdreg.scid  }
0x8b: {  	s0 =	sand.u32 $0x1, s1  }
0x8c: {  	s17 =	sshll.u32 s0, $0xA;
	s2 =	sadd.s32 s3, s2  }
0x8d: {  	s2 =	sadd.s32 s2, s17  }
0x8e: {  	[smem:$0x3FC0] =	sst s2  }
0x8f: {  	_ = 	snop  }
0x90: {  	s2 =	sld [smem:$0x3FC9]  }
0x91: {  	s18 =	sld [smem:$0x3FD0];
	(tm) =	ssettm $0x1  }
0x92: {  	s4 =	sld [smem:$0x3FFB];
	_ =	sdelay $0x3  }
0x93: {  	_ =	strace s4  }
0x94: {  	s4 =	sld [smem:$0x3FFC];
	_ =	sdelay $0x3  }
0x95: {  	_ =	strace s4  }
0x96: {  	s4 =	sld [smem:$0x3FFD];
	_ =	sdelay $0x3  }
0x97: {  	_ =	strace s4  }
0x98: {  	_ =	strace $0x8FFFFFFF  }
0x99: {  	s19 =	sld [smem:$0x3FDB];
	_ =	sdelay $0x1  }
0x9a: {  	s5 =	simm.s32 $_scs_section_size  }
0x9b: {  	s6 =	simm.s32 $_size__tile_overlayer_lowered;
	s7 =	simm.s32 $_tile_overlayer_lowered  }
0x9c: {  	s22 =	simm.s32 $0x1BFF;
	s21 =	sshll.u32 s7, $0x1;
	s4 =	sadd.s32 s5, s19  }
0x9d: {  	s8 =	simm.s32 $0x0;
	s20 =	sshll.u32 s6, $0x1;
	s6 =	sadd.s32 s21, s4  }
0x9e: {  	[timem:s8], [sflag:s22] =	dma.local [hbm:s6], s20  }
0x9f: {  	_ =	swait.ge [sflag:s22], s20  }
0xa0: {  	s5 =	ssub.s32 $0x0, s20;
	[sflag:s22] =	ssyncset.done $0x0  }
0xa1: {  	[sflag:s22] =	ssyncadd.s32 s5;
	_ =	sdelay $0x1  }
0xa2: {  	s23 =	simm.s32 $0x1B8B  }
0xa3: {  	_ =	swait.ge [sflag:s23], $0x1  }
0xa4: {  	[sflag:s23] =	ssyncset.done $0x0  }
0xa5: {  	s25 =	simm.s32 $0x1B8E;
	s24 =	sld [smem:$0x3FFE];
	[sflag:s23] =	ssyncadd.s32 $0xFFFFFFFF  }
0xa6: {  	s26 =	simm.s32 $execute0_lowered;
	[smem:$0x3FD2] =	sst s25  }
0xa7: {  	s6 =	sshll.u32 s26, $0x1;
	_ =	strace $0x80000046;
	[dreg:$0x1] =	wrdreg $0xFFFFFFFF  }
0xa8: {  	s28 =	simm.s32 $_size_execute0_lowered;
	s4 =	sadd.s32 s4, s6;
	[dreg:$0x0] =	wrdreg $0x0  }
0xa9: {  	s6 =	sshll.u32 s28, $0x1;
	[dreg:$0x2] =	wrdreg s4  }
0xaa: {  	[dreg:$0x3] =	wrdreg s6  }
0xab: {  	[dreg:$0x4] =	wrdreg $0xC0  }
0xac: {  	_ =	task [dreg:s8], $0x5FFFF  }
0xad: {  	[dreg:$0x1] =	wrdreg $0xFFFFFFFF  }
0xae: {  	[dreg:$0x0] =	wrdreg $0x60  }
0xaf: {  	[dreg:$0x2] =	wrdreg s2  }
0xb0: {  	[dreg:$0x3] =	wrdreg s24  }
0xb1: {  	[dreg:$0x4] =	wrdreg s18  }
0xb2: {  	[dreg:$0x5] =	wrdreg $0x0  }
0xb3: {  	[dreg:$0x6] =	wrdreg $0x13C000  }
0xb4: {  	[dreg:$0x7] =	wrdreg $0x9  }
0xb5: {  	_ =	task.clear_ibuf [dreg:s8], $0x8FFFF;
	_ =	strace $0x90000046  }
0xb6: {  	s29 =	simm.s32 $0x9;
	_ =	strace $0x80000048  }
0xb7: {  	_ =	swait.ge [sflag:s29], $0x1  }
0xb8: {  	[sflag:s29] =	ssyncadd.s32 $0xFFFFFFFF  }
0xb9: {  	_ =	strace $0x90000048  }
0xba: {  	_ =	sfence  }
0xbb: {  	s30 =	sld [smem:$0x0];
	_ =	sdelay $0x2  }
0xbc: {  	s31 =	sshll.u32 s1, $0xD;
	s1 =	sshrl.u32 s1, $0x2  }
0xbd: {  	s3 =	sand.u32 $0x4000, s31;
	s1 =	sadd.s32 s1, s30  }
0xbe: {  	s0 =	sor.u32 s3, s0;
	s1 =	sshll.u32 s1, $0x11  }
0xbf: {  	s0 =	sor.u32 s1, s0  }
0xc0: {  	s0 =	sadd.s32 $0x8F2B, s0  }
0xc1: {  	[sflag:s0] =	ssyncadd.remote.s32 $0x1  }
0xc2: {  	_ =	sfence.sel $0xFFFF  }
0xc3: {  	[dreg:$0x0] =	wrdreg $0xFFFFFFFF;
	(pc) =	sbr.abs _section_cstart, $3  }
0xc4: {  	[dreg:$0x1] =	wrdreg $0xFFFFFFFF  }
0xc5: {  	_ =	task.clear_ibuf [dreg:s8], $0x2FFFF;
	_ =	strace $0x9FFFFFFF  }
0xc6: {  	(tm) =	ssettm $0x7FFFFFFF  }
0xc7: {  	_ =	shalt  }
tec
execute0_lowered:
.L_overlay_start_1:
0x0: {  	(tag) =	ssettag $0x1  }
0x1: {  	s0 =	rddreg [dreg:$0x0]  }
0x2: {  	s1 =	rddreg [dreg:$0x1]  }
0x3: {  	s5 =	rddreg [dreg:$0x2]  }
0x4: {  	s2 =	rddreg [dreg:$0x3]  }
0x5: {  	s3 =	rddreg [dreg:$0x4]  }
0x6: {  	s4 =	srdreg.scid;
	s14 =	stileid.u32;
	s28 =	simm.s32 $0x4  }
0x7: {  	s29 =	simm.s32 $0x13E78;
	s7 =	sand.u32 $0x1, s4;
	s8 =	smul.u32 $0x13C00, s14  }
0x8: {  	s31 =	simm.s32 $0x50;
	s4 =	simm.s32 $0x0;
	s6 =	smul.u32 $0x13C000, s7  }
0x9: {  	s9 =	smul.u32 $0x4F000, s14;
	s10 =	sadd.s32 $0x1200, s1;
	s11 =	sadd.s32 $0x11200, s1  }
0xa: {  	s30 =	smul.u32 $0x9E0, s14;
	s19 =	sshll.u32 s14, $0xC;
	s6 =	sadd.s32 s8, s6  }
0xb: {  	p0 =	sne.s32 s14, $0x0;
	s9 =	sshrl.u32 s9, $0x2;
	s6 =	sshrl.u32 s6, $0x3  }
0xc: {  	s14 =	simm.s32 $0x17CF8;
	s1 =	sadd.s32 s6, s1;
	s6 =	sadd.s32 s9, s2  }
0xd: {  	[smem:$0x7FF] =	sst s4;
	s26 =	ssub.s32 $0x2, s7;
	s9 =	sadd.s32 $0x2800, s6  }
0xe: {  	_ =	strace $0x80000047;
	s13 =	sadd.s32 $0x5000, s6;
	[dreg:$0x6] =	wrdreg s9  }
0xf: {  	s20 =	sshll.u32 s7, $0xB;
	s15 =	sadd.s32 $0x7800, s6;
	[dreg:$0x7] =	wrdreg s13  }
0x10: {  	s7 =	smul.u32 $0x4F0, s7;
	s16 =	sadd.s32 $0xA000, s6;
	[dreg:$0x8] =	wrdreg s15  }
0x11: {  	s12 =	sshrl.u32 s26, $0x1;
	s17 =	sadd.s32 $0xC800, s6;
	[dreg:$0x9] =	wrdreg s16  }
0x12: {  	s8 =	ssub.s32 s26, s12;
	s18 =	sadd.s32 $0xF000, s6;
	[dreg:$0xa] =	wrdreg s17  }
0x13: {  	s12 =	simm.s32 $0x17C78;
	[dreg:$0xb] =	wrdreg s18;
	s9 =	sshrl.u32 s30, $0x2  }
0x14: {  	s15 =	sadd.s32 $0x11800, s6;
	s16 =	simm.s32 $0x17DF8;
	s17 =	simm.s32 $0x17AF8  }
0x15: {  	s18 =	simm.s32 $0x17B78;
	s13 =	sadd.s32 s9, s3;
	[dreg:$0xc] =	wrdreg s15  }
0x16: {  	s9 =	sor.u32 s20, s19;
	s15 =	simm.s32 $0x17D78;
	s21 =	sadd.s32 $0x80, s13  }
0x17: {  	s19 =	simm.s32 $0x17BF8;
	s22 =	sadd.s32 $0x100, s13;
	[dreg:$0xd] =	wrdreg s21  }
0x18: {  	s23 =	sor.u32 $0x400, s9;
	s24 =	sadd.s32 s10, s9;
	[dreg:$0xe] =	wrdreg s22  }
0x19: {  	s9 =	sadd.s32 s11, s9;
	s30 =	sadd.s32 $0x180, s13;
	[dreg:$0xf] =	wrdreg s24  }
0x1a: {  	[dreg:$0x10] =	wrdreg s9;
	s25 =	sadd.s32 s10, s23;
	s26 =	sadd.s32 s11, s23  }
0x1b: {  	[dreg:$0x13] =	wrdreg s30;
	s22 =	sadd.s32 s5, s7;
	s23 =	sadd.s32 $0x200, s13  }
0x1c: {  	s24 =	sadd.s32 $0x21200, s1;
	s1 =	simm.s32 $0x13EF8;
	s5 =	simm.s32 $0x1A678  }
0x1d: {  	s7 =	simm.s32 $0x1;
	s9 =	simm.s32 $0x1F678;
	[dreg:$0x11] =	wrdreg s25  }
0x1e: {  	s10 =	simm.s32 $0x2;
	s11 =	simm.s32 $0x3;
	[dreg:$0x12] =	wrdreg s26  }
0x1f: {  	v0 =	vimm.f32 $0.0e+00;
	v1 =	vimm.f32 $1.000000000e+00;
	s25 =	smax.u32 s8, $0x1;
	s26 =	simm.s32 $0x17E78;
	s8 =	simm.s32 $0x1CE78  }
.LBB2_1:
0x20: {  	s20 =	simm.s32 $0x0;
	s21 =	simm.s32 $0x200  }
.LBB2_2:
0x21: {  	p1 =	sne.s32 s21, $0x9E00;
	[tilespmem:s20+$0x17EE8] =	vst v0  }
0x22: {  	[tilespmem:s20+$0x17E78] =	vst v0  }
0x23: {  	[tilespmem:s20+$0x17E88] =	vst v0  }
.Ltmp0:
0x24: {  	[tilespmem:s20+$0x17E98] =	vst v0;
	(pc) =	sbr.rel @p1 .LBB2_2-.Ltmp0, $4  }
0x25: {  	[tilespmem:s20+$0x17EA8] =	vst v0  }
0x26: {  	[tilespmem:s20+$0x17EB8] =	vst v0  }
0x27: {  	[tilespmem:s20+$0x17EC8] =	vst v0  }
0x28: {  	[tilespmem:s20+$0x17ED8] =	vst v0;
	s20 =	sshra.s32 s21, $0x2;
	s21 =	sadd.s32 $0x200, s21  }
0x29: {  	[tilespmem:s20+$0x17EE8] =	vst v0  }
0x2a: {  	[tilespmem:s20+$0x17E78] =	vst v0  }
0x2b: {  	[tilespmem:s20+$0x17E88] =	vst v0  }
0x2c: {  	[tilespmem:s20+$0x17E98] =	vst v0  }
0x2d: {  	[tilespmem:s20+$0x17EA8] =	vst v0  }
0x2e: {  	[tilespmem:s20+$0x17EB8] =	vst v0  }
0x2f: {  	[tilespmem:s20+$0x17EC8] =	vst v0  }
0x30: {  	[tilespmem:s20+$0x17ED8] =	vst v0  }
0x31: {  	[spmem:s6] =	stream.linear.scatter [tilespmem:s26], [sflag:$0x4], $0x2800, $0x38;
	[tilespmem:$0x1F6F8] =	vst v63  }
0x32: {  	_ =	swait.ge [sflag:s28], $0x2800  }
0x33: {  	[sflag:s28] =	ssyncset.done $0x0  }
0x34: {  	s21 =	rddreg [dreg:$0x6];
	[sflag:s28] =	ssyncadd.s32 $0xFFFFD800  }
0x35: {  	[spmem:s21] =	stream.linear.scatter [tilespmem:s26], [sflag:$0x4], $0x2800, $0x38;
	[tilespmem:$0x1F6F8] =	vst v63  }
0x36: {  	_ =	swait.ge [sflag:s28], $0x2800  }
0x37: {  	[sflag:s28] =	ssyncset.done $0x0  }
0x38: {  	s30 =	rddreg [dreg:$0x7];
	[sflag:s28] =	ssyncadd.s32 $0xFFFFD800  }
0x39: {  	[spmem:s30] =	stream.linear.scatter [tilespmem:s26], [sflag:$0x4], $0x2800, $0x38;
	[tilespmem:$0x1F6F8] =	vst v63  }
0x3a: {  	_ =	swait.ge [sflag:s28], $0x2800  }
0x3b: {  	[sflag:s28] =	ssyncset.done $0x0  }
0x3c: {  	s21 =	rddreg [dreg:$0x8];
	[sflag:s28] =	ssyncadd.s32 $0xFFFFD800  }
0x3d: {  	[spmem:s21] =	stream.linear.scatter [tilespmem:s26], [sflag:$0x4], $0x2800, $0x38;
	[tilespmem:$0x1F6F8] =	vst v63  }
0x3e: {  	_ =	swait.ge [sflag:s28], $0x2800  }
0x3f: {  	[sflag:s28] =	ssyncset.done $0x0  }
0x40: {  	s30 =	rddreg [dreg:$0x9];
	[sflag:s28] =	ssyncadd.s32 $0xFFFFD800  }
0x41: {  	[spmem:s30] =	stream.linear.scatter [tilespmem:s26], [sflag:$0x4], $0x2800, $0x38;
	[tilespmem:$0x1F6F8] =	vst v63  }
0x42: {  	_ =	swait.ge [sflag:s28], $0x2800  }
0x43: {  	[sflag:s28] =	ssyncset.done $0x0  }
0x44: {  	s21 =	rddreg [dreg:$0xa];
	[sflag:s28] =	ssyncadd.s32 $0xFFFFD800  }
0x45: {  	[spmem:s21] =	stream.linear.scatter [tilespmem:s26], [sflag:$0x4], $0x2800, $0x38;
	[tilespmem:$0x1F6F8] =	vst v63  }
0x46: {  	_ =	swait.ge [sflag:s28], $0x2800  }
0x47: {  	[sflag:s28] =	ssyncset.done $0x0  }
0x48: {  	s30 =	rddreg [dreg:$0xb];
	[sflag:s28] =	ssyncadd.s32 $0xFFFFD800  }
0x49: {  	[spmem:s30] =	stream.linear.scatter [tilespmem:s26], [sflag:$0x4], $0x2800, $0x38;
	[tilespmem:$0x1F6F8] =	vst v63  }
0x4a: {  	_ =	swait.ge [sflag:s28], $0x2800  }
0x4b: {  	[sflag:s28] =	ssyncset.done $0x0  }
0x4c: {  	s21 =	rddreg [dreg:$0xc];
	[sflag:s28] =	ssyncadd.s32 $0xFFFFD800  }
0x4d: {  	[spmem:s21] =	stream.linear.scatter [tilespmem:s26], [sflag:$0x4], $0x2400, $0x38;
	[tilespmem:$0x1F6F8] =	vst v63  }
0x4e: {  	_ =	swait.ge [sflag:s28], $0x2400  }
0x4f: {  	[sflag:s28] =	ssyncset.done $0x0  }
0x50: {  	[sflag:s28] =	ssyncadd.s32 $0xFFFFDC00  }
0x51: {  	[spmem:s13] =	stream.linear.scatter [tilespmem:s26], [sflag:$0x4], $0x80, $0x38;
	[tilespmem:$0x1F6F8] =	vst v63  }
0x52: {  	_ =	swait.ge [sflag:s28], $0x80  }
0x53: {  	[sflag:s28] =	ssyncset.done $0x0  }
0x54: {  	s30 =	rddreg [dreg:$0xd];
	[sflag:s28] =	ssyncadd.s32 $0xFFFFFF80  }
0x55: {  	[spmem:s30] =	stream.linear.scatter [tilespmem:s26], [sflag:$0x4], $0x80, $0x38;
	[tilespmem:$0x1F6F8] =	vst v63  }
0x56: {  	_ =	swait.ge [sflag:s28], $0x80  }
0x57: {  	[sflag:s28] =	ssyncset.done $0x0  }
0x58: {  	s21 =	rddreg [dreg:$0xe];
	[sflag:s28] =	ssyncadd.s32 $0xFFFFFF80  }
0x59: {  	[spmem:s21] =	stream.linear.scatter [tilespmem:s26], [sflag:$0x4], $0x80, $0x38;
	[tilespmem:$0x1F6F8] =	vst v63  }
0x5a: {  	_ =	swait.ge [sflag:s28], $0x80  }
0x5b: {  	[sflag:s28] =	ssyncset.done $0x0  }
0x5c: {  	s30 =	rddreg [dreg:$0x13];
	[sflag:s28] =	ssyncadd.s32 $0xFFFFFF80  }
0x5d: {  	[spmem:s30] =	stream.linear.scatter [tilespmem:s26], [sflag:$0x4], $0x80, $0x38;
	[tilespmem:$0x1F6F8] =	vst v63  }
0x5e: {  	_ =	swait.ge [sflag:s28], $0x80  }
0x5f: {  	[sflag:s28] =	ssyncset.done $0x0  }
0x60: {  	[sflag:s28] =	ssyncadd.s32 $0xFFFFFF80  }
0x61: {  	[spmem:s23] =	stream.linear.scatter [tilespmem:s26], [sflag:$0x4], $0x78, $0x38;
	[tilespmem:$0x1F6F8] =	vst v63  }
0x62: {  	_ =	swait.ge [sflag:s28], $0x78  }
0x63: {  	[sflag:s28] =	ssyncset.done $0x0  }
0x64: {  	[sflag:s28] =	ssyncadd.s32 $0xFFFFFF88  }
0x65: {  	[tilespmem:$0x1F678] =	vst v1  }
0x66: {  	[tilespmem:$0x1F688] =	vst v1  }
0x67: {  	[tilespmem:$0x1F698] =	vst v1  }
0x68: {  	[tilespmem:$0x1F6A8] =	vst v1  }
0x69: {  	[tilespmem:$0x1F6B8] =	vst v1  }
0x6a: {  	[bflag:$0x0] =	sbarrier.arrive $0xFFFF  }
0x6b: {  	s20 =	simm.s32 $0x0;
	s21 =	rddreg [dreg:$0xf]  }
0x6c: {  	[tilespmem:s29], [sflag:$0x4] =	stream.linear.gather [hbm4b:s21+s20], $0x2000, $0x38;
	[tilespmem:$0x1F6F8] =	vst v63  }
0x6d: {  	_ =	swait.ge [sflag:s28], $0x2000  }
0x6e: {  	[sflag:s28] =	ssyncset.done $0x0  }
0x6f: {  	s30 =	simm.s32 $0x15E78;
	s21 =	rddreg [dreg:$0x10];
	[sflag:s28] =	ssyncadd.s32 $0xFFFFE000  }
0x70: {  	[tilespmem:s30], [sflag:$0x4] =	stream.linear.gather [hbm4b:s21+s20], $0x2000, $0x38;
	[tilespmem:$0x1F6F8] =	vst v63  }
0x71: {  	_ =	swait.ge [sflag:s28], $0x2000  }
0x72: {  	[sflag:s28] =	ssyncset.done $0x0  }
0x73: {  	[sflag:s28] =	ssyncadd.s32 $0xFFFFE000  }
0x74: {  	[tilespmem:s26], [sflag:$0x1] =	stream.indirect.gather [hbm4b:s0+s31], $0x80, s29, s31, $0xb8;
	[tilespmem:$0x1F6F8] =	vst v63  }
0x75: {  	_ = 	snop  }
0x76: {  	[tilespmem:s5], [sflag:$0x2] =	stream.indirect.gather [hbm4b:s0+s31], $0x80, s1, s31, $0xb8;
	[tilespmem:$0x1F6F8] =	vst v63  }
0x77: {  	_ =	swait.ge [sflag:s7], $0x2800  }
0x78: {  	[sflag:s7] =	ssyncset.done $0x0  }
0x79: {  	s21 =	simm.s32 $0x13F78;
	[sflag:s7] =	ssyncadd.s32 $0xFFFFD800  }
0x7a: {  	[tilespmem:s8], [sflag:$0x3] =	stream.indirect.gather [hbm4b:s0+s31], $0x80, s21, s31, $0xb8;
	[tilespmem:$0x1F6F8] =	vst v63  }
0x7b: {  	s30 =	simm.s32 $0x15E78  }
0x7c: {  	[spmem:s2] =	stream.indirect.scatter.add.f32 [tilespmem:s26], [sflag:$0x4], $0x80, s30, s31, $0xb8;
	[tilespmem:$0x1F6F8] =	vst v63  }
0x7d: {  	_ =	swait.ge [sflag:s28], $0x2800  }
0x7e: {  	[sflag:s28] =	ssyncset.done $0x0  }
0x7f: {  	[sflag:s28] =	ssyncadd.s32 $0xFFFFD800  }
0x80: {  	[spmem:s3] =	stream.indirect.scatter.add.f32 [tilespmem:s9], [sflag:$0x4], $0x1, s30, s31, $0xb8;
	[tilespmem:$0x1F6F8] =	vst v63  }
0x81: {  	_ =	swait.ge [sflag:s28], $0x50  }
0x82: {  	[sflag:s28] =	ssyncset.done $0x0  }
0x83: {  	[sflag:s28] =	ssyncadd.s32 $0xFFFFFFB0  }
0x84: {  	_ =	swait.ge [sflag:s10], $0x2800  }
0x85: {  	[sflag:s10] =	ssyncset.done $0x0  }
0x86: {  	s21 =	simm.s32 $0x13FF8;
	[sflag:s10] =	ssyncadd.s32 $0xFFFFD800  }
0x87: {  	[tilespmem:s26], [sflag:$0x1] =	stream.indirect.gather [hbm4b:s0+s31], $0x80, s21, s31, $0xb8;
	[tilespmem:$0x1F6F8] =	vst v63  }
0x88: {  	s30 =	simm.s32 $0x15EF8  }
0x89: {  	[spmem:s2] =	stream.indirect.scatter.add.f32 [tilespmem:s5], [sflag:$0x4], $0x80, s30, s31, $0xb8;
	[tilespmem:$0x1F6F8] =	vst v63  }
0x8a: {  	_ =	swait.ge [sflag:s28], $0x2800  }
0x8b: {  	[sflag:s28] =	ssyncset.done $0x0  }
0x8c: {  	[sflag:s28] =	ssyncadd.s32 $0xFFFFD800  }
0x8d: {  	[spmem:s3] =	stream.indirect.scatter.add.f32 [tilespmem:s9], [sflag:$0x4], $0x1, s30, s31, $0xb8;
	[tilespmem:$0x1F6F8] =	vst v63  }
0x8e: {  	_ =	swait.ge [sflag:s28], $0x50  }
0x8f: {  	[sflag:s28] =	ssyncset.done $0x0  }
0x90: {  	[sflag:s28] =	ssyncadd.s32 $0xFFFFFFB0  }
0x91: {  	_ =	swait.ge [sflag:s11], $0x2800  }
0x92: {  	[sflag:s11] =	ssyncset.done $0x0  }
0x93: {  	s21 =	simm.s32 $0x14078;
	[sflag:s11] =	ssyncadd.s32 $0xFFFFD800  }
0x94: {  	[tilespmem:s5], [sflag:$0x2] =	stream.indirect.gather [hbm4b:s0+s31], $0x80, s21, s31, $0xb8;
	[tilespmem:$0x1F6F8] =	vst v63  }
0x95: {  	s30 =	simm.s32 $0x15F78  }
0x96: {  	[spmem:s2] =	stream.indirect.scatter.add.f32 [tilespmem:s8], [sflag:$0x4], $0x80, s30, s31, $0xb8;
	[tilespmem:$0x1F6F8] =	vst v63  }
0x97: {  	_ =	swait.ge [sflag:s28], $0x2800  }
0x98: {  	[sflag:s28] =	ssyncset.done $0x0  }
0x99: {  	[sflag:s28] =	ssyncadd.s32 $0xFFFFD800  }
0x9a: {  	[spmem:s3] =	stream.indirect.scatter.add.f32 [tilespmem:s9], [sflag:$0x4], $0x1, s30, s31, $0xb8;
	[tilespmem:$0x1F6F8] =	vst v63  }
0x9b: {  	_ =	swait.ge [sflag:s28], $0x50  }
0x9c: {  	s20 =	simm.s32 $0x600;
	[sflag:s28] =	ssyncset.done $0x0  }
.LBB2_4:
0x9d: {  	p1 =	sne.s32 s20, $0x7200  }
0x9e: {  	[sflag:s28] =	ssyncadd.s32 $0xFFFFFFB0;
	s21 =	smov.u32 s20;
	s20 =	sadd.s32 $0x600, s20  }
0x9f: {  	_ =	swait.ge [sflag:s7], $0x2800  }
0xa0: {  	s21 =	sshra.s32 s21, $0x2;
	[sflag:s7] =	ssyncset.done $0x0  }
0xa1: {  	s30 =	sadd.s32 $0x13F78, s21;
	[sflag:s7] =	ssyncadd.s32 $0xFFFFD800  }
0xa2: {  	[tilespmem:s8], [sflag:$0x3] =	stream.indirect.gather [hbm4b:s0+s31], $0x80, s30, s31, $0xb8;
	[tilespmem:$0x1F6F8] =	vst v63  }
0xa3: {  	s30 =	sadd.s32 $0x15E78, s21  }
0xa4: {  	[spmem:s2] =	stream.indirect.scatter.add.f32 [tilespmem:s26], [sflag:$0x4], $0x80, s30, s31, $0xb8;
	[tilespmem:$0x1F6F8] =	vst v63  }
0xa5: {  	_ =	swait.ge [sflag:s28], $0x2800  }
0xa6: {  	[sflag:s28] =	ssyncset.done $0x0  }
0xa7: {  	[sflag:s28] =	ssyncadd.s32 $0xFFFFD800  }
0xa8: {  	[spmem:s3] =	stream.indirect.scatter.add.f32 [tilespmem:s9], [sflag:$0x4], $0x1, s30, s31, $0xb8;
	[tilespmem:$0x1F6F8] =	vst v63  }
0xa9: {  	_ =	swait.ge [sflag:s28], $0x50  }
0xaa: {  	[sflag:s28] =	ssyncset.done $0x0  }
0xab: {  	[sflag:s28] =	ssyncadd.s32 $0xFFFFFFB0  }
0xac: {  	_ =	swait.ge [sflag:s10], $0x2800  }
0xad: {  	[sflag:s10] =	ssyncset.done $0x0  }
0xae: {  	s30 =	sadd.s32 $0x13FF8, s21;
	[sflag:s10] =	ssyncadd.s32 $0xFFFFD800  }
0xaf: {  	[tilespmem:s26], [sflag:$0x1] =	stream.indirect.gather [hbm4b:s0+s31], $0x80, s30, s31, $0xb8;
	[tilespmem:$0x1F6F8] =	vst v63  }
0xb0: {  	s30 =	sadd.s32 $0x15EF8, s21  }
0xb1: {  	[spmem:s2] =	stream.indirect.scatter.add.f32 [tilespmem:s5], [sflag:$0x4], $0x80, s30, s31, $0xb8;
	[tilespmem:$0x1F6F8] =	vst v63  }
0xb2: {  	_ =	swait.ge [sflag:s28], $0x2800  }
0xb3: {  	[sflag:s28] =	ssyncset.done $0x0  }
0xb4: {  	[sflag:s28] =	ssyncadd.s32 $0xFFFFD800  }
0xb5: {  	[spmem:s3] =	stream.indirect.scatter.add.f32 [tilespmem:s9], [sflag:$0x4], $0x1, s30, s31, $0xb8;
	[tilespmem:$0x1F6F8] =	vst v63  }
0xb6: {  	_ =	swait.ge [sflag:s28], $0x50  }
0xb7: {  	[sflag:s28] =	ssyncset.done $0x0  }
0xb8: {  	[sflag:s28] =	ssyncadd.s32 $0xFFFFFFB0  }
0xb9: {  	_ =	swait.ge [sflag:s11], $0x2800  }
0xba: {  	[sflag:s11] =	ssyncset.done $0x0  }
0xbb: {  	s30 =	sadd.s32 $0x14078, s21;
	[sflag:s11] =	ssyncadd.s32 $0xFFFFD800  }
0xbc: {  	[tilespmem:s5], [sflag:$0x2] =	stream.indirect.gather [hbm4b:s0+s31], $0x80, s30, s31, $0xb8;
	[tilespmem:$0x1F6F8] =	vst v63  }
0xbd: {  	s21 =	sadd.s32 $0x15F78, s21  }
0xbe: {  	[spmem:s2] =	stream.indirect.scatter.add.f32 [tilespmem:s8], [sflag:$0x4], $0x80, s21, s31, $0xb8;
	[tilespmem:$0x1F6F8] =	vst v63  }
0xbf: {  	_ =	swait.ge [sflag:s28], $0x2800  }
.Ltmp1:
0xc0: {  	[sflag:s28] =	ssyncset.done $0x0;
	(pc) =	sbr.rel @p1 .LBB2_4-.Ltmp1, $4  }
0xc1: {  	[sflag:s28] =	ssyncadd.s32 $0xFFFFD800  }
0xc2: {  	[spmem:s3] =	stream.indirect.scatter.add.f32 [tilespmem:s9], [sflag:$0x4], $0x1, s21, s31, $0xb8;
	[tilespmem:$0x1F6F8] =	vst v63  }
0xc3: {  	_ =	swait.ge [sflag:s28], $0x50  }
0xc4: {  	[sflag:s28] =	ssyncset.done $0x0  }
0xc5: {  	[sflag:s28] =	ssyncadd.s32 $0xFFFFFFB0  }
0xc6: {  	_ =	swait.ge [sflag:s7], $0x2800  }
0xc7: {  	[sflag:s7] =	ssyncset.done $0x0  }
0xc8: {  	s20 =	simm.s32 $0x15D78;
	[sflag:s7] =	ssyncadd.s32 $0xFFFFD800  }
0xc9: {  	[tilespmem:s8], [sflag:$0x3] =	stream.indirect.gather [hbm4b:s0+s31], $0x80, s20, s31, $0xb8;
	[tilespmem:$0x1F6F8] =	vst v63  }
0xca: {  	_ = 	snop  }
0xcb: {  	[spmem:s2] =	stream.indirect.scatter.add.f32 [tilespmem:s26], [sflag:$0x4], $0x80, s12, s31, $0xb8;
	[tilespmem:$0x1F6F8] =	vst v63  }
0xcc: {  	_ =	swait.ge [sflag:s28], $0x2800  }
0xcd: {  	[sflag:s28] =	ssyncset.done $0x0  }
0xce: {  	[sflag:s28] =	ssyncadd.s32 $0xFFFFD800  }
0xcf: {  	[spmem:s3] =	stream.indirect.scatter.add.f32 [tilespmem:s9], [sflag:$0x4], $0x1, s12, s31, $0xb8;
	[tilespmem:$0x1F6F8] =	vst v63  }
0xd0: {  	_ =	swait.ge [sflag:s28], $0x50  }
0xd1: {  	[sflag:s28] =	ssyncset.done $0x0  }
0xd2: {  	[sflag:s28] =	ssyncadd.s32 $0xFFFFFFB0  }
0xd3: {  	_ =	swait.ge [sflag:s10], $0x2800  }
0xd4: {  	[sflag:s10] =	ssyncset.done $0x0  }
0xd5: {  	s30 =	simm.s32 $0x15DF8;
	[sflag:s10] =	ssyncadd.s32 $0xFFFFD800  }
0xd6: {  	[tilespmem:s26], [sflag:$0x1] =	stream.indirect.gather [hbm4b:s0+s31], $0x80, s30, s31, $0xb8;
	[tilespmem:$0x1F6F8] =	vst v63  }
0xd7: {  	_ = 	snop  }
0xd8: {  	[spmem:s2] =	stream.indirect.scatter.add.f32 [tilespmem:s5], [sflag:$0x4], $0x80, s14, s31, $0xb8;
	[tilespmem:$0x1F6F8] =	vst v63  }
0xd9: {  	_ =	swait.ge [sflag:s28], $0x2800  }
0xda: {  	[sflag:s28] =	ssyncset.done $0x0  }
0xdb: {  	[sflag:s28] =	ssyncadd.s32 $0xFFFFD800  }
0xdc: {  	[spmem:s3] =	stream.indirect.scatter.add.f32 [tilespmem:s9], [sflag:$0x4], $0x1, s14, s31, $0xb8;
	[tilespmem:$0x1F6F8] =	vst v63  }
0xdd: {  	_ =	swait.ge [sflag:s28], $0x50  }
0xde: {  	[sflag:s28] =	ssyncset.done $0x0  }
0xdf: {  	[sflag:s28] =	ssyncadd.s32 $0xFFFFFFB0  }
0xe0: {  	_ =	swait.ge [sflag:s11], $0x2800  }
0xe1: {  	[sflag:s11] =	ssyncset.done $0x0  }
0xe2: {  	[sflag:s11] =	ssyncadd.s32 $0xFFFFD800  }
0xe3: {  	[spmem:s2] =	stream.indirect.scatter.add.f32 [tilespmem:s8], [sflag:$0x4], $0x80, s15, s31, $0xb8;
	[tilespmem:$0x1F6F8] =	vst v63  }
0xe4: {  	_ =	swait.ge [sflag:s28], $0x2800  }
0xe5: {  	[sflag:s28] =	ssyncset.done $0x0  }
0xe6: {  	[sflag:s28] =	ssyncadd.s32 $0xFFFFD800  }
0xe7: {  	[spmem:s3] =	stream.indirect.scatter.add.f32 [tilespmem:s9], [sflag:$0x4], $0x1, s15, s31, $0xb8;
	[tilespmem:$0x1F6F8] =	vst v63  }
0xe8: {  	_ =	swait.ge [sflag:s28], $0x50  }
0xe9: {  	[sflag:s28] =	ssyncset.done $0x0  }
0xea: {  	[sflag:s28] =	ssyncadd.s32 $0xFFFFFFB0  }
0xeb: {  	_ =	swait.ge [sflag:s7], $0x2800  }
0xec: {  	[sflag:s7] =	ssyncset.done $0x0  }
0xed: {  	[sflag:s7] =	ssyncadd.s32 $0xFFFFD800  }
0xee: {  	[spmem:s2] =	stream.indirect.scatter.add.f32 [tilespmem:s26], [sflag:$0x4], $0x80, s16, s31, $0xb8;
	[tilespmem:$0x1F6F8] =	vst v63  }
0xef: {  	_ =	swait.ge [sflag:s28], $0x2800  }
0xf0: {  	[sflag:s28] =	ssyncset.done $0x0  }
0xf1: {  	[sflag:s28] =	ssyncadd.s32 $0xFFFFD800  }
0xf2: {  	[spmem:s3] =	stream.indirect.scatter.add.f32 [tilespmem:s9], [sflag:$0x4], $0x1, s16, s31, $0xb8;
	[tilespmem:$0x1F6F8] =	vst v63  }
0xf3: {  	_ =	swait.ge [sflag:s28], $0x50  }
0xf4: {  	[sflag:s28] =	ssyncset.done $0x0  }
0xf5: {  	s20 =	simm.s32 $0x0;
	s21 =	rddreg [dreg:$0x11];
	[sflag:s28] =	ssyncadd.s32 $0xFFFFFFB0  }
0xf6: {  	[tilespmem:s29], [sflag:$0x4] =	stream.linear.gather [hbm4b:s21+s20], $0x1E80, $0x38;
	[tilespmem:$0x1F6F8] =	vst v63  }
0xf7: {  	_ =	swait.ge [sflag:s28], $0x1E80  }
0xf8: {  	[sflag:s28] =	ssyncset.done $0x0  }
0xf9: {  	s30 =	simm.s32 $0x15E78;
	s21 =	rddreg [dreg:$0x12];
	[sflag:s28] =	ssyncadd.s32 $0xFFFFE180  }
0xfa: {  	[tilespmem:s30], [sflag:$0x4] =	stream.linear.gather [hbm4b:s21+s20], $0x1E80, $0x38;
	[tilespmem:$0x1F6F8] =	vst v63  }
0xfb: {  	_ =	swait.ge [sflag:s28], $0x1E80  }
0xfc: {  	[sflag:s28] =	ssyncset.done $0x0  }
0xfd: {  	[sflag:s28] =	ssyncadd.s32 $0xFFFFE180  }
0xfe: {  	[tilespmem:s26], [sflag:$0x1] =	stream.indirect.gather [hbm4b:s0+s31], $0x80, s29, s31, $0xb8;
	[tilespmem:$0x1F6F8] =	vst v63  }
0xff: {  	_ = 	snop  }
0x100: {  	[tilespmem:s5], [sflag:$0x2] =	stream.indirect.gather [hbm4b:s0+s31], $0x80, s1, s31, $0xb8;
	[tilespmem:$0x1F6F8] =	vst v63  }
0x101: {  	_ =	swait.ge [sflag:s7], $0x2800  }
0x102: {  	[sflag:s7] =	ssyncset.done $0x0  }
0x103: {  	s21 =	simm.s32 $0x13F78;
	[sflag:s7] =	ssyncadd.s32 $0xFFFFD800  }
0x104: {  	[tilespmem:s8], [sflag:$0x3] =	stream.indirect.gather [hbm4b:s0+s31], $0x80, s21, s31, $0xb8;
	[tilespmem:$0x1F6F8] =	vst v63  }
0x105: {  	s30 =	simm.s32 $0x15E78  }
0x106: {  	[spmem:s2] =	stream.indirect.scatter.add.f32 [tilespmem:s26], [sflag:$0x4], $0x80, s30, s31, $0xb8;
	[tilespmem:$0x1F6F8] =	vst v63  }
0x107: {  	_ =	swait.ge [sflag:s28], $0x2800  }
0x108: {  	[sflag:s28] =	ssyncset.done $0x0  }
0x109: {  	[sflag:s28] =	ssyncadd.s32 $0xFFFFD800  }
0x10a: {  	[spmem:s3] =	stream.indirect.scatter.add.f32 [tilespmem:s9], [sflag:$0x4], $0x1, s30, s31, $0xb8;
	[tilespmem:$0x1F6F8] =	vst v63  }
0x10b: {  	_ =	swait.ge [sflag:s28], $0x50  }
0x10c: {  	[sflag:s28] =	ssyncset.done $0x0  }
0x10d: {  	[sflag:s28] =	ssyncadd.s32 $0xFFFFFFB0  }
0x10e: {  	_ =	swait.ge [sflag:s10], $0x2800  }
0x10f: {  	[sflag:s10] =	ssyncset.done $0x0  }
0x110: {  	s21 =	simm.s32 $0x13FF8;
	[sflag:s10] =	ssyncadd.s32 $0xFFFFD800  }
0x111: {  	[tilespmem:s26], [sflag:$0x1] =	stream.indirect.gather [hbm4b:s0+s31], $0x80, s21, s31, $0xb8;
	[tilespmem:$0x1F6F8] =	vst v63  }
0x112: {  	s30 =	simm.s32 $0x15EF8  }
0x113: {  	[spmem:s2] =	stream.indirect.scatter.add.f32 [tilespmem:s5], [sflag:$0x4], $0x80, s30, s31, $0xb8;
	[tilespmem:$0x1F6F8] =	vst v63  }
0x114: {  	_ =	swait.ge [sflag:s28], $0x2800  }
0x115: {  	[sflag:s28] =	ssyncset.done $0x0  }
0x116: {  	[sflag:s28] =	ssyncadd.s32 $0xFFFFD800  }
0x117: {  	[spmem:s3] =	stream.indirect.scatter.add.f32 [tilespmem:s9], [sflag:$0x4], $0x1, s30, s31, $0xb8;
	[tilespmem:$0x1F6F8] =	vst v63  }
0x118: {  	_ =	swait.ge [sflag:s28], $0x50  }
0x119: {  	[sflag:s28] =	ssyncset.done $0x0  }
0x11a: {  	[sflag:s28] =	ssyncadd.s32 $0xFFFFFFB0  }
0x11b: {  	_ =	swait.ge [sflag:s11], $0x2800  }
0x11c: {  	[sflag:s11] =	ssyncset.done $0x0  }
0x11d: {  	s21 =	simm.s32 $0x14078;
	[sflag:s11] =	ssyncadd.s32 $0xFFFFD800  }
0x11e: {  	[tilespmem:s5], [sflag:$0x2] =	stream.indirect.gather [hbm4b:s0+s31], $0x80, s21, s31, $0xb8;
	[tilespmem:$0x1F6F8] =	vst v63  }
0x11f: {  	s30 =	simm.s32 $0x15F78  }
0x120: {  	[spmem:s2] =	stream.indirect.scatter.add.f32 [tilespmem:s8], [sflag:$0x4], $0x80, s30, s31, $0xb8;
	[tilespmem:$0x1F6F8] =	vst v63  }
0x121: {  	_ =	swait.ge [sflag:s28], $0x2800  }
0x122: {  	[sflag:s28] =	ssyncset.done $0x0  }
0x123: {  	[sflag:s28] =	ssyncadd.s32 $0xFFFFD800  }
0x124: {  	[spmem:s3] =	stream.indirect.scatter.add.f32 [tilespmem:s9], [sflag:$0x4], $0x1, s30, s31, $0xb8;
	[tilespmem:$0x1F6F8] =	vst v63  }
0x125: {  	_ =	swait.ge [sflag:s28], $0x50  }
0x126: {  	s20 =	simm.s32 $0x600;
	[sflag:s28] =	ssyncset.done $0x0  }
.LBB2_6:
0x127: {  	p1 =	sne.s32 s20, $0x6C00  }
0x128: {  	[sflag:s28] =	ssyncadd.s32 $0xFFFFFFB0;
	s21 =	smov.u32 s20;
	s20 =	sadd.s32 $0x600, s20  }
0x129: {  	_ =	swait.ge [sflag:s7], $0x2800  }
0x12a: {  	s21 =	sshra.s32 s21, $0x2;
	[sflag:s7] =	ssyncset.done $0x0  }
0x12b: {  	s30 =	sadd.s32 $0x13F78, s21;
	[sflag:s7] =	ssyncadd.s32 $0xFFFFD800  }
0x12c: {  	[tilespmem:s8], [sflag:$0x3] =	stream.indirect.gather [hbm4b:s0+s31], $0x80, s30, s31, $0xb8;
	[tilespmem:$0x1F6F8] =	vst v63  }
0x12d: {  	s30 =	sadd.s32 $0x15E78, s21  }
0x12e: {  	[spmem:s2] =	stream.indirect.scatter.add.f32 [tilespmem:s26], [sflag:$0x4], $0x80, s30, s31, $0xb8;
	[tilespmem:$0x1F6F8] =	vst v63  }
0x12f: {  	_ =	swait.ge [sflag:s28], $0x2800  }
0x130: {  	[sflag:s28] =	ssyncset.done $0x0  }
0x131: {  	[sflag:s28] =	ssyncadd.s32 $0xFFFFD800  }
0x132: {  	[spmem:s3] =	stream.indirect.scatter.add.f32 [tilespmem:s9], [sflag:$0x4], $0x1, s30, s31, $0xb8;
	[tilespmem:$0x1F6F8] =	vst v63  }
0x133: {  	_ =	swait.ge [sflag:s28], $0x50  }
0x134: {  	[sflag:s28] =	ssyncset.done $0x0  }
0x135: {  	[sflag:s28] =	ssyncadd.s32 $0xFFFFFFB0  }
0x136: {  	_ =	swait.ge [sflag:s10], $0x2800  }
0x137: {  	[sflag:s10] =	ssyncset.done $0x0  }
0x138: {  	s30 =	sadd.s32 $0x13FF8, s21;
	[sflag:s10] =	ssyncadd.s32 $0xFFFFD800  }
0x139: {  	[tilespmem:s26], [sflag:$0x1] =	stream.indirect.gather [hbm4b:s0+s31], $0x80, s30, s31, $0xb8;
	[tilespmem:$0x1F6F8] =	vst v63  }
0x13a: {  	s30 =	sadd.s32 $0x15EF8, s21  }
0x13b: {  	[spmem:s2] =	stream.indirect.scatter.add.f32 [tilespmem:s5], [sflag:$0x4], $0x80, s30, s31, $0xb8;
	[tilespmem:$0x1F6F8] =	vst v63  }
0x13c: {  	_ =	swait.ge [sflag:s28], $0x2800  }
0x13d: {  	[sflag:s28] =	ssyncset.done $0x0  }
0x13e: {  	[sflag:s28] =	ssyncadd.s32 $0xFFFFD800  }
0x13f: {  	[spmem:s3] =	stream.indirect.scatter.add.f32 [tilespmem:s9], [sflag:$0x4], $0x1, s30, s31, $0xb8;
	[tilespmem:$0x1F6F8] =	vst v63  }
0x140: {  	_ =	swait.ge [sflag:s28], $0x50  }
0x141: {  	[sflag:s28] =	ssyncset.done $0x0  }
0x142: {  	[sflag:s28] =	ssyncadd.s32 $0xFFFFFFB0  }
0x143: {  	_ =	swait.ge [sflag:s11], $0x2800  }
0x144: {  	[sflag:s11] =	ssyncset.done $0x0  }
0x145: {  	s30 =	sadd.s32 $0x14078, s21;
	[sflag:s11] =	ssyncadd.s32 $0xFFFFD800  }
0x146: {  	[tilespmem:s5], [sflag:$0x2] =	stream.indirect.gather [hbm4b:s0+s31], $0x80, s30, s31, $0xb8;
	[tilespmem:$0x1F6F8] =	vst v63  }
0x147: {  	s21 =	sadd.s32 $0x15F78, s21  }
0x148: {  	[spmem:s2] =	stream.indirect.scatter.add.f32 [tilespmem:s8], [sflag:$0x4], $0x80, s21, s31, $0xb8;
	[tilespmem:$0x1F6F8] =	vst v63  }
0x149: {  	_ =	swait.ge [sflag:s28], $0x2800  }
.Ltmp2:
0x14a: {  	[sflag:s28] =	ssyncset.done $0x0;
	(pc) =	sbr.rel @p1 .LBB2_6-.Ltmp2, $4  }
0x14b: {  	[sflag:s28] =	ssyncadd.s32 $0xFFFFD800  }
0x14c: {  	[spmem:s3] =	stream.indirect.scatter.add.f32 [tilespmem:s9], [sflag:$0x4], $0x1, s21, s31, $0xb8;
	[tilespmem:$0x1F6F8] =	vst v63  }
0x14d: {  	_ =	swait.ge [sflag:s28], $0x50  }
0x14e: {  	[sflag:s28] =	ssyncset.done $0x0  }
0x14f: {  	[sflag:s28] =	ssyncadd.s32 $0xFFFFFFB0  }
0x150: {  	_ =	swait.ge [sflag:s7], $0x2800  }
0x151: {  	[sflag:s7] =	ssyncset.done $0x0  }
0x152: {  	s20 =	simm.s32 $0x15BF8;
	[sflag:s7] =	ssyncadd.s32 $0xFFFFD800  }
0x153: {  	[tilespmem:s8], [sflag:$0x3] =	stream.indirect.gather [hbm4b:s0+s31], $0x80, s20, s31, $0xb8;
	[tilespmem:$0x1F6F8] =	vst v63  }
0x154: {  	_ = 	snop  }
0x155: {  	[spmem:s2] =	stream.indirect.scatter.add.f32 [tilespmem:s26], [sflag:$0x4], $0x80, s17, s31, $0xb8;
	[tilespmem:$0x1F6F8] =	vst v63  }
0x156: {  	_ =	swait.ge [sflag:s28], $0x2800  }
0x157: {  	[sflag:s28] =	ssyncset.done $0x0  }
0x158: {  	[sflag:s28] =	ssyncadd.s32 $0xFFFFD800  }
0x159: {  	[spmem:s3] =	stream.indirect.scatter.add.f32 [tilespmem:s9], [sflag:$0x4], $0x1, s17, s31, $0xb8;
	[tilespmem:$0x1F6F8] =	vst v63  }
0x15a: {  	_ =	swait.ge [sflag:s28], $0x50  }
0x15b: {  	[sflag:s28] =	ssyncset.done $0x0  }
0x15c: {  	[sflag:s28] =	ssyncadd.s32 $0xFFFFFFB0  }
0x15d: {  	_ =	swait.ge [sflag:s10], $0x2800  }
0x15e: {  	[sflag:s10] =	ssyncset.done $0x0  }
0x15f: {  	s21 =	simm.s32 $0x15C78;
	[sflag:s10] =	ssyncadd.s32 $0xFFFFD800  }
0x160: {  	[tilespmem:s26], [sflag:$0x1] =	stream.indirect.gather [hbm4b:s0+s31], $0x80, s21, s31, $0xb8;
	[tilespmem:$0x1F6F8] =	vst v63  }
0x161: {  	_ = 	snop  }
0x162: {  	[spmem:s2] =	stream.indirect.scatter.add.f32 [tilespmem:s5], [sflag:$0x4], $0x80, s18, s31, $0xb8;
	[tilespmem:$0x1F6F8] =	vst v63  }
0x163: {  	_ =	swait.ge [sflag:s28], $0x2800  }
0x164: {  	[sflag:s28] =	ssyncset.done $0x0  }
0x165: {  	[sflag:s28] =	ssyncadd.s32 $0xFFFFD800  }
0x166: {  	[spmem:s3] =	stream.indirect.scatter.add.f32 [tilespmem:s9], [sflag:$0x4], $0x1, s18, s31, $0xb8;
	[tilespmem:$0x1F6F8] =	vst v63  }
0x167: {  	_ =	swait.ge [sflag:s28], $0x50  }
0x168: {  	[sflag:s28] =	ssyncset.done $0x0  }
0x169: {  	[sflag:s28] =	ssyncadd.s32 $0xFFFFFFB0  }
0x16a: {  	_ =	swait.ge [sflag:s11], $0x2800  }
0x16b: {  	[sflag:s11] =	ssyncset.done $0x0  }
0x16c: {  	[sflag:s11] =	ssyncadd.s32 $0xFFFFD800  }
0x16d: {  	[spmem:s2] =	stream.indirect.scatter.add.f32 [tilespmem:s8], [sflag:$0x4], $0x80, s19, s31, $0xb8;
	[tilespmem:$0x1F6F8] =	vst v63  }
0x16e: {  	_ =	swait.ge [sflag:s28], $0x2800  }
0x16f: {  	[sflag:s28] =	ssyncset.done $0x0  }
0x170: {  	[sflag:s28] =	ssyncadd.s32 $0xFFFFD800  }
0x171: {  	[spmem:s3] =	stream.indirect.scatter.add.f32 [tilespmem:s9], [sflag:$0x4], $0x1, s19, s31, $0xb8;
	[tilespmem:$0x1F6F8] =	vst v63  }
0x172: {  	_ =	swait.ge [sflag:s28], $0x50  }
0x173: {  	[sflag:s28] =	ssyncset.done $0x0  }
0x174: {  	[sflag:s28] =	ssyncadd.s32 $0xFFFFFFB0  }
0x175: {  	_ =	swait.ge [sflag:s7], $0x2800  }
0x176: {  	[sflag:s7] =	ssyncset.done $0x0  }
0x177: {  	[sflag:s7] =	ssyncadd.s32 $0xFFFFD800  }
0x178: {  	[spmem:s2] =	stream.indirect.scatter.add.f32 [tilespmem:s26], [sflag:$0x4], $0x80, s12, s31, $0xb8;
	[tilespmem:$0x1F6F8] =	vst v63  }
0x179: {  	_ =	swait.ge [sflag:s28], $0x2800  }
0x17a: {  	[sflag:s28] =	ssyncset.done $0x0  }
0x17b: {  	[sflag:s28] =	ssyncadd.s32 $0xFFFFD800  }
0x17c: {  	[spmem:s3] =	stream.indirect.scatter.add.f32 [tilespmem:s9], [sflag:$0x4], $0x1, s12, s31, $0xb8;
	[tilespmem:$0x1F6F8] =	vst v63  }
0x17d: {  	_ =	swait.ge [sflag:s28], $0x50  }
0x17e: {  	s30 =	stileid.u32;
	[sflag:s28] =	ssyncset.done $0x0  }
0x17f: {  	s20 =	sshll.u32 s30, $0x6;
	[sflag:s28] =	ssyncadd.s32 $0xFFFFFFB0  }
0x180: {  	s20 =	sor.u32 $0x1C04, s20;
	s21 =	sshrl.u32 s6, $0x3;
	[bflag:$0x0] =	sbarrier.arrive $0xFFFF  }
0x181: {  	[hbm:s24], [sflag:s20] =	dma.local [spmem:s21], $0x2780  }
0x182: {  	_ =	swait.ge [sflag:s28], $0x2780  }
0x183: {  	s4 =	sadd.s32 $0x1, s4;
	[sflag:s28] =	ssyncset.done $0x0  }
0x184: {  	p1 =	sne.s32 s4, s25;
	s21 =	sshrl.u32 @!p0 s3, $0x3;
	[sflag:s28] =	ssyncadd.s32 $0xFFFFD880  }
0x185: {  	[hbm:s22], [sflag:s20] =	dma.local @!p0 [spmem:s21], $0x4F0  }
.Ltmp3:
0x186: {  	_ = 	snop;
	(pc) =	sbr.rel @p1 .LBB2_1-.Ltmp3, $4  }
0x187: {  	s20 =	simm.s32 @!p0 $0x4  }
0x188: {  	_ =	swait.ge @!p0 [sflag:s20], $0x4F0  }
0x189: {  	[sflag:s20] =	ssyncset.done @!p0 $0x0  }
0x18a: {  	[sflag:s20] =	ssyncadd.s32 @!p0 $0xFFFFFB10  }
0x18b: {  	_ =	sfence.sel $0x180000  }
0x18c: {  	[bflag:$0x0] =	sbarrier.arrive $0xFFFF  }
0x18d: {  	_ =	strace $0x90000047  }
0x18e: {  	[bflag:$0x2] =	sbarrier.arrive $0xFFFF  }
0x18f: {  	s0 =	rddreg [dreg:$0x5]  }
0x190: {  	s0 =	sadd.s32 @!p0 $0x100000, s0  }
0x191: {  	[sflag:s0] =	ssyncadd.tile.s32 @!p0 $0x1;
	_ =	shalt  }
.Lfunc_end2:
_tile_overlayer_lowered:
.L_overlay_start_2:
0x192: {  	(tag) =	ssettag $0x2  }
0x193: {  	s0 =	rddreg [dreg:$0x0];
	s2 =	stileid.u32  }
0x194: {  	s1 =	rddreg [dreg:$0x1];
	p0 =	sne.s32 s2, $0x0  }
0x195: {  	s3 =	rddreg [dreg:$0x2];
	[bflag:$0x3] =	sbarrier.arrive $0xFFFF;
	s2 =	simm.s32 @!p0 $0x1C04  }
0x196: {  	[timem:s3], [sflag:s2] =	dma.local @!p0 [hbm:s0], s1  }
0x197: {  	s0 =	simm.s32 @!p0 $0x4  }
0x198: {  	_ =	swait.ge @!p0 [sflag:s0], s1  }
0x199: {  	s1 =	ssub.s32 @!p0 $0x0, s1;
	[sflag:s0] =	ssyncset.done @!p0 $0x0  }
0x19a: {  	[sflag:s0] =	ssyncadd.s32 @!p0 s1  }
0x19b: {  	[bflag:$0x3] =	sbarrier.arrive $0xFFFF  }
0x19c: {  	_ =	shalt  }

</sc_bundles>
